<compile_context>
chip_gen: v7x
topology: tpu7x:2x2x1
jax: 0.10.2.dev20260603
libtpu: 0.0.44.dev20260713+nightly
codegen_flags: <defaults>
</compile_context>

<pallas_src>
import functools

import numpy as np
import jax
import jax.numpy as jnp
from jax import lax
from jax.experimental import pallas as pl
from jax.experimental.pallas import tpu as pltpu
from jax.experimental.pallas import tpu_sc as plsc

N = 1000
NP = 1024
E = 4000
EC = E // 16
AC = NP // 16
NBLK = 8

_MV_T = np.full(16, 4.0, dtype=np.float32)
_MV_T[1] = 1.0; _MV_T[7] = 3.0; _MV_T[8] = 2.0; _MV_T[9] = 1.0
_LT = np.full((10, 10), 1.5, dtype=np.float32)
for (a, b), l in {(1, 6): 1.09, (6, 6): 1.54, (6, 7): 1.47, (6, 8): 1.43,
                  (6, 9): 1.35, (7, 7): 1.45, (7, 8): 1.40, (1, 7): 1.01,
                  (8, 8): 1.48, (1, 8): 0.96}.items():
    _LT[a, b] = l; _LT[b, a] = l
_LT_T = np.zeros(112, dtype=np.float32)
_LT_T[:100] = _LT.reshape(-1)
_VDW_T = np.full(16, 1.6, dtype=np.float32)
_VDW_T[1] = 1.2; _VDW_T[6] = 1.7; _VDW_T[7] = 1.55; _VDW_T[8] = 1.52; _VDW_T[9] = 1.47

_f32 = jnp.float32
_i32 = jnp.int32


def _rsqrt_n(x, iters):
    xc = jnp.maximum(x, jnp.float32(1e-35))
    i = lax.bitcast_convert_type(xc, jnp.int32)
    i = jnp.int32(0x5F375A86) - lax.shift_right_logical(i, 1)
    y = lax.bitcast_convert_type(i, jnp.float32)
    for _ in range(iters):
        y = y * (jnp.float32(1.5) - jnp.float32(0.5) * xc * y * y)
    return y


def _rsqrt(x):
    return _rsqrt_n(x, 3)


def _rsqrt2(x):
    return _rsqrt_n(x, 1)


_sc_mesh = plsc.VectorSubcoreMesh(core_axis_name="c", subcore_axis_name="s")


@functools.partial(
    pl.kernel,
    out_type=(
        jax.ShapeDtypeStruct((NP,), _f32),
        jax.ShapeDtypeStruct((NP,), _f32),
        jax.ShapeDtypeStruct((NP,), _f32),
        jax.ShapeDtypeStruct((NP,), _f32),
        jax.ShapeDtypeStruct((16,), _f32),
        jax.ShapeDtypeStruct((16,), _f32),
    ),
    mesh=_sc_mesh,
    compiler_params=pltpu.CompilerParams(needs_layout_passes=False),
    scratch_types=[
        pltpu.VMEM((NP * 4,), _f32),
        pltpu.VMEM((NP,), _f32),
        pltpu.VMEM((NP,), _f32),
        pltpu.VMEM((NP,), _f32),
        pltpu.VMEM((E,), _i32),
        pltpu.VMEM((E,), _i32),
        pltpu.VMEM((E,), _i32),
        pltpu.VMEM((E + 16,), _i32),
        pltpu.VMEM((E + 16,), _i32),
        pltpu.VMEM((E + 16,), _f32),
        pltpu.VMEM((NP,), _i32),
        pltpu.VMEM((NP,), _f32),
        pltpu.VMEM((NP,), _f32),
        pltpu.VMEM((NP,), _f32),
        pltpu.VMEM((NP,), _f32),
        pltpu.VMEM((NP,), _f32),
        pltpu.VMEM((NP,), _f32),
        pltpu.VMEM((16,), _f32),
        pltpu.VMEM((112,), _f32),
        pltpu.VMEM((16,), _f32),
        pltpu.VMEM((16,), _f32),
    ],
)
def _sc_forward(pk_h, row_h, col_h, ord_h, at_h, mv_h, lt_h, vdw_h,
                ox_h, oy_h, oz_h, rad_h, l1_h, l2_h,
                vpk, vpx, vpy, vpz, vrow, vcol, vord, vrs, vcs, vef, vat, vcnt, vfac,
                vax, vay, vaz, vrad, vmv, vlt, vvdw, vtmp16):
    is_w0 = (lax.axis_index("c") == 0) & (lax.axis_index("s") == 0)

    @pl.when(is_w0)
    def _():
        pltpu.sync_copy(pk_h, vpk)
        pltpu.sync_copy(row_h, vrow)
        pltpu.sync_copy(col_h, vcol)
        pltpu.sync_copy(ord_h, vord)
        pltpu.sync_copy(at_h, vat)
        pltpu.sync_copy(mv_h, vmv)
        pltpu.sync_copy(lt_h, vlt)
        pltpu.sync_copy(vdw_h, vvdw)

        iota = lax.iota(_i32, 16)
        m0 = iota == 0
        mall = iota < 16
        zeros = jnp.zeros((16,), _f32)
        ones = jnp.ones((16,), _f32)

        def zinit(a, carry):
            sl = pl.ds(a * 16, 16)
            vcnt[sl] = zeros
            vax[sl] = zeros
            vay[sl] = zeros
            vaz[sl] = zeros
            return carry
        lax.fori_loop(0, AC, zinit, 0)

        def c1(k, carry):
            sl = pl.ds(k * 16, 16)
            plsc.addupdate_scatter(vcnt, [vrow[sl]], ones, mask=mall)
            return carry
        lax.fori_loop(0, EC, c1, 0)

        def c2(a, l1acc):
            sl = pl.ds(a * 16, 16)
            atv = vat[sl]
            mvv = plsc.load_gather(vmv, [atv])
            cv = vcnt[sl]
            viol = cv - mvv
            m = cv > mvv
            l1acc = l1acc + jnp.where(m, viol * viol, jnp.float32(0.0))
            vfac[sl] = jnp.where(m, viol * jnp.float32(0.001), jnp.float32(0.0))
            vrad[sl] = plsc.load_gather(vvdw, [atv])
            return l1acc
        l1acc = lax.fori_loop(0, AC, c2, zeros)
        vtmp16[...] = l1acc
        pltpu.sync_copy(vtmp16, l1_h)

        def c3(k, off):
            sl = pl.ds(k * 16, 16)
            ov = vord[sl]
            rv = plsc.load_gather(vrow, [ov])
            cv = plsc.load_gather(vcol, [ov])
            fv = plsc.load_gather(vfac, [rv])
            m = fv > jnp.float32(0.0)
            plsc.store_compressed(vrs.at[pl.ds(off, 16)], rv * 4, mask=m)
            plsc.store_compressed(vcs.at[pl.ds(off, 16)], cv * 4, mask=m)
            plsc.store_compressed(vef.at[pl.ds(off, 16)], fv, mask=m)
            return off + jnp.max(plsc.all_reduce_population_count(m))
        nkeep = lax.fori_loop(0, EC, c3, jnp.int32(0))
        vrs[pl.ds(nkeep, 16)] = jnp.full((16,), 4 * (NP - 1), _i32)
        vcs[pl.ds(nkeep, 16)] = jnp.full((16,), 4 * (NP - 1), _i32)
        vef[pl.ds(nkeep, 16)] = zeros

        m3 = iota < 3
        off3 = jnp.where(m3, iota, 0)
        r1 = jnp.where(m3, lax.rem(iota + 1, jnp.int32(3)), iota)
        r2 = jnp.where(m3, lax.rem(iota + 2, jnp.int32(3)), iota)
        nch = lax.shift_right_logical(nkeep + jnp.int32(15), 4)

        def seqc(c, carry):
            sl = pl.ds(c * 16, 16)
            rv4 = vrs[sl]
            cv4 = vcs[sl]
            fvv = vef[sl]
            for kk in range(16):
                lk = jnp.full((16,), kk, _i32)
                ib = rv4.at[lk].get(mode="promise_in_bounds")
                jb = cv4.at[lk].get(mode="promise_in_bounds")
                fb = fvv.at[lk].get(mode="promise_in_bounds")
                idxi = ib + off3
                idxj = jb + off3
                pi = plsc.load_gather(vpk, [idxi], mask=m3)
                pj = plsc.load_gather(vpk, [idxj], mask=m3)
                d = pi - pj
                t = d * d
                d2 = (t + t.at[r1].get(mode="promise_in_bounds")
                      + t.at[r2].get(mode="promise_in_bounds"))
                f = fb * _rsqrt2(d2)
                plsc.store_scatter(vpk, [idxi], pi + d * f, mask=m3)
            return carry
        lax.fori_loop(0, nch, seqc, 0)

        def c4_body(k, l2acc):
            sl = pl.ds(k * 16, 16)
            rv = vrow[sl]
            cv = vcol[sl]
            r4 = rv * 4
            c4_ = cv * 4
            xi = plsc.load_gather(vpk, [r4])
            yi = plsc.load_gather(vpk, [r4 + 1])
            zi = plsc.load_gather(vpk, [r4 + 2])
            xj = plsc.load_gather(vpk, [c4_])
            yj = plsc.load_gather(vpk, [c4_ + 1])
            zj = plsc.load_gather(vpk, [c4_ + 2])
            bx = xi - xj
            by = yi - yj
            bz = zi - zj
            d2 = bx * bx + by * by + bz * bz
            r = _rsqrt_n(d2, 2)
            cur = d2 * r
            ati = plsc.load_gather(vat, [rv])
            atj = plsc.load_gather(vat, [cv])
            tv = plsc.load_gather(vlt, [ati * 10 + atj])
            le = cur - tv
            l2acc = l2acc + le * le
            ratio = jnp.clip(tv * r, jnp.float32(0.98), jnp.float32(1.02))
            g = (ratio - jnp.float32(1.0)) * jnp.float32(0.005)
            plsc.addupdate_scatter(vax, [rv], bx * g, mask=mall)
            plsc.addupdate_scatter(vay, [rv], by * g, mask=mall)
            plsc.addupdate_scatter(vaz, [rv], bz * g, mask=mall)
            plsc.addupdate_scatter(vax, [cv], -(bx * g), mask=mall)
            plsc.addupdate_scatter(vay, [cv], -(by * g), mask=mall)
            plsc.addupdate_scatter(vaz, [cv], -(bz * g), mask=mall)
            return l2acc

        def c4(k2, l2acc):
            l2acc = c4_body(k2 * 2, l2acc)
            l2acc = c4_body(k2 * 2 + 1, l2acc)
            return l2acc
        l2acc = lax.fori_loop(0, EC // 2, c4, zeros)
        vtmp16[...] = l2acc
        pltpu.sync_copy(vtmp16, l2_h)

        iota4 = iota * 4
        def c5(a, carry):
            sl = pl.ds(a * 16, 16)
            base = jnp.full((16,), a * 64, _i32) + iota4
            vpx[sl] = plsc.load_gather(vpk, [base]) + vax[sl]
            vpy[sl] = plsc.load_gather(vpk, [base + 1]) + vay[sl]
            vpz[sl] = plsc.load_gather(vpk, [base + 2]) + vaz[sl]
            return carry
        lax.fori_loop(0, AC, c5, 0)

        pltpu.sync_copy(vpx, ox_h)
        pltpu.sync_copy(vpy, oy_h)
        pltpu.sync_copy(vpz, oz_h)
        pltpu.sync_copy(vrad, rad_h)


def _tc_body(xr_ref, yr_ref, zr_ref, rr_ref, xt_ref, yt_ref, zt_ref, rt_ref,
             l1_ref, l2_ref, out_ref, loss_ref):
    b = pl.program_id(0)
    xi = xt_ref[...]
    yi = yt_ref[...]
    zi = zt_ref[...]
    xj = xr_ref[...]
    yj = yr_ref[...]
    zj = zr_ref[...]
    dx = xi - xj
    dy = yi - yj
    dz = zi - zj
    d2 = dx * dx + dy * dy + dz * dz
    rowid = b * 128 + lax.broadcasted_iota(_i32, (128, NP), 0)
    colid = lax.broadcasted_iota(_i32, (128, NP), 1)
    diag = rowid == colid
    valid = jnp.logical_not(diag) & (rowid < N) & (colid < N)
    dist = jnp.sqrt(jnp.where(diag, jnp.float32(1.0), d2))
    md = (rt_ref[...] + rr_ref[...]) * jnp.float32(0.8)
    gap = md - dist
    pen = jnp.where(valid, jnp.maximum(gap, jnp.float32(0.0)), jnp.float32(0.0))
    l3p = jnp.float32(0.5) * jnp.sum(pen * pen)
    cmask = valid & (dist < md) & (dist > jnp.float32(1e-8))
    w = jnp.where(cmask, gap * jnp.float32(0.0025) / dist, jnp.float32(0.0))
    s = jnp.sum(w, axis=1, keepdims=True)
    tx = jnp.sum(w * xj, axis=1, keepdims=True)
    ty = jnp.sum(w * yj, axis=1, keepdims=True)
    tz = jnp.sum(w * zj, axis=1, keepdims=True)
    out_ref[...] = jnp.concatenate(
        [xi + (xi * s - tx), yi + (yi * s - ty), zi + (zi * s - tz),
         jnp.zeros((128, 1), _f32)], axis=1)

    @pl.when(b == 0)
    def _():
        loss_ref[...] = jnp.reshape(
            jnp.sum(l1_ref[...]) + jnp.sum(l2_ref[...]) * jnp.float32(1.0 / 4000.0),
            (1, 1))

    loss_ref[...] = loss_ref[...] + jnp.reshape(l3p, (1, 1))

    @pl.when(b == NBLK - 1)
    def _():
        loss_ref[...] = loss_ref[...] * jnp.float32(0.1)


_tc_clash = pl.pallas_call(
    _tc_body,
    grid=(NBLK,),
    in_specs=[
        pl.BlockSpec((1, NP), lambda b: (0, 0)),
        pl.BlockSpec((1, NP), lambda b: (0, 0)),
        pl.BlockSpec((1, NP), lambda b: (0, 0)),
        pl.BlockSpec((1, NP), lambda b: (0, 0)),
        pl.BlockSpec((128, 1), lambda b: (b, 0)),
        pl.BlockSpec((128, 1), lambda b: (b, 0)),
        pl.BlockSpec((128, 1), lambda b: (b, 0)),
        pl.BlockSpec((128, 1), lambda b: (b, 0)),
        pl.BlockSpec((1, 16), lambda b: (0, 0)),
        pl.BlockSpec((1, 16), lambda b: (0, 0)),
    ],
    out_specs=[
        pl.BlockSpec((128, 4), lambda b: (b, 0)),
        pl.BlockSpec((1, 1), lambda b: (0, 0)),
    ],
    out_shape=[
        jax.ShapeDtypeStruct((NP, 4), _f32),
        jax.ShapeDtypeStruct((1, 1), _f32),
    ],
)


def kernel(pos, edge_index, atom_types):
    row = edge_index[0]
    col = edge_index[1]
    order = jnp.argsort(row).astype(_i32)
    pk = jnp.zeros((NP, 4), _f32).at[:N, :3].set(pos).reshape(-1)
    atp = jnp.zeros((NP,), _i32).at[:N].set(atom_types)
    ox, oy, oz, rad, l1, l2 = _sc_forward(
        pk, row, col, order, atp,
        jnp.asarray(_MV_T), jnp.asarray(_LT_T), jnp.asarray(_VDW_T))
    out4, loss = _tc_clash(
        ox.reshape(1, NP), oy.reshape(1, NP), oz.reshape(1, NP),
        rad.reshape(1, NP),
        ox.reshape(NP, 1), oy.reshape(NP, 1), oz.reshape(NP, 1),
        rad.reshape(NP, 1),
        l1.reshape(1, 16), l2.reshape(1, 16))
    pos_new = out4[:N, :3]
    return pos_new, loss[0, 0]

# --- scband reference (transcript-rebuilt; emitter-appended) ---
"""Pipeline reference for scband-chemical-constraints-56994216018243 (READ-ONLY COPY).

The authoritative reference and input builder live on the scoring server;
editing this copy changes nothing except your own understanding.
"""

import jax, jax.numpy as jnp
import numpy as np

_MV = np.full(10, 4.0, dtype=np.float32)
_MV[1] = 1.0; _MV[7] = 3.0; _MV[8] = 2.0; _MV[9] = 1.0
_LT = np.full((10, 10), 1.5, dtype=np.float32)
for (a, b), l in {(1, 6): 1.09, (6, 6): 1.54, (6, 7): 1.47, (6, 8): 1.43, (6, 9): 1.35, (7, 7): 1.45, (7, 8): 1.40, (1, 7): 1.01, (8, 8): 1.48, (1, 8): 0.96}.items():
    _LT[a, b] = l; _LT[b, a] = l
_VDW = np.full(10, 1.6, dtype=np.float32)
_VDW[1] = 1.2; _VDW[6] = 1.7; _VDW[7] = 1.55; _VDW[8] = 1.52; _VDW[9] = 1.47


def _forward(pos, row, col, atom_types):
    N = pos.shape[0]
    E = row.shape[0]
    mv = jnp.asarray(_MV)[atom_types]
    bond_counts = jnp.zeros((N,), jnp.float32).at[row].add(1.0)
    violation = bond_counts - mv
    viol_mask = bond_counts > mv
    loss1 = jnp.sum(jnp.where(viol_mask, violation ** 2, 0.0))
    # replicate the sequential per-atom (in index order), per-neighbor (in edge order)
    # position updates via a stable row-sorted edge loop
    order = jnp.argsort(row)

    def body(k, p):
        e = order[k]
        i = row[e]
        j = col[e]
        d = p[i] - p[j]
        dist = jnp.linalg.norm(d) + 1e-08
        force = d / dist * violation[i] * 0.001
        force = jnp.where(viol_mask[i], force, jnp.zeros_like(force))
        return p.at[i].add(force)

    pos_new = jax.lax.fori_loop(0, E, body, pos)
    bv = pos_new[row] - pos_new[col]
    cur = jnp.linalg.norm(bv, axis=-1, keepdims=True)
    tgt = jnp.asarray(_LT)[atom_types[row], atom_types[col]][:, None]
    length_errors = jnp.abs(cur - tgt)
    loss2 = jnp.mean(length_errors ** 2)
    ratios = jnp.clip(tgt / (cur + 1e-08), 0.98, 1.02)
    adjusted = bv * ratios
    adjustment = (adjusted - bv) * 0.01
    pos_adj = jnp.zeros_like(pos_new).at[row].add(adjustment * 0.5).at[col].add(-adjustment * 0.5)
    pos_new = pos_new + pos_adj
    diff = pos_new[:, None, :] - pos_new[None, :, :]
    sq = jnp.sum(diff ** 2, axis=-1)
    eye = jnp.eye(N, dtype=bool)
    dist = jnp.sqrt(jnp.where(eye, 1.0, sq))
    radii = jnp.asarray(_VDW)[atom_types]
    min_d = (radii[None, :] + radii[:, None]) * 0.8
    pen = jnp.where(eye, 0.0, jax.nn.relu(min_d - dist))
    loss3 = jnp.sum(pen ** 2) / 2.0
    triu = jnp.triu(jnp.ones((N, N), dtype=bool), k=1)
    cmask = triu & (dist < min_d) & (dist > 1e-08)
    fmag = (min_d - dist) * 0.005
    fdir = diff / dist[..., None]
    contrib = jnp.where(cmask[..., None], fdir * fmag[..., None] * 0.5, 0.0)
    steric = contrib.sum(axis=1) - contrib.sum(axis=0)
    pos_new = pos_new + steric
    total_loss = (loss1 + loss2 + loss3) * 0.1
    return pos_new, total_loss


def setup_inputs(seed: int = 0):
    key = jax.random.key(seed)
    k1, k2, k3 = jax.random.split(key, 3)
    pos = jax.random.normal(k1, (1000, 3), dtype=jnp.float32)
    edge_index = jax.random.randint(k2, (2, 4000), 0, 1000, dtype=jnp.int32)
    atom_types = jax.random.randint(k3, (1000,), 0, 10, dtype=jnp.int32)
    return {"pos": pos, "edge_index": edge_index, "atom_types": atom_types}


def reference(pos, edge_index, atom_types):
    return _forward(pos, edge_index[0], edge_index[1], atom_types)

if __name__ == "__main__":
    import jax
    _d = setup_inputs()
    print(jax.jit(kernel)(*tuple(_d.values())))

</pallas_src>

<mosaic_0001>
#map = affine_map<(d0, d1) -> (0)>
module attributes {stable_mosaic.version = 14 : i64} {
  func.func @_sc_forward(%arg0: i32, %arg1: i32, %arg2: memref<4096xf32, #tpu.memory_space<hbm>>, %arg3: memref<4000xi32, #tpu.memory_space<hbm>>, %arg4: memref<4000xi32, #tpu.memory_space<hbm>>, %arg5: memref<4000xi32, #tpu.memory_space<hbm>>, %arg6: memref<1024xi32, #tpu.memory_space<hbm>>, %arg7: memref<16xf32, #tpu.memory_space<hbm>>, %arg8: memref<112xf32, #tpu.memory_space<hbm>>, %arg9: memref<16xf32, #tpu.memory_space<hbm>>, %arg10: memref<1024xf32, #tpu.memory_space<hbm>>, %arg11: memref<1024xf32, #tpu.memory_space<hbm>>, %arg12: memref<1024xf32, #tpu.memory_space<hbm>>, %arg13: memref<1024xf32, #tpu.memory_space<hbm>>, %arg14: memref<16xf32, #tpu.memory_space<hbm>>, %arg15: memref<16xf32, #tpu.memory_space<hbm>>, %arg16: memref<4096xf32, #tpu.memory_space<vmem>>, %arg17: memref<1024xf32, #tpu.memory_space<vmem>>, %arg18: memref<1024xf32, #tpu.memory_space<vmem>>, %arg19: memref<1024xf32, #tpu.memory_space<vmem>>, %arg20: memref<4000xi32, #tpu.memory_space<vmem>>, %arg21: memref<4000xi32, #tpu.memory_space<vmem>>, %arg22: memref<4000xi32, #tpu.memory_space<vmem>>, %arg23: memref<4016xi32, #tpu.memory_space<vmem>>, %arg24: memref<4016xi32, #tpu.memory_space<vmem>>, %arg25: memref<4016xf32, #tpu.memory_space<vmem>>, %arg26: memref<1024xi32, #tpu.memory_space<vmem>>, %arg27: memref<1024xf32, #tpu.memory_space<vmem>>, %arg28: memref<1024xf32, #tpu.memory_space<vmem>>, %arg29: memref<1024xf32, #tpu.memory_space<vmem>>, %arg30: memref<1024xf32, #tpu.memory_space<vmem>>, %arg31: memref<1024xf32, #tpu.memory_space<vmem>>, %arg32: memref<1024xf32, #tpu.memory_space<vmem>>, %arg33: memref<16xf32, #tpu.memory_space<vmem>>, %arg34: memref<112xf32, #tpu.memory_space<vmem>>, %arg35: memref<16xf32, #tpu.memory_space<vmem>>, %arg36: memref<16xf32, #tpu.memory_space<vmem>>) attributes {dimension_semantics = [#tpu.dimension_semantics<core_parallel>, #tpu.dimension_semantics<subcore_parallel>], iteration_bounds = array<i64: 2, 16>, scalar_prefetch = 0 : i64, scratch_operands = 21 : i64, tpu.core_type = #tpu.core_type<sc_vector_subcore>, window_params = [{transform_indices = #map}, {transform_indices = #map}, {transform_indices = #map}, {transform_indices = #map}, {transform_indices = #map}, {transform_indices = #map}, {transform_indices = #map}, {transform_indices = #map}, {transform_indices = #map}, {transform_indices = #map}, {transform_indices = #map}, {transform_indices = #map}, {transform_indices = #map}, {transform_indices = #map}]} {
    %eq3A = arith.constant 0 : i32
    %eq3A_0 = arith.cmpi eq, %arg0, %eq3A : i32
    %eq3A_1 = arith.constant 0 : i32
    %eq3A_2 = arith.cmpi eq, %arg1, %eq3A_1 : i32
    %and3A = arith.andi %eq3A_0, %eq3A_2 : i1
    %convert_element_type3A = arith.extui %and3A : i1 to i32
    %cond3A = arith.constant 0 : i32
    %cond3A_3 = arith.cmpi ne, %convert_element_type3A, %cond3A : i32
    scf.if %cond3A_3 {
      "tpu.region"() ({
        %run_scoped3A = tpu.sem_alloc : memref<!tpu.dma_semaphore, #tpu.memory_space<semaphore_mem>>
        tpu.enqueue_dma source(%arg2 : memref<4096xf32, #tpu.memory_space<hbm>>) target(%arg16 : memref<4096xf32, #tpu.memory_space<vmem>>) target_semaphore(%run_scoped3A : memref<!tpu.dma_semaphore, #tpu.memory_space<semaphore_mem>>)
        tpu.wait_dma2 semaphore(%run_scoped3A : memref<!tpu.dma_semaphore, #tpu.memory_space<semaphore_mem>>) src(%arg2 : memref<4096xf32, #tpu.memory_space<hbm>>) dst(%arg16 : memref<4096xf32, #tpu.memory_space<vmem>>)
        tpu.yield
      }) : () -> ()
      "tpu.region"() ({
        %run_scoped3A = tpu.sem_alloc : memref<!tpu.dma_semaphore, #tpu.memory_space<semaphore_mem>>
        tpu.enqueue_dma source(%arg3 : memref<4000xi32, #tpu.memory_space<hbm>>) target(%arg20 : memref<4000xi32, #tpu.memory_space<vmem>>) target_semaphore(%run_scoped3A : memref<!tpu.dma_semaphore, #tpu.memory_space<semaphore_mem>>)
        tpu.wait_dma2 semaphore(%run_scoped3A : memref<!tpu.dma_semaphore, #tpu.memory_space<semaphore_mem>>) src(%arg3 : memref<4000xi32, #tpu.memory_space<hbm>>) dst(%arg20 : memref<4000xi32, #tpu.memory_space<vmem>>)
        tpu.yield
      }) : () -> ()
      "tpu.region"() ({
        %run_scoped3A = tpu.sem_alloc : memref<!tpu.dma_semaphore, #tpu.memory_space<semaphore_mem>>
        tpu.enqueue_dma source(%arg4 : memref<4000xi32, #tpu.memory_space<hbm>>) target(%arg21 : memref<4000xi32, #tpu.memory_space<vmem>>) target_semaphore(%run_scoped3A : memref<!tpu.dma_semaphore, #tpu.memory_space<semaphore_mem>>)
        tpu.wait_dma2 semaphore(%run_scoped3A : memref<!tpu.dma_semaphore, #tpu.memory_space<semaphore_mem>>) src(%arg4 : memref<4000xi32, #tpu.memory_space<hbm>>) dst(%arg21 : memref<4000xi32, #tpu.memory_space<vmem>>)
        tpu.yield
      }) : () -> ()
      "tpu.region"() ({
        %run_scoped3A = tpu.sem_alloc : memref<!tpu.dma_semaphore, #tpu.memory_space<semaphore_mem>>
        tpu.enqueue_dma source(%arg5 : memref<4000xi32, #tpu.memory_space<hbm>>) target(%arg22 : memref<4000xi32, #tpu.memory_space<vmem>>) target_semaphore(%run_scoped3A : memref<!tpu.dma_semaphore, #tpu.memory_space<semaphore_mem>>)
        tpu.wait_dma2 semaphore(%run_scoped3A : memref<!tpu.dma_semaphore, #tpu.memory_space<semaphore_mem>>) src(%arg5 : memref<4000xi32, #tpu.memory_space<hbm>>) dst(%arg22 : memref<4000xi32, #tpu.memory_space<vmem>>)
        tpu.yield
      }) : () -> ()
      "tpu.region"() ({
        %run_scoped3A = tpu.sem_alloc : memref<!tpu.dma_semaphore, #tpu.memory_space<semaphore_mem>>
        tpu.enqueue_dma source(%arg6 : memref<1024xi32, #tpu.memory_space<hbm>>) target(%arg26 : memref<1024xi32, #tpu.memory_space<vmem>>) target_semaphore(%run_scoped3A : memref<!tpu.dma_semaphore, #tpu.memory_space<semaphore_mem>>)
        tpu.wait_dma2 semaphore(%run_scoped3A : memref<!tpu.dma_semaphore, #tpu.memory_space<semaphore_mem>>) src(%arg6 : memref<1024xi32, #tpu.memory_space<hbm>>) dst(%arg26 : memref<1024xi32, #tpu.memory_space<vmem>>)
        tpu.yield
      }) : () -> ()
      "tpu.region"() ({
        %run_scoped3A = tpu.sem_alloc : memref<!tpu.dma_semaphore, #tpu.memory_space<semaphore_mem>>
        tpu.enqueue_dma source(%arg7 : memref<16xf32, #tpu.memory_space<hbm>>) target(%arg33 : memref<16xf32, #tpu.memory_space<vmem>>) target_semaphore(%run_scoped3A : memref<!tpu.dma_semaphore, #tpu.memory_space<semaphore_mem>>)
        tpu.wait_dma2 semaphore(%run_scoped3A : memref<!tpu.dma_semaphore, #tpu.memory_space<semaphore_mem>>) src(%arg7 : memref<16xf32, #tpu.memory_space<hbm>>) dst(%arg33 : memref<16xf32, #tpu.memory_space<vmem>>)
        tpu.yield
      }) : () -> ()
      "tpu.region"() ({
        %run_scoped3A = tpu.sem_alloc : memref<!tpu.dma_semaphore, #tpu.memory_space<semaphore_mem>>
        tpu.enqueue_dma source(%arg8 : memref<112xf32, #tpu.memory_space<hbm>>) target(%arg34 : memref<112xf32, #tpu.memory_space<vmem>>) target_semaphore(%run_scoped3A : memref<!tpu.dma_semaphore, #tpu.memory_space<semaphore_mem>>)
        tpu.wait_dma2 semaphore(%run_scoped3A : memref<!tpu.dma_semaphore, #tpu.memory_space<semaphore_mem>>) src(%arg8 : memref<112xf32, #tpu.memory_space<hbm>>) dst(%arg34 : memref<112xf32, #tpu.memory_space<vmem>>)
        tpu.yield
      }) : () -> ()
      "tpu.region"() ({
        %run_scoped3A = tpu.sem_alloc : memref<!tpu.dma_semaphore, #tpu.memory_space<semaphore_mem>>
        tpu.enqueue_dma source(%arg9 : memref<16xf32, #tpu.memory_space<hbm>>) target(%arg35 : memref<16xf32, #tpu.memory_space<vmem>>) target_semaphore(%run_scoped3A : memref<!tpu.dma_semaphore, #tpu.memory_space<semaphore_mem>>)
        tpu.wait_dma2 semaphore(%run_scoped3A : memref<!tpu.dma_semaphore, #tpu.memory_space<semaphore_mem>>) src(%arg9 : memref<16xf32, #tpu.memory_space<hbm>>) dst(%arg35 : memref<16xf32, #tpu.memory_space<vmem>>)
        tpu.yield
      }) : () -> ()
      %iota3A = tpu.iota {dimensions = array<i32: 0>} : vector<16xi32>
      %eq3A_4 = arith.constant 0 : i32
      %eq3A_5 = vector.broadcast %eq3A_4 : i32 to vector<16xi32>
      %eq3A_6 = arith.cmpi eq, %iota3A, %eq3A_5 : vector<16xi32>
      %lt3A = arith.constant 16 : i32
      %lt3A_7 = vector.broadcast %lt3A : i32 to vector<16xi32>
      %lt3A_8 = arith.cmpi slt, %iota3A, %lt3A_7 : vector<16xi32>
      %broadcast_in_dim3A = arith.constant 0.000000e+00 : f32
      %broadcast_in_dim3A_9 = vector.broadcast %broadcast_in_dim3A : f32 to vector<16xf32>
      %broadcast_in_dim3A_10 = arith.constant 1.000000e+00 : f32
      %broadcast_in_dim3A_11 = vector.broadcast %broadcast_in_dim3A_10 : f32 to vector<16xf32>
      %scan3A = arith.constant 0 : i32
      %scan3A_12 = arith.constant 0 : i32
      %scan3A_13 = arith.constant 64 : i32
      %scan3A_14 = arith.addi %scan3A_12, %scan3A_13 : i32
      %scan3A_15 = arith.constant 1 : i32
      scf.for %scan3A_91 = %scan3A_12 to %scan3A_14 step %scan3A_15  : i32 {
        %mul3A_92 = arith.constant 16 : i32
        %mul3A_93 = arith.muli %scan3A_91, %mul3A_92 : i32
        %swap3A_94 = arith.index_cast %mul3A_93 : i32 to index
        %swap3A_95 = tpu.vector_load %arg27[%swap3A_94] {strides = array<i32>} : memref<1024xf32, #tpu.memory_space<vmem>>, vector<16xf32>,
        tpu.vector_store %arg27[%swap3A_94], %broadcast_in_dim3A_9 {strides = array<i32>} : memref<1024xf32, #tpu.memory_space<vmem>>, vector<16xf32>,
        %swap3A_96 = arith.index_cast %mul3A_93 : i32 to index
        %swap3A_97 = tpu.vector_load %arg29[%swap3A_96] {strides = array<i32>} : memref<1024xf32, #tpu.memory_space<vmem>>, vector<16xf32>,
        tpu.vector_store %arg29[%swap3A_96], %broadcast_in_dim3A_9 {strides = array<i32>} : memref<1024xf32, #tpu.memory_space<vmem>>, vector<16xf32>,
        %swap3A_98 = arith.index_cast %mul3A_93 : i32 to index
        %swap3A_99 = tpu.vector_load %arg30[%swap3A_98] {strides = array<i32>} : memref<1024xf32, #tpu.memory_space<vmem>>, vector<16xf32>,
        tpu.vector_store %arg30[%swap3A_98], %broadcast_in_dim3A_9 {strides = array<i32>} : memref<1024xf32, #tpu.memory_space<vmem>>, vector<16xf32>,
        %swap3A_100 = arith.index_cast %mul3A_93 : i32 to index
        %swap3A_101 = tpu.vector_load %arg31[%swap3A_100] {strides = array<i32>} : memref<1024xf32, #tpu.memory_space<vmem>>, vector<16xf32>,
        tpu.vector_store %arg31[%swap3A_100], %broadcast_in_dim3A_9 {strides = array<i32>} : memref<1024xf32, #tpu.memory_space<vmem>>, vector<16xf32>,
      }
      %scan3A_16 = arith.constant 64 : i32
      %scan3A_17 = arith.constant 0 : i32
      %scan3A_18 = arith.constant 0 : i32
      %scan3A_19 = arith.constant 250 : i32
      %scan3A_20 = arith.addi %scan3A_18, %scan3A_19 : i32
      %scan3A_21 = arith.constant 1 : i32
      scf.for %scan3A_91 = %scan3A_18 to %scan3A_20 step %scan3A_21  : i32 {
        %mul3A_92 = arith.constant 16 : i32
        %mul3A_93 = arith.muli %scan3A_91, %mul3A_92 : i32
        %get3A = arith.index_cast %mul3A_93 : i32 to index
        %get3A_94 = tpu.vector_load %arg20[%get3A] {strides = array<i32>} : memref<4000xi32, #tpu.memory_space<vmem>>, vector<16xi32>,
        tpu.vector_store_idx %arg27[%get3A_94], %broadcast_in_dim3A_11 masked %lt3A_8 {add = true} : memref<1024xf32, #tpu.memory_space<vmem>>[vector<16xi32>], vector<16xf32>, vector<16xi1>
      }
      %scan3A_22 = arith.constant 250 : i32
      %scan3A_23 = arith.constant 0 : i32
      %scan3A_24 = arith.constant 64 : i32
      %scan3A_25 = arith.addi %scan3A_23, %scan3A_24 : i32
      %scan3A_26 = arith.constant 1 : i32
      %scan3A_27 = scf.for %scan3A_91 = %scan3A_23 to %scan3A_25 step %scan3A_26 iter_args(%scan3A_92 = %broadcast_in_dim3A_9) -> (vector<16xf32>)  : i32 {
        %mul3A_93 = arith.constant 16 : i32
        %mul3A_94 = arith.muli %scan3A_91, %mul3A_93 : i32
        %get3A = arith.index_cast %mul3A_94 : i32 to index
        %get3A_95 = tpu.vector_load %arg26[%get3A] {strides = array<i32>} : memref<1024xi32, #tpu.memory_space<vmem>>, vector<16xi32>,
        %gather3A = tpu.vector_load_idx %arg33[%get3A_95] : memref<16xf32, #tpu.memory_space<vmem>>[vector<16xi32>], vector<16xf32>,
        %get3A_96 = arith.index_cast %mul3A_94 : i32 to index
        %get3A_97 = tpu.vector_load %arg27[%get3A_96] {strides = array<i32>} : memref<1024xf32, #tpu.memory_space<vmem>>, vector<16xf32>,
        %sub3A = arith.subf %get3A_97, %gather3A : vector<16xf32>
        %gt3A = arith.cmpf ogt, %get3A_97, %gather3A : vector<16xf32>
        %mul3A_98 = arith.mulf %sub3A, %sub3A : vector<16xf32>
        %jit3A_99 = arith.constant 0.000000e+00 : f32
        %broadcast_in_dim3A_100 = vector.broadcast %jit3A_99 : f32 to vector<16xf32>
        %select_n3A_101 = arith.select %gt3A, %mul3A_98, %broadcast_in_dim3A_100 : vector<16xi1>, vector<16xf32>
        %add3A_102 = arith.addf %scan3A_92, %select_n3A_101 : vector<16xf32>
        %mul3A_103 = arith.constant 1.000000e-03 : f32
        %mul3A_104 = vector.broadcast %mul3A_103 : f32 to vector<16xf32>
        %mul3A_105 = arith.mulf %sub3A, %mul3A_104 : vector<16xf32>
        %jit3A_106 = arith.constant 0.000000e+00 : f32
        %broadcast_in_dim3A_107 = vector.broadcast %jit3A_106 : f32 to vector<16xf32>
        %select_n3A_108 = arith.select %gt3A, %mul3A_105, %broadcast_in_dim3A_107 : vector<16xi1>, vector<16xf32>
        %swap3A_109 = arith.index_cast %mul3A_94 : i32 to index
        %swap3A_110 = tpu.vector_load %arg28[%swap3A_109] {strides = array<i32>} : memref<1024xf32, #tpu.memory_space<vmem>>, vector<16xf32>,
        tpu.vector_store %arg28[%swap3A_109], %select_n3A_108 {strides = array<i32>} : memref<1024xf32, #tpu.memory_space<vmem>>, vector<16xf32>,
        %gather3A_111 = tpu.vector_load_idx %arg35[%get3A_95] : memref<16xf32, #tpu.memory_space<vmem>>[vector<16xi32>], vector<16xf32>,
        %swap3A_112 = arith.index_cast %mul3A_94 : i32 to index
        %swap3A_113 = tpu.vector_load %arg32[%swap3A_112] {strides = array<i32>} : memref<1024xf32, #tpu.memory_space<vmem>>, vector<16xf32>,
        tpu.vector_store %arg32[%swap3A_112], %gather3A_111 {strides = array<i32>} : memref<1024xf32, #tpu.memory_space<vmem>>, vector<16xf32>,
        scf.yield %add3A_102 : vector<16xf32>
      }
      %scan3A_28 = arith.constant 64 : i32
      %swap3A = arith.constant 0 : index
      %swap3A_29 = tpu.vector_load %arg36[%swap3A] {strides = array<i32>} : memref<16xf32, #tpu.memory_space<vmem>>, vector<16xf32>,
      tpu.vector_store %arg36[%swap3A], %scan3A_27 {strides = array<i32>} : memref<16xf32, #tpu.memory_space<vmem>>, vector<16xf32>,
      "tpu.region"() ({
        %run_scoped3A = tpu.sem_alloc : memref<!tpu.dma_semaphore, #tpu.memory_space<semaphore_mem>>
        tpu.enqueue_dma source(%arg36 : memref<16xf32, #tpu.memory_space<vmem>>) target(%arg14 : memref<16xf32, #tpu.memory_space<hbm>>) target_semaphore(%run_scoped3A : memref<!tpu.dma_semaphore, #tpu.memory_space<semaphore_mem>>)
        tpu.wait_dma2 semaphore(%run_scoped3A : memref<!tpu.dma_semaphore, #tpu.memory_space<semaphore_mem>>) src(%arg36 : memref<16xf32, #tpu.memory_space<vmem>>) dst(%arg14 : memref<16xf32, #tpu.memory_space<hbm>>)
        tpu.yield
      }) : () -> ()
      %scan3A_30 = arith.constant 0 : i32
      %scan3A_31 = arith.constant 0 : i32
      %scan3A_32 = arith.constant 250 : i32
      %scan3A_33 = arith.addi %scan3A_31, %scan3A_32 : i32
      %scan3A_34 = arith.constant 1 : i32
      %scan3A_35 = scf.for %scan3A_91 = %scan3A_31 to %scan3A_33 step %scan3A_34 iter_args(%scan3A_92 = %scan3A_30) -> (i32)  : i32 {
        %mul3A_93 = arith.constant 16 : i32
        %mul3A_94 = arith.muli %scan3A_91, %mul3A_93 : i32
        %get3A = arith.index_cast %mul3A_94 : i32 to index
        %get3A_95 = tpu.vector_load %arg22[%get3A] {strides = array<i32>} : memref<4000xi32, #tpu.memory_space<vmem>>, vector<16xi32>,
        %gather3A = tpu.vector_load_idx %arg20[%get3A_95] : memref<4000xi32, #tpu.memory_space<vmem>>[vector<16xi32>], vector<16xi32>,
        %gather3A_96 = tpu.vector_load_idx %arg21[%get3A_95] : memref<4000xi32, #tpu.memory_space<vmem>>[vector<16xi32>], vector<16xi32>,
        %gather3A_97 = tpu.vector_load_idx %arg28[%gather3A] : memref<1024xf32, #tpu.memory_space<vmem>>[vector<16xi32>], vector<16xf32>,
        %gt3A = arith.constant 0.000000e+00 : f32
        %gt3A_98 = vector.broadcast %gt3A : f32 to vector<16xf32>
        %gt3A_99 = arith.cmpf ogt, %gather3A_97, %gt3A_98 : vector<16xf32>
        %mul3A_100 = arith.constant 4 : i32
        %mul3A_101 = vector.broadcast %mul3A_100 : i32 to vector<16xi32>
        %mul3A_102 = arith.muli %gather3A, %mul3A_101 : vector<16xi32>
        %swap3A_103 = arith.index_cast %scan3A_92 : i32 to index
        %swap3A_104 = tpu.vector_load %arg23[%swap3A_103] masked %gt3A_99 {strides = array<i32>} : memref<4016xi32, #tpu.memory_space<vmem>>, vector<16xi32>, vector<16xi1>
        tpu.vector_store %arg23[%swap3A_103], %mul3A_102 masked %gt3A_99 {strides = array<i32>} : memref<4016xi32, #tpu.memory_space<vmem>>, vector<16xi32>, vector<16xi1>
        %mul3A_105 = arith.constant 4 : i32
        %mul3A_106 = vector.broadcast %mul3A_105 : i32 to vector<16xi32>
        %mul3A_107 = arith.muli %gather3A_96, %mul3A_106 : vector<16xi32>
        %swap3A_108 = arith.index_cast %scan3A_92 : i32 to index
        %swap3A_109 = tpu.vector_load %arg24[%swap3A_108] masked %gt3A_99 {strides = array<i32>} : memref<4016xi32, #tpu.memory_space<vmem>>, vector<16xi32>, vector<16xi1>
        tpu.vector_store %arg24[%swap3A_108], %mul3A_107 masked %gt3A_99 {strides = array<i32>} : memref<4016xi32, #tpu.memory_space<vmem>>, vector<16xi32>, vector<16xi1>
        %swap3A_110 = arith.index_cast %scan3A_92 : i32 to index
        %swap3A_111 = tpu.vector_load %arg25[%swap3A_110] masked %gt3A_99 {strides = array<i32>} : memref<4016xf32, #tpu.memory_space<vmem>>, vector<16xf32>, vector<16xi1>
        tpu.vector_store %arg25[%swap3A_110], %gather3A_97 masked %gt3A_99 {strides = array<i32>} : memref<4016xf32, #tpu.memory_space<vmem>>, vector<16xf32>, vector<16xi1>
        %all_reduce_population_count3A = tpu.all_reduce %gt3A_99 {dim = 0 : i64, kind = #tpu.reduction_kind<sum>} : vector<16xi1> -> vector<16xi32>
        %reduce_max3A = arith.constant true
        %reduce_max3A_112 = vector.broadcast %reduce_max3A : i1 to vector<16xi1>
        %reduce_max3A_113 = arith.constant -2147483648 : i32
        %reduce_max3A_114 = vector.broadcast %reduce_max3A_113 : i32 to vector<16xi32>
        %reduce_max3A_115 = arith.xori %all_reduce_population_count3A, %reduce_max3A_114 : vector<16xi32>
        %reduce_max3A_116 = tpu.scan <max>, %reduce_max3A_115 masked %reduce_max3A_112 : vector<16xi32>, vector<16xi1> -> vector<16xi32>
        %reduce_max3A_117 = arith.xori %reduce_max3A_116, %reduce_max3A_114 : vector<16xi32>
        %reduce_max3A_118 = vector.extract %reduce_max3A_117[15] : i32 from vector<16xi32>
        %add3A_119 = arith.addi %scan3A_92, %reduce_max3A_118 : i32
        scf.yield %add3A_119 : i32
      }
      %scan3A_36 = arith.constant 250 : i32
      %broadcast_in_dim3A_37 = arith.constant 4092 : i32
      %broadcast_in_dim3A_38 = vector.broadcast %broadcast_in_dim3A_37 : i32 to vector<16xi32>
      %swap3A_39 = arith.index_cast %scan3A_35 : i32 to index
      %swap3A_40 = tpu.vector_load %arg23[%swap3A_39] {strides = array<i32>} : memref<4016xi32, #tpu.memory_space<vmem>>, vector<16xi32>,
      tpu.vector_store %arg23[%swap3A_39], %broadcast_in_dim3A_38 {strides = array<i32>} : memref<4016xi32, #tpu.memory_space<vmem>>, vector<16xi32>,
      %broadcast_in_dim3A_41 = arith.constant 4092 : i32
      %broadcast_in_dim3A_42 = vector.broadcast %broadcast_in_dim3A_41 : i32 to vector<16xi32>
      %swap3A_43 = arith.index_cast %scan3A_35 : i32 to index
      %swap3A_44 = tpu.vector_load %arg24[%swap3A_43] {strides = array<i32>} : memref<4016xi32, #tpu.memory_space<vmem>>, vector<16xi32>,
      tpu.vector_store %arg24[%swap3A_43], %broadcast_in_dim3A_42 {strides = array<i32>} : memref<4016xi32, #tpu.memory_space<vmem>>, vector<16xi32>,
      %swap3A_45 = arith.index_cast %scan3A_35 : i32 to index
      %swap3A_46 = tpu.vector_load %arg25[%swap3A_45] {strides = array<i32>} : memref<4016xf32, #tpu.memory_space<vmem>>, vector<16xf32>,
      tpu.vector_store %arg25[%swap3A_45], %broadcast_in_dim3A_9 {strides = array<i32>} : memref<4016xf32, #tpu.memory_space<vmem>>, vector<16xf32>,
      %lt3A_47 = arith.constant 3 : i32
      %lt3A_48 = vector.broadcast %lt3A_47 : i32 to vector<16xi32>
      %lt3A_49 = arith.cmpi slt, %iota3A, %lt3A_48 : vector<16xi32>
      %jit3A = arith.constant 0 : i32
      %broadcast_in_dim3A_50 = vector.broadcast %jit3A : i32 to vector<16xi32>
      %select_n3A = arith.select %lt3A_49, %iota3A, %broadcast_in_dim3A_50 : vector<16xi1>, vector<16xi32>
      %add3A = arith.constant 1 : i32
      %add3A_51 = vector.broadcast %add3A : i32 to vector<16xi32>
      %add3A_52 = arith.addi %iota3A, %add3A_51 : vector<16xi32>
      %rem3A = arith.constant 3 : i32
      %rem3A_53 = vector.broadcast %rem3A : i32 to vector<16xi32>
      %rem3A_54 = arith.remsi %add3A_52, %rem3A_53 : vector<16xi32>
      %select_n3A_55 = arith.select %lt3A_49, %rem3A_54, %iota3A : vector<16xi1>, vector<16xi32>
      %add3A_56 = arith.constant 2 : i32
      %add3A_57 = vector.broadcast %add3A_56 : i32 to vector<16xi32>
      %add3A_58 = arith.addi %iota3A, %add3A_57 : vector<16xi32>
      %rem3A_59 = arith.constant 3 : i32
      %rem3A_60 = vector.broadcast %rem3A_59 : i32 to vector<16xi32>
      %rem3A_61 = arith.remsi %add3A_58, %rem3A_60 : vector<16xi32>
      %select_n3A_62 = arith.select %lt3A_49, %rem3A_61, %iota3A : vector<16xi1>, vector<16xi32>
      %add3A_63 = arith.constant 15 : i32
      %add3A_64 = arith.addi %scan3A_35, %add3A_63 : i32
      %shift_right_logical3A = arith.constant 4 : i32
      %shift_right_logical3A_65 = arith.shrui %add3A_64, %shift_right_logical3A : i32
      %while3A = arith.constant 0 : i32
      %while3A_66 = arith.constant 0 : i32
      %while3A_67 = arith.subi %shift_right_logical3A_65, %while3A_66 : i32
      %while3A_68 = arith.addi %while3A_66, %while3A_67 : i32
      %while3A_69 = arith.constant 1 : i32
      %while3A_70 = arith.divsi %while3A_67, %while3A_69 : i32
      %while3A_71 = arith.muli %while3A_70, %while3A_69 : i32
      %while3A_72 = arith.addi %while3A_66, %while3A_71 : i32
      %while3A_73 = arith.constant 1 : i32
      scf.for %while3A_91 = %while3A_66 to %while3A_72 step %while3A_73  : i32 {
        %mul3A_92 = arith.constant 16 : i32
        %mul3A_93 = arith.muli %while3A_91, %mul3A_92 : i32
        %get3A = arith.index_cast %mul3A_93 : i32 to index
        %get3A_94 = tpu.vector_load %arg23[%get3A] {strides = array<i32>} : memref<4016xi32, #tpu.memory_space<vmem>>, vector<16xi32>,
        %get3A_95 = arith.index_cast %mul3A_93 : i32 to index
        %get3A_96 = tpu.vector_load %arg24[%get3A_95] {strides = array<i32>} : memref<4016xi32, #tpu.memory_space<vmem>>, vector<16xi32>,
        %get3A_97 = arith.index_cast %mul3A_93 : i32 to index
        %get3A_98 = tpu.vector_load %arg25[%get3A_97] {strides = array<i32>} : memref<4016xf32, #tpu.memory_space<vmem>>, vector<16xf32>,
        %broadcast_in_dim3A_99 = arith.constant 0 : i32
        %broadcast_in_dim3A_100 = vector.broadcast %broadcast_in_dim3A_99 : i32 to vector<16xi32>
        %lt3A_101 = arith.constant 0 : i32
        %lt3A_102 = vector.broadcast %lt3A_101 : i32 to vector<16xi32>
        %lt3A_103 = arith.cmpi slt, %broadcast_in_dim3A_100, %lt3A_102 : vector<16xi32>
        %add3A_104 = arith.constant 16 : i32
        %add3A_105 = vector.broadcast %add3A_104 : i32 to vector<16xi32>
        %add3A_106 = arith.addi %broadcast_in_dim3A_100, %add3A_105 : vector<16xi32>
        %select_n3A_107 = arith.select %lt3A_103, %add3A_106, %broadcast_in_dim3A_100 : vector<16xi1>, vector<16xi32>
        %broadcast_in_dim3A_108 = vector.shape_cast %select_n3A_107 : vector<16xi32> to vector<16x1xi32>
        %gather3A = vector.shape_cast %broadcast_in_dim3A_108 : vector<16x1xi32> to vector<16xi32>
        %gather3A_109 = tpu.dynamic_gather %get3A_94[%gather3A] in [0] : vector<16xi32>, vector<16xi32> -> vector<16xi32>
        %lt3A_110 = arith.constant 0 : i32
        %lt3A_111 = vector.broadcast %lt3A_110 : i32 to vector<16xi32>
        %lt3A_112 = arith.cmpi slt, %broadcast_in_dim3A_100, %lt3A_111 : vector<16xi32>
        %add3A_113 = arith.constant 16 : i32
        %add3A_114 = vector.broadcast %add3A_113 : i32 to vector<16xi32>
        %add3A_115 = arith.addi %broadcast_in_dim3A_100, %add3A_114 : vector<16xi32>
        %select_n3A_116 = arith.select %lt3A_112, %add3A_115, %broadcast_in_dim3A_100 : vector<16xi1>, vector<16xi32>
        %broadcast_in_dim3A_117 = vector.shape_cast %select_n3A_116 : vector<16xi32> to vector<16x1xi32>
        %gather3A_118 = vector.shape_cast %broadcast_in_dim3A_117 : vector<16x1xi32> to vector<16xi32>
        %gather3A_119 = tpu.dynamic_gather %get3A_96[%gather3A_118] in [0] : vector<16xi32>, vector<16xi32> -> vector<16xi32>
        %lt3A_120 = arith.constant 0 : i32
        %lt3A_121 = vector.broadcast %lt3A_120 : i32 to vector<16xi32>
        %lt3A_122 = arith.cmpi slt, %broadcast_in_dim3A_100, %lt3A_121 : vector<16xi32>
        %add3A_123 = arith.constant 16 : i32
        %add3A_124 = vector.broadcast %add3A_123 : i32 to vector<16xi32>
        %add3A_125 = arith.addi %broadcast_in_dim3A_100, %add3A_124 : vector<16xi32>
        %select_n3A_126 = arith.select %lt3A_122, %add3A_125, %broadcast_in_dim3A_100 : vector<16xi1>, vector<16xi32>
        %broadcast_in_dim3A_127 = vector.shape_cast %select_n3A_126 : vector<16xi32> to vector<16x1xi32>
        %gather3A_128 = vector.shape_cast %broadcast_in_dim3A_127 : vector<16x1xi32> to vector<16xi32>
        %gather3A_129 = tpu.dynamic_gather %get3A_98[%gather3A_128] in [0] : vector<16xf32>, vector<16xi32> -> vector<16xf32>
        %add3A_130 = arith.addi %gather3A_109, %select_n3A : vector<16xi32>
        %add3A_131 = arith.addi %gather3A_119, %select_n3A : vector<16xi32>
        %gather3A_132 = tpu.vector_load_idx %arg16[%add3A_130] masked %lt3A_49 : memref<4096xf32, #tpu.memory_space<vmem>>[vector<16xi32>], vector<16xf32>, vector<16xi1>
        %gather3A_133 = tpu.vector_load_idx %arg16[%add3A_131] masked %lt3A_49 : memref<4096xf32, #tpu.memory_space<vmem>>[vector<16xi32>], vector<16xf32>, vector<16xi1>
        %sub3A = arith.subf %gather3A_132, %gather3A_133 : vector<16xf32>
        %mul3A_134 = arith.mulf %sub3A, %sub3A : vector<16xf32>
        %lt3A_135 = arith.constant 0 : i32
        %lt3A_136 = vector.broadcast %lt3A_135 : i32 to vector<16xi32>
        %lt3A_137 = arith.cmpi slt, %select_n3A_55, %lt3A_136 : vector<16xi32>
        %add3A_138 = arith.constant 16 : i32
        %add3A_139 = vector.broadcast %add3A_138 : i32 to vector<16xi32>
        %add3A_140 = arith.addi %select_n3A_55, %add3A_139 : vector<16xi32>
        %select_n3A_141 = arith.select %lt3A_137, %add3A_140, %select_n3A_55 : vector<16xi1>, vector<16xi32>
        %broadcast_in_dim3A_142 = vector.shape_cast %select_n3A_141 : vector<16xi32> to vector<16x1xi32>
        %gather3A_143 = vector.shape_cast %broadcast_in_dim3A_142 : vector<16x1xi32> to vector<16xi32>
        %gather3A_144 = tpu.dynamic_gather %mul3A_134[%gather3A_143] in [0] : vector<16xf32>, vector<16xi32> -> vector<16xf32>
        %add3A_145 = arith.addf %mul3A_134, %gather3A_144 : vector<16xf32>
        %lt3A_146 = arith.constant 0 : i32
        %lt3A_147 = vector.broadcast %lt3A_146 : i32 to vector<16xi32>
        %lt3A_148 = arith.cmpi slt, %select_n3A_62, %lt3A_147 : vector<16xi32>
        %add3A_149 = arith.constant 16 : i32
        %add3A_150 = vector.broadcast %add3A_149 : i32 to vector<16xi32>
        %add3A_151 = arith.addi %select_n3A_62, %add3A_150 : vector<16xi32>
        %select_n3A_152 = arith.select %lt3A_148, %add3A_151, %select_n3A_62 : vector<16xi1>, vector<16xi32>
        %broadcast_in_dim3A_153 = vector.shape_cast %select_n3A_152 : vector<16xi32> to vector<16x1xi32>
        %gather3A_154 = vector.shape_cast %broadcast_in_dim3A_153 : vector<16x1xi32> to vector<16xi32>
        %gather3A_155 = tpu.dynamic_gather %mul3A_134[%gather3A_154] in [0] : vector<16xf32>, vector<16xi32> -> vector<16xf32>
        %add3A_156 = arith.addf %add3A_145, %gather3A_155 : vector<16xf32>
        %max3A = arith.constant 1.000000e-35 : f32
        %max3A_157 = vector.broadcast %max3A : f32 to vector<16xf32>
        %max3A_158 = arith.maximumf %add3A_156, %max3A_157 : vector<16xf32>
        %bitcast_convert_type3A = tpu.bitcast %max3A_158 : vector<16xf32> -> vector<16xi32>
        %shift_right_logical3A_159 = arith.constant 1 : i32
        %shift_right_logical3A_160 = vector.broadcast %shift_right_logical3A_159 : i32 to vector<16xi32>
        %shift_right_logical3A_161 = arith.shrui %bitcast_convert_type3A, %shift_right_logical3A_160 : vector<16xi32>
        %sub3A_162 = arith.constant 1597463174 : i32
        %sub3A_163 = vector.broadcast %sub3A_162 : i32 to vector<16xi32>
        %sub3A_164 = arith.subi %sub3A_163, %shift_right_logical3A_161 : vector<16xi32>
        %bitcast_convert_type3A_165 = tpu.bitcast %sub3A_164 : vector<16xi32> -> vector<16xf32>
        %mul3A_166 = arith.constant 5.000000e-01 : f32
        %mul3A_167 = vector.broadcast %mul3A_166 : f32 to vector<16xf32>
        %mul3A_168 = arith.mulf %mul3A_167, %max3A_158 : vector<16xf32>
        %mul3A_169 = arith.mulf %mul3A_168, %bitcast_convert_type3A_165 : vector<16xf32>
        %mul3A_170 = arith.mulf %mul3A_169, %bitcast_convert_type3A_165 : vector<16xf32>
        %sub3A_171 = arith.constant 1.500000e+00 : f32
        %sub3A_172 = vector.broadcast %sub3A_171 : f32 to vector<16xf32>
        %sub3A_173 = arith.subf %sub3A_172, %mul3A_170 : vector<16xf32>
        %mul3A_174 = arith.mulf %bitcast_convert_type3A_165, %sub3A_173 : vector<16xf32>
        %mul3A_175 = arith.mulf %gather3A_129, %mul3A_174 : vector<16xf32>
        %mul3A_176 = arith.mulf %sub3A, %mul3A_175 : vector<16xf32>
        %add3A_177 = arith.addf %gather3A_132, %mul3A_176 : vector<16xf32>
        tpu.vector_store_idx %arg16[%add3A_130], %add3A_177 masked %lt3A_49 : memref<4096xf32, #tpu.memory_space<vmem>>[vector<16xi32>], vector<16xf32>, vector<16xi1>
        %broadcast_in_dim3A_178 = arith.constant 1 : i32
        %broadcast_in_dim3A_179 = vector.broadcast %broadcast_in_dim3A_178 : i32 to vector<16xi32>
        %lt3A_180 = arith.constant 0 : i32
        %lt3A_181 = vector.broadcast %lt3A_180 : i32 to vector<16xi32>
        %lt3A_182 = arith.cmpi slt, %broadcast_in_dim3A_179, %lt3A_181 : vector<16xi32>
        %add3A_183 = arith.constant 16 : i32
        %add3A_184 = vector.broadcast %add3A_183 : i32 to vector<16xi32>
        %add3A_185 = arith.addi %broadcast_in_dim3A_179, %add3A_184 : vector<16xi32>
        %select_n3A_186 = arith.select %lt3A_182, %add3A_185, %broadcast_in_dim3A_179 : vector<16xi1>, vector<16xi32>
        %broadcast_in_dim3A_187 = vector.shape_cast %select_n3A_186 : vector<16xi32> to vector<16x1xi32>
        %gather3A_188 = vector.shape_cast %broadcast_in_dim3A_187 : vector<16x1xi32> to vector<16xi32>
        %gather3A_189 = tpu.dynamic_gather %get3A_94[%gather3A_188] in [0] : vector<16xi32>, vector<16xi32> -> vector<16xi32>
        %lt3A_190 = arith.constant 0 : i32
        %lt3A_191 = vector.broadcast %lt3A_190 : i32 to vector<16xi32>
        %lt3A_192 = arith.cmpi slt, %broadcast_in_dim3A_179, %lt3A_191 : vector<16xi32>
        %add3A_193 = arith.constant 16 : i32
        %add3A_194 = vector.broadcast %add3A_193 : i32 to vector<16xi32>
        %add3A_195 = arith.addi %broadcast_in_dim3A_179, %add3A_194 : vector<16xi32>
        %select_n3A_196 = arith.select %lt3A_192, %add3A_195, %broadcast_in_dim3A_179 : vector<16xi1>, vector<16xi32>
        %broadcast_in_dim3A_197 = vector.shape_cast %select_n3A_196 : vector<16xi32> to vector<16x1xi32>
        %gather3A_198 = vector.shape_cast %broadcast_in_dim3A_197 : vector<16x1xi32> to vector<16xi32>
        %gather3A_199 = tpu.dynamic_gather %get3A_96[%gather3A_198] in [0] : vector<16xi32>, vector<16xi32> -> vector<16xi32>
        %lt3A_200 = arith.constant 0 : i32
        %lt3A_201 = vector.broadcast %lt3A_200 : i32 to vector<16xi32>
        %lt3A_202 = arith.cmpi slt, %broadcast_in_dim3A_179, %lt3A_201 : vector<16xi32>
        %add3A_203 = arith.constant 16 : i32
        %add3A_204 = vector.broadcast %add3A_203 : i32 to vector<16xi32>
        %add3A_205 = arith.addi %broadcast_in_dim3A_179, %add3A_204 : vector<16xi32>
        %select_n3A_206 = arith.select %lt3A_202, %add3A_205, %broadcast_in_dim3A_179 : vector<16xi1>, vector<16xi32>
        %broadcast_in_dim3A_207 = vector.shape_cast %select_n3A_206 : vector<16xi32> to vector<16x1xi32>
        %gather3A_208 = vector.shape_cast %broadcast_in_dim3A_207 : vector<16x1xi32> to vector<16xi32>
        %gather3A_209 = tpu.dynamic_gather %get3A_98[%gather3A_208] in [0] : vector<16xf32>, vector<16xi32> -> vector<16xf32>
        %add3A_210 = arith.addi %gather3A_189, %select_n3A : vector<16xi32>
        %add3A_211 = arith.addi %gather3A_199, %select_n3A : vector<16xi32>
        %gather3A_212 = tpu.vector_load_idx %arg16[%add3A_210] masked %lt3A_49 : memref<4096xf32, #tpu.memory_space<vmem>>[vector<16xi32>], vector<16xf32>, vector<16xi1>
        %gather3A_213 = tpu.vector_load_idx %arg16[%add3A_211] masked %lt3A_49 : memref<4096xf32, #tpu.memory_space<vmem>>[vector<16xi32>], vector<16xf32>, vector<16xi1>
        %sub3A_214 = arith.subf %gather3A_212, %gather3A_213 : vector<16xf32>
        %mul3A_215 = arith.mulf %sub3A_214, %sub3A_214 : vector<16xf32>
        %lt3A_216 = arith.constant 0 : i32
        %lt3A_217 = vector.broadcast %lt3A_216 : i32 to vector<16xi32>
        %lt3A_218 = arith.cmpi slt, %select_n3A_55, %lt3A_217 : vector<16xi32>
        %add3A_219 = arith.constant 16 : i32
        %add3A_220 = vector.broadcast %add3A_219 : i32 to vector<16xi32>
        %add3A_221 = arith.addi %select_n3A_55, %add3A_220 : vector<16xi32>
        %select_n3A_222 = arith.select %lt3A_218, %add3A_221, %select_n3A_55 : vector<16xi1>, vector<16xi32>
        %broadcast_in_dim3A_223 = vector.shape_cast %select_n3A_222 : vector<16xi32> to vector<16x1xi32>
        %gather3A_224 = vector.shape_cast %broadcast_in_dim3A_223 : vector<16x1xi32> to vector<16xi32>
        %gather3A_225 = tpu.dynamic_gather %mul3A_215[%gather3A_224] in [0] : vector<16xf32>, vector<16xi32> -> vector<16xf32>
        %add3A_226 = arith.addf %mul3A_215, %gather3A_225 : vector<16xf32>
        %lt3A_227 = arith.constant 0 : i32
        %lt3A_228 = vector.broadcast %lt3A_227 : i32 to vector<16xi32>
        %lt3A_229 = arith.cmpi slt, %select_n3A_62, %lt3A_228 : vector<16xi32>
        %add3A_230 = arith.constant 16 : i32
        %add3A_231 = vector.broadcast %add3A_230 : i32 to vector<16xi32>
        %add3A_232 = arith.addi %select_n3A_62, %add3A_231 : vector<16xi32>
        %select_n3A_233 = arith.select %lt3A_229, %add3A_232, %select_n3A_62 : vector<16xi1>, vector<16xi32>
        %broadcast_in_dim3A_234 = vector.shape_cast %select_n3A_233 : vector<16xi32> to vector<16x1xi32>
        %gather3A_235 = vector.shape_cast %broadcast_in_dim3A_234 : vector<16x1xi32> to vector<16xi32>
        %gather3A_236 = tpu.dynamic_gather %mul3A_215[%gather3A_235] in [0] : vector<16xf32>, vector<16xi32> -> vector<16xf32>
        %add3A_237 = arith.addf %add3A_226, %gather3A_236 : vector<16xf32>
        %max3A_238 = arith.constant 1.000000e-35 : f32
        %max3A_239 = vector.broadcast %max3A_238 : f32 to vector<16xf32>
        %max3A_240 = arith.maximumf %add3A_237, %max3A_239 : vector<16xf32>
        %bitcast_convert_type3A_241 = tpu.bitcast %max3A_240 : vector<16xf32> -> vector<16xi32>
        %shift_right_logical3A_242 = arith.constant 1 : i32
        %shift_right_logical3A_243 = vector.broadcast %shift_right_logical3A_242 : i32 to vector<16xi32>
        %shift_right_logical3A_244 = arith.shrui %bitcast_convert_type3A_241, %shift_right_logical3A_243 : vector<16xi32>
        %sub3A_245 = arith.constant 1597463174 : i32
        %sub3A_246 = vector.broadcast %sub3A_245 : i32 to vector<16xi32>
        %sub3A_247 = arith.subi %sub3A_246, %shift_right_logical3A_244 : vector<16xi32>
        %bitcast_convert_type3A_248 = tpu.bitcast %sub3A_247 : vector<16xi32> -> vector<16xf32>
        %mul3A_249 = arith.constant 5.000000e-01 : f32
        %mul3A_250 = vector.broadcast %mul3A_249 : f32 to vector<16xf32>
        %mul3A_251 = arith.mulf %mul3A_250, %max3A_240 : vector<16xf32>
        %mul3A_252 = arith.mulf %mul3A_251, %bitcast_convert_type3A_248 : vector<16xf32>
        %mul3A_253 = arith.mulf %mul3A_252, %bitcast_convert_type3A_248 : vector<16xf32>
        %sub3A_254 = arith.constant 1.500000e+00 : f32
        %sub3A_255 = vector.broadcast %sub3A_254 : f32 to vector<16xf32>
        %sub3A_256 = arith.subf %sub3A_255, %mul3A_253 : vector<16xf32>
        %mul3A_257 = arith.mulf %bitcast_convert_type3A_248, %sub3A_256 : vector<16xf32>
        %mul3A_258 = arith.mulf %gather3A_209, %mul3A_257 : vector<16xf32>
        %mul3A_259 = arith.mulf %sub3A_214, %mul3A_258 : vector<16xf32>
        %add3A_260 = arith.addf %gather3A_212, %mul3A_259 : vector<16xf32>
        tpu.vector_store_idx %arg16[%add3A_210], %add3A_260 masked %lt3A_49 : memref<4096xf32, #tpu.memory_space<vmem>>[vector<16xi32>], vector<16xf32>, vector<16xi1>
        %broadcast_in_dim3A_261 = arith.constant 2 : i32
        %broadcast_in_dim3A_262 = vector.broadcast %broadcast_in_dim3A_261 : i32 to vector<16xi32>
        %lt3A_263 = arith.constant 0 : i32
        %lt3A_264 = vector.broadcast %lt3A_263 : i32 to vector<16xi32>
        %lt3A_265 = arith.cmpi slt, %broadcast_in_dim3A_262, %lt3A_264 : vector<16xi32>
        %add3A_266 = arith.constant 16 : i32
        %add3A_267 = vector.broadcast %add3A_266 : i32 to vector<16xi32>
        %add3A_268 = arith.addi %broadcast_in_dim3A_262, %add3A_267 : vector<16xi32>
        %select_n3A_269 = arith.select %lt3A_265, %add3A_268, %broadcast_in_dim3A_262 : vector<16xi1>, vector<16xi32>
        %broadcast_in_dim3A_270 = vector.shape_cast %select_n3A_269 : vector<16xi32> to vector<16x1xi32>
        %gather3A_271 = vector.shape_cast %broadcast_in_dim3A_270 : vector<16x1xi32> to vector<16xi32>
        %gather3A_272 = tpu.dynamic_gather %get3A_94[%gather3A_271] in [0] : vector<16xi32>, vector<16xi32> -> vector<16xi32>
        %lt3A_273 = arith.constant 0 : i32
        %lt3A_274 = vector.broadcast %lt3A_273 : i32 to vector<16xi32>
        %lt3A_275 = arith.cmpi slt, %broadcast_in_dim3A_262, %lt3A_274 : vector<16xi32>
        %add3A_276 = arith.constant 16 : i32
        %add3A_277 = vector.broadcast %add3A_276 : i32 to vector<16xi32>
        %add3A_278 = arith.addi %broadcast_in_dim3A_262, %add3A_277 : vector<16xi32>
        %select_n3A_279 = arith.select %lt3A_275, %add3A_278, %broadcast_in_dim3A_262 : vector<16xi1>, vector<16xi32>
        %broadcast_in_dim3A_280 = vector.shape_cast %select_n3A_279 : vector<16xi32> to vector<16x1xi32>
        %gather3A_281 = vector.shape_cast %broadcast_in_dim3A_280 : vector<16x1xi32> to vector<16xi32>
        %gather3A_282 = tpu.dynamic_gather %get3A_96[%gather3A_281] in [0] : vector<16xi32>, vector<16xi32> -> vector<16xi32>
        %lt3A_283 = arith.constant 0 : i32
        %lt3A_284 = vector.broadcast %lt3A_283 : i32 to vector<16xi32>
        %lt3A_285 = arith.cmpi slt, %broadcast_in_dim3A_262, %lt3A_284 : vector<16xi32>
        %add3A_286 = arith.constant 16 : i32
        %add3A_287 = vector.broadcast %add3A_286 : i32 to vector<16xi32>
        %add3A_288 = arith.addi %broadcast_in_dim3A_262, %add3A_287 : vector<16xi32>
        %select_n3A_289 = arith.select %lt3A_285, %add3A_288, %broadcast_in_dim3A_262 : vector<16xi1>, vector<16xi32>
        %broadcast_in_dim3A_290 = vector.shape_cast %select_n3A_289 : vector<16xi32> to vector<16x1xi32>
        %gather3A_291 = vector.shape_cast %broadcast_in_dim3A_290 : vector<16x1xi32> to vector<16xi32>
        %gather3A_292 = tpu.dynamic_gather %get3A_98[%gather3A_291] in [0] : vector<16xf32>, vector<16xi32> -> vector<16xf32>
        %add3A_293 = arith.addi %gather3A_272, %select_n3A : vector<16xi32>
        %add3A_294 = arith.addi %gather3A_282, %select_n3A : vector<16xi32>
        %gather3A_295 = tpu.vector_load_idx %arg16[%add3A_293] masked %lt3A_49 : memref<4096xf32, #tpu.memory_space<vmem>>[vector<16xi32>], vector<16xf32>, vector<16xi1>
        %gather3A_296 = tpu.vector_load_idx %arg16[%add3A_294] masked %lt3A_49 : memref<4096xf32, #tpu.memory_space<vmem>>[vector<16xi32>], vector<16xf32>, vector<16xi1>
        %sub3A_297 = arith.subf %gather3A_295, %gather3A_296 : vector<16xf32>
        %mul3A_298 = arith.mulf %sub3A_297, %sub3A_297 : vector<16xf32>
        %lt3A_299 = arith.constant 0 : i32
        %lt3A_300 = vector.broadcast %lt3A_299 : i32 to vector<16xi32>
        %lt3A_301 = arith.cmpi slt, %select_n3A_55, %lt3A_300 : vector<16xi32>
        %add3A_302 = arith.constant 16 : i32
        %add3A_303 = vector.broadcast %add3A_302 : i32 to vector<16xi32>
        %add3A_304 = arith.addi %select_n3A_55, %add3A_303 : vector<16xi32>
        %select_n3A_305 = arith.select %lt3A_301, %add3A_304, %select_n3A_55 : vector<16xi1>, vector<16xi32>
        %broadcast_in_dim3A_306 = vector.shape_cast %select_n3A_305 : vector<16xi32> to vector<16x1xi32>
        %gather3A_307 = vector.shape_cast %broadcast_in_dim3A_306 : vector<16x1xi32> to vector<16xi32>
        %gather3A_308 = tpu.dynamic_gather %mul3A_298[%gather3A_307] in [0] : vector<16xf32>, vector<16xi32> -> vector<16xf32>
        %add3A_309 = arith.addf %mul3A_298, %gather3A_308 : vector<16xf32>
        %lt3A_310 = arith.constant 0 : i32
        %lt3A_311 = vector.broadcast %lt3A_310 : i32 to vector<16xi32>
        %lt3A_312 = arith.cmpi slt, %select_n3A_62, %lt3A_311 : vector<16xi32>
        %add3A_313 = arith.constant 16 : i32
        %add3A_314 = vector.broadcast %add3A_313 : i32 to vector<16xi32>
        %add3A_315 = arith.addi %select_n3A_62, %add3A_314 : vector<16xi32>
        %select_n3A_316 = arith.select %lt3A_312, %add3A_315, %select_n3A_62 : vector<16xi1>, vector<16xi32>
        %broadcast_in_dim3A_317 = vector.shape_cast %select_n3A_316 : vector<16xi32> to vector<16x1xi32>
        %gather3A_318 = vector.shape_cast %broadcast_in_dim3A_317 : vector<16x1xi32> to vector<16xi32>
        %gather3A_319 = tpu.dynamic_gather %mul3A_298[%gather3A_318] in [0] : vector<16xf32>, vector<16xi32> -> vector<16xf32>
        %add3A_320 = arith.addf %add3A_309, %gather3A_319 : vector<16xf32>
        %max3A_321 = arith.constant 1.000000e-35 : f32
        %max3A_322 = vector.broadcast %max3A_321 : f32 to vector<16xf32>
        %max3A_323 = arith.maximumf %add3A_320, %max3A_322 : vector<16xf32>
        %bitcast_convert_type3A_324 = tpu.bitcast %max3A_323 : vector<16xf32> -> vector<16xi32>
        %shift_right_logical3A_325 = arith.constant 1 : i32
        %shift_right_logical3A_326 = vector.broadcast %shift_right_logical3A_325 : i32 to vector<16xi32>
        %shift_right_logical3A_327 = arith.shrui %bitcast_convert_type3A_324, %shift_right_logical3A_326 : vector<16xi32>
        %sub3A_328 = arith.constant 1597463174 : i32
        %sub3A_329 = vector.broadcast %sub3A_328 : i32 to vector<16xi32>
        %sub3A_330 = arith.subi %sub3A_329, %shift_right_logical3A_327 : vector<16xi32>
        %bitcast_convert_type3A_331 = tpu.bitcast %sub3A_330 : vector<16xi32> -> vector<16xf32>
        %mul3A_332 = arith.constant 5.000000e-01 : f32
        %mul3A_333 = vector.broadcast %mul3A_332 : f32 to vector<16xf32>
        %mul3A_334 = arith.mulf %mul3A_333, %max3A_323 : vector<16xf32>
        %mul3A_335 = arith.mulf %mul3A_334, %bitcast_convert_type3A_331 : vector<16xf32>
        %mul3A_336 = arith.mulf %mul3A_335, %bitcast_convert_type3A_331 : vector<16xf32>
        %sub3A_337 = arith.constant 1.500000e+00 : f32
        %sub3A_338 = vector.broadcast %sub3A_337 : f32 to vector<16xf32>
        %sub3A_339 = arith.subf %sub3A_338, %mul3A_336 : vector<16xf32>
        %mul3A_340 = arith.mulf %bitcast_convert_type3A_331, %sub3A_339 : vector<16xf32>
        %mul3A_341 = arith.mulf %gather3A_292, %mul3A_340 : vector<16xf32>
        %mul3A_342 = arith.mulf %sub3A_297, %mul3A_341 : vector<16xf32>
        %add3A_343 = arith.addf %gather3A_295, %mul3A_342 : vector<16xf32>
        tpu.vector_store_idx %arg16[%add3A_293], %add3A_343 masked %lt3A_49 : memref<4096xf32, #tpu.memory_space<vmem>>[vector<16xi32>], vector<16xf32>, vector<16xi1>
        %broadcast_in_dim3A_344 = arith.constant 3 : i32
        %broadcast_in_dim3A_345 = vector.broadcast %broadcast_in_dim3A_344 : i32 to vector<16xi32>
        %lt3A_346 = arith.constant 0 : i32
        %lt3A_347 = vector.broadcast %lt3A_346 : i32 to vector<16xi32>
        %lt3A_348 = arith.cmpi slt, %broadcast_in_dim3A_345, %lt3A_347 : vector<16xi32>
        %add3A_349 = arith.constant 16 : i32
        %add3A_350 = vector.broadcast %add3A_349 : i32 to vector<16xi32>
        %add3A_351 = arith.addi %broadcast_in_dim3A_345, %add3A_350 : vector<16xi32>
        %select_n3A_352 = arith.select %lt3A_348, %add3A_351, %broadcast_in_dim3A_345 : vector<16xi1>, vector<16xi32>
        %broadcast_in_dim3A_353 = vector.shape_cast %select_n3A_352 : vector<16xi32> to vector<16x1xi32>
        %gather3A_354 = vector.shape_cast %broadcast_in_dim3A_353 : vector<16x1xi32> to vector<16xi32>
        %gather3A_355 = tpu.dynamic_gather %get3A_94[%gather3A_354] in [0] : vector<16xi32>, vector<16xi32> -> vector<16xi32>
        %lt3A_356 = arith.constant 0 : i32
        %lt3A_357 = vector.broadcast %lt3A_356 : i32 to vector<16xi32>
        %lt3A_358 = arith.cmpi slt, %broadcast_in_dim3A_345, %lt3A_357 : vector<16xi32>
        %add3A_359 = arith.constant 16 : i32
        %add3A_360 = vector.broadcast %add3A_359 : i32 to vector<16xi32>
        %add3A_361 = arith.addi %broadcast_in_dim3A_345, %add3A_360 : vector<16xi32>
        %select_n3A_362 = arith.select %lt3A_358, %add3A_361, %broadcast_in_dim3A_345 : vector<16xi1>, vector<16xi32>
        %broadcast_in_dim3A_363 = vector.shape_cast %select_n3A_362 : vector<16xi32> to vector<16x1xi32>
        %gather3A_364 = vector.shape_cast %broadcast_in_dim3A_363 : vector<16x1xi32> to vector<16xi32>
        %gather3A_365 = tpu.dynamic_gather %get3A_96[%gather3A_364] in [0] : vector<16xi32>, vector<16xi32> -> vector<16xi32>
        %lt3A_366 = arith.constant 0 : i32
        %lt3A_367 = vector.broadcast %lt3A_366 : i32 to vector<16xi32>
        %lt3A_368 = arith.cmpi slt, %broadcast_in_dim3A_345, %lt3A_367 : vector<16xi32>
        %add3A_369 = arith.constant 16 : i32
        %add3A_370 = vector.broadcast %add3A_369 : i32 to vector<16xi32>
        %add3A_371 = arith.addi %broadcast_in_dim3A_345, %add3A_370 : vector<16xi32>
        %select_n3A_372 = arith.select %lt3A_368, %add3A_371, %broadcast_in_dim3A_345 : vector<16xi1>, vector<16xi32>
        %broadcast_in_dim3A_373 = vector.shape_cast %select_n3A_372 : vector<16xi32> to vector<16x1xi32>
        %gather3A_374 = vector.shape_cast %broadcast_in_dim3A_373 : vector<16x1xi32> to vector<16xi32>
        %gather3A_375 = tpu.dynamic_gather %get3A_98[%gather3A_374] in [0] : vector<16xf32>, vector<16xi32> -> vector<16xf32>
        %add3A_376 = arith.addi %gather3A_355, %select_n3A : vector<16xi32>
        %add3A_377 = arith.addi %gather3A_365, %select_n3A : vector<16xi32>
        %gather3A_378 = tpu.vector_load_idx %arg16[%add3A_376] masked %lt3A_49 : memref<4096xf32, #tpu.memory_space<vmem>>[vector<16xi32>], vector<16xf32>, vector<16xi1>
        %gather3A_379 = tpu.vector_load_idx %arg16[%add3A_377] masked %lt3A_49 : memref<4096xf32, #tpu.memory_space<vmem>>[vector<16xi32>], vector<16xf32>, vector<16xi1>
        %sub3A_380 = arith.subf %gather3A_378, %gather3A_379 : vector<16xf32>
        %mul3A_381 = arith.mulf %sub3A_380, %sub3A_380 : vector<16xf32>
        %lt3A_382 = arith.constant 0 : i32
        %lt3A_383 = vector.broadcast %lt3A_382 : i32 to vector<16xi32>
        %lt3A_384 = arith.cmpi slt, %select_n3A_55, %lt3A_383 : vector<16xi32>
        %add3A_385 = arith.constant 16 : i32
        %add3A_386 = vector.broadcast %add3A_385 : i32 to vector<16xi32>
        %add3A_387 = arith.addi %select_n3A_55, %add3A_386 : vector<16xi32>
        %select_n3A_388 = arith.select %lt3A_384, %add3A_387, %select_n3A_55 : vector<16xi1>, vector<16xi32>
        %broadcast_in_dim3A_389 = vector.shape_cast %select_n3A_388 : vector<16xi32> to vector<16x1xi32>
        %gather3A_390 = vector.shape_cast %broadcast_in_dim3A_389 : vector<16x1xi32> to vector<16xi32>
        %gather3A_391 = tpu.dynamic_gather %mul3A_381[%gather3A_390] in [0] : vector<16xf32>, vector<16xi32> -> vector<16xf32>
        %add3A_392 = arith.addf %mul3A_381, %gather3A_391 : vector<16xf32>
        %lt3A_393 = arith.constant 0 : i32
        %lt3A_394 = vector.broadcast %lt3A_393 : i32 to vector<16xi32>
        %lt3A_395 = arith.cmpi slt, %select_n3A_62, %lt3A_394 : vector<16xi32>
        %add3A_396 = arith.constant 16 : i32
        %add3A_397 = vector.broadcast %add3A_396 : i32 to vector<16xi32>
        %add3A_398 = arith.addi %select_n3A_62, %add3A_397 : vector<16xi32>
        %select_n3A_399 = arith.select %lt3A_395, %add3A_398, %select_n3A_62 : vector<16xi1>, vector<16xi32>
        %broadcast_in_dim3A_400 = vector.shape_cast %select_n3A_399 : vector<16xi32> to vector<16x1xi32>
        %gather3A_401 = vector.shape_cast %broadcast_in_dim3A_400 : vector<16x1xi32> to vector<16xi32>
        %gather3A_402 = tpu.dynamic_gather %mul3A_381[%gather3A_401] in [0] : vector<16xf32>, vector<16xi32> -> vector<16xf32>
        %add3A_403 = arith.addf %add3A_392, %gather3A_402 : vector<16xf32>
        %max3A_404 = arith.constant 1.000000e-35 : f32
        %max3A_405 = vector.broadcast %max3A_404 : f32 to vector<16xf32>
        %max3A_406 = arith.maximumf %add3A_403, %max3A_405 : vector<16xf32>
        %bitcast_convert_type3A_407 = tpu.bitcast %max3A_406 : vector<16xf32> -> vector<16xi32>
        %shift_right_logical3A_408 = arith.constant 1 : i32
        %shift_right_logical3A_409 = vector.broadcast %shift_right_logical3A_408 : i32 to vector<16xi32>
        %shift_right_logical3A_410 = arith.shrui %bitcast_convert_type3A_407, %shift_right_logical3A_409 : vector<16xi32>
        %sub3A_411 = arith.constant 1597463174 : i32
        %sub3A_412 = vector.broadcast %sub3A_411 : i32 to vector<16xi32>
        %sub3A_413 = arith.subi %sub3A_412, %shift_right_logical3A_410 : vector<16xi32>
        %bitcast_convert_type3A_414 = tpu.bitcast %sub3A_413 : vector<16xi32> -> vector<16xf32>
        %mul3A_415 = arith.constant 5.000000e-01 : f32
        %mul3A_416 = vector.broadcast %mul3A_415 : f32 to vector<16xf32>
        %mul3A_417 = arith.mulf %mul3A_416, %max3A_406 : vector<16xf32>
        %mul3A_418 = arith.mulf %mul3A_417, %bitcast_convert_type3A_414 : vector<16xf32>
        %mul3A_419 = arith.mulf %mul3A_418, %bitcast_convert_type3A_414 : vector<16xf32>
        %sub3A_420 = arith.constant 1.500000e+00 : f32
        %sub3A_421 = vector.broadcast %sub3A_420 : f32 to vector<16xf32>
        %sub3A_422 = arith.subf %sub3A_421, %mul3A_419 : vector<16xf32>
        %mul3A_423 = arith.mulf %bitcast_convert_type3A_414, %sub3A_422 : vector<16xf32>
        %mul3A_424 = arith.mulf %gather3A_375, %mul3A_423 : vector<16xf32>
        %mul3A_425 = arith.mulf %sub3A_380, %mul3A_424 : vector<16xf32>
        %add3A_426 = arith.addf %gather3A_378, %mul3A_425 : vector<16xf32>
        tpu.vector_store_idx %arg16[%add3A_376], %add3A_426 masked %lt3A_49 : memref<4096xf32, #tpu.memory_space<vmem>>[vector<16xi32>], vector<16xf32>, vector<16xi1>
        %broadcast_in_dim3A_427 = arith.constant 4 : i32
        %broadcast_in_dim3A_428 = vector.broadcast %broadcast_in_dim3A_427 : i32 to vector<16xi32>
        %lt3A_429 = arith.constant 0 : i32
        %lt3A_430 = vector.broadcast %lt3A_429 : i32 to vector<16xi32>
        %lt3A_431 = arith.cmpi slt, %broadcast_in_dim3A_428, %lt3A_430 : vector<16xi32>
        %add3A_432 = arith.constant 16 : i32
        %add3A_433 = vector.broadcast %add3A_432 : i32 to vector<16xi32>
        %add3A_434 = arith.addi %broadcast_in_dim3A_428, %add3A_433 : vector<16xi32>
        %select_n3A_435 = arith.select %lt3A_431, %add3A_434, %broadcast_in_dim3A_428 : vector<16xi1>, vector<16xi32>
        %broadcast_in_dim3A_436 = vector.shape_cast %select_n3A_435 : vector<16xi32> to vector<16x1xi32>
        %gather3A_437 = vector.shape_cast %broadcast_in_dim3A_436 : vector<16x1xi32> to vector<16xi32>
        %gather3A_438 = tpu.dynamic_gather %get3A_94[%gather3A_437] in [0] : vector<16xi32>, vector<16xi32> -> vector<16xi32>
        %lt3A_439 = arith.constant 0 : i32
        %lt3A_440 = vector.broadcast %lt3A_439 : i32 to vector<16xi32>
        %lt3A_441 = arith.cmpi slt, %broadcast_in_dim3A_428, %lt3A_440 : vector<16xi32>
        %add3A_442 = arith.constant 16 : i32
        %add3A_443 = vector.broadcast %add3A_442 : i32 to vector<16xi32>
        %add3A_444 = arith.addi %broadcast_in_dim3A_428, %add3A_443 : vector<16xi32>
        %select_n3A_445 = arith.select %lt3A_441, %add3A_444, %broadcast_in_dim3A_428 : vector<16xi1>, vector<16xi32>
        %broadcast_in_dim3A_446 = vector.shape_cast %select_n3A_445 : vector<16xi32> to vector<16x1xi32>
        %gather3A_447 = vector.shape_cast %broadcast_in_dim3A_446 : vector<16x1xi32> to vector<16xi32>
        %gather3A_448 = tpu.dynamic_gather %get3A_96[%gather3A_447] in [0] : vector<16xi32>, vector<16xi32> -> vector<16xi32>
        %lt3A_449 = arith.constant 0 : i32
        %lt3A_450 = vector.broadcast %lt3A_449 : i32 to vector<16xi32>
        %lt3A_451 = arith.cmpi slt, %broadcast_in_dim3A_428, %lt3A_450 : vector<16xi32>
        %add3A_452 = arith.constant 16 : i32
        %add3A_453 = vector.broadcast %add3A_452 : i32 to vector<16xi32>
        %add3A_454 = arith.addi %broadcast_in_dim3A_428, %add3A_453 : vector<16xi32>
        %select_n3A_455 = arith.select %lt3A_451, %add3A_454, %broadcast_in_dim3A_428 : vector<16xi1>, vector<16xi32>
        %broadcast_in_dim3A_456 = vector.shape_cast %select_n3A_455 : vector<16xi32> to vector<16x1xi32>
        %gather3A_457 = vector.shape_cast %broadcast_in_dim3A_456 : vector<16x1xi32> to vector<16xi32>
        %gather3A_458 = tpu.dynamic_gather %get3A_98[%gather3A_457] in [0] : vector<16xf32>, vector<16xi32> -> vector<16xf32>
        %add3A_459 = arith.addi %gather3A_438, %select_n3A : vector<16xi32>
        %add3A_460 = arith.addi %gather3A_448, %select_n3A : vector<16xi32>
        %gather3A_461 = tpu.vector_load_idx %arg16[%add3A_459] masked %lt3A_49 : memref<4096xf32, #tpu.memory_space<vmem>>[vector<16xi32>], vector<16xf32>, vector<16xi1>
        %gather3A_462 = tpu.vector_load_idx %arg16[%add3A_460] masked %lt3A_49 : memref<4096xf32, #tpu.memory_space<vmem>>[vector<16xi32>], vector<16xf32>, vector<16xi1>
        %sub3A_463 = arith.subf %gather3A_461, %gather3A_462 : vector<16xf32>
        %mul3A_464 = arith.mulf %sub3A_463, %sub3A_463 : vector<16xf32>
        %lt3A_465 = arith.constant 0 : i32
        %lt3A_466 = vector.broadcast %lt3A_465 : i32 to vector<16xi32>
        %lt3A_467 = arith.cmpi slt, %select_n3A_55, %lt3A_466 : vector<16xi32>
        %add3A_468 = arith.constant 16 : i32
        %add3A_469 = vector.broadcast %add3A_468 : i32 to vector<16xi32>
        %add3A_470 = arith.addi %select_n3A_55, %add3A_469 : vector<16xi32>
        %select_n3A_471 = arith.select %lt3A_467, %add3A_470, %select_n3A_55 : vector<16xi1>, vector<16xi32>
        %broadcast_in_dim3A_472 = vector.shape_cast %select_n3A_471 : vector<16xi32> to vector<16x1xi32>
        %gather3A_473 = vector.shape_cast %broadcast_in_dim3A_472 : vector<16x1xi32> to vector<16xi32>
        %gather3A_474 = tpu.dynamic_gather %mul3A_464[%gather3A_473] in [0] : vector<16xf32>, vector<16xi32> -> vector<16xf32>
        %add3A_475 = arith.addf %mul3A_464, %gather3A_474 : vector<16xf32>
        %lt3A_476 = arith.constant 0 : i32
        %lt3A_477 = vector.broadcast %lt3A_476 : i32 to vector<16xi32>
        %lt3A_478 = arith.cmpi slt, %select_n3A_62, %lt3A_477 : vector<16xi32>
        %add3A_479 = arith.constant 16 : i32
        %add3A_480 = vector.broadcast %add3A_479 : i32 to vector<16xi32>
        %add3A_481 = arith.addi %select_n3A_62, %add3A_480 : vector<16xi32>
        %select_n3A_482 = arith.select %lt3A_478, %add3A_481, %select_n3A_62 : vector<16xi1>, vector<16xi32>
        %broadcast_in_dim3A_483 = vector.shape_cast %select_n3A_482 : vector<16xi32> to vector<16x1xi32>
        %gather3A_484 = vector.shape_cast %broadcast_in_dim3A_483 : vector<16x1xi32> to vector<16xi32>
        %gather3A_485 = tpu.dynamic_gather %mul3A_464[%gather3A_484] in [0] : vector<16xf32>, vector<16xi32> -> vector<16xf32>
        %add3A_486 = arith.addf %add3A_475, %gather3A_485 : vector<16xf32>
        %max3A_487 = arith.constant 1.000000e-35 : f32
        %max3A_488 = vector.broadcast %max3A_487 : f32 to vector<16xf32>
        %max3A_489 = arith.maximumf %add3A_486, %max3A_488 : vector<16xf32>
        %bitcast_convert_type3A_490 = tpu.bitcast %max3A_489 : vector<16xf32> -> vector<16xi32>
        %shift_right_logical3A_491 = arith.constant 1 : i32
        %shift_right_logical3A_492 = vector.broadcast %shift_right_logical3A_491 : i32 to vector<16xi32>
        %shift_right_logical3A_493 = arith.shrui %bitcast_convert_type3A_490, %shift_right_logical3A_492 : vector<16xi32>
        %sub3A_494 = arith.constant 1597463174 : i32
        %sub3A_495 = vector.broadcast %sub3A_494 : i32 to vector<16xi32>
        %sub3A_496 = arith.subi %sub3A_495, %shift_right_logical3A_493 : vector<16xi32>
        %bitcast_convert_type3A_497 = tpu.bitcast %sub3A_496 : vector<16xi32> -> vector<16xf32>
        %mul3A_498 = arith.constant 5.000000e-01 : f32
        %mul3A_499 = vector.broadcast %mul3A_498 : f32 to vector<16xf32>
        %mul3A_500 = arith.mulf %mul3A_499, %max3A_489 : vector<16xf32>
        %mul3A_501 = arith.mulf %mul3A_500, %bitcast_convert_type3A_497 : vector<16xf32>
        %mul3A_502 = arith.mulf %mul3A_501, %bitcast_convert_type3A_497 : vector<16xf32>
        %sub3A_503 = arith.constant 1.500000e+00 : f32
        %sub3A_504 = vector.broadcast %sub3A_503 : f32 to vector<16xf32>
        %sub3A_505 = arith.subf %sub3A_504, %mul3A_502 : vector<16xf32>
        %mul3A_506 = arith.mulf %bitcast_convert_type3A_497, %sub3A_505 : vector<16xf32>
        %mul3A_507 = arith.mulf %gather3A_458, %mul3A_506 : vector<16xf32>
        %mul3A_508 = arith.mulf %sub3A_463, %mul3A_507 : vector<16xf32>
        %add3A_509 = arith.addf %gather3A_461, %mul3A_508 : vector<16xf32>
        tpu.vector_store_idx %arg16[%add3A_459], %add3A_509 masked %lt3A_49 : memref<4096xf32, #tpu.memory_space<vmem>>[vector<16xi32>], vector<16xf32>, vector<16xi1>
        %broadcast_in_dim3A_510 = arith.constant 5 : i32
        %broadcast_in_dim3A_511 = vector.broadcast %broadcast_in_dim3A_510 : i32 to vector<16xi32>
        %lt3A_512 = arith.constant 0 : i32
        %lt3A_513 = vector.broadcast %lt3A_512 : i32 to vector<16xi32>
        %lt3A_514 = arith.cmpi slt, %broadcast_in_dim3A_511, %lt3A_513 : vector<16xi32>
        %add3A_515 = arith.constant 16 : i32
        %add3A_516 = vector.broadcast %add3A_515 : i32 to vector<16xi32>
        %add3A_517 = arith.addi %broadcast_in_dim3A_511, %add3A_516 : vector<16xi32>
        %select_n3A_518 = arith.select %lt3A_514, %add3A_517, %broadcast_in_dim3A_511 : vector<16xi1>, vector<16xi32>
        %broadcast_in_dim3A_519 = vector.shape_cast %select_n3A_518 : vector<16xi32> to vector<16x1xi32>
        %gather3A_520 = vector.shape_cast %broadcast_in_dim3A_519 : vector<16x1xi32> to vector<16xi32>
        %gather3A_521 = tpu.dynamic_gather %get3A_94[%gather3A_520] in [0] : vector<16xi32>, vector<16xi32> -> vector<16xi32>
        %lt3A_522 = arith.constant 0 : i32
        %lt3A_523 = vector.broadcast %lt3A_522 : i32 to vector<16xi32>
        %lt3A_524 = arith.cmpi slt, %broadcast_in_dim3A_511, %lt3A_523 : vector<16xi32>
        %add3A_525 = arith.constant 16 : i32
        %add3A_526 = vector.broadcast %add3A_525 : i32 to vector<16xi32>
        %add3A_527 = arith.addi %broadcast_in_dim3A_511, %add3A_526 : vector<16xi32>
        %select_n3A_528 = arith.select %lt3A_524, %add3A_527, %broadcast_in_dim3A_511 : vector<16xi1>, vector<16xi32>
        %broadcast_in_dim3A_529 = vector.shape_cast %select_n3A_528 : vector<16xi32> to vector<16x1xi32>
        %gather3A_530 = vector.shape_cast %broadcast_in_dim3A_529 : vector<16x1xi32> to vector<16xi32>
        %gather3A_531 = tpu.dynamic_gather %get3A_96[%gather3A_530] in [0] : vector<16xi32>, vector<16xi32> -> vector<16xi32>
        %lt3A_532 = arith.constant 0 : i32
        %lt3A_533 = vector.broadcast %lt3A_532 : i32 to vector<16xi32>
        %lt3A_534 = arith.cmpi slt, %broadcast_in_dim3A_511, %lt3A_533 : vector<16xi32>
        %add3A_535 = arith.constant 16 : i32
        %add3A_536 = vector.broadcast %add3A_535 : i32 to vector<16xi32>
        %add3A_537 = arith.addi %broadcast_in_dim3A_511, %add3A_536 : vector<16xi32>
        %select_n3A_538 = arith.select %lt3A_534, %add3A_537, %broadcast_in_dim3A_511 : vector<16xi1>, vector<16xi32>
        %broadcast_in_dim3A_539 = vector.shape_cast %select_n3A_538 : vector<16xi32> to vector<16x1xi32>
        %gather3A_540 = vector.shape_cast %broadcast_in_dim3A_539 : vector<16x1xi32> to vector<16xi32>
        %gather3A_541 = tpu.dynamic_gather %get3A_98[%gather3A_540] in [0] : vector<16xf32>, vector<16xi32> -> vector<16xf32>
        %add3A_542 = arith.addi %gather3A_521, %select_n3A : vector<16xi32>
        %add3A_543 = arith.addi %gather3A_531, %select_n3A : vector<16xi32>
        %gather3A_544 = tpu.vector_load_idx %arg16[%add3A_542] masked %lt3A_49 : memref<4096xf32, #tpu.memory_space<vmem>>[vector<16xi32>], vector<16xf32>, vector<16xi1>
        %gather3A_545 = tpu.vector_load_idx %arg16[%add3A_543] masked %lt3A_49 : memref<4096xf32, #tpu.memory_space<vmem>>[vector<16xi32>], vector<16xf32>, vector<16xi1>
        %sub3A_546 = arith.subf %gather3A_544, %gather3A_545 : vector<16xf32>
        %mul3A_547 = arith.mulf %sub3A_546, %sub3A_546 : vector<16xf32>
        %lt3A_548 = arith.constant 0 : i32
        %lt3A_549 = vector.broadcast %lt3A_548 : i32 to vector<16xi32>
        %lt3A_550 = arith.cmpi slt, %select_n3A_55, %lt3A_549 : vector<16xi32>
        %add3A_551 = arith.constant 16 : i32
        %add3A_552 = vector.broadcast %add3A_551 : i32 to vector<16xi32>
        %add3A_553 = arith.addi %select_n3A_55, %add3A_552 : vector<16xi32>
        %select_n3A_554 = arith.select %lt3A_550, %add3A_553, %select_n3A_55 : vector<16xi1>, vector<16xi32>
        %broadcast_in_dim3A_555 = vector.shape_cast %select_n3A_554 : vector<16xi32> to vector<16x1xi32>
        %gather3A_556 = vector.shape_cast %broadcast_in_dim3A_555 : vector<16x1xi32> to vector<16xi32>
        %gather3A_557 = tpu.dynamic_gather %mul3A_547[%gather3A_556] in [0] : vector<16xf32>, vector<16xi32> -> vector<16xf32>
        %add3A_558 = arith.addf %mul3A_547, %gather3A_557 : vector<16xf32>
        %lt3A_559 = arith.constant 0 : i32
        %lt3A_560 = vector.broadcast %lt3A_559 : i32 to vector<16xi32>
        %lt3A_561 = arith.cmpi slt, %select_n3A_62, %lt3A_560 : vector<16xi32>
        %add3A_562 = arith.constant 16 : i32
        %add3A_563 = vector.broadcast %add3A_562 : i32 to vector<16xi32>
        %add3A_564 = arith.addi %select_n3A_62, %add3A_563 : vector<16xi32>
        %select_n3A_565 = arith.select %lt3A_561, %add3A_564, %select_n3A_62 : vector<16xi1>, vector<16xi32>
        %broadcast_in_dim3A_566 = vector.shape_cast %select_n3A_565 : vector<16xi32> to vector<16x1xi32>
        %gather3A_567 = vector.shape_cast %broadcast_in_dim3A_566 : vector<16x1xi32> to vector<16xi32>
        %gather3A_568 = tpu.dynamic_gather %mul3A_547[%gather3A_567] in [0] : vector<16xf32>, vector<16xi32> -> vector<16xf32>
        %add3A_569 = arith.addf %add3A_558, %gather3A_568 : vector<16xf32>
        %max3A_570 = arith.constant 1.000000e-35 : f32
        %max3A_571 = vector.broadcast %max3A_570 : f32 to vector<16xf32>
        %max3A_572 = arith.maximumf %add3A_569, %max3A_571 : vector<16xf32>
        %bitcast_convert_type3A_573 = tpu.bitcast %max3A_572 : vector<16xf32> -> vector<16xi32>
        %shift_right_logical3A_574 = arith.constant 1 : i32
        %shift_right_logical3A_575 = vector.broadcast %shift_right_logical3A_574 : i32 to vector<16xi32>
        %shift_right_logical3A_576 = arith.shrui %bitcast_convert_type3A_573, %shift_right_logical3A_575 : vector<16xi32>
        %sub3A_577 = arith.constant 1597463174 : i32
        %sub3A_578 = vector.broadcast %sub3A_577 : i32 to vector<16xi32>
        %sub3A_579 = arith.subi %sub3A_578, %shift_right_logical3A_576 : vector<16xi32>
        %bitcast_convert_type3A_580 = tpu.bitcast %sub3A_579 : vector<16xi32> -> vector<16xf32>
        %mul3A_581 = arith.constant 5.000000e-01 : f32
        %mul3A_582 = vector.broadcast %mul3A_581 : f32 to vector<16xf32>
        %mul3A_583 = arith.mulf %mul3A_582, %max3A_572 : vector<16xf32>
        %mul3A_584 = arith.mulf %mul3A_583, %bitcast_convert_type3A_580 : vector<16xf32>
        %mul3A_585 = arith.mulf %mul3A_584, %bitcast_convert_type3A_580 : vector<16xf32>
        %sub3A_586 = arith.constant 1.500000e+00 : f32
        %sub3A_587 = vector.broadcast %sub3A_586 : f32 to vector<16xf32>
        %sub3A_588 = arith.subf %sub3A_587, %mul3A_585 : vector<16xf32>
        %mul3A_589 = arith.mulf %bitcast_convert_type3A_580, %sub3A_588 : vector<16xf32>
        %mul3A_590 = arith.mulf %gather3A_541, %mul3A_589 : vector<16xf32>
        %mul3A_591 = arith.mulf %sub3A_546, %mul3A_590 : vector<16xf32>
        %add3A_592 = arith.addf %gather3A_544, %mul3A_591 : vector<16xf32>
        tpu.vector_store_idx %arg16[%add3A_542], %add3A_592 masked %lt3A_49 : memref<4096xf32, #tpu.memory_space<vmem>>[vector<16xi32>], vector<16xf32>, vector<16xi1>
        %broadcast_in_dim3A_593 = arith.constant 6 : i32
        %broadcast_in_dim3A_594 = vector.broadcast %broadcast_in_dim3A_593 : i32 to vector<16xi32>
        %lt3A_595 = arith.constant 0 : i32
        %lt3A_596 = vector.broadcast %lt3A_595 : i32 to vector<16xi32>
        %lt3A_597 = arith.cmpi slt, %broadcast_in_dim3A_594, %lt3A_596 : vector<16xi32>
        %add3A_598 = arith.constant 16 : i32
        %add3A_599 = vector.broadcast %add3A_598 : i32 to vector<16xi32>
        %add3A_600 = arith.addi %broadcast_in_dim3A_594, %add3A_599 : vector<16xi32>
        %select_n3A_601 = arith.select %lt3A_597, %add3A_600, %broadcast_in_dim3A_594 : vector<16xi1>, vector<16xi32>
        %broadcast_in_dim3A_602 = vector.shape_cast %select_n3A_601 : vector<16xi32> to vector<16x1xi32>
        %gather3A_603 = vector.shape_cast %broadcast_in_dim3A_602 : vector<16x1xi32> to vector<16xi32>
        %gather3A_604 = tpu.dynamic_gather %get3A_94[%gather3A_603] in [0] : vector<16xi32>, vector<16xi32> -> vector<16xi32>
        %lt3A_605 = arith.constant 0 : i32
        %lt3A_606 = vector.broadcast %lt3A_605 : i32 to vector<16xi32>
        %lt3A_607 = arith.cmpi slt, %broadcast_in_dim3A_594, %lt3A_606 : vector<16xi32>
        %add3A_608 = arith.constant 16 : i32
        %add3A_609 = vector.broadcast %add3A_608 : i32 to vector<16xi32>
        %add3A_610 = arith.addi %broadcast_in_dim3A_594, %add3A_609 : vector<16xi32>
        %select_n3A_611 = arith.select %lt3A_607, %add3A_610, %broadcast_in_dim3A_594 : vector<16xi1>, vector<16xi32>
        %broadcast_in_dim3A_612 = vector.shape_cast %select_n3A_611 : vector<16xi32> to vector<16x1xi32>
        %gather3A_613 = vector.shape_cast %broadcast_in_dim3A_612 : vector<16x1xi32> to vector<16xi32>
        %gather3A_614 = tpu.dynamic_gather %get3A_96[%gather3A_613] in [0] : vector<16xi32>, vector<16xi32> -> vector<16xi32>
        %lt3A_615 = arith.constant 0 : i32
        %lt3A_616 = vector.broadcast %lt3A_615 : i32 to vector<16xi32>
        %lt3A_617 = arith.cmpi slt, %broadcast_in_dim3A_594, %lt3A_616 : vector<16xi32>
        %add3A_618 = arith.constant 16 : i32
        %add3A_619 = vector.broadcast %add3A_618 : i32 to vector<16xi32>
        %add3A_620 = arith.addi %broadcast_in_dim3A_594, %add3A_619 : vector<16xi32>
        %select_n3A_621 = arith.select %lt3A_617, %add3A_620, %broadcast_in_dim3A_594 : vector<16xi1>, vector<16xi32>
        %broadcast_in_dim3A_622 = vector.shape_cast %select_n3A_621 : vector<16xi32> to vector<16x1xi32>
        %gather3A_623 = vector.shape_cast %broadcast_in_dim3A_622 : vector<16x1xi32> to vector<16xi32>
        %gather3A_624 = tpu.dynamic_gather %get3A_98[%gather3A_623] in [0] : vector<16xf32>, vector<16xi32> -> vector<16xf32>
        %add3A_625 = arith.addi %gather3A_604, %select_n3A : vector<16xi32>
        %add3A_626 = arith.addi %gather3A_614, %select_n3A : vector<16xi32>
        %gather3A_627 = tpu.vector_load_idx %arg16[%add3A_625] masked %lt3A_49 : memref<4096xf32, #tpu.memory_space<vmem>>[vector<16xi32>], vector<16xf32>, vector<16xi1>
        %gather3A_628 = tpu.vector_load_idx %arg16[%add3A_626] masked %lt3A_49 : memref<4096xf32, #tpu.memory_space<vmem>>[vector<16xi32>], vector<16xf32>, vector<16xi1>
        %sub3A_629 = arith.subf %gather3A_627, %gather3A_628 : vector<16xf32>
        %mul3A_630 = arith.mulf %sub3A_629, %sub3A_629 : vector<16xf32>
        %lt3A_631 = arith.constant 0 : i32
        %lt3A_632 = vector.broadcast %lt3A_631 : i32 to vector<16xi32>
        %lt3A_633 = arith.cmpi slt, %select_n3A_55, %lt3A_632 : vector<16xi32>
        %add3A_634 = arith.constant 16 : i32
        %add3A_635 = vector.broadcast %add3A_634 : i32 to vector<16xi32>
        %add3A_636 = arith.addi %select_n3A_55, %add3A_635 : vector<16xi32>
        %select_n3A_637 = arith.select %lt3A_633, %add3A_636, %select_n3A_55 : vector<16xi1>, vector<16xi32>
        %broadcast_in_dim3A_638 = vector.shape_cast %select_n3A_637 : vector<16xi32> to vector<16x1xi32>
        %gather3A_639 = vector.shape_cast %broadcast_in_dim3A_638 : vector<16x1xi32> to vector<16xi32>
        %gather3A_640 = tpu.dynamic_gather %mul3A_630[%gather3A_639] in [0] : vector<16xf32>, vector<16xi32> -> vector<16xf32>
        %add3A_641 = arith.addf %mul3A_630, %gather3A_640 : vector<16xf32>
        %lt3A_642 = arith.constant 0 : i32
        %lt3A_643 = vector.broadcast %lt3A_642 : i32 to vector<16xi32>
        %lt3A_644 = arith.cmpi slt, %select_n3A_62, %lt3A_643 : vector<16xi32>
        %add3A_645 = arith.constant 16 : i32
        %add3A_646 = vector.broadcast %add3A_645 : i32 to vector<16xi32>
        %add3A_647 = arith.addi %select_n3A_62, %add3A_646 : vector<16xi32>
        %select_n3A_648 = arith.select %lt3A_644, %add3A_647, %select_n3A_62 : vector<16xi1>, vector<16xi32>
        %broadcast_in_dim3A_649 = vector.shape_cast %select_n3A_648 : vector<16xi32> to vector<16x1xi32>
        %gather3A_650 = vector.shape_cast %broadcast_in_dim3A_649 : vector<16x1xi32> to vector<16xi32>
        %gather3A_651 = tpu.dynamic_gather %mul3A_630[%gather3A_650] in [0] : vector<16xf32>, vector<16xi32> -> vector<16xf32>
        %add3A_652 = arith.addf %add3A_641, %gather3A_651 : vector<16xf32>
        %max3A_653 = arith.constant 1.000000e-35 : f32
        %max3A_654 = vector.broadcast %max3A_653 : f32 to vector<16xf32>
        %max3A_655 = arith.maximumf %add3A_652, %max3A_654 : vector<16xf32>
        %bitcast_convert_type3A_656 = tpu.bitcast %max3A_655 : vector<16xf32> -> vector<16xi32>
        %shift_right_logical3A_657 = arith.constant 1 : i32
        %shift_right_logical3A_658 = vector.broadcast %shift_right_logical3A_657 : i32 to vector<16xi32>
        %shift_right_logical3A_659 = arith.shrui %bitcast_convert_type3A_656, %shift_right_logical3A_658 : vector<16xi32>
        %sub3A_660 = arith.constant 1597463174 : i32
        %sub3A_661 = vector.broadcast %sub3A_660 : i32 to vector<16xi32>
        %sub3A_662 = arith.subi %sub3A_661, %shift_right_logical3A_659 : vector<16xi32>
        %bitcast_convert_type3A_663 = tpu.bitcast %sub3A_662 : vector<16xi32> -> vector<16xf32>
        %mul3A_664 = arith.constant 5.000000e-01 : f32
        %mul3A_665 = vector.broadcast %mul3A_664 : f32 to vector<16xf32>
        %mul3A_666 = arith.mulf %mul3A_665, %max3A_655 : vector<16xf32>
        %mul3A_667 = arith.mulf %mul3A_666, %bitcast_convert_type3A_663 : vector<16xf32>
        %mul3A_668 = arith.mulf %mul3A_667, %bitcast_convert_type3A_663 : vector<16xf32>
        %sub3A_669 = arith.constant 1.500000e+00 : f32
        %sub3A_670 = vector.broadcast %sub3A_669 : f32 to vector<16xf32>
        %sub3A_671 = arith.subf %sub3A_670, %mul3A_668 : vector<16xf32>
        %mul3A_672 = arith.mulf %bitcast_convert_type3A_663, %sub3A_671 : vector<16xf32>
        %mul3A_673 = arith.mulf %gather3A_624, %mul3A_672 : vector<16xf32>
        %mul3A_674 = arith.mulf %sub3A_629, %mul3A_673 : vector<16xf32>
        %add3A_675 = arith.addf %gather3A_627, %mul3A_674 : vector<16xf32>
        tpu.vector_store_idx %arg16[%add3A_625], %add3A_675 masked %lt3A_49 : memref<4096xf32, #tpu.memory_space<vmem>>[vector<16xi32>], vector<16xf32>, vector<16xi1>
        %broadcast_in_dim3A_676 = arith.constant 7 : i32
        %broadcast_in_dim3A_677 = vector.broadcast %broadcast_in_dim3A_676 : i32 to vector<16xi32>
        %lt3A_678 = arith.constant 0 : i32
        %lt3A_679 = vector.broadcast %lt3A_678 : i32 to vector<16xi32>
        %lt3A_680 = arith.cmpi slt, %broadcast_in_dim3A_677, %lt3A_679 : vector<16xi32>
        %add3A_681 = arith.constant 16 : i32
        %add3A_682 = vector.broadcast %add3A_681 : i32 to vector<16xi32>
        %add3A_683 = arith.addi %broadcast_in_dim3A_677, %add3A_682 : vector<16xi32>
        %select_n3A_684 = arith.select %lt3A_680, %add3A_683, %broadcast_in_dim3A_677 : vector<16xi1>, vector<16xi32>
        %broadcast_in_dim3A_685 = vector.shape_cast %select_n3A_684 : vector<16xi32> to vector<16x1xi32>
        %gather3A_686 = vector.shape_cast %broadcast_in_dim3A_685 : vector<16x1xi32> to vector<16xi32>
        %gather3A_687 = tpu.dynamic_gather %get3A_94[%gather3A_686] in [0] : vector<16xi32>, vector<16xi32> -> vector<16xi32>
        %lt3A_688 = arith.constant 0 : i32
        %lt3A_689 = vector.broadcast %lt3A_688 : i32 to vector<16xi32>
        %lt3A_690 = arith.cmpi slt, %broadcast_in_dim3A_677, %lt3A_689 : vector<16xi32>
        %add3A_691 = arith.constant 16 : i32
        %add3A_692 = vector.broadcast %add3A_691 : i32 to vector<16xi32>
        %add3A_693 = arith.addi %broadcast_in_dim3A_677, %add3A_692 : vector<16xi32>
        %select_n3A_694 = arith.select %lt3A_690, %add3A_693, %broadcast_in_dim3A_677 : vector<16xi1>, vector<16xi32>
        %broadcast_in_dim3A_695 = vector.shape_cast %select_n3A_694 : vector<16xi32> to vector<16x1xi32>
        %gather3A_696 = vector.shape_cast %broadcast_in_dim3A_695 : vector<16x1xi32> to vector<16xi32>
        %gather3A_697 = tpu.dynamic_gather %get3A_96[%gather3A_696] in [0] : vector<16xi32>, vector<16xi32> -> vector<16xi32>
        %lt3A_698 = arith.constant 0 : i32
        %lt3A_699 = vector.broadcast %lt3A_698 : i32 to vector<16xi32>
        %lt3A_700 = arith.cmpi slt, %broadcast_in_dim3A_677, %lt3A_699 : vector<16xi32>
        %add3A_701 = arith.constant 16 : i32
        %add3A_702 = vector.broadcast %add3A_701 : i32 to vector<16xi32>
        %add3A_703 = arith.addi %broadcast_in_dim3A_677, %add3A_702 : vector<16xi32>
        %select_n3A_704 = arith.select %lt3A_700, %add3A_703, %broadcast_in_dim3A_677 : vector<16xi1>, vector<16xi32>
        %broadcast_in_dim3A_705 = vector.shape_cast %select_n3A_704 : vector<16xi32> to vector<16x1xi32>
        %gather3A_706 = vector.shape_cast %broadcast_in_dim3A_705 : vector<16x1xi32> to vector<16xi32>
        %gather3A_707 = tpu.dynamic_gather %get3A_98[%gather3A_706] in [0] : vector<16xf32>, vector<16xi32> -> vector<16xf32>
        %add3A_708 = arith.addi %gather3A_687, %select_n3A : vector<16xi32>
        %add3A_709 = arith.addi %gather3A_697, %select_n3A : vector<16xi32>
        %gather3A_710 = tpu.vector_load_idx %arg16[%add3A_708] masked %lt3A_49 : memref<4096xf32, #tpu.memory_space<vmem>>[vector<16xi32>], vector<16xf32>, vector<16xi1>
        %gather3A_711 = tpu.vector_load_idx %arg16[%add3A_709] masked %lt3A_49 : memref<4096xf32, #tpu.memory_space<vmem>>[vector<16xi32>], vector<16xf32>, vector<16xi1>
        %sub3A_712 = arith.subf %gather3A_710, %gather3A_711 : vector<16xf32>
        %mul3A_713 = arith.mulf %sub3A_712, %sub3A_712 : vector<16xf32>
        %lt3A_714 = arith.constant 0 : i32
        %lt3A_715 = vector.broadcast %lt3A_714 : i32 to vector<16xi32>
        %lt3A_716 = arith.cmpi slt, %select_n3A_55, %lt3A_715 : vector<16xi32>
        %add3A_717 = arith.constant 16 : i32
        %add3A_718 = vector.broadcast %add3A_717 : i32 to vector<16xi32>
        %add3A_719 = arith.addi %select_n3A_55, %add3A_718 : vector<16xi32>
        %select_n3A_720 = arith.select %lt3A_716, %add3A_719, %select_n3A_55 : vector<16xi1>, vector<16xi32>
        %broadcast_in_dim3A_721 = vector.shape_cast %select_n3A_720 : vector<16xi32> to vector<16x1xi32>
        %gather3A_722 = vector.shape_cast %broadcast_in_dim3A_721 : vector<16x1xi32> to vector<16xi32>
        %gather3A_723 = tpu.dynamic_gather %mul3A_713[%gather3A_722] in [0] : vector<16xf32>, vector<16xi32> -> vector<16xf32>
        %add3A_724 = arith.addf %mul3A_713, %gather3A_723 : vector<16xf32>
        %lt3A_725 = arith.constant 0 : i32
        %lt3A_726 = vector.broadcast %lt3A_725 : i32 to vector<16xi32>
        %lt3A_727 = arith.cmpi slt, %select_n3A_62, %lt3A_726 : vector<16xi32>
        %add3A_728 = arith.constant 16 : i32
        %add3A_729 = vector.broadcast %add3A_728 : i32 to vector<16xi32>
        %add3A_730 = arith.addi %select_n3A_62, %add3A_729 : vector<16xi32>
        %select_n3A_731 = arith.select %lt3A_727, %add3A_730, %select_n3A_62 : vector<16xi1>, vector<16xi32>
        %broadcast_in_dim3A_732 = vector.shape_cast %select_n3A_731 : vector<16xi32> to vector<16x1xi32>
        %gather3A_733 = vector.shape_cast %broadcast_in_dim3A_732 : vector<16x1xi32> to vector<16xi32>
        %gather3A_734 = tpu.dynamic_gather %mul3A_713[%gather3A_733] in [0] : vector<16xf32>, vector<16xi32> -> vector<16xf32>
        %add3A_735 = arith.addf %add3A_724, %gather3A_734 : vector<16xf32>
        %max3A_736 = arith.constant 1.000000e-35 : f32
        %max3A_737 = vector.broadcast %max3A_736 : f32 to vector<16xf32>
        %max3A_738 = arith.maximumf %add3A_735, %max3A_737 : vector<16xf32>
        %bitcast_convert_type3A_739 = tpu.bitcast %max3A_738 : vector<16xf32> -> vector<16xi32>
        %shift_right_logical3A_740 = arith.constant 1 : i32
        %shift_right_logical3A_741 = vector.broadcast %shift_right_logical3A_740 : i32 to vector<16xi32>
        %shift_right_logical3A_742 = arith.shrui %bitcast_convert_type3A_739, %shift_right_logical3A_741 : vector<16xi32>
        %sub3A_743 = arith.constant 1597463174 : i32
        %sub3A_744 = vector.broadcast %sub3A_743 : i32 to vector<16xi32>
        %sub3A_745 = arith.subi %sub3A_744, %shift_right_logical3A_742 : vector<16xi32>
        %bitcast_convert_type3A_746 = tpu.bitcast %sub3A_745 : vector<16xi32> -> vector<16xf32>
        %mul3A_747 = arith.constant 5.000000e-01 : f32
        %mul3A_748 = vector.broadcast %mul3A_747 : f32 to vector<16xf32>
        %mul3A_749 = arith.mulf %mul3A_748, %max3A_738 : vector<16xf32>
        %mul3A_750 = arith.mulf %mul3A_749, %bitcast_convert_type3A_746 : vector<16xf32>
        %mul3A_751 = arith.mulf %mul3A_750, %bitcast_convert_type3A_746 : vector<16xf32>
        %sub3A_752 = arith.constant 1.500000e+00 : f32
        %sub3A_753 = vector.broadcast %sub3A_752 : f32 to vector<16xf32>
        %sub3A_754 = arith.subf %sub3A_753, %mul3A_751 : vector<16xf32>
        %mul3A_755 = arith.mulf %bitcast_convert_type3A_746, %sub3A_754 : vector<16xf32>
        %mul3A_756 = arith.mulf %gather3A_707, %mul3A_755 : vector<16xf32>
        %mul3A_757 = arith.mulf %sub3A_712, %mul3A_756 : vector<16xf32>
        %add3A_758 = arith.addf %gather3A_710, %mul3A_757 : vector<16xf32>
        tpu.vector_store_idx %arg16[%add3A_708], %add3A_758 masked %lt3A_49 : memref<4096xf32, #tpu.memory_space<vmem>>[vector<16xi32>], vector<16xf32>, vector<16xi1>
        %broadcast_in_dim3A_759 = arith.constant 8 : i32
        %broadcast_in_dim3A_760 = vector.broadcast %broadcast_in_dim3A_759 : i32 to vector<16xi32>
        %lt3A_761 = arith.constant 0 : i32
        %lt3A_762 = vector.broadcast %lt3A_761 : i32 to vector<16xi32>
        %lt3A_763 = arith.cmpi slt, %broadcast_in_dim3A_760, %lt3A_762 : vector<16xi32>
        %add3A_764 = arith.constant 16 : i32
        %add3A_765 = vector.broadcast %add3A_764 : i32 to vector<16xi32>
        %add3A_766 = arith.addi %broadcast_in_dim3A_760, %add3A_765 : vector<16xi32>
        %select_n3A_767 = arith.select %lt3A_763, %add3A_766, %broadcast_in_dim3A_760 : vector<16xi1>, vector<16xi32>
        %broadcast_in_dim3A_768 = vector.shape_cast %select_n3A_767 : vector<16xi32> to vector<16x1xi32>
        %gather3A_769 = vector.shape_cast %broadcast_in_dim3A_768 : vector<16x1xi32> to vector<16xi32>
        %gather3A_770 = tpu.dynamic_gather %get3A_94[%gather3A_769] in [0] : vector<16xi32>, vector<16xi32> -> vector<16xi32>
        %lt3A_771 = arith.constant 0 : i32
        %lt3A_772 = vector.broadcast %lt3A_771 : i32 to vector<16xi32>
        %lt3A_773 = arith.cmpi slt, %broadcast_in_dim3A_760, %lt3A_772 : vector<16xi32>
        %add3A_774 = arith.constant 16 : i32
        %add3A_775 = vector.broadcast %add3A_774 : i32 to vector<16xi32>
        %add3A_776 = arith.addi %broadcast_in_dim3A_760, %add3A_775 : vector<16xi32>
        %select_n3A_777 = arith.select %lt3A_773, %add3A_776, %broadcast_in_dim3A_760 : vector<16xi1>, vector<16xi32>
        %broadcast_in_dim3A_778 = vector.shape_cast %select_n3A_777 : vector<16xi32> to vector<16x1xi32>
        %gather3A_779 = vector.shape_cast %broadcast_in_dim3A_778 : vector<16x1xi32> to vector<16xi32>
        %gather3A_780 = tpu.dynamic_gather %get3A_96[%gather3A_779] in [0] : vector<16xi32>, vector<16xi32> -> vector<16xi32>
        %lt3A_781 = arith.constant 0 : i32
        %lt3A_782 = vector.broadcast %lt3A_781 : i32 to vector<16xi32>
        %lt3A_783 = arith.cmpi slt, %broadcast_in_dim3A_760, %lt3A_782 : vector<16xi32>
        %add3A_784 = arith.constant 16 : i32
        %add3A_785 = vector.broadcast %add3A_784 : i32 to vector<16xi32>
        %add3A_786 = arith.addi %broadcast_in_dim3A_760, %add3A_785 : vector<16xi32>
        %select_n3A_787 = arith.select %lt3A_783, %add3A_786, %broadcast_in_dim3A_760 : vector<16xi1>, vector<16xi32>
        %broadcast_in_dim3A_788 = vector.shape_cast %select_n3A_787 : vector<16xi32> to vector<16x1xi32>
        %gather3A_789 = vector.shape_cast %broadcast_in_dim3A_788 : vector<16x1xi32> to vector<16xi32>
        %gather3A_790 = tpu.dynamic_gather %get3A_98[%gather3A_789] in [0] : vector<16xf32>, vector<16xi32> -> vector<16xf32>
        %add3A_791 = arith.addi %gather3A_770, %select_n3A : vector<16xi32>
        %add3A_792 = arith.addi %gather3A_780, %select_n3A : vector<16xi32>
        %gather3A_793 = tpu.vector_load_idx %arg16[%add3A_791] masked %lt3A_49 : memref<4096xf32, #tpu.memory_space<vmem>>[vector<16xi32>], vector<16xf32>, vector<16xi1>
        %gather3A_794 = tpu.vector_load_idx %arg16[%add3A_792] masked %lt3A_49 : memref<4096xf32, #tpu.memory_space<vmem>>[vector<16xi32>], vector<16xf32>, vector<16xi1>
        %sub3A_795 = arith.subf %gather3A_793, %gather3A_794 : vector<16xf32>
        %mul3A_796 = arith.mulf %sub3A_795, %sub3A_795 : vector<16xf32>
        %lt3A_797 = arith.constant 0 : i32
        %lt3A_798 = vector.broadcast %lt3A_797 : i32 to vector<16xi32>
        %lt3A_799 = arith.cmpi slt, %select_n3A_55, %lt3A_798 : vector<16xi32>
        %add3A_800 = arith.constant 16 : i32
        %add3A_801 = vector.broadcast %add3A_800 : i32 to vector<16xi32>
        %add3A_802 = arith.addi %select_n3A_55, %add3A_801 : vector<16xi32>
        %select_n3A_803 = arith.select %lt3A_799, %add3A_802, %select_n3A_55 : vector<16xi1>, vector<16xi32>
        %broadcast_in_dim3A_804 = vector.shape_cast %select_n3A_803 : vector<16xi32> to vector<16x1xi32>
        %gather3A_805 = vector.shape_cast %broadcast_in_dim3A_804 : vector<16x1xi32> to vector<16xi32>
        %gather3A_806 = tpu.dynamic_gather %mul3A_796[%gather3A_805] in [0] : vector<16xf32>, vector<16xi32> -> vector<16xf32>
        %add3A_807 = arith.addf %mul3A_796, %gather3A_806 : vector<16xf32>
        %lt3A_808 = arith.constant 0 : i32
        %lt3A_809 = vector.broadcast %lt3A_808 : i32 to vector<16xi32>
        %lt3A_810 = arith.cmpi slt, %select_n3A_62, %lt3A_809 : vector<16xi32>
        %add3A_811 = arith.constant 16 : i32
        %add3A_812 = vector.broadcast %add3A_811 : i32 to vector<16xi32>
        %add3A_813 = arith.addi %select_n3A_62, %add3A_812 : vector<16xi32>
        %select_n3A_814 = arith.select %lt3A_810, %add3A_813, %select_n3A_62 : vector<16xi1>, vector<16xi32>
        %broadcast_in_dim3A_815 = vector.shape_cast %select_n3A_814 : vector<16xi32> to vector<16x1xi32>
        %gather3A_816 = vector.shape_cast %broadcast_in_dim3A_815 : vector<16x1xi32> to vector<16xi32>
        %gather3A_817 = tpu.dynamic_gather %mul3A_796[%gather3A_816] in [0] : vector<16xf32>, vector<16xi32> -> vector<16xf32>
        %add3A_818 = arith.addf %add3A_807, %gather3A_817 : vector<16xf32>
        %max3A_819 = arith.constant 1.000000e-35 : f32
        %max3A_820 = vector.broadcast %max3A_819 : f32 to vector<16xf32>
        %max3A_821 = arith.maximumf %add3A_818, %max3A_820 : vector<16xf32>
        %bitcast_convert_type3A_822 = tpu.bitcast %max3A_821 : vector<16xf32> -> vector<16xi32>
        %shift_right_logical3A_823 = arith.constant 1 : i32
        %shift_right_logical3A_824 = vector.broadcast %shift_right_logical3A_823 : i32 to vector<16xi32>
        %shift_right_logical3A_825 = arith.shrui %bitcast_convert_type3A_822, %shift_right_logical3A_824 : vector<16xi32>
        %sub3A_826 = arith.constant 1597463174 : i32
        %sub3A_827 = vector.broadcast %sub3A_826 : i32 to vector<16xi32>
        %sub3A_828 = arith.subi %sub3A_827, %shift_right_logical3A_825 : vector<16xi32>
        %bitcast_convert_type3A_829 = tpu.bitcast %sub3A_828 : vector<16xi32> -> vector<16xf32>
        %mul3A_830 = arith.constant 5.000000e-01 : f32
        %mul3A_831 = vector.broadcast %mul3A_830 : f32 to vector<16xf32>
        %mul3A_832 = arith.mulf %mul3A_831, %max3A_821 : vector<16xf32>
        %mul3A_833 = arith.mulf %mul3A_832, %bitcast_convert_type3A_829 : vector<16xf32>
        %mul3A_834 = arith.mulf %mul3A_833, %bitcast_convert_type3A_829 : vector<16xf32>
        %sub3A_835 = arith.constant 1.500000e+00 : f32
        %sub3A_836 = vector.broadcast %sub3A_835 : f32 to vector<16xf32>
        %sub3A_837 = arith.subf %sub3A_836, %mul3A_834 : vector<16xf32>
        %mul3A_838 = arith.mulf %bitcast_convert_type3A_829, %sub3A_837 : vector<16xf32>
        %mul3A_839 = arith.mulf %gather3A_790, %mul3A_838 : vector<16xf32>
        %mul3A_840 = arith.mulf %sub3A_795, %mul3A_839 : vector<16xf32>
        %add3A_841 = arith.addf %gather3A_793, %mul3A_840 : vector<16xf32>
        tpu.vector_store_idx %arg16[%add3A_791], %add3A_841 masked %lt3A_49 : memref<4096xf32, #tpu.memory_space<vmem>>[vector<16xi32>], vector<16xf32>, vector<16xi1>
        %broadcast_in_dim3A_842 = arith.constant 9 : i32
        %broadcast_in_dim3A_843 = vector.broadcast %broadcast_in_dim3A_842 : i32 to vector<16xi32>
        %lt3A_844 = arith.constant 0 : i32
        %lt3A_845 = vector.broadcast %lt3A_844 : i32 to vector<16xi32>
        %lt3A_846 = arith.cmpi slt, %broadcast_in_dim3A_843, %lt3A_845 : vector<16xi32>
        %add3A_847 = arith.constant 16 : i32
        %add3A_848 = vector.broadcast %add3A_847 : i32 to vector<16xi32>
        %add3A_849 = arith.addi %broadcast_in_dim3A_843, %add3A_848 : vector<16xi32>
        %select_n3A_850 = arith.select %lt3A_846, %add3A_849, %broadcast_in_dim3A_843 : vector<16xi1>, vector<16xi32>
        %broadcast_in_dim3A_851 = vector.shape_cast %select_n3A_850 : vector<16xi32> to vector<16x1xi32>
        %gather3A_852 = vector.shape_cast %broadcast_in_dim3A_851 : vector<16x1xi32> to vector<16xi32>
        %gather3A_853 = tpu.dynamic_gather %get3A_94[%gather3A_852] in [0] : vector<16xi32>, vector<16xi32> -> vector<16xi32>
        %lt3A_854 = arith.constant 0 : i32
        %lt3A_855 = vector.broadcast %lt3A_854 : i32 to vector<16xi32>
        %lt3A_856 = arith.cmpi slt, %broadcast_in_dim3A_843, %lt3A_855 : vector<16xi32>
        %add3A_857 = arith.constant 16 : i32
        %add3A_858 = vector.broadcast %add3A_857 : i32 to vector<16xi32>
        %add3A_859 = arith.addi %broadcast_in_dim3A_843, %add3A_858 : vector<16xi32>
        %select_n3A_860 = arith.select %lt3A_856, %add3A_859, %broadcast_in_dim3A_843 : vector<16xi1>, vector<16xi32>
        %broadcast_in_dim3A_861 = vector.shape_cast %select_n3A_860 : vector<16xi32> to vector<16x1xi32>
        %gather3A_862 = vector.shape_cast %broadcast_in_dim3A_861 : vector<16x1xi32> to vector<16xi32>
        %gather3A_863 = tpu.dynamic_gather %get3A_96[%gather3A_862] in [0] : vector<16xi32>, vector<16xi32> -> vector<16xi32>
        %lt3A_864 = arith.constant 0 : i32
        %lt3A_865 = vector.broadcast %lt3A_864 : i32 to vector<16xi32>
        %lt3A_866 = arith.cmpi slt, %broadcast_in_dim3A_843, %lt3A_865 : vector<16xi32>
        %add3A_867 = arith.constant 16 : i32
        %add3A_868 = vector.broadcast %add3A_867 : i32 to vector<16xi32>
        %add3A_869 = arith.addi %broadcast_in_dim3A_843, %add3A_868 : vector<16xi32>
        %select_n3A_870 = arith.select %lt3A_866, %add3A_869, %broadcast_in_dim3A_843 : vector<16xi1>, vector<16xi32>
        %broadcast_in_dim3A_871 = vector.shape_cast %select_n3A_870 : vector<16xi32> to vector<16x1xi32>
        %gather3A_872 = vector.shape_cast %broadcast_in_dim3A_871 : vector<16x1xi32> to vector<16xi32>
        %gather3A_873 = tpu.dynamic_gather %get3A_98[%gather3A_872] in [0] : vector<16xf32>, vector<16xi32> -> vector<16xf32>
        %add3A_874 = arith.addi %gather3A_853, %select_n3A : vector<16xi32>
        %add3A_875 = arith.addi %gather3A_863, %select_n3A : vector<16xi32>
        %gather3A_876 = tpu.vector_load_idx %arg16[%add3A_874] masked %lt3A_49 : memref<4096xf32, #tpu.memory_space<vmem>>[vector<16xi32>], vector<16xf32>, vector<16xi1>
        %gather3A_877 = tpu.vector_load_idx %arg16[%add3A_875] masked %lt3A_49 : memref<4096xf32, #tpu.memory_space<vmem>>[vector<16xi32>], vector<16xf32>, vector<16xi1>
        %sub3A_878 = arith.subf %gather3A_876, %gather3A_877 : vector<16xf32>
        %mul3A_879 = arith.mulf %sub3A_878, %sub3A_878 : vector<16xf32>
        %lt3A_880 = arith.constant 0 : i32
        %lt3A_881 = vector.broadcast %lt3A_880 : i32 to vector<16xi32>
        %lt3A_882 = arith.cmpi slt, %select_n3A_55, %lt3A_881 : vector<16xi32>
        %add3A_883 = arith.constant 16 : i32
        %add3A_884 = vector.broadcast %add3A_883 : i32 to vector<16xi32>
        %add3A_885 = arith.addi %select_n3A_55, %add3A_884 : vector<16xi32>
        %select_n3A_886 = arith.select %lt3A_882, %add3A_885, %select_n3A_55 : vector<16xi1>, vector<16xi32>
        %broadcast_in_dim3A_887 = vector.shape_cast %select_n3A_886 : vector<16xi32> to vector<16x1xi32>
        %gather3A_888 = vector.shape_cast %broadcast_in_dim3A_887 : vector<16x1xi32> to vector<16xi32>
        %gather3A_889 = tpu.dynamic_gather %mul3A_879[%gather3A_888] in [0] : vector<16xf32>, vector<16xi32> -> vector<16xf32>
        %add3A_890 = arith.addf %mul3A_879, %gather3A_889 : vector<16xf32>
        %lt3A_891 = arith.constant 0 : i32
        %lt3A_892 = vector.broadcast %lt3A_891 : i32 to vector<16xi32>
        %lt3A_893 = arith.cmpi slt, %select_n3A_62, %lt3A_892 : vector<16xi32>
        %add3A_894 = arith.constant 16 : i32
        %add3A_895 = vector.broadcast %add3A_894 : i32 to vector<16xi32>
        %add3A_896 = arith.addi %select_n3A_62, %add3A_895 : vector<16xi32>
        %select_n3A_897 = arith.select %lt3A_893, %add3A_896, %select_n3A_62 : vector<16xi1>, vector<16xi32>
        %broadcast_in_dim3A_898 = vector.shape_cast %select_n3A_897 : vector<16xi32> to vector<16x1xi32>
        %gather3A_899 = vector.shape_cast %broadcast_in_dim3A_898 : vector<16x1xi32> to vector<16xi32>
        %gather3A_900 = tpu.dynamic_gather %mul3A_879[%gather3A_899] in [0] : vector<16xf32>, vector<16xi32> -> vector<16xf32>
        %add3A_901 = arith.addf %add3A_890, %gather3A_900 : vector<16xf32>
        %max3A_902 = arith.constant 1.000000e-35 : f32
        %max3A_903 = vector.broadcast %max3A_902 : f32 to vector<16xf32>
        %max3A_904 = arith.maximumf %add3A_901, %max3A_903 : vector<16xf32>
        %bitcast_convert_type3A_905 = tpu.bitcast %max3A_904 : vector<16xf32> -> vector<16xi32>
        %shift_right_logical3A_906 = arith.constant 1 : i32
        %shift_right_logical3A_907 = vector.broadcast %shift_right_logical3A_906 : i32 to vector<16xi32>
        %shift_right_logical3A_908 = arith.shrui %bitcast_convert_type3A_905, %shift_right_logical3A_907 : vector<16xi32>
        %sub3A_909 = arith.constant 1597463174 : i32
        %sub3A_910 = vector.broadcast %sub3A_909 : i32 to vector<16xi32>
        %sub3A_911 = arith.subi %sub3A_910, %shift_right_logical3A_908 : vector<16xi32>
        %bitcast_convert_type3A_912 = tpu.bitcast %sub3A_911 : vector<16xi32> -> vector<16xf32>
        %mul3A_913 = arith.constant 5.000000e-01 : f32
        %mul3A_914 = vector.broadcast %mul3A_913 : f32 to vector<16xf32>
        %mul3A_915 = arith.mulf %mul3A_914, %max3A_904 : vector<16xf32>
        %mul3A_916 = arith.mulf %mul3A_915, %bitcast_convert_type3A_912 : vector<16xf32>
        %mul3A_917 = arith.mulf %mul3A_916, %bitcast_convert_type3A_912 : vector<16xf32>
        %sub3A_918 = arith.constant 1.500000e+00 : f32
        %sub3A_919 = vector.broadcast %sub3A_918 : f32 to vector<16xf32>
        %sub3A_920 = arith.subf %sub3A_919, %mul3A_917 : vector<16xf32>
        %mul3A_921 = arith.mulf %bitcast_convert_type3A_912, %sub3A_920 : vector<16xf32>
        %mul3A_922 = arith.mulf %gather3A_873, %mul3A_921 : vector<16xf32>
        %mul3A_923 = arith.mulf %sub3A_878, %mul3A_922 : vector<16xf32>
        %add3A_924 = arith.addf %gather3A_876, %mul3A_923 : vector<16xf32>
        tpu.vector_store_idx %arg16[%add3A_874], %add3A_924 masked %lt3A_49 : memref<4096xf32, #tpu.memory_space<vmem>>[vector<16xi32>], vector<16xf32>, vector<16xi1>
        %broadcast_in_dim3A_925 = arith.constant 10 : i32
        %broadcast_in_dim3A_926 = vector.broadcast %broadcast_in_dim3A_925 : i32 to vector<16xi32>
        %lt3A_927 = arith.constant 0 : i32
        %lt3A_928 = vector.broadcast %lt3A_927 : i32 to vector<16xi32>
        %lt3A_929 = arith.cmpi slt, %broadcast_in_dim3A_926, %lt3A_928 : vector<16xi32>
        %add3A_930 = arith.constant 16 : i32
        %add3A_931 = vector.broadcast %add3A_930 : i32 to vector<16xi32>
        %add3A_932 = arith.addi %broadcast_in_dim3A_926, %add3A_931 : vector<16xi32>
        %select_n3A_933 = arith.select %lt3A_929, %add3A_932, %broadcast_in_dim3A_926 : vector<16xi1>, vector<16xi32>
        %broadcast_in_dim3A_934 = vector.shape_cast %select_n3A_933 : vector<16xi32> to vector<16x1xi32>
        %gather3A_935 = vector.shape_cast %broadcast_in_dim3A_934 : vector<16x1xi32> to vector<16xi32>
        %gather3A_936 = tpu.dynamic_gather %get3A_94[%gather3A_935] in [0] : vector<16xi32>, vector<16xi32> -> vector<16xi32>
        %lt3A_937 = arith.constant 0 : i32
        %lt3A_938 = vector.broadcast %lt3A_937 : i32 to vector<16xi32>
        %lt3A_939 = arith.cmpi slt, %broadcast_in_dim3A_926, %lt3A_938 : vector<16xi32>
        %add3A_940 = arith.constant 16 : i32
        %add3A_941 = vector.broadcast %add3A_940 : i32 to vector<16xi32>
        %add3A_942 = arith.addi %broadcast_in_dim3A_926, %add3A_941 : vector<16xi32>
        %select_n3A_943 = arith.select %lt3A_939, %add3A_942, %broadcast_in_dim3A_926 : vector<16xi1>, vector<16xi32>
        %broadcast_in_dim3A_944 = vector.shape_cast %select_n3A_943 : vector<16xi32> to vector<16x1xi32>
        %gather3A_945 = vector.shape_cast %broadcast_in_dim3A_944 : vector<16x1xi32> to vector<16xi32>
        %gather3A_946 = tpu.dynamic_gather %get3A_96[%gather3A_945] in [0] : vector<16xi32>, vector<16xi32> -> vector<16xi32>
        %lt3A_947 = arith.constant 0 : i32
        %lt3A_948 = vector.broadcast %lt3A_947 : i32 to vector<16xi32>
        %lt3A_949 = arith.cmpi slt, %broadcast_in_dim3A_926, %lt3A_948 : vector<16xi32>
        %add3A_950 = arith.constant 16 : i32
        %add3A_951 = vector.broadcast %add3A_950 : i32 to vector<16xi32>
        %add3A_952 = arith.addi %broadcast_in_dim3A_926, %add3A_951 : vector<16xi32>
        %select_n3A_953 = arith.select %lt3A_949, %add3A_952, %broadcast_in_dim3A_926 : vector<16xi1>, vector<16xi32>
        %broadcast_in_dim3A_954 = vector.shape_cast %select_n3A_953 : vector<16xi32> to vector<16x1xi32>
        %gather3A_955 = vector.shape_cast %broadcast_in_dim3A_954 : vector<16x1xi32> to vector<16xi32>
        %gather3A_956 = tpu.dynamic_gather %get3A_98[%gather3A_955] in [0] : vector<16xf32>, vector<16xi32> -> vector<16xf32>
        %add3A_957 = arith.addi %gather3A_936, %select_n3A : vector<16xi32>
        %add3A_958 = arith.addi %gather3A_946, %select_n3A : vector<16xi32>
        %gather3A_959 = tpu.vector_load_idx %arg16[%add3A_957] masked %lt3A_49 : memref<4096xf32, #tpu.memory_space<vmem>>[vector<16xi32>], vector<16xf32>, vector<16xi1>
        %gather3A_960 = tpu.vector_load_idx %arg16[%add3A_958] masked %lt3A_49 : memref<4096xf32, #tpu.memory_space<vmem>>[vector<16xi32>], vector<16xf32>, vector<16xi1>
        %sub3A_961 = arith.subf %gather3A_959, %gather3A_960 : vector<16xf32>
        %mul3A_962 = arith.mulf %sub3A_961, %sub3A_961 : vector<16xf32>
        %lt3A_963 = arith.constant 0 : i32
        %lt3A_964 = vector.broadcast %lt3A_963 : i32 to vector<16xi32>
        %lt3A_965 = arith.cmpi slt, %select_n3A_55, %lt3A_964 : vector<16xi32>
        %add3A_966 = arith.constant 16 : i32
        %add3A_967 = vector.broadcast %add3A_966 : i32 to vector<16xi32>
        %add3A_968 = arith.addi %select_n3A_55, %add3A_967 : vector<16xi32>
        %select_n3A_969 = arith.select %lt3A_965, %add3A_968, %select_n3A_55 : vector<16xi1>, vector<16xi32>
        %broadcast_in_dim3A_970 = vector.shape_cast %select_n3A_969 : vector<16xi32> to vector<16x1xi32>
        %gather3A_971 = vector.shape_cast %broadcast_in_dim3A_970 : vector<16x1xi32> to vector<16xi32>
        %gather3A_972 = tpu.dynamic_gather %mul3A_962[%gather3A_971] in [0] : vector<16xf32>, vector<16xi32> -> vector<16xf32>
        %add3A_973 = arith.addf %mul3A_962, %gather3A_972 : vector<16xf32>
        %lt3A_974 = arith.constant 0 : i32
        %lt3A_975 = vector.broadcast %lt3A_974 : i32 to vector<16xi32>
        %lt3A_976 = arith.cmpi slt, %select_n3A_62, %lt3A_975 : vector<16xi32>
        %add3A_977 = arith.constant 16 : i32
        %add3A_978 = vector.broadcast %add3A_977 : i32 to vector<16xi32>
        %add3A_979 = arith.addi %select_n3A_62, %add3A_978 : vector<16xi32>
        %select_n3A_980 = arith.select %lt3A_976, %add3A_979, %select_n3A_62 : vector<16xi1>, vector<16xi32>
        %broadcast_in_dim3A_981 = vector.shape_cast %select_n3A_980 : vector<16xi32> to vector<16x1xi32>
        %gather3A_982 = vector.shape_cast %broadcast_in_dim3A_981 : vector<16x1xi32> to vector<16xi32>
        %gather3A_983 = tpu.dynamic_gather %mul3A_962[%gather3A_982] in [0] : vector<16xf32>, vector<16xi32> -> vector<16xf32>
        %add3A_984 = arith.addf %add3A_973, %gather3A_983 : vector<16xf32>
        %max3A_985 = arith.constant 1.000000e-35 : f32
        %max3A_986 = vector.broadcast %max3A_985 : f32 to vector<16xf32>
        %max3A_987 = arith.maximumf %add3A_984, %max3A_986 : vector<16xf32>
        %bitcast_convert_type3A_988 = tpu.bitcast %max3A_987 : vector<16xf32> -> vector<16xi32>
        %shift_right_logical3A_989 = arith.constant 1 : i32
        %shift_right_logical3A_990 = vector.broadcast %shift_right_logical3A_989 : i32 to vector<16xi32>
        %shift_right_logical3A_991 = arith.shrui %bitcast_convert_type3A_988, %shift_right_logical3A_990 : vector<16xi32>
        %sub3A_992 = arith.constant 1597463174 : i32
        %sub3A_993 = vector.broadcast %sub3A_992 : i32 to vector<16xi32>
        %sub3A_994 = arith.subi %sub3A_993, %shift_right_logical3A_991 : vector<16xi32>
        %bitcast_convert_type3A_995 = tpu.bitcast %sub3A_994 : vector<16xi32> -> vector<16xf32>
        %mul3A_996 = arith.constant 5.000000e-01 : f32
        %mul3A_997 = vector.broadcast %mul3A_996 : f32 to vector<16xf32>
        %mul3A_998 = arith.mulf %mul3A_997, %max3A_987 : vector<16xf32>
        %mul3A_999 = arith.mulf %mul3A_998, %bitcast_convert_type3A_995 : vector<16xf32>
        %mul3A_1000 = arith.mulf %mul3A_999, %bitcast_convert_type3A_995 : vector<16xf32>
        %sub3A_1001 = arith.constant 1.500000e+00 : f32
        %sub3A_1002 = vector.broadcast %sub3A_1001 : f32 to vector<16xf32>
        %sub3A_1003 = arith.subf %sub3A_1002, %mul3A_1000 : vector<16xf32>
        %mul3A_1004 = arith.mulf %bitcast_convert_type3A_995, %sub3A_1003 : vector<16xf32>
        %mul3A_1005 = arith.mulf %gather3A_956, %mul3A_1004 : vector<16xf32>
        %mul3A_1006 = arith.mulf %sub3A_961, %mul3A_1005 : vector<16xf32>
        %add3A_1007 = arith.addf %gather3A_959, %mul3A_1006 : vector<16xf32>
        tpu.vector_store_idx %arg16[%add3A_957], %add3A_1007 masked %lt3A_49 : memref<4096xf32, #tpu.memory_space<vmem>>[vector<16xi32>], vector<16xf32>, vector<16xi1>
        %broadcast_in_dim3A_1008 = arith.constant 11 : i32
        %broadcast_in_dim3A_1009 = vector.broadcast %broadcast_in_dim3A_1008 : i32 to vector<16xi32>
        %lt3A_1010 = arith.constant 0 : i32
        %lt3A_1011 = vector.broadcast %lt3A_1010 : i32 to vector<16xi32>
        %lt3A_1012 = arith.cmpi slt, %broadcast_in_dim3A_1009, %lt3A_1011 : vector<16xi32>
        %add3A_1013 = arith.constant 16 : i32
        %add3A_1014 = vector.broadcast %add3A_1013 : i32 to vector<16xi32>
        %add3A_1015 = arith.addi %broadcast_in_dim3A_1009, %add3A_1014 : vector<16xi32>
        %select_n3A_1016 = arith.select %lt3A_1012, %add3A_1015, %broadcast_in_dim3A_1009 : vector<16xi1>, vector<16xi32>
        %broadcast_in_dim3A_1017 = vector.shape_cast %select_n3A_1016 : vector<16xi32> to vector<16x1xi32>
        %gather3A_1018 = vector.shape_cast %broadcast_in_dim3A_1017 : vector<16x1xi32> to vector<16xi32>
        %gather3A_1019 = tpu.dynamic_gather %get3A_94[%gather3A_1018] in [0] : vector<16xi32>, vector<16xi32> -> vector<16xi32>
        %lt3A_1020 = arith.constant 0 : i32
        %lt3A_1021 = vector.broadcast %lt3A_1020 : i32 to vector<16xi32>
        %lt3A_1022 = arith.cmpi slt, %broadcast_in_dim3A_1009, %lt3A_1021 : vector<16xi32>
        %add3A_1023 = arith.constant 16 : i32
        %add3A_1024 = vector.broadcast %add3A_1023 : i32 to vector<16xi32>
        %add3A_1025 = arith.addi %broadcast_in_dim3A_1009, %add3A_1024 : vector<16xi32>
        %select_n3A_1026 = arith.select %lt3A_1022, %add3A_1025, %broadcast_in_dim3A_1009 : vector<16xi1>, vector<16xi32>
        %broadcast_in_dim3A_1027 = vector.shape_cast %select_n3A_1026 : vector<16xi32> to vector<16x1xi32>
        %gather3A_1028 = vector.shape_cast %broadcast_in_dim3A_1027 : vector<16x1xi32> to vector<16xi32>
        %gather3A_1029 = tpu.dynamic_gather %get3A_96[%gather3A_1028] in [0] : vector<16xi32>, vector<16xi32> -> vector<16xi32>
        %lt3A_1030 = arith.constant 0 : i32
        %lt3A_1031 = vector.broadcast %lt3A_1030 : i32 to vector<16xi32>
        %lt3A_1032 = arith.cmpi slt, %broadcast_in_dim3A_1009, %lt3A_1031 : vector<16xi32>
        %add3A_1033 = arith.constant 16 : i32
        %add3A_1034 = vector.broadcast %add3A_1033 : i32 to vector<16xi32>
        %add3A_1035 = arith.addi %broadcast_in_dim3A_1009, %add3A_1034 : vector<16xi32>
        %select_n3A_1036 = arith.select %lt3A_1032, %add3A_1035, %broadcast_in_dim3A_1009 : vector<16xi1>, vector<16xi32>
        %broadcast_in_dim3A_1037 = vector.shape_cast %select_n3A_1036 : vector<16xi32> to vector<16x1xi32>
        %gather3A_1038 = vector.shape_cast %broadcast_in_dim3A_1037 : vector<16x1xi32> to vector<16xi32>
        %gather3A_1039 = tpu.dynamic_gather %get3A_98[%gather3A_1038] in [0] : vector<16xf32>, vector<16xi32> -> vector<16xf32>
        %add3A_1040 = arith.addi %gather3A_1019, %select_n3A : vector<16xi32>
        %add3A_1041 = arith.addi %gather3A_1029, %select_n3A : vector<16xi32>
        %gather3A_1042 = tpu.vector_load_idx %arg16[%add3A_1040] masked %lt3A_49 : memref<4096xf32, #tpu.memory_space<vmem>>[vector<16xi32>], vector<16xf32>, vector<16xi1>
        %gather3A_1043 = tpu.vector_load_idx %arg16[%add3A_1041] masked %lt3A_49 : memref<4096xf32, #tpu.memory_space<vmem>>[vector<16xi32>], vector<16xf32>, vector<16xi1>
        %sub3A_1044 = arith.subf %gather3A_1042, %gather3A_1043 : vector<16xf32>
        %mul3A_1045 = arith.mulf %sub3A_1044, %sub3A_1044 : vector<16xf32>
        %lt3A_1046 = arith.constant 0 : i32
        %lt3A_1047 = vector.broadcast %lt3A_1046 : i32 to vector<16xi32>
        %lt3A_1048 = arith.cmpi slt, %select_n3A_55, %lt3A_1047 : vector<16xi32>
        %add3A_1049 = arith.constant 16 : i32
        %add3A_1050 = vector.broadcast %add3A_1049 : i32 to vector<16xi32>
        %add3A_1051 = arith.addi %select_n3A_55, %add3A_1050 : vector<16xi32>
        %select_n3A_1052 = arith.select %lt3A_1048, %add3A_1051, %select_n3A_55 : vector<16xi1>, vector<16xi32>
        %broadcast_in_dim3A_1053 = vector.shape_cast %select_n3A_1052 : vector<16xi32> to vector<16x1xi32>
        %gather3A_1054 = vector.shape_cast %broadcast_in_dim3A_1053 : vector<16x1xi32> to vector<16xi32>
        %gather3A_1055 = tpu.dynamic_gather %mul3A_1045[%gather3A_1054] in [0] : vector<16xf32>, vector<16xi32> -> vector<16xf32>
        %add3A_1056 = arith.addf %mul3A_1045, %gather3A_1055 : vector<16xf32>
        %lt3A_1057 = arith.constant 0 : i32
        %lt3A_1058 = vector.broadcast %lt3A_1057 : i32 to vector<16xi32>
        %lt3A_1059 = arith.cmpi slt, %select_n3A_62, %lt3A_1058 : vector<16xi32>
        %add3A_1060 = arith.constant 16 : i32
        %add3A_1061 = vector.broadcast %add3A_1060 : i32 to vector<16xi32>
        %add3A_1062 = arith.addi %select_n3A_62, %add3A_1061 : vector<16xi32>
        %select_n3A_1063 = arith.select %lt3A_1059, %add3A_1062, %select_n3A_62 : vector<16xi1>, vector<16xi32>
        %broadcast_in_dim3A_1064 = vector.shape_cast %select_n3A_1063 : vector<16xi32> to vector<16x1xi32>
        %gather3A_1065 = vector.shape_cast %broadcast_in_dim3A_1064 : vector<16x1xi32> to vector<16xi32>
        %gather3A_1066 = tpu.dynamic_gather %mul3A_1045[%gather3A_1065] in [0] : vector<16xf32>, vector<16xi32> -> vector<16xf32>
        %add3A_1067 = arith.addf %add3A_1056, %gather3A_1066 : vector<16xf32>
        %max3A_1068 = arith.constant 1.000000e-35 : f32
        %max3A_1069 = vector.broadcast %max3A_1068 : f32 to vector<16xf32>
        %max3A_1070 = arith.maximumf %add3A_1067, %max3A_1069 : vector<16xf32>
        %bitcast_convert_type3A_1071 = tpu.bitcast %max3A_1070 : vector<16xf32> -> vector<16xi32>
        %shift_right_logical3A_1072 = arith.constant 1 : i32
        %shift_right_logical3A_1073 = vector.broadcast %shift_right_logical3A_1072 : i32 to vector<16xi32>
        %shift_right_logical3A_1074 = arith.shrui %bitcast_convert_type3A_1071, %shift_right_logical3A_1073 : vector<16xi32>
        %sub3A_1075 = arith.constant 1597463174 : i32
        %sub3A_1076 = vector.broadcast %sub3A_1075 : i32 to vector<16xi32>
        %sub3A_1077 = arith.subi %sub3A_1076, %shift_right_logical3A_1074 : vector<16xi32>
        %bitcast_convert_type3A_1078 = tpu.bitcast %sub3A_1077 : vector<16xi32> -> vector<16xf32>
        %mul3A_1079 = arith.constant 5.000000e-01 : f32
        %mul3A_1080 = vector.broadcast %mul3A_1079 : f32 to vector<16xf32>
        %mul3A_1081 = arith.mulf %mul3A_1080, %max3A_1070 : vector<16xf32>
        %mul3A_1082 = arith.mulf %mul3A_1081, %bitcast_convert_type3A_1078 : vector<16xf32>
        %mul3A_1083 = arith.mulf %mul3A_1082, %bitcast_convert_type3A_1078 : vector<16xf32>
        %sub3A_1084 = arith.constant 1.500000e+00 : f32
        %sub3A_1085 = vector.broadcast %sub3A_1084 : f32 to vector<16xf32>
        %sub3A_1086 = arith.subf %sub3A_1085, %mul3A_1083 : vector<16xf32>
        %mul3A_1087 = arith.mulf %bitcast_convert_type3A_1078, %sub3A_1086 : vector<16xf32>
        %mul3A_1088 = arith.mulf %gather3A_1039, %mul3A_1087 : vector<16xf32>
        %mul3A_1089 = arith.mulf %sub3A_1044, %mul3A_1088 : vector<16xf32>
        %add3A_1090 = arith.addf %gather3A_1042, %mul3A_1089 : vector<16xf32>
        tpu.vector_store_idx %arg16[%add3A_1040], %add3A_1090 masked %lt3A_49 : memref<4096xf32, #tpu.memory_space<vmem>>[vector<16xi32>], vector<16xf32>, vector<16xi1>
        %broadcast_in_dim3A_1091 = arith.constant 12 : i32
        %broadcast_in_dim3A_1092 = vector.broadcast %broadcast_in_dim3A_1091 : i32 to vector<16xi32>
        %lt3A_1093 = arith.constant 0 : i32
        %lt3A_1094 = vector.broadcast %lt3A_1093 : i32 to vector<16xi32>
        %lt3A_1095 = arith.cmpi slt, %broadcast_in_dim3A_1092, %lt3A_1094 : vector<16xi32>
        %add3A_1096 = arith.constant 16 : i32
        %add3A_1097 = vector.broadcast %add3A_1096 : i32 to vector<16xi32>
        %add3A_1098 = arith.addi %broadcast_in_dim3A_1092, %add3A_1097 : vector<16xi32>
        %select_n3A_1099 = arith.select %lt3A_1095, %add3A_1098, %broadcast_in_dim3A_1092 : vector<16xi1>, vector<16xi32>
        %broadcast_in_dim3A_1100 = vector.shape_cast %select_n3A_1099 : vector<16xi32> to vector<16x1xi32>
        %gather3A_1101 = vector.shape_cast %broadcast_in_dim3A_1100 : vector<16x1xi32> to vector<16xi32>
        %gather3A_1102 = tpu.dynamic_gather %get3A_94[%gather3A_1101] in [0] : vector<16xi32>, vector<16xi32> -> vector<16xi32>
        %lt3A_1103 = arith.constant 0 : i32
        %lt3A_1104 = vector.broadcast %lt3A_1103 : i32 to vector<16xi32>
        %lt3A_1105 = arith.cmpi slt, %broadcast_in_dim3A_1092, %lt3A_1104 : vector<16xi32>
        %add3A_1106 = arith.constant 16 : i32
        %add3A_1107 = vector.broadcast %add3A_1106 : i32 to vector<16xi32>
        %add3A_1108 = arith.addi %broadcast_in_dim3A_1092, %add3A_1107 : vector<16xi32>
        %select_n3A_1109 = arith.select %lt3A_1105, %add3A_1108, %broadcast_in_dim3A_1092 : vector<16xi1>, vector<16xi32>
        %broadcast_in_dim3A_1110 = vector.shape_cast %select_n3A_1109 : vector<16xi32> to vector<16x1xi32>
        %gather3A_1111 = vector.shape_cast %broadcast_in_dim3A_1110 : vector<16x1xi32> to vector<16xi32>
        %gather3A_1112 = tpu.dynamic_gather %get3A_96[%gather3A_1111] in [0] : vector<16xi32>, vector<16xi32> -> vector<16xi32>
        %lt3A_1113 = arith.constant 0 : i32
        %lt3A_1114 = vector.broadcast %lt3A_1113 : i32 to vector<16xi32>
        %lt3A_1115 = arith.cmpi slt, %broadcast_in_dim3A_1092, %lt3A_1114 : vector<16xi32>
        %add3A_1116 = arith.constant 16 : i32
        %add3A_1117 = vector.broadcast %add3A_1116 : i32 to vector<16xi32>
        %add3A_1118 = arith.addi %broadcast_in_dim3A_1092, %add3A_1117 : vector<16xi32>
        %select_n3A_1119 = arith.select %lt3A_1115, %add3A_1118, %broadcast_in_dim3A_1092 : vector<16xi1>, vector<16xi32>
        %broadcast_in_dim3A_1120 = vector.shape_cast %select_n3A_1119 : vector<16xi32> to vector<16x1xi32>
        %gather3A_1121 = vector.shape_cast %broadcast_in_dim3A_1120 : vector<16x1xi32> to vector<16xi32>
        %gather3A_1122 = tpu.dynamic_gather %get3A_98[%gather3A_1121] in [0] : vector<16xf32>, vector<16xi32> -> vector<16xf32>
        %add3A_1123 = arith.addi %gather3A_1102, %select_n3A : vector<16xi32>
        %add3A_1124 = arith.addi %gather3A_1112, %select_n3A : vector<16xi32>
        %gather3A_1125 = tpu.vector_load_idx %arg16[%add3A_1123] masked %lt3A_49 : memref<4096xf32, #tpu.memory_space<vmem>>[vector<16xi32>], vector<16xf32>, vector<16xi1>
        %gather3A_1126 = tpu.vector_load_idx %arg16[%add3A_1124] masked %lt3A_49 : memref<4096xf32, #tpu.memory_space<vmem>>[vector<16xi32>], vector<16xf32>, vector<16xi1>
        %sub3A_1127 = arith.subf %gather3A_1125, %gather3A_1126 : vector<16xf32>
        %mul3A_1128 = arith.mulf %sub3A_1127, %sub3A_1127 : vector<16xf32>
        %lt3A_1129 = arith.constant 0 : i32
        %lt3A_1130 = vector.broadcast %lt3A_1129 : i32 to vector<16xi32>
        %lt3A_1131 = arith.cmpi slt, %select_n3A_55, %lt3A_1130 : vector<16xi32>
        %add3A_1132 = arith.constant 16 : i32
        %add3A_1133 = vector.broadcast %add3A_1132 : i32 to vector<16xi32>
        %add3A_1134 = arith.addi %select_n3A_55, %add3A_1133 : vector<16xi32>
        %select_n3A_1135 = arith.select %lt3A_1131, %add3A_1134, %select_n3A_55 : vector<16xi1>, vector<16xi32>
        %broadcast_in_dim3A_1136 = vector.shape_cast %select_n3A_1135 : vector<16xi32> to vector<16x1xi32>
        %gather3A_1137 = vector.shape_cast %broadcast_in_dim3A_1136 : vector<16x1xi32> to vector<16xi32>
        %gather3A_1138 = tpu.dynamic_gather %mul3A_1128[%gather3A_1137] in [0] : vector<16xf32>, vector<16xi32> -> vector<16xf32>
        %add3A_1139 = arith.addf %mul3A_1128, %gather3A_1138 : vector<16xf32>
        %lt3A_1140 = arith.constant 0 : i32
        %lt3A_1141 = vector.broadcast %lt3A_1140 : i32 to vector<16xi32>
        %lt3A_1142 = arith.cmpi slt, %select_n3A_62, %lt3A_1141 : vector<16xi32>
        %add3A_1143 = arith.constant 16 : i32
        %add3A_1144 = vector.broadcast %add3A_1143 : i32 to vector<16xi32>
        %add3A_1145 = arith.addi %select_n3A_62, %add3A_1144 : vector<16xi32>
        %select_n3A_1146 = arith.select %lt3A_1142, %add3A_1145, %select_n3A_62 : vector<16xi1>, vector<16xi32>
        %broadcast_in_dim3A_1147 = vector.shape_cast %select_n3A_1146 : vector<16xi32> to vector<16x1xi32>
        %gather3A_1148 = vector.shape_cast %broadcast_in_dim3A_1147 : vector<16x1xi32> to vector<16xi32>
        %gather3A_1149 = tpu.dynamic_gather %mul3A_1128[%gather3A_1148] in [0] : vector<16xf32>, vector<16xi32> -> vector<16xf32>
        %add3A_1150 = arith.addf %add3A_1139, %gather3A_1149 : vector<16xf32>
        %max3A_1151 = arith.constant 1.000000e-35 : f32
        %max3A_1152 = vector.broadcast %max3A_1151 : f32 to vector<16xf32>
        %max3A_1153 = arith.maximumf %add3A_1150, %max3A_1152 : vector<16xf32>
        %bitcast_convert_type3A_1154 = tpu.bitcast %max3A_1153 : vector<16xf32> -> vector<16xi32>
        %shift_right_logical3A_1155 = arith.constant 1 : i32
        %shift_right_logical3A_1156 = vector.broadcast %shift_right_logical3A_1155 : i32 to vector<16xi32>
        %shift_right_logical3A_1157 = arith.shrui %bitcast_convert_type3A_1154, %shift_right_logical3A_1156 : vector<16xi32>
        %sub3A_1158 = arith.constant 1597463174 : i32
        %sub3A_1159 = vector.broadcast %sub3A_1158 : i32 to vector<16xi32>
        %sub3A_1160 = arith.subi %sub3A_1159, %shift_right_logical3A_1157 : vector<16xi32>
        %bitcast_convert_type3A_1161 = tpu.bitcast %sub3A_1160 : vector<16xi32> -> vector<16xf32>
        %mul3A_1162 = arith.constant 5.000000e-01 : f32
        %mul3A_1163 = vector.broadcast %mul3A_1162 : f32 to vector<16xf32>
        %mul3A_1164 = arith.mulf %mul3A_1163, %max3A_1153 : vector<16xf32>
        %mul3A_1165 = arith.mulf %mul3A_1164, %bitcast_convert_type3A_1161 : vector<16xf32>
        %mul3A_1166 = arith.mulf %mul3A_1165, %bitcast_convert_type3A_1161 : vector<16xf32>
        %sub3A_1167 = arith.constant 1.500000e+00 : f32
        %sub3A_1168 = vector.broadcast %sub3A_1167 : f32 to vector<16xf32>
        %sub3A_1169 = arith.subf %sub3A_1168, %mul3A_1166 : vector<16xf32>
        %mul3A_1170 = arith.mulf %bitcast_convert_type3A_1161, %sub3A_1169 : vector<16xf32>
        %mul3A_1171 = arith.mulf %gather3A_1122, %mul3A_1170 : vector<16xf32>
        %mul3A_1172 = arith.mulf %sub3A_1127, %mul3A_1171 : vector<16xf32>
        %add3A_1173 = arith.addf %gather3A_1125, %mul3A_1172 : vector<16xf32>
        tpu.vector_store_idx %arg16[%add3A_1123], %add3A_1173 masked %lt3A_49 : memref<4096xf32, #tpu.memory_space<vmem>>[vector<16xi32>], vector<16xf32>, vector<16xi1>
        %broadcast_in_dim3A_1174 = arith.constant 13 : i32
        %broadcast_in_dim3A_1175 = vector.broadcast %broadcast_in_dim3A_1174 : i32 to vector<16xi32>
        %lt3A_1176 = arith.constant 0 : i32
        %lt3A_1177 = vector.broadcast %lt3A_1176 : i32 to vector<16xi32>
        %lt3A_1178 = arith.cmpi slt, %broadcast_in_dim3A_1175, %lt3A_1177 : vector<16xi32>
        %add3A_1179 = arith.constant 16 : i32
        %add3A_1180 = vector.broadcast %add3A_1179 : i32 to vector<16xi32>
        %add3A_1181 = arith.addi %broadcast_in_dim3A_1175, %add3A_1180 : vector<16xi32>
        %select_n3A_1182 = arith.select %lt3A_1178, %add3A_1181, %broadcast_in_dim3A_1175 : vector<16xi1>, vector<16xi32>
        %broadcast_in_dim3A_1183 = vector.shape_cast %select_n3A_1182 : vector<16xi32> to vector<16x1xi32>
        %gather3A_1184 = vector.shape_cast %broadcast_in_dim3A_1183 : vector<16x1xi32> to vector<16xi32>
        %gather3A_1185 = tpu.dynamic_gather %get3A_94[%gather3A_1184] in [0] : vector<16xi32>, vector<16xi32> -> vector<16xi32>
        %lt3A_1186 = arith.constant 0 : i32
        %lt3A_1187 = vector.broadcast %lt3A_1186 : i32 to vector<16xi32>
        %lt3A_1188 = arith.cmpi slt, %broadcast_in_dim3A_1175, %lt3A_1187 : vector<16xi32>
        %add3A_1189 = arith.constant 16 : i32
        %add3A_1190 = vector.broadcast %add3A_1189 : i32 to vector<16xi32>
        %add3A_1191 = arith.addi %broadcast_in_dim3A_1175, %add3A_1190 : vector<16xi32>
        %select_n3A_1192 = arith.select %lt3A_1188, %add3A_1191, %broadcast_in_dim3A_1175 : vector<16xi1>, vector<16xi32>
        %broadcast_in_dim3A_1193 = vector.shape_cast %select_n3A_1192 : vector<16xi32> to vector<16x1xi32>
        %gather3A_1194 = vector.shape_cast %broadcast_in_dim3A_1193 : vector<16x1xi32> to vector<16xi32>
        %gather3A_1195 = tpu.dynamic_gather %get3A_96[%gather3A_1194] in [0] : vector<16xi32>, vector<16xi32> -> vector<16xi32>
        %lt3A_1196 = arith.constant 0 : i32
        %lt3A_1197 = vector.broadcast %lt3A_1196 : i32 to vector<16xi32>
        %lt3A_1198 = arith.cmpi slt, %broadcast_in_dim3A_1175, %lt3A_1197 : vector<16xi32>
        %add3A_1199 = arith.constant 16 : i32
        %add3A_1200 = vector.broadcast %add3A_1199 : i32 to vector<16xi32>
        %add3A_1201 = arith.addi %broadcast_in_dim3A_1175, %add3A_1200 : vector<16xi32>
        %select_n3A_1202 = arith.select %lt3A_1198, %add3A_1201, %broadcast_in_dim3A_1175 : vector<16xi1>, vector<16xi32>
        %broadcast_in_dim3A_1203 = vector.shape_cast %select_n3A_1202 : vector<16xi32> to vector<16x1xi32>
        %gather3A_1204 = vector.shape_cast %broadcast_in_dim3A_1203 : vector<16x1xi32> to vector<16xi32>
        %gather3A_1205 = tpu.dynamic_gather %get3A_98[%gather3A_1204] in [0] : vector<16xf32>, vector<16xi32> -> vector<16xf32>
        %add3A_1206 = arith.addi %gather3A_1185, %select_n3A : vector<16xi32>
        %add3A_1207 = arith.addi %gather3A_1195, %select_n3A : vector<16xi32>
        %gather3A_1208 = tpu.vector_load_idx %arg16[%add3A_1206] masked %lt3A_49 : memref<4096xf32, #tpu.memory_space<vmem>>[vector<16xi32>], vector<16xf32>, vector<16xi1>
        %gather3A_1209 = tpu.vector_load_idx %arg16[%add3A_1207] masked %lt3A_49 : memref<4096xf32, #tpu.memory_space<vmem>>[vector<16xi32>], vector<16xf32>, vector<16xi1>
        %sub3A_1210 = arith.subf %gather3A_1208, %gather3A_1209 : vector<16xf32>
        %mul3A_1211 = arith.mulf %sub3A_1210, %sub3A_1210 : vector<16xf32>
        %lt3A_1212 = arith.constant 0 : i32
        %lt3A_1213 = vector.broadcast %lt3A_1212 : i32 to vector<16xi32>
        %lt3A_1214 = arith.cmpi slt, %select_n3A_55, %lt3A_1213 : vector<16xi32>
        %add3A_1215 = arith.constant 16 : i32
        %add3A_1216 = vector.broadcast %add3A_1215 : i32 to vector<16xi32>
        %add3A_1217 = arith.addi %select_n3A_55, %add3A_1216 : vector<16xi32>
        %select_n3A_1218 = arith.select %lt3A_1214, %add3A_1217, %select_n3A_55 : vector<16xi1>, vector<16xi32>
        %broadcast_in_dim3A_1219 = vector.shape_cast %select_n3A_1218 : vector<16xi32> to vector<16x1xi32>
        %gather3A_1220 = vector.shape_cast %broadcast_in_dim3A_1219 : vector<16x1xi32> to vector<16xi32>
        %gather3A_1221 = tpu.dynamic_gather %mul3A_1211[%gather3A_1220] in [0] : vector<16xf32>, vector<16xi32> -> vector<16xf32>
        %add3A_1222 = arith.addf %mul3A_1211, %gather3A_1221 : vector<16xf32>
        %lt3A_1223 = arith.constant 0 : i32
        %lt3A_1224 = vector.broadcast %lt3A_1223 : i32 to vector<16xi32>
        %lt3A_1225 = arith.cmpi slt, %select_n3A_62, %lt3A_1224 : vector<16xi32>
        %add3A_1226 = arith.constant 16 : i32
        %add3A_1227 = vector.broadcast %add3A_1226 : i32 to vector<16xi32>
        %add3A_1228 = arith.addi %select_n3A_62, %add3A_1227 : vector<16xi32>
        %select_n3A_1229 = arith.select %lt3A_1225, %add3A_1228, %select_n3A_62 : vector<16xi1>, vector<16xi32>
        %broadcast_in_dim3A_1230 = vector.shape_cast %select_n3A_1229 : vector<16xi32> to vector<16x1xi32>
        %gather3A_1231 = vector.shape_cast %broadcast_in_dim3A_1230 : vector<16x1xi32> to vector<16xi32>
        %gather3A_1232 = tpu.dynamic_gather %mul3A_1211[%gather3A_1231] in [0] : vector<16xf32>, vector<16xi32> -> vector<16xf32>
        %add3A_1233 = arith.addf %add3A_1222, %gather3A_1232 : vector<16xf32>
        %max3A_1234 = arith.constant 1.000000e-35 : f32
        %max3A_1235 = vector.broadcast %max3A_1234 : f32 to vector<16xf32>
        %max3A_1236 = arith.maximumf %add3A_1233, %max3A_1235 : vector<16xf32>
        %bitcast_convert_type3A_1237 = tpu.bitcast %max3A_1236 : vector<16xf32> -> vector<16xi32>
        %shift_right_logical3A_1238 = arith.constant 1 : i32
        %shift_right_logical3A_1239 = vector.broadcast %shift_right_logical3A_1238 : i32 to vector<16xi32>
        %shift_right_logical3A_1240 = arith.shrui %bitcast_convert_type3A_1237, %shift_right_logical3A_1239 : vector<16xi32>
        %sub3A_1241 = arith.constant 1597463174 : i32
        %sub3A_1242 = vector.broadcast %sub3A_1241 : i32 to vector<16xi32>
        %sub3A_1243 = arith.subi %sub3A_1242, %shift_right_logical3A_1240 : vector<16xi32>
        %bitcast_convert_type3A_1244 = tpu.bitcast %sub3A_1243 : vector<16xi32> -> vector<16xf32>
        %mul3A_1245 = arith.constant 5.000000e-01 : f32
        %mul3A_1246 = vector.broadcast %mul3A_1245 : f32 to vector<16xf32>
        %mul3A_1247 = arith.mulf %mul3A_1246, %max3A_1236 : vector<16xf32>
        %mul3A_1248 = arith.mulf %mul3A_1247, %bitcast_convert_type3A_1244 : vector<16xf32>
        %mul3A_1249 = arith.mulf %mul3A_1248, %bitcast_convert_type3A_1244 : vector<16xf32>
        %sub3A_1250 = arith.constant 1.500000e+00 : f32
        %sub3A_1251 = vector.broadcast %sub3A_1250 : f32 to vector<16xf32>
        %sub3A_1252 = arith.subf %sub3A_1251, %mul3A_1249 : vector<16xf32>
        %mul3A_1253 = arith.mulf %bitcast_convert_type3A_1244, %sub3A_1252 : vector<16xf32>
        %mul3A_1254 = arith.mulf %gather3A_1205, %mul3A_1253 : vector<16xf32>
        %mul3A_1255 = arith.mulf %sub3A_1210, %mul3A_1254 : vector<16xf32>
        %add3A_1256 = arith.addf %gather3A_1208, %mul3A_1255 : vector<16xf32>
        tpu.vector_store_idx %arg16[%add3A_1206], %add3A_1256 masked %lt3A_49 : memref<4096xf32, #tpu.memory_space<vmem>>[vector<16xi32>], vector<16xf32>, vector<16xi1>
        %broadcast_in_dim3A_1257 = arith.constant 14 : i32
        %broadcast_in_dim3A_1258 = vector.broadcast %broadcast_in_dim3A_1257 : i32 to vector<16xi32>
        %lt3A_1259 = arith.constant 0 : i32
        %lt3A_1260 = vector.broadcast %lt3A_1259 : i32 to vector<16xi32>
        %lt3A_1261 = arith.cmpi slt, %broadcast_in_dim3A_1258, %lt3A_1260 : vector<16xi32>
        %add3A_1262 = arith.constant 16 : i32
        %add3A_1263 = vector.broadcast %add3A_1262 : i32 to vector<16xi32>
        %add3A_1264 = arith.addi %broadcast_in_dim3A_1258, %add3A_1263 : vector<16xi32>
        %select_n3A_1265 = arith.select %lt3A_1261, %add3A_1264, %broadcast_in_dim3A_1258 : vector<16xi1>, vector<16xi32>
        %broadcast_in_dim3A_1266 = vector.shape_cast %select_n3A_1265 : vector<16xi32> to vector<16x1xi32>
        %gather3A_1267 = vector.shape_cast %broadcast_in_dim3A_1266 : vector<16x1xi32> to vector<16xi32>
        %gather3A_1268 = tpu.dynamic_gather %get3A_94[%gather3A_1267] in [0] : vector<16xi32>, vector<16xi32> -> vector<16xi32>
        %lt3A_1269 = arith.constant 0 : i32
        %lt3A_1270 = vector.broadcast %lt3A_1269 : i32 to vector<16xi32>
        %lt3A_1271 = arith.cmpi slt, %broadcast_in_dim3A_1258, %lt3A_1270 : vector<16xi32>
        %add3A_1272 = arith.constant 16 : i32
        %add3A_1273 = vector.broadcast %add3A_1272 : i32 to vector<16xi32>
        %add3A_1274 = arith.addi %broadcast_in_dim3A_1258, %add3A_1273 : vector<16xi32>
        %select_n3A_1275 = arith.select %lt3A_1271, %add3A_1274, %broadcast_in_dim3A_1258 : vector<16xi1>, vector<16xi32>
        %broadcast_in_dim3A_1276 = vector.shape_cast %select_n3A_1275 : vector<16xi32> to vector<16x1xi32>
        %gather3A_1277 = vector.shape_cast %broadcast_in_dim3A_1276 : vector<16x1xi32> to vector<16xi32>
        %gather3A_1278 = tpu.dynamic_gather %get3A_96[%gather3A_1277] in [0] : vector<16xi32>, vector<16xi32> -> vector<16xi32>
        %lt3A_1279 = arith.constant 0 : i32
        %lt3A_1280 = vector.broadcast %lt3A_1279 : i32 to vector<16xi32>
        %lt3A_1281 = arith.cmpi slt, %broadcast_in_dim3A_1258, %lt3A_1280 : vector<16xi32>
        %add3A_1282 = arith.constant 16 : i32
        %add3A_1283 = vector.broadcast %add3A_1282 : i32 to vector<16xi32>
        %add3A_1284 = arith.addi %broadcast_in_dim3A_1258, %add3A_1283 : vector<16xi32>
        %select_n3A_1285 = arith.select %lt3A_1281, %add3A_1284, %broadcast_in_dim3A_1258 : vector<16xi1>, vector<16xi32>
        %broadcast_in_dim3A_1286 = vector.shape_cast %select_n3A_1285 : vector<16xi32> to vector<16x1xi32>
        %gather3A_1287 = vector.shape_cast %broadcast_in_dim3A_1286 : vector<16x1xi32> to vector<16xi32>
        %gather3A_1288 = tpu.dynamic_gather %get3A_98[%gather3A_1287] in [0] : vector<16xf32>, vector<16xi32> -> vector<16xf32>
        %add3A_1289 = arith.addi %gather3A_1268, %select_n3A : vector<16xi32>
        %add3A_1290 = arith.addi %gather3A_1278, %select_n3A : vector<16xi32>
        %gather3A_1291 = tpu.vector_load_idx %arg16[%add3A_1289] masked %lt3A_49 : memref<4096xf32, #tpu.memory_space<vmem>>[vector<16xi32>], vector<16xf32>, vector<16xi1>
        %gather3A_1292 = tpu.vector_load_idx %arg16[%add3A_1290] masked %lt3A_49 : memref<4096xf32, #tpu.memory_space<vmem>>[vector<16xi32>], vector<16xf32>, vector<16xi1>
        %sub3A_1293 = arith.subf %gather3A_1291, %gather3A_1292 : vector<16xf32>
        %mul3A_1294 = arith.mulf %sub3A_1293, %sub3A_1293 : vector<16xf32>
        %lt3A_1295 = arith.constant 0 : i32
        %lt3A_1296 = vector.broadcast %lt3A_1295 : i32 to vector<16xi32>
        %lt3A_1297 = arith.cmpi slt, %select_n3A_55, %lt3A_1296 : vector<16xi32>
        %add3A_1298 = arith.constant 16 : i32
        %add3A_1299 = vector.broadcast %add3A_1298 : i32 to vector<16xi32>
        %add3A_1300 = arith.addi %select_n3A_55, %add3A_1299 : vector<16xi32>
        %select_n3A_1301 = arith.select %lt3A_1297, %add3A_1300, %select_n3A_55 : vector<16xi1>, vector<16xi32>
        %broadcast_in_dim3A_1302 = vector.shape_cast %select_n3A_1301 : vector<16xi32> to vector<16x1xi32>
        %gather3A_1303 = vector.shape_cast %broadcast_in_dim3A_1302 : vector<16x1xi32> to vector<16xi32>
        %gather3A_1304 = tpu.dynamic_gather %mul3A_1294[%gather3A_1303] in [0] : vector<16xf32>, vector<16xi32> -> vector<16xf32>
        %add3A_1305 = arith.addf %mul3A_1294, %gather3A_1304 : vector<16xf32>
        %lt3A_1306 = arith.constant 0 : i32
        %lt3A_1307 = vector.broadcast %lt3A_1306 : i32 to vector<16xi32>
        %lt3A_1308 = arith.cmpi slt, %select_n3A_62, %lt3A_1307 : vector<16xi32>
        %add3A_1309 = arith.constant 16 : i32
        %add3A_1310 = vector.broadcast %add3A_1309 : i32 to vector<16xi32>
        %add3A_1311 = arith.addi %select_n3A_62, %add3A_1310 : vector<16xi32>
        %select_n3A_1312 = arith.select %lt3A_1308, %add3A_1311, %select_n3A_62 : vector<16xi1>, vector<16xi32>
        %broadcast_in_dim3A_1313 = vector.shape_cast %select_n3A_1312 : vector<16xi32> to vector<16x1xi32>
        %gather3A_1314 = vector.shape_cast %broadcast_in_dim3A_1313 : vector<16x1xi32> to vector<16xi32>
        %gather3A_1315 = tpu.dynamic_gather %mul3A_1294[%gather3A_1314] in [0] : vector<16xf32>, vector<16xi32> -> vector<16xf32>
        %add3A_1316 = arith.addf %add3A_1305, %gather3A_1315 : vector<16xf32>
        %max3A_1317 = arith.constant 1.000000e-35 : f32
        %max3A_1318 = vector.broadcast %max3A_1317 : f32 to vector<16xf32>
        %max3A_1319 = arith.maximumf %add3A_1316, %max3A_1318 : vector<16xf32>
        %bitcast_convert_type3A_1320 = tpu.bitcast %max3A_1319 : vector<16xf32> -> vector<16xi32>
        %shift_right_logical3A_1321 = arith.constant 1 : i32
        %shift_right_logical3A_1322 = vector.broadcast %shift_right_logical3A_1321 : i32 to vector<16xi32>
        %shift_right_logical3A_1323 = arith.shrui %bitcast_convert_type3A_1320, %shift_right_logical3A_1322 : vector<16xi32>
        %sub3A_1324 = arith.constant 1597463174 : i32
        %sub3A_1325 = vector.broadcast %sub3A_1324 : i32 to vector<16xi32>
        %sub3A_1326 = arith.subi %sub3A_1325, %shift_right_logical3A_1323 : vector<16xi32>
        %bitcast_convert_type3A_1327 = tpu.bitcast %sub3A_1326 : vector<16xi32> -> vector<16xf32>
        %mul3A_1328 = arith.constant 5.000000e-01 : f32
        %mul3A_1329 = vector.broadcast %mul3A_1328 : f32 to vector<16xf32>
        %mul3A_1330 = arith.mulf %mul3A_1329, %max3A_1319 : vector<16xf32>
        %mul3A_1331 = arith.mulf %mul3A_1330, %bitcast_convert_type3A_1327 : vector<16xf32>
        %mul3A_1332 = arith.mulf %mul3A_1331, %bitcast_convert_type3A_1327 : vector<16xf32>
        %sub3A_1333 = arith.constant 1.500000e+00 : f32
        %sub3A_1334 = vector.broadcast %sub3A_1333 : f32 to vector<16xf32>
        %sub3A_1335 = arith.subf %sub3A_1334, %mul3A_1332 : vector<16xf32>
        %mul3A_1336 = arith.mulf %bitcast_convert_type3A_1327, %sub3A_1335 : vector<16xf32>
        %mul3A_1337 = arith.mulf %gather3A_1288, %mul3A_1336 : vector<16xf32>
        %mul3A_1338 = arith.mulf %sub3A_1293, %mul3A_1337 : vector<16xf32>
        %add3A_1339 = arith.addf %gather3A_1291, %mul3A_1338 : vector<16xf32>
        tpu.vector_store_idx %arg16[%add3A_1289], %add3A_1339 masked %lt3A_49 : memref<4096xf32, #tpu.memory_space<vmem>>[vector<16xi32>], vector<16xf32>, vector<16xi1>
        %broadcast_in_dim3A_1340 = arith.constant 15 : i32
        %broadcast_in_dim3A_1341 = vector.broadcast %broadcast_in_dim3A_1340 : i32 to vector<16xi32>
        %lt3A_1342 = arith.constant 0 : i32
        %lt3A_1343 = vector.broadcast %lt3A_1342 : i32 to vector<16xi32>
        %lt3A_1344 = arith.cmpi slt, %broadcast_in_dim3A_1341, %lt3A_1343 : vector<16xi32>
        %add3A_1345 = arith.constant 16 : i32
        %add3A_1346 = vector.broadcast %add3A_1345 : i32 to vector<16xi32>
        %add3A_1347 = arith.addi %broadcast_in_dim3A_1341, %add3A_1346 : vector<16xi32>
        %select_n3A_1348 = arith.select %lt3A_1344, %add3A_1347, %broadcast_in_dim3A_1341 : vector<16xi1>, vector<16xi32>
        %broadcast_in_dim3A_1349 = vector.shape_cast %select_n3A_1348 : vector<16xi32> to vector<16x1xi32>
        %gather3A_1350 = vector.shape_cast %broadcast_in_dim3A_1349 : vector<16x1xi32> to vector<16xi32>
        %gather3A_1351 = tpu.dynamic_gather %get3A_94[%gather3A_1350] in [0] : vector<16xi32>, vector<16xi32> -> vector<16xi32>
        %lt3A_1352 = arith.constant 0 : i32
        %lt3A_1353 = vector.broadcast %lt3A_1352 : i32 to vector<16xi32>
        %lt3A_1354 = arith.cmpi slt, %broadcast_in_dim3A_1341, %lt3A_1353 : vector<16xi32>
        %add3A_1355 = arith.constant 16 : i32
        %add3A_1356 = vector.broadcast %add3A_1355 : i32 to vector<16xi32>
        %add3A_1357 = arith.addi %broadcast_in_dim3A_1341, %add3A_1356 : vector<16xi32>
        %select_n3A_1358 = arith.select %lt3A_1354, %add3A_1357, %broadcast_in_dim3A_1341 : vector<16xi1>, vector<16xi32>
        %broadcast_in_dim3A_1359 = vector.shape_cast %select_n3A_1358 : vector<16xi32> to vector<16x1xi32>
        %gather3A_1360 = vector.shape_cast %broadcast_in_dim3A_1359 : vector<16x1xi32> to vector<16xi32>
        %gather3A_1361 = tpu.dynamic_gather %get3A_96[%gather3A_1360] in [0] : vector<16xi32>, vector<16xi32> -> vector<16xi32>
        %lt3A_1362 = arith.constant 0 : i32
        %lt3A_1363 = vector.broadcast %lt3A_1362 : i32 to vector<16xi32>
        %lt3A_1364 = arith.cmpi slt, %broadcast_in_dim3A_1341, %lt3A_1363 : vector<16xi32>
        %add3A_1365 = arith.constant 16 : i32
        %add3A_1366 = vector.broadcast %add3A_1365 : i32 to vector<16xi32>
        %add3A_1367 = arith.addi %broadcast_in_dim3A_1341, %add3A_1366 : vector<16xi32>
        %select_n3A_1368 = arith.select %lt3A_1364, %add3A_1367, %broadcast_in_dim3A_1341 : vector<16xi1>, vector<16xi32>
        %broadcast_in_dim3A_1369 = vector.shape_cast %select_n3A_1368 : vector<16xi32> to vector<16x1xi32>
        %gather3A_1370 = vector.shape_cast %broadcast_in_dim3A_1369 : vector<16x1xi32> to vector<16xi32>
        %gather3A_1371 = tpu.dynamic_gather %get3A_98[%gather3A_1370] in [0] : vector<16xf32>, vector<16xi32> -> vector<16xf32>
        %add3A_1372 = arith.addi %gather3A_1351, %select_n3A : vector<16xi32>
        %add3A_1373 = arith.addi %gather3A_1361, %select_n3A : vector<16xi32>
        %gather3A_1374 = tpu.vector_load_idx %arg16[%add3A_1372] masked %lt3A_49 : memref<4096xf32, #tpu.memory_space<vmem>>[vector<16xi32>], vector<16xf32>, vector<16xi1>
        %gather3A_1375 = tpu.vector_load_idx %arg16[%add3A_1373] masked %lt3A_49 : memref<4096xf32, #tpu.memory_space<vmem>>[vector<16xi32>], vector<16xf32>, vector<16xi1>
        %sub3A_1376 = arith.subf %gather3A_1374, %gather3A_1375 : vector<16xf32>
        %mul3A_1377 = arith.mulf %sub3A_1376, %sub3A_1376 : vector<16xf32>
        %lt3A_1378 = arith.constant 0 : i32
        %lt3A_1379 = vector.broadcast %lt3A_1378 : i32 to vector<16xi32>
        %lt3A_1380 = arith.cmpi slt, %select_n3A_55, %lt3A_1379 : vector<16xi32>
        %add3A_1381 = arith.constant 16 : i32
        %add3A_1382 = vector.broadcast %add3A_1381 : i32 to vector<16xi32>
        %add3A_1383 = arith.addi %select_n3A_55, %add3A_1382 : vector<16xi32>
        %select_n3A_1384 = arith.select %lt3A_1380, %add3A_1383, %select_n3A_55 : vector<16xi1>, vector<16xi32>
        %broadcast_in_dim3A_1385 = vector.shape_cast %select_n3A_1384 : vector<16xi32> to vector<16x1xi32>
        %gather3A_1386 = vector.shape_cast %broadcast_in_dim3A_1385 : vector<16x1xi32> to vector<16xi32>
        %gather3A_1387 = tpu.dynamic_gather %mul3A_1377[%gather3A_1386] in [0] : vector<16xf32>, vector<16xi32> -> vector<16xf32>
        %add3A_1388 = arith.addf %mul3A_1377, %gather3A_1387 : vector<16xf32>
        %lt3A_1389 = arith.constant 0 : i32
        %lt3A_1390 = vector.broadcast %lt3A_1389 : i32 to vector<16xi32>
        %lt3A_1391 = arith.cmpi slt, %select_n3A_62, %lt3A_1390 : vector<16xi32>
        %add3A_1392 = arith.constant 16 : i32
        %add3A_1393 = vector.broadcast %add3A_1392 : i32 to vector<16xi32>
        %add3A_1394 = arith.addi %select_n3A_62, %add3A_1393 : vector<16xi32>
        %select_n3A_1395 = arith.select %lt3A_1391, %add3A_1394, %select_n3A_62 : vector<16xi1>, vector<16xi32>
        %broadcast_in_dim3A_1396 = vector.shape_cast %select_n3A_1395 : vector<16xi32> to vector<16x1xi32>
        %gather3A_1397 = vector.shape_cast %broadcast_in_dim3A_1396 : vector<16x1xi32> to vector<16xi32>
        %gather3A_1398 = tpu.dynamic_gather %mul3A_1377[%gather3A_1397] in [0] : vector<16xf32>, vector<16xi32> -> vector<16xf32>
        %add3A_1399 = arith.addf %add3A_1388, %gather3A_1398 : vector<16xf32>
        %max3A_1400 = arith.constant 1.000000e-35 : f32
        %max3A_1401 = vector.broadcast %max3A_1400 : f32 to vector<16xf32>
        %max3A_1402 = arith.maximumf %add3A_1399, %max3A_1401 : vector<16xf32>
        %bitcast_convert_type3A_1403 = tpu.bitcast %max3A_1402 : vector<16xf32> -> vector<16xi32>
        %shift_right_logical3A_1404 = arith.constant 1 : i32
        %shift_right_logical3A_1405 = vector.broadcast %shift_right_logical3A_1404 : i32 to vector<16xi32>
        %shift_right_logical3A_1406 = arith.shrui %bitcast_convert_type3A_1403, %shift_right_logical3A_1405 : vector<16xi32>
        %sub3A_1407 = arith.constant 1597463174 : i32
        %sub3A_1408 = vector.broadcast %sub3A_1407 : i32 to vector<16xi32>
        %sub3A_1409 = arith.subi %sub3A_1408, %shift_right_logical3A_1406 : vector<16xi32>
        %bitcast_convert_type3A_1410 = tpu.bitcast %sub3A_1409 : vector<16xi32> -> vector<16xf32>
        %mul3A_1411 = arith.constant 5.000000e-01 : f32
        %mul3A_1412 = vector.broadcast %mul3A_1411 : f32 to vector<16xf32>
        %mul3A_1413 = arith.mulf %mul3A_1412, %max3A_1402 : vector<16xf32>
        %mul3A_1414 = arith.mulf %mul3A_1413, %bitcast_convert_type3A_1410 : vector<16xf32>
        %mul3A_1415 = arith.mulf %mul3A_1414, %bitcast_convert_type3A_1410 : vector<16xf32>
        %sub3A_1416 = arith.constant 1.500000e+00 : f32
        %sub3A_1417 = vector.broadcast %sub3A_1416 : f32 to vector<16xf32>
        %sub3A_1418 = arith.subf %sub3A_1417, %mul3A_1415 : vector<16xf32>
        %mul3A_1419 = arith.mulf %bitcast_convert_type3A_1410, %sub3A_1418 : vector<16xf32>
        %mul3A_1420 = arith.mulf %gather3A_1371, %mul3A_1419 : vector<16xf32>
        %mul3A_1421 = arith.mulf %sub3A_1376, %mul3A_1420 : vector<16xf32>
        %add3A_1422 = arith.addf %gather3A_1374, %mul3A_1421 : vector<16xf32>
        tpu.vector_store_idx %arg16[%add3A_1372], %add3A_1422 masked %lt3A_49 : memref<4096xf32, #tpu.memory_space<vmem>>[vector<16xi32>], vector<16xf32>, vector<16xi1>
      }
      %while3A_74 = arith.constant 1 : i32
      scf.for %while3A_91 = %while3A_72 to %while3A_68 step %while3A_74  : i32 {
        %mul3A_92 = arith.constant 16 : i32
        %mul3A_93 = arith.muli %while3A_91, %mul3A_92 : i32
        %get3A = arith.index_cast %mul3A_93 : i32 to index
        %get3A_94 = tpu.vector_load %arg23[%get3A] {strides = array<i32>} : memref<4016xi32, #tpu.memory_space<vmem>>, vector<16xi32>,
        %get3A_95 = arith.index_cast %mul3A_93 : i32 to index
        %get3A_96 = tpu.vector_load %arg24[%get3A_95] {strides = array<i32>} : memref<4016xi32, #tpu.memory_space<vmem>>, vector<16xi32>,
        %get3A_97 = arith.index_cast %mul3A_93 : i32 to index
        %get3A_98 = tpu.vector_load %arg25[%get3A_97] {strides = array<i32>} : memref<4016xf32, #tpu.memory_space<vmem>>, vector<16xf32>,
        %broadcast_in_dim3A_99 = arith.constant 0 : i32
        %broadcast_in_dim3A_100 = vector.broadcast %broadcast_in_dim3A_99 : i32 to vector<16xi32>
        %lt3A_101 = arith.constant 0 : i32
        %lt3A_102 = vector.broadcast %lt3A_101 : i32 to vector<16xi32>
        %lt3A_103 = arith.cmpi slt, %broadcast_in_dim3A_100, %lt3A_102 : vector<16xi32>
        %add3A_104 = arith.constant 16 : i32
        %add3A_105 = vector.broadcast %add3A_104 : i32 to vector<16xi32>
        %add3A_106 = arith.addi %broadcast_in_dim3A_100, %add3A_105 : vector<16xi32>
        %select_n3A_107 = arith.select %lt3A_103, %add3A_106, %broadcast_in_dim3A_100 : vector<16xi1>, vector<16xi32>
        %broadcast_in_dim3A_108 = vector.shape_cast %select_n3A_107 : vector<16xi32> to vector<16x1xi32>
        %gather3A = vector.shape_cast %broadcast_in_dim3A_108 : vector<16x1xi32> to vector<16xi32>
        %gather3A_109 = tpu.dynamic_gather %get3A_94[%gather3A] in [0] : vector<16xi32>, vector<16xi32> -> vector<16xi32>
        %lt3A_110 = arith.constant 0 : i32
        %lt3A_111 = vector.broadcast %lt3A_110 : i32 to vector<16xi32>
        %lt3A_112 = arith.cmpi slt, %broadcast_in_dim3A_100, %lt3A_111 : vector<16xi32>
        %add3A_113 = arith.constant 16 : i32
        %add3A_114 = vector.broadcast %add3A_113 : i32 to vector<16xi32>
        %add3A_115 = arith.addi %broadcast_in_dim3A_100, %add3A_114 : vector<16xi32>
        %select_n3A_116 = arith.select %lt3A_112, %add3A_115, %broadcast_in_dim3A_100 : vector<16xi1>, vector<16xi32>
        %broadcast_in_dim3A_117 = vector.shape_cast %select_n3A_116 : vector<16xi32> to vector<16x1xi32>
        %gather3A_118 = vector.shape_cast %broadcast_in_dim3A_117 : vector<16x1xi32> to vector<16xi32>
        %gather3A_119 = tpu.dynamic_gather %get3A_96[%gather3A_118] in [0] : vector<16xi32>, vector<16xi32> -> vector<16xi32>
        %lt3A_120 = arith.constant 0 : i32
        %lt3A_121 = vector.broadcast %lt3A_120 : i32 to vector<16xi32>
        %lt3A_122 = arith.cmpi slt, %broadcast_in_dim3A_100, %lt3A_121 : vector<16xi32>
        %add3A_123 = arith.constant 16 : i32
        %add3A_124 = vector.broadcast %add3A_123 : i32 to vector<16xi32>
        %add3A_125 = arith.addi %broadcast_in_dim3A_100, %add3A_124 : vector<16xi32>
        %select_n3A_126 = arith.select %lt3A_122, %add3A_125, %broadcast_in_dim3A_100 : vector<16xi1>, vector<16xi32>
        %broadcast_in_dim3A_127 = vector.shape_cast %select_n3A_126 : vector<16xi32> to vector<16x1xi32>
        %gather3A_128 = vector.shape_cast %broadcast_in_dim3A_127 : vector<16x1xi32> to vector<16xi32>
        %gather3A_129 = tpu.dynamic_gather %get3A_98[%gather3A_128] in [0] : vector<16xf32>, vector<16xi32> -> vector<16xf32>
        %add3A_130 = arith.addi %gather3A_109, %select_n3A : vector<16xi32>
        %add3A_131 = arith.addi %gather3A_119, %select_n3A : vector<16xi32>
        %gather3A_132 = tpu.vector_load_idx %arg16[%add3A_130] masked %lt3A_49 : memref<4096xf32, #tpu.memory_space<vmem>>[vector<16xi32>], vector<16xf32>, vector<16xi1>
        %gather3A_133 = tpu.vector_load_idx %arg16[%add3A_131] masked %lt3A_49 : memref<4096xf32, #tpu.memory_space<vmem>>[vector<16xi32>], vector<16xf32>, vector<16xi1>
        %sub3A = arith.subf %gather3A_132, %gather3A_133 : vector<16xf32>
        %mul3A_134 = arith.mulf %sub3A, %sub3A : vector<16xf32>
        %lt3A_135 = arith.constant 0 : i32
        %lt3A_136 = vector.broadcast %lt3A_135 : i32 to vector<16xi32>
        %lt3A_137 = arith.cmpi slt, %select_n3A_55, %lt3A_136 : vector<16xi32>
        %add3A_138 = arith.constant 16 : i32
        %add3A_139 = vector.broadcast %add3A_138 : i32 to vector<16xi32>
        %add3A_140 = arith.addi %select_n3A_55, %add3A_139 : vector<16xi32>
        %select_n3A_141 = arith.select %lt3A_137, %add3A_140, %select_n3A_55 : vector<16xi1>, vector<16xi32>
        %broadcast_in_dim3A_142 = vector.shape_cast %select_n3A_141 : vector<16xi32> to vector<16x1xi32>
        %gather3A_143 = vector.shape_cast %broadcast_in_dim3A_142 : vector<16x1xi32> to vector<16xi32>
        %gather3A_144 = tpu.dynamic_gather %mul3A_134[%gather3A_143] in [0] : vector<16xf32>, vector<16xi32> -> vector<16xf32>
        %add3A_145 = arith.addf %mul3A_134, %gather3A_144 : vector<16xf32>
        %lt3A_146 = arith.constant 0 : i32
        %lt3A_147 = vector.broadcast %lt3A_146 : i32 to vector<16xi32>
        %lt3A_148 = arith.cmpi slt, %select_n3A_62, %lt3A_147 : vector<16xi32>
        %add3A_149 = arith.constant 16 : i32
        %add3A_150 = vector.broadcast %add3A_149 : i32 to vector<16xi32>
        %add3A_151 = arith.addi %select_n3A_62, %add3A_150 : vector<16xi32>
        %select_n3A_152 = arith.select %lt3A_148, %add3A_151, %select_n3A_62 : vector<16xi1>, vector<16xi32>
        %broadcast_in_dim3A_153 = vector.shape_cast %select_n3A_152 : vector<16xi32> to vector<16x1xi32>
        %gather3A_154 = vector.shape_cast %broadcast_in_dim3A_153 : vector<16x1xi32> to vector<16xi32>
        %gather3A_155 = tpu.dynamic_gather %mul3A_134[%gather3A_154] in [0] : vector<16xf32>, vector<16xi32> -> vector<16xf32>
        %add3A_156 = arith.addf %add3A_145, %gather3A_155 : vector<16xf32>
        %max3A = arith.constant 1.000000e-35 : f32
        %max3A_157 = vector.broadcast %max3A : f32 to vector<16xf32>
        %max3A_158 = arith.maximumf %add3A_156, %max3A_157 : vector<16xf32>
        %bitcast_convert_type3A = tpu.bitcast %max3A_158 : vector<16xf32> -> vector<16xi32>
        %shift_right_logical3A_159 = arith.constant 1 : i32
        %shift_right_logical3A_160 = vector.broadcast %shift_right_logical3A_159 : i32 to vector<16xi32>
        %shift_right_logical3A_161 = arith.shrui %bitcast_convert_type3A, %shift_right_logical3A_160 : vector<16xi32>
        %sub3A_162 = arith.constant 1597463174 : i32
        %sub3A_163 = vector.broadcast %sub3A_162 : i32 to vector<16xi32>
        %sub3A_164 = arith.subi %sub3A_163, %shift_right_logical3A_161 : vector<16xi32>
        %bitcast_convert_type3A_165 = tpu.bitcast %sub3A_164 : vector<16xi32> -> vector<16xf32>
        %mul3A_166 = arith.constant 5.000000e-01 : f32
        %mul3A_167 = vector.broadcast %mul3A_166 : f32 to vector<16xf32>
        %mul3A_168 = arith.mulf %mul3A_167, %max3A_158 : vector<16xf32>
        %mul3A_169 = arith.mulf %mul3A_168, %bitcast_convert_type3A_165 : vector<16xf32>
        %mul3A_170 = arith.mulf %mul3A_169, %bitcast_convert_type3A_165 : vector<16xf32>
        %sub3A_171 = arith.constant 1.500000e+00 : f32
        %sub3A_172 = vector.broadcast %sub3A_171 : f32 to vector<16xf32>
        %sub3A_173 = arith.subf %sub3A_172, %mul3A_170 : vector<16xf32>
        %mul3A_174 = arith.mulf %bitcast_convert_type3A_165, %sub3A_173 : vector<16xf32>
        %mul3A_175 = arith.mulf %gather3A_129, %mul3A_174 : vector<16xf32>
        %mul3A_176 = arith.mulf %sub3A, %mul3A_175 : vector<16xf32>
        %add3A_177 = arith.addf %gather3A_132, %mul3A_176 : vector<16xf32>
        tpu.vector_store_idx %arg16[%add3A_130], %add3A_177 masked %lt3A_49 : memref<4096xf32, #tpu.memory_space<vmem>>[vector<16xi32>], vector<16xf32>, vector<16xi1>
        %broadcast_in_dim3A_178 = arith.constant 1 : i32
        %broadcast_in_dim3A_179 = vector.broadcast %broadcast_in_dim3A_178 : i32 to vector<16xi32>
        %lt3A_180 = arith.constant 0 : i32
        %lt3A_181 = vector.broadcast %lt3A_180 : i32 to vector<16xi32>
        %lt3A_182 = arith.cmpi slt, %broadcast_in_dim3A_179, %lt3A_181 : vector<16xi32>
        %add3A_183 = arith.constant 16 : i32
        %add3A_184 = vector.broadcast %add3A_183 : i32 to vector<16xi32>
        %add3A_185 = arith.addi %broadcast_in_dim3A_179, %add3A_184 : vector<16xi32>
        %select_n3A_186 = arith.select %lt3A_182, %add3A_185, %broadcast_in_dim3A_179 : vector<16xi1>, vector<16xi32>
        %broadcast_in_dim3A_187 = vector.shape_cast %select_n3A_186 : vector<16xi32> to vector<16x1xi32>
        %gather3A_188 = vector.shape_cast %broadcast_in_dim3A_187 : vector<16x1xi32> to vector<16xi32>
        %gather3A_189 = tpu.dynamic_gather %get3A_94[%gather3A_188] in [0] : vector<16xi32>, vector<16xi32> -> vector<16xi32>
        %lt3A_190 = arith.constant 0 : i32
        %lt3A_191 = vector.broadcast %lt3A_190 : i32 to vector<16xi32>
        %lt3A_192 = arith.cmpi slt, %broadcast_in_dim3A_179, %lt3A_191 : vector<16xi32>
        %add3A_193 = arith.constant 16 : i32
        %add3A_194 = vector.broadcast %add3A_193 : i32 to vector<16xi32>
        %add3A_195 = arith.addi %broadcast_in_dim3A_179, %add3A_194 : vector<16xi32>
        %select_n3A_196 = arith.select %lt3A_192, %add3A_195, %broadcast_in_dim3A_179 : vector<16xi1>, vector<16xi32>
        %broadcast_in_dim3A_197 = vector.shape_cast %select_n3A_196 : vector<16xi32> to vector<16x1xi32>
        %gather3A_198 = vector.shape_cast %broadcast_in_dim3A_197 : vector<16x1xi32> to vector<16xi32>
        %gather3A_199 = tpu.dynamic_gather %get3A_96[%gather3A_198] in [0] : vector<16xi32>, vector<16xi32> -> vector<16xi32>
        %lt3A_200 = arith.constant 0 : i32
        %lt3A_201 = vector.broadcast %lt3A_200 : i32 to vector<16xi32>
        %lt3A_202 = arith.cmpi slt, %broadcast_in_dim3A_179, %lt3A_201 : vector<16xi32>
        %add3A_203 = arith.constant 16 : i32
        %add3A_204 = vector.broadcast %add3A_203 : i32 to vector<16xi32>
        %add3A_205 = arith.addi %broadcast_in_dim3A_179, %add3A_204 : vector<16xi32>
        %select_n3A_206 = arith.select %lt3A_202, %add3A_205, %broadcast_in_dim3A_179 : vector<16xi1>, vector<16xi32>
        %broadcast_in_dim3A_207 = vector.shape_cast %select_n3A_206 : vector<16xi32> to vector<16x1xi32>
        %gather3A_208 = vector.shape_cast %broadcast_in_dim3A_207 : vector<16x1xi32> to vector<16xi32>
        %gather3A_209 = tpu.dynamic_gather %get3A_98[%gather3A_208] in [0] : vector<16xf32>, vector<16xi32> -> vector<16xf32>
        %add3A_210 = arith.addi %gather3A_189, %select_n3A : vector<16xi32>
        %add3A_211 = arith.addi %gather3A_199, %select_n3A : vector<16xi32>
        %gather3A_212 = tpu.vector_load_idx %arg16[%add3A_210] masked %lt3A_49 : memref<4096xf32, #tpu.memory_space<vmem>>[vector<16xi32>], vector<16xf32>, vector<16xi1>
        %gather3A_213 = tpu.vector_load_idx %arg16[%add3A_211] masked %lt3A_49 : memref<4096xf32, #tpu.memory_space<vmem>>[vector<16xi32>], vector<16xf32>, vector<16xi1>
        %sub3A_214 = arith.subf %gather3A_212, %gather3A_213 : vector<16xf32>
        %mul3A_215 = arith.mulf %sub3A_214, %sub3A_214 : vector<16xf32>
        %lt3A_216 = arith.constant 0 : i32
        %lt3A_217 = vector.broadcast %lt3A_216 : i32 to vector<16xi32>
        %lt3A_218 = arith.cmpi slt, %select_n3A_55, %lt3A_217 : vector<16xi32>
        %add3A_219 = arith.constant 16 : i32
        %add3A_220 = vector.broadcast %add3A_219 : i32 to vector<16xi32>
        %add3A_221 = arith.addi %select_n3A_55, %add3A_220 : vector<16xi32>
        %select_n3A_222 = arith.select %lt3A_218, %add3A_221, %select_n3A_55 : vector<16xi1>, vector<16xi32>
        %broadcast_in_dim3A_223 = vector.shape_cast %select_n3A_222 : vector<16xi32> to vector<16x1xi32>
        %gather3A_224 = vector.shape_cast %broadcast_in_dim3A_223 : vector<16x1xi32> to vector<16xi32>
        %gather3A_225 = tpu.dynamic_gather %mul3A_215[%gather3A_224] in [0] : vector<16xf32>, vector<16xi32> -> vector<16xf32>
        %add3A_226 = arith.addf %mul3A_215, %gather3A_225 : vector<16xf32>
        %lt3A_227 = arith.constant 0 : i32
        %lt3A_228 = vector.broadcast %lt3A_227 : i32 to vector<16xi32>
        %lt3A_229 = arith.cmpi slt, %select_n3A_62, %lt3A_228 : vector<16xi32>
        %add3A_230 = arith.constant 16 : i32
        %add3A_231 = vector.broadcast %add3A_230 : i32 to vector<16xi32>
        %add3A_232 = arith.addi %select_n3A_62, %add3A_231 : vector<16xi32>
        %select_n3A_233 = arith.select %lt3A_229, %add3A_232, %select_n3A_62 : vector<16xi1>, vector<16xi32>
        %broadcast_in_dim3A_234 = vector.shape_cast %select_n3A_233 : vector<16xi32> to vector<16x1xi32>
        %gather3A_235 = vector.shape_cast %broadcast_in_dim3A_234 : vector<16x1xi32> to vector<16xi32>
        %gather3A_236 = tpu.dynamic_gather %mul3A_215[%gather3A_235] in [0] : vector<16xf32>, vector<16xi32> -> vector<16xf32>
        %add3A_237 = arith.addf %add3A_226, %gather3A_236 : vector<16xf32>
        %max3A_238 = arith.constant 1.000000e-35 : f32
        %max3A_239 = vector.broadcast %max3A_238 : f32 to vector<16xf32>
        %max3A_240 = arith.maximumf %add3A_237, %max3A_239 : vector<16xf32>
        %bitcast_convert_type3A_241 = tpu.bitcast %max3A_240 : vector<16xf32> -> vector<16xi32>
        %shift_right_logical3A_242 = arith.constant 1 : i32
        %shift_right_logical3A_243 = vector.broadcast %shift_right_logical3A_242 : i32 to vector<16xi32>
        %shift_right_logical3A_244 = arith.shrui %bitcast_convert_type3A_241, %shift_right_logical3A_243 : vector<16xi32>
        %sub3A_245 = arith.constant 1597463174 : i32
        %sub3A_246 = vector.broadcast %sub3A_245 : i32 to vector<16xi32>
        %sub3A_247 = arith.subi %sub3A_246, %shift_right_logical3A_244 : vector<16xi32>
        %bitcast_convert_type3A_248 = tpu.bitcast %sub3A_247 : vector<16xi32> -> vector<16xf32>
        %mul3A_249 = arith.constant 5.000000e-01 : f32
        %mul3A_250 = vector.broadcast %mul3A_249 : f32 to vector<16xf32>
        %mul3A_251 = arith.mulf %mul3A_250, %max3A_240 : vector<16xf32>
        %mul3A_252 = arith.mulf %mul3A_251, %bitcast_convert_type3A_248 : vector<16xf32>
        %mul3A_253 = arith.mulf %mul3A_252, %bitcast_convert_type3A_248 : vector<16xf32>
        %sub3A_254 = arith.constant 1.500000e+00 : f32
        %sub3A_255 = vector.broadcast %sub3A_254 : f32 to vector<16xf32>
        %sub3A_256 = arith.subf %sub3A_255, %mul3A_253 : vector<16xf32>
        %mul3A_257 = arith.mulf %bitcast_convert_type3A_248, %sub3A_256 : vector<16xf32>
        %mul3A_258 = arith.mulf %gather3A_209, %mul3A_257 : vector<16xf32>
        %mul3A_259 = arith.mulf %sub3A_214, %mul3A_258 : vector<16xf32>
        %add3A_260 = arith.addf %gather3A_212, %mul3A_259 : vector<16xf32>
        tpu.vector_store_idx %arg16[%add3A_210], %add3A_260 masked %lt3A_49 : memref<4096xf32, #tpu.memory_space<vmem>>[vector<16xi32>], vector<16xf32>, vector<16xi1>
        %broadcast_in_dim3A_261 = arith.constant 2 : i32
        %broadcast_in_dim3A_262 = vector.broadcast %broadcast_in_dim3A_261 : i32 to vector<16xi32>
        %lt3A_263 = arith.constant 0 : i32
        %lt3A_264 = vector.broadcast %lt3A_263 : i32 to vector<16xi32>
        %lt3A_265 = arith.cmpi slt, %broadcast_in_dim3A_262, %lt3A_264 : vector<16xi32>
        %add3A_266 = arith.constant 16 : i32
        %add3A_267 = vector.broadcast %add3A_266 : i32 to vector<16xi32>
        %add3A_268 = arith.addi %broadcast_in_dim3A_262, %add3A_267 : vector<16xi32>
        %select_n3A_269 = arith.select %lt3A_265, %add3A_268, %broadcast_in_dim3A_262 : vector<16xi1>, vector<16xi32>
        %broadcast_in_dim3A_270 = vector.shape_cast %select_n3A_269 : vector<16xi32> to vector<16x1xi32>
        %gather3A_271 = vector.shape_cast %broadcast_in_dim3A_270 : vector<16x1xi32> to vector<16xi32>
        %gather3A_272 = tpu.dynamic_gather %get3A_94[%gather3A_271] in [0] : vector<16xi32>, vector<16xi32> -> vector<16xi32>
        %lt3A_273 = arith.constant 0 : i32
        %lt3A_274 = vector.broadcast %lt3A_273 : i32 to vector<16xi32>
        %lt3A_275 = arith.cmpi slt, %broadcast_in_dim3A_262, %lt3A_274 : vector<16xi32>
        %add3A_276 = arith.constant 16 : i32
        %add3A_277 = vector.broadcast %add3A_276 : i32 to vector<16xi32>
        %add3A_278 = arith.addi %broadcast_in_dim3A_262, %add3A_277 : vector<16xi32>
        %select_n3A_279 = arith.select %lt3A_275, %add3A_278, %broadcast_in_dim3A_262 : vector<16xi1>, vector<16xi32>
        %broadcast_in_dim3A_280 = vector.shape_cast %select_n3A_279 : vector<16xi32> to vector<16x1xi32>
        %gather3A_281 = vector.shape_cast %broadcast_in_dim3A_280 : vector<16x1xi32> to vector<16xi32>
        %gather3A_282 = tpu.dynamic_gather %get3A_96[%gather3A_281] in [0] : vector<16xi32>, vector<16xi32> -> vector<16xi32>
        %lt3A_283 = arith.constant 0 : i32
        %lt3A_284 = vector.broadcast %lt3A_283 : i32 to vector<16xi32>
        %lt3A_285 = arith.cmpi slt, %broadcast_in_dim3A_262, %lt3A_284 : vector<16xi32>
        %add3A_286 = arith.constant 16 : i32
        %add3A_287 = vector.broadcast %add3A_286 : i32 to vector<16xi32>
        %add3A_288 = arith.addi %broadcast_in_dim3A_262, %add3A_287 : vector<16xi32>
        %select_n3A_289 = arith.select %lt3A_285, %add3A_288, %broadcast_in_dim3A_262 : vector<16xi1>, vector<16xi32>
        %broadcast_in_dim3A_290 = vector.shape_cast %select_n3A_289 : vector<16xi32> to vector<16x1xi32>
        %gather3A_291 = vector.shape_cast %broadcast_in_dim3A_290 : vector<16x1xi32> to vector<16xi32>
        %gather3A_292 = tpu.dynamic_gather %get3A_98[%gather3A_291] in [0] : vector<16xf32>, vector<16xi32> -> vector<16xf32>
        %add3A_293 = arith.addi %gather3A_272, %select_n3A : vector<16xi32>
        %add3A_294 = arith.addi %gather3A_282, %select_n3A : vector<16xi32>
        %gather3A_295 = tpu.vector_load_idx %arg16[%add3A_293] masked %lt3A_49 : memref<4096xf32, #tpu.memory_space<vmem>>[vector<16xi32>], vector<16xf32>, vector<16xi1>
        %gather3A_296 = tpu.vector_load_idx %arg16[%add3A_294] masked %lt3A_49 : memref<4096xf32, #tpu.memory_space<vmem>>[vector<16xi32>], vector<16xf32>, vector<16xi1>
        %sub3A_297 = arith.subf %gather3A_295, %gather3A_296 : vector<16xf32>
        %mul3A_298 = arith.mulf %sub3A_297, %sub3A_297 : vector<16xf32>
        %lt3A_299 = arith.constant 0 : i32
        %lt3A_300 = vector.broadcast %lt3A_299 : i32 to vector<16xi32>
        %lt3A_301 = arith.cmpi slt, %select_n3A_55, %lt3A_300 : vector<16xi32>
        %add3A_302 = arith.constant 16 : i32
        %add3A_303 = vector.broadcast %add3A_302 : i32 to vector<16xi32>
        %add3A_304 = arith.addi %select_n3A_55, %add3A_303 : vector<16xi32>
        %select_n3A_305 = arith.select %lt3A_301, %add3A_304, %select_n3A_55 : vector<16xi1>, vector<16xi32>
        %broadcast_in_dim3A_306 = vector.shape_cast %select_n3A_305 : vector<16xi32> to vector<16x1xi32>
        %gather3A_307 = vector.shape_cast %broadcast_in_dim3A_306 : vector<16x1xi32> to vector<16xi32>
        %gather3A_308 = tpu.dynamic_gather %mul3A_298[%gather3A_307] in [0] : vector<16xf32>, vector<16xi32> -> vector<16xf32>
        %add3A_309 = arith.addf %mul3A_298, %gather3A_308 : vector<16xf32>
        %lt3A_310 = arith.constant 0 : i32
        %lt3A_311 = vector.broadcast %lt3A_310 : i32 to vector<16xi32>
        %lt3A_312 = arith.cmpi slt, %select_n3A_62, %lt3A_311 : vector<16xi32>
        %add3A_313 = arith.constant 16 : i32
        %add3A_314 = vector.broadcast %add3A_313 : i32 to vector<16xi32>
        %add3A_315 = arith.addi %select_n3A_62, %add3A_314 : vector<16xi32>
        %select_n3A_316 = arith.select %lt3A_312, %add3A_315, %select_n3A_62 : vector<16xi1>, vector<16xi32>
        %broadcast_in_dim3A_317 = vector.shape_cast %select_n3A_316 : vector<16xi32> to vector<16x1xi32>
        %gather3A_318 = vector.shape_cast %broadcast_in_dim3A_317 : vector<16x1xi32> to vector<16xi32>
        %gather3A_319 = tpu.dynamic_gather %mul3A_298[%gather3A_318] in [0] : vector<16xf32>, vector<16xi32> -> vector<16xf32>
        %add3A_320 = arith.addf %add3A_309, %gather3A_319 : vector<16xf32>
        %max3A_321 = arith.constant 1.000000e-35 : f32
        %max3A_322 = vector.broadcast %max3A_321 : f32 to vector<16xf32>
        %max3A_323 = arith.maximumf %add3A_320, %max3A_322 : vector<16xf32>
        %bitcast_convert_type3A_324 = tpu.bitcast %max3A_323 : vector<16xf32> -> vector<16xi32>
        %shift_right_logical3A_325 = arith.constant 1 : i32
        %shift_right_logical3A_326 = vector.broadcast %shift_right_logical3A_325 : i32 to vector<16xi32>
        %shift_right_logical3A_327 = arith.shrui %bitcast_convert_type3A_324, %shift_right_logical3A_326 : vector<16xi32>
        %sub3A_328 = arith.constant 1597463174 : i32
        %sub3A_329 = vector.broadcast %sub3A_328 : i32 to vector<16xi32>
        %sub3A_330 = arith.subi %sub3A_329, %shift_right_logical3A_327 : vector<16xi32>
        %bitcast_convert_type3A_331 = tpu.bitcast %sub3A_330 : vector<16xi32> -> vector<16xf32>
        %mul3A_332 = arith.constant 5.000000e-01 : f32
        %mul3A_333 = vector.broadcast %mul3A_332 : f32 to vector<16xf32>
        %mul3A_334 = arith.mulf %mul3A_333, %max3A_323 : vector<16xf32>
        %mul3A_335 = arith.mulf %mul3A_334, %bitcast_convert_type3A_331 : vector<16xf32>
        %mul3A_336 = arith.mulf %mul3A_335, %bitcast_convert_type3A_331 : vector<16xf32>
        %sub3A_337 = arith.constant 1.500000e+00 : f32
        %sub3A_338 = vector.broadcast %sub3A_337 : f32 to vector<16xf32>
        %sub3A_339 = arith.subf %sub3A_338, %mul3A_336 : vector<16xf32>
        %mul3A_340 = arith.mulf %bitcast_convert_type3A_331, %sub3A_339 : vector<16xf32>
        %mul3A_341 = arith.mulf %gather3A_292, %mul3A_340 : vector<16xf32>
        %mul3A_342 = arith.mulf %sub3A_297, %mul3A_341 : vector<16xf32>
        %add3A_343 = arith.addf %gather3A_295, %mul3A_342 : vector<16xf32>
        tpu.vector_store_idx %arg16[%add3A_293], %add3A_343 masked %lt3A_49 : memref<4096xf32, #tpu.memory_space<vmem>>[vector<16xi32>], vector<16xf32>, vector<16xi1>
        %broadcast_in_dim3A_344 = arith.constant 3 : i32
        %broadcast_in_dim3A_345 = vector.broadcast %broadcast_in_dim3A_344 : i32 to vector<16xi32>
        %lt3A_346 = arith.constant 0 : i32
        %lt3A_347 = vector.broadcast %lt3A_346 : i32 to vector<16xi32>
        %lt3A_348 = arith.cmpi slt, %broadcast_in_dim3A_345, %lt3A_347 : vector<16xi32>
        %add3A_349 = arith.constant 16 : i32
        %add3A_350 = vector.broadcast %add3A_349 : i32 to vector<16xi32>
        %add3A_351 = arith.addi %broadcast_in_dim3A_345, %add3A_350 : vector<16xi32>
        %select_n3A_352 = arith.select %lt3A_348, %add3A_351, %broadcast_in_dim3A_345 : vector<16xi1>, vector<16xi32>
        %broadcast_in_dim3A_353 = vector.shape_cast %select_n3A_352 : vector<16xi32> to vector<16x1xi32>
        %gather3A_354 = vector.shape_cast %broadcast_in_dim3A_353 : vector<16x1xi32> to vector<16xi32>
        %gather3A_355 = tpu.dynamic_gather %get3A_94[%gather3A_354] in [0] : vector<16xi32>, vector<16xi32> -> vector<16xi32>
        %lt3A_356 = arith.constant 0 : i32
        %lt3A_357 = vector.broadcast %lt3A_356 : i32 to vector<16xi32>
        %lt3A_358 = arith.cmpi slt, %broadcast_in_dim3A_345, %lt3A_357 : vector<16xi32>
        %add3A_359 = arith.constant 16 : i32
        %add3A_360 = vector.broadcast %add3A_359 : i32 to vector<16xi32>
        %add3A_361 = arith.addi %broadcast_in_dim3A_345, %add3A_360 : vector<16xi32>
        %select_n3A_362 = arith.select %lt3A_358, %add3A_361, %broadcast_in_dim3A_345 : vector<16xi1>, vector<16xi32>
        %broadcast_in_dim3A_363 = vector.shape_cast %select_n3A_362 : vector<16xi32> to vector<16x1xi32>
        %gather3A_364 = vector.shape_cast %broadcast_in_dim3A_363 : vector<16x1xi32> to vector<16xi32>
        %gather3A_365 = tpu.dynamic_gather %get3A_96[%gather3A_364] in [0] : vector<16xi32>, vector<16xi32> -> vector<16xi32>
        %lt3A_366 = arith.constant 0 : i32
        %lt3A_367 = vector.broadcast %lt3A_366 : i32 to vector<16xi32>
        %lt3A_368 = arith.cmpi slt, %broadcast_in_dim3A_345, %lt3A_367 : vector<16xi32>
        %add3A_369 = arith.constant 16 : i32
        %add3A_370 = vector.broadcast %add3A_369 : i32 to vector<16xi32>
        %add3A_371 = arith.addi %broadcast_in_dim3A_345, %add3A_370 : vector<16xi32>
        %select_n3A_372 = arith.select %lt3A_368, %add3A_371, %broadcast_in_dim3A_345 : vector<16xi1>, vector<16xi32>
        %broadcast_in_dim3A_373 = vector.shape_cast %select_n3A_372 : vector<16xi32> to vector<16x1xi32>
        %gather3A_374 = vector.shape_cast %broadcast_in_dim3A_373 : vector<16x1xi32> to vector<16xi32>
        %gather3A_375 = tpu.dynamic_gather %get3A_98[%gather3A_374] in [0] : vector<16xf32>, vector<16xi32> -> vector<16xf32>
        %add3A_376 = arith.addi %gather3A_355, %select_n3A : vector<16xi32>
        %add3A_377 = arith.addi %gather3A_365, %select_n3A : vector<16xi32>
        %gather3A_378 = tpu.vector_load_idx %arg16[%add3A_376] masked %lt3A_49 : memref<4096xf32, #tpu.memory_space<vmem>>[vector<16xi32>], vector<16xf32>, vector<16xi1>
        %gather3A_379 = tpu.vector_load_idx %arg16[%add3A_377] masked %lt3A_49 : memref<4096xf32, #tpu.memory_space<vmem>>[vector<16xi32>], vector<16xf32>, vector<16xi1>
        %sub3A_380 = arith.subf %gather3A_378, %gather3A_379 : vector<16xf32>
        %mul3A_381 = arith.mulf %sub3A_380, %sub3A_380 : vector<16xf32>
        %lt3A_382 = arith.constant 0 : i32
        %lt3A_383 = vector.broadcast %lt3A_382 : i32 to vector<16xi32>
        %lt3A_384 = arith.cmpi slt, %select_n3A_55, %lt3A_383 : vector<16xi32>
        %add3A_385 = arith.constant 16 : i32
        %add3A_386 = vector.broadcast %add3A_385 : i32 to vector<16xi32>
        %add3A_387 = arith.addi %select_n3A_55, %add3A_386 : vector<16xi32>
        %select_n3A_388 = arith.select %lt3A_384, %add3A_387, %select_n3A_55 : vector<16xi1>, vector<16xi32>
        %broadcast_in_dim3A_389 = vector.shape_cast %select_n3A_388 : vector<16xi32> to vector<16x1xi32>
        %gather3A_390 = vector.shape_cast %broadcast_in_dim3A_389 : vector<16x1xi32> to vector<16xi32>
        %gather3A_391 = tpu.dynamic_gather %mul3A_381[%gather3A_390] in [0] : vector<16xf32>, vector<16xi32> -> vector<16xf32>
        %add3A_392 = arith.addf %mul3A_381, %gather3A_391 : vector<16xf32>
        %lt3A_393 = arith.constant 0 : i32
        %lt3A_394 = vector.broadcast %lt3A_393 : i32 to vector<16xi32>
        %lt3A_395 = arith.cmpi slt, %select_n3A_62, %lt3A_394 : vector<16xi32>
        %add3A_396 = arith.constant 16 : i32
        %add3A_397 = vector.broadcast %add3A_396 : i32 to vector<16xi32>
        %add3A_398 = arith.addi %select_n3A_62, %add3A_397 : vector<16xi32>
        %select_n3A_399 = arith.select %lt3A_395, %add3A_398, %select_n3A_62 : vector<16xi1>, vector<16xi32>
        %broadcast_in_dim3A_400 = vector.shape_cast %select_n3A_399 : vector<16xi32> to vector<16x1xi32>
        %gather3A_401 = vector.shape_cast %broadcast_in_dim3A_400 : vector<16x1xi32> to vector<16xi32>
        %gather3A_402 = tpu.dynamic_gather %mul3A_381[%gather3A_401] in [0] : vector<16xf32>, vector<16xi32> -> vector<16xf32>
        %add3A_403 = arith.addf %add3A_392, %gather3A_402 : vector<16xf32>
        %max3A_404 = arith.constant 1.000000e-35 : f32
        %max3A_405 = vector.broadcast %max3A_404 : f32 to vector<16xf32>
        %max3A_406 = arith.maximumf %add3A_403, %max3A_405 : vector<16xf32>
        %bitcast_convert_type3A_407 = tpu.bitcast %max3A_406 : vector<16xf32> -> vector<16xi32>
        %shift_right_logical3A_408 = arith.constant 1 : i32
        %shift_right_logical3A_409 = vector.broadcast %shift_right_logical3A_408 : i32 to vector<16xi32>
        %shift_right_logical3A_410 = arith.shrui %bitcast_convert_type3A_407, %shift_right_logical3A_409 : vector<16xi32>
        %sub3A_411 = arith.constant 1597463174 : i32
        %sub3A_412 = vector.broadcast %sub3A_411 : i32 to vector<16xi32>
        %sub3A_413 = arith.subi %sub3A_412, %shift_right_logical3A_410 : vector<16xi32>
        %bitcast_convert_type3A_414 = tpu.bitcast %sub3A_413 : vector<16xi32> -> vector<16xf32>
        %mul3A_415 = arith.constant 5.000000e-01 : f32
        %mul3A_416 = vector.broadcast %mul3A_415 : f32 to vector<16xf32>
        %mul3A_417 = arith.mulf %mul3A_416, %max3A_406 : vector<16xf32>
        %mul3A_418 = arith.mulf %mul3A_417, %bitcast_convert_type3A_414 : vector<16xf32>
        %mul3A_419 = arith.mulf %mul3A_418, %bitcast_convert_type3A_414 : vector<16xf32>
        %sub3A_420 = arith.constant 1.500000e+00 : f32
        %sub3A_421 = vector.broadcast %sub3A_420 : f32 to vector<16xf32>
        %sub3A_422 = arith.subf %sub3A_421, %mul3A_419 : vector<16xf32>
        %mul3A_423 = arith.mulf %bitcast_convert_type3A_414, %sub3A_422 : vector<16xf32>
        %mul3A_424 = arith.mulf %gather3A_375, %mul3A_423 : vector<16xf32>
        %mul3A_425 = arith.mulf %sub3A_380, %mul3A_424 : vector<16xf32>
        %add3A_426 = arith.addf %gather3A_378, %mul3A_425 : vector<16xf32>
        tpu.vector_store_idx %arg16[%add3A_376], %add3A_426 masked %lt3A_49 : memref<4096xf32, #tpu.memory_space<vmem>>[vector<16xi32>], vector<16xf32>, vector<16xi1>
        %broadcast_in_dim3A_427 = arith.constant 4 : i32
        %broadcast_in_dim3A_428 = vector.broadcast %broadcast_in_dim3A_427 : i32 to vector<16xi32>
        %lt3A_429 = arith.constant 0 : i32
        %lt3A_430 = vector.broadcast %lt3A_429 : i32 to vector<16xi32>
        %lt3A_431 = arith.cmpi slt, %broadcast_in_dim3A_428, %lt3A_430 : vector<16xi32>
        %add3A_432 = arith.constant 16 : i32
        %add3A_433 = vector.broadcast %add3A_432 : i32 to vector<16xi32>
        %add3A_434 = arith.addi %broadcast_in_dim3A_428, %add3A_433 : vector<16xi32>
        %select_n3A_435 = arith.select %lt3A_431, %add3A_434, %broadcast_in_dim3A_428 : vector<16xi1>, vector<16xi32>
        %broadcast_in_dim3A_436 = vector.shape_cast %select_n3A_435 : vector<16xi32> to vector<16x1xi32>
        %gather3A_437 = vector.shape_cast %broadcast_in_dim3A_436 : vector<16x1xi32> to vector<16xi32>
        %gather3A_438 = tpu.dynamic_gather %get3A_94[%gather3A_437] in [0] : vector<16xi32>, vector<16xi32> -> vector<16xi32>
        %lt3A_439 = arith.constant 0 : i32
        %lt3A_440 = vector.broadcast %lt3A_439 : i32 to vector<16xi32>
        %lt3A_441 = arith.cmpi slt, %broadcast_in_dim3A_428, %lt3A_440 : vector<16xi32>
        %add3A_442 = arith.constant 16 : i32
        %add3A_443 = vector.broadcast %add3A_442 : i32 to vector<16xi32>
        %add3A_444 = arith.addi %broadcast_in_dim3A_428, %add3A_443 : vector<16xi32>
        %select_n3A_445 = arith.select %lt3A_441, %add3A_444, %broadcast_in_dim3A_428 : vector<16xi1>, vector<16xi32>
        %broadcast_in_dim3A_446 = vector.shape_cast %select_n3A_445 : vector<16xi32> to vector<16x1xi32>
        %gather3A_447 = vector.shape_cast %broadcast_in_dim3A_446 : vector<16x1xi32> to vector<16xi32>
        %gather3A_448 = tpu.dynamic_gather %get3A_96[%gather3A_447] in [0] : vector<16xi32>, vector<16xi32> -> vector<16xi32>
        %lt3A_449 = arith.constant 0 : i32
        %lt3A_450 = vector.broadcast %lt3A_449 : i32 to vector<16xi32>
        %lt3A_451 = arith.cmpi slt, %broadcast_in_dim3A_428, %lt3A_450 : vector<16xi32>
        %add3A_452 = arith.constant 16 : i32
        %add3A_453 = vector.broadcast %add3A_452 : i32 to vector<16xi32>
        %add3A_454 = arith.addi %broadcast_in_dim3A_428, %add3A_453 : vector<16xi32>
        %select_n3A_455 = arith.select %lt3A_451, %add3A_454, %broadcast_in_dim3A_428 : vector<16xi1>, vector<16xi32>
        %broadcast_in_dim3A_456 = vector.shape_cast %select_n3A_455 : vector<16xi32> to vector<16x1xi32>
        %gather3A_457 = vector.shape_cast %broadcast_in_dim3A_456 : vector<16x1xi32> to vector<16xi32>
        %gather3A_458 = tpu.dynamic_gather %get3A_98[%gather3A_457] in [0] : vector<16xf32>, vector<16xi32> -> vector<16xf32>
        %add3A_459 = arith.addi %gather3A_438, %select_n3A : vector<16xi32>
        %add3A_460 = arith.addi %gather3A_448, %select_n3A : vector<16xi32>
        %gather3A_461 = tpu.vector_load_idx %arg16[%add3A_459] masked %lt3A_49 : memref<4096xf32, #tpu.memory_space<vmem>>[vector<16xi32>], vector<16xf32>, vector<16xi1>
        %gather3A_462 = tpu.vector_load_idx %arg16[%add3A_460] masked %lt3A_49 : memref<4096xf32, #tpu.memory_space<vmem>>[vector<16xi32>], vector<16xf32>, vector<16xi1>
        %sub3A_463 = arith.subf %gather3A_461, %gather3A_462 : vector<16xf32>
        %mul3A_464 = arith.mulf %sub3A_463, %sub3A_463 : vector<16xf32>
        %lt3A_465 = arith.constant 0 : i32
        %lt3A_466 = vector.broadcast %lt3A_465 : i32 to vector<16xi32>
        %lt3A_467 = arith.cmpi slt, %select_n3A_55, %lt3A_466 : vector<16xi32>
        %add3A_468 = arith.constant 16 : i32
        %add3A_469 = vector.broadcast %add3A_468 : i32 to vector<16xi32>
        %add3A_470 = arith.addi %select_n3A_55, %add3A_469 : vector<16xi32>
        %select_n3A_471 = arith.select %lt3A_467, %add3A_470, %select_n3A_55 : vector<16xi1>, vector<16xi32>
        %broadcast_in_dim3A_472 = vector.shape_cast %select_n3A_471 : vector<16xi32> to vector<16x1xi32>
        %gather3A_473 = vector.shape_cast %broadcast_in_dim3A_472 : vector<16x1xi32> to vector<16xi32>
        %gather3A_474 = tpu.dynamic_gather %mul3A_464[%gather3A_473] in [0] : vector<16xf32>, vector<16xi32> -> vector<16xf32>
        %add3A_475 = arith.addf %mul3A_464, %gather3A_474 : vector<16xf32>
        %lt3A_476 = arith.constant 0 : i32
        %lt3A_477 = vector.broadcast %lt3A_476 : i32 to vector<16xi32>
        %lt3A_478 = arith.cmpi slt, %select_n3A_62, %lt3A_477 : vector<16xi32>
        %add3A_479 = arith.constant 16 : i32
        %add3A_480 = vector.broadcast %add3A_479 : i32 to vector<16xi32>
        %add3A_481 = arith.addi %select_n3A_62, %add3A_480 : vector<16xi32>
        %select_n3A_482 = arith.select %lt3A_478, %add3A_481, %select_n3A_62 : vector<16xi1>, vector<16xi32>
        %broadcast_in_dim3A_483 = vector.shape_cast %select_n3A_482 : vector<16xi32> to vector<16x1xi32>
        %gather3A_484 = vector.shape_cast %broadcast_in_dim3A_483 : vector<16x1xi32> to vector<16xi32>
        %gather3A_485 = tpu.dynamic_gather %mul3A_464[%gather3A_484] in [0] : vector<16xf32>, vector<16xi32> -> vector<16xf32>
        %add3A_486 = arith.addf %add3A_475, %gather3A_485 : vector<16xf32>
        %max3A_487 = arith.constant 1.000000e-35 : f32
        %max3A_488 = vector.broadcast %max3A_487 : f32 to vector<16xf32>
        %max3A_489 = arith.maximumf %add3A_486, %max3A_488 : vector<16xf32>
        %bitcast_convert_type3A_490 = tpu.bitcast %max3A_489 : vector<16xf32> -> vector<16xi32>
        %shift_right_logical3A_491 = arith.constant 1 : i32
        %shift_right_logical3A_492 = vector.broadcast %shift_right_logical3A_491 : i32 to vector<16xi32>
        %shift_right_logical3A_493 = arith.shrui %bitcast_convert_type3A_490, %shift_right_logical3A_492 : vector<16xi32>
        %sub3A_494 = arith.constant 1597463174 : i32
        %sub3A_495 = vector.broadcast %sub3A_494 : i32 to vector<16xi32>
        %sub3A_496 = arith.subi %sub3A_495, %shift_right_logical3A_493 : vector<16xi32>
        %bitcast_convert_type3A_497 = tpu.bitcast %sub3A_496 : vector<16xi32> -> vector<16xf32>
        %mul3A_498 = arith.constant 5.000000e-01 : f32
        %mul3A_499 = vector.broadcast %mul3A_498 : f32 to vector<16xf32>
        %mul3A_500 = arith.mulf %mul3A_499, %max3A_489 : vector<16xf32>
        %mul3A_501 = arith.mulf %mul3A_500, %bitcast_convert_type3A_497 : vector<16xf32>
        %mul3A_502 = arith.mulf %mul3A_501, %bitcast_convert_type3A_497 : vector<16xf32>
        %sub3A_503 = arith.constant 1.500000e+00 : f32
        %sub3A_504 = vector.broadcast %sub3A_503 : f32 to vector<16xf32>
        %sub3A_505 = arith.subf %sub3A_504, %mul3A_502 : vector<16xf32>
        %mul3A_506 = arith.mulf %bitcast_convert_type3A_497, %sub3A_505 : vector<16xf32>
        %mul3A_507 = arith.mulf %gather3A_458, %mul3A_506 : vector<16xf32>
        %mul3A_508 = arith.mulf %sub3A_463, %mul3A_507 : vector<16xf32>
        %add3A_509 = arith.addf %gather3A_461, %mul3A_508 : vector<16xf32>
        tpu.vector_store_idx %arg16[%add3A_459], %add3A_509 masked %lt3A_49 : memref<4096xf32, #tpu.memory_space<vmem>>[vector<16xi32>], vector<16xf32>, vector<16xi1>
        %broadcast_in_dim3A_510 = arith.constant 5 : i32
        %broadcast_in_dim3A_511 = vector.broadcast %broadcast_in_dim3A_510 : i32 to vector<16xi32>
        %lt3A_512 = arith.constant 0 : i32
        %lt3A_513 = vector.broadcast %lt3A_512 : i32 to vector<16xi32>
        %lt3A_514 = arith.cmpi slt, %broadcast_in_dim3A_511, %lt3A_513 : vector<16xi32>
        %add3A_515 = arith.constant 16 : i32
        %add3A_516 = vector.broadcast %add3A_515 : i32 to vector<16xi32>
        %add3A_517 = arith.addi %broadcast_in_dim3A_511, %add3A_516 : vector<16xi32>
        %select_n3A_518 = arith.select %lt3A_514, %add3A_517, %broadcast_in_dim3A_511 : vector<16xi1>, vector<16xi32>
        %broadcast_in_dim3A_519 = vector.shape_cast %select_n3A_518 : vector<16xi32> to vector<16x1xi32>
        %gather3A_520 = vector.shape_cast %broadcast_in_dim3A_519 : vector<16x1xi32> to vector<16xi32>
        %gather3A_521 = tpu.dynamic_gather %get3A_94[%gather3A_520] in [0] : vector<16xi32>, vector<16xi32> -> vector<16xi32>
        %lt3A_522 = arith.constant 0 : i32
        %lt3A_523 = vector.broadcast %lt3A_522 : i32 to vector<16xi32>
        %lt3A_524 = arith.cmpi slt, %broadcast_in_dim3A_511, %lt3A_523 : vector<16xi32>
        %add3A_525 = arith.constant 16 : i32
        %add3A_526 = vector.broadcast %add3A_525 : i32 to vector<16xi32>
        %add3A_527 = arith.addi %broadcast_in_dim3A_511, %add3A_526 : vector<16xi32>
        %select_n3A_528 = arith.select %lt3A_524, %add3A_527, %broadcast_in_dim3A_511 : vector<16xi1>, vector<16xi32>
        %broadcast_in_dim3A_529 = vector.shape_cast %select_n3A_528 : vector<16xi32> to vector<16x1xi32>
        %gather3A_530 = vector.shape_cast %broadcast_in_dim3A_529 : vector<16x1xi32> to vector<16xi32>
        %gather3A_531 = tpu.dynamic_gather %get3A_96[%gather3A_530] in [0] : vector<16xi32>, vector<16xi32> -> vector<16xi32>
        %lt3A_532 = arith.constant 0 : i32
        %lt3A_533 = vector.broadcast %lt3A_532 : i32 to vector<16xi32>
        %lt3A_534 = arith.cmpi slt, %broadcast_in_dim3A_511, %lt3A_533 : vector<16xi32>
        %add3A_535 = arith.constant 16 : i32
        %add3A_536 = vector.broadcast %add3A_535 : i32 to vector<16xi32>
        %add3A_537 = arith.addi %broadcast_in_dim3A_511, %add3A_536 : vector<16xi32>
        %select_n3A_538 = arith.select %lt3A_534, %add3A_537, %broadcast_in_dim3A_511 : vector<16xi1>, vector<16xi32>
        %broadcast_in_dim3A_539 = vector.shape_cast %select_n3A_538 : vector<16xi32> to vector<16x1xi32>
        %gather3A_540 = vector.shape_cast %broadcast_in_dim3A_539 : vector<16x1xi32> to vector<16xi32>
        %gather3A_541 = tpu.dynamic_gather %get3A_98[%gather3A_540] in [0] : vector<16xf32>, vector<16xi32> -> vector<16xf32>
        %add3A_542 = arith.addi %gather3A_521, %select_n3A : vector<16xi32>
        %add3A_543 = arith.addi %gather3A_531, %select_n3A : vector<16xi32>
        %gather3A_544 = tpu.vector_load_idx %arg16[%add3A_542] masked %lt3A_49 : memref<4096xf32, #tpu.memory_space<vmem>>[vector<16xi32>], vector<16xf32>, vector<16xi1>
        %gather3A_545 = tpu.vector_load_idx %arg16[%add3A_543] masked %lt3A_49 : memref<4096xf32, #tpu.memory_space<vmem>>[vector<16xi32>], vector<16xf32>, vector<16xi1>
        %sub3A_546 = arith.subf %gather3A_544, %gather3A_545 : vector<16xf32>
        %mul3A_547 = arith.mulf %sub3A_546, %sub3A_546 : vector<16xf32>
        %lt3A_548 = arith.constant 0 : i32
        %lt3A_549 = vector.broadcast %lt3A_548 : i32 to vector<16xi32>
        %lt3A_550 = arith.cmpi slt, %select_n3A_55, %lt3A_549 : vector<16xi32>
        %add3A_551 = arith.constant 16 : i32
        %add3A_552 = vector.broadcast %add3A_551 : i32 to vector<16xi32>
        %add3A_553 = arith.addi %select_n3A_55, %add3A_552 : vector<16xi32>
        %select_n3A_554 = arith.select %lt3A_550, %add3A_553, %select_n3A_55 : vector<16xi1>, vector<16xi32>
        %broadcast_in_dim3A_555 = vector.shape_cast %select_n3A_554 : vector<16xi32> to vector<16x1xi32>
        %gather3A_556 = vector.shape_cast %broadcast_in_dim3A_555 : vector<16x1xi32> to vector<16xi32>
        %gather3A_557 = tpu.dynamic_gather %mul3A_547[%gather3A_556] in [0] : vector<16xf32>, vector<16xi32> -> vector<16xf32>
        %add3A_558 = arith.addf %mul3A_547, %gather3A_557 : vector<16xf32>
        %lt3A_559 = arith.constant 0 : i32
        %lt3A_560 = vector.broadcast %lt3A_559 : i32 to vector<16xi32>
        %lt3A_561 = arith.cmpi slt, %select_n3A_62, %lt3A_560 : vector<16xi32>
        %add3A_562 = arith.constant 16 : i32
        %add3A_563 = vector.broadcast %add3A_562 : i32 to vector<16xi32>
        %add3A_564 = arith.addi %select_n3A_62, %add3A_563 : vector<16xi32>
        %select_n3A_565 = arith.select %lt3A_561, %add3A_564, %select_n3A_62 : vector<16xi1>, vector<16xi32>
        %broadcast_in_dim3A_566 = vector.shape_cast %select_n3A_565 : vector<16xi32> to vector<16x1xi32>
        %gather3A_567 = vector.shape_cast %broadcast_in_dim3A_566 : vector<16x1xi32> to vector<16xi32>
        %gather3A_568 = tpu.dynamic_gather %mul3A_547[%gather3A_567] in [0] : vector<16xf32>, vector<16xi32> -> vector<16xf32>
        %add3A_569 = arith.addf %add3A_558, %gather3A_568 : vector<16xf32>
        %max3A_570 = arith.constant 1.000000e-35 : f32
        %max3A_571 = vector.broadcast %max3A_570 : f32 to vector<16xf32>
        %max3A_572 = arith.maximumf %add3A_569, %max3A_571 : vector<16xf32>
        %bitcast_convert_type3A_573 = tpu.bitcast %max3A_572 : vector<16xf32> -> vector<16xi32>
        %shift_right_logical3A_574 = arith.constant 1 : i32
        %shift_right_logical3A_575 = vector.broadcast %shift_right_logical3A_574 : i32 to vector<16xi32>
        %shift_right_logical3A_576 = arith.shrui %bitcast_convert_type3A_573, %shift_right_logical3A_575 : vector<16xi32>
        %sub3A_577 = arith.constant 1597463174 : i32
        %sub3A_578 = vector.broadcast %sub3A_577 : i32 to vector<16xi32>
        %sub3A_579 = arith.subi %sub3A_578, %shift_right_logical3A_576 : vector<16xi32>
        %bitcast_convert_type3A_580 = tpu.bitcast %sub3A_579 : vector<16xi32> -> vector<16xf32>
        %mul3A_581 = arith.constant 5.000000e-01 : f32
        %mul3A_582 = vector.broadcast %mul3A_581 : f32 to vector<16xf32>
        %mul3A_583 = arith.mulf %mul3A_582, %max3A_572 : vector<16xf32>
        %mul3A_584 = arith.mulf %mul3A_583, %bitcast_convert_type3A_580 : vector<16xf32>
        %mul3A_585 = arith.mulf %mul3A_584, %bitcast_convert_type3A_580 : vector<16xf32>
        %sub3A_586 = arith.constant 1.500000e+00 : f32
        %sub3A_587 = vector.broadcast %sub3A_586 : f32 to vector<16xf32>
        %sub3A_588 = arith.subf %sub3A_587, %mul3A_585 : vector<16xf32>
        %mul3A_589 = arith.mulf %bitcast_convert_type3A_580, %sub3A_588 : vector<16xf32>
        %mul3A_590 = arith.mulf %gather3A_541, %mul3A_589 : vector<16xf32>
        %mul3A_591 = arith.mulf %sub3A_546, %mul3A_590 : vector<16xf32>
        %add3A_592 = arith.addf %gather3A_544, %mul3A_591 : vector<16xf32>
        tpu.vector_store_idx %arg16[%add3A_542], %add3A_592 masked %lt3A_49 : memref<4096xf32, #tpu.memory_space<vmem>>[vector<16xi32>], vector<16xf32>, vector<16xi1>
        %broadcast_in_dim3A_593 = arith.constant 6 : i32
        %broadcast_in_dim3A_594 = vector.broadcast %broadcast_in_dim3A_593 : i32 to vector<16xi32>
        %lt3A_595 = arith.constant 0 : i32
        %lt3A_596 = vector.broadcast %lt3A_595 : i32 to vector<16xi32>
        %lt3A_597 = arith.cmpi slt, %broadcast_in_dim3A_594, %lt3A_596 : vector<16xi32>
        %add3A_598 = arith.constant 16 : i32
        %add3A_599 = vector.broadcast %add3A_598 : i32 to vector<16xi32>
        %add3A_600 = arith.addi %broadcast_in_dim3A_594, %add3A_599 : vector<16xi32>
        %select_n3A_601 = arith.select %lt3A_597, %add3A_600, %broadcast_in_dim3A_594 : vector<16xi1>, vector<16xi32>
        %broadcast_in_dim3A_602 = vector.shape_cast %select_n3A_601 : vector<16xi32> to vector<16x1xi32>
        %gather3A_603 = vector.shape_cast %broadcast_in_dim3A_602 : vector<16x1xi32> to vector<16xi32>
        %gather3A_604 = tpu.dynamic_gather %get3A_94[%gather3A_603] in [0] : vector<16xi32>, vector<16xi32> -> vector<16xi32>
        %lt3A_605 = arith.constant 0 : i32
        %lt3A_606 = vector.broadcast %lt3A_605 : i32 to vector<16xi32>
        %lt3A_607 = arith.cmpi slt, %broadcast_in_dim3A_594, %lt3A_606 : vector<16xi32>
        %add3A_608 = arith.constant 16 : i32
        %add3A_609 = vector.broadcast %add3A_608 : i32 to vector<16xi32>
        %add3A_610 = arith.addi %broadcast_in_dim3A_594, %add3A_609 : vector<16xi32>
        %select_n3A_611 = arith.select %lt3A_607, %add3A_610, %broadcast_in_dim3A_594 : vector<16xi1>, vector<16xi32>
        %broadcast_in_dim3A_612 = vector.shape_cast %select_n3A_611 : vector<16xi32> to vector<16x1xi32>
        %gather3A_613 = vector.shape_cast %broadcast_in_dim3A_612 : vector<16x1xi32> to vector<16xi32>
        %gather3A_614 = tpu.dynamic_gather %get3A_96[%gather3A_613] in [0] : vector<16xi32>, vector<16xi32> -> vector<16xi32>
        %lt3A_615 = arith.constant 0 : i32
        %lt3A_616 = vector.broadcast %lt3A_615 : i32 to vector<16xi32>
        %lt3A_617 = arith.cmpi slt, %broadcast_in_dim3A_594, %lt3A_616 : vector<16xi32>
        %add3A_618 = arith.constant 16 : i32
        %add3A_619 = vector.broadcast %add3A_618 : i32 to vector<16xi32>
        %add3A_620 = arith.addi %broadcast_in_dim3A_594, %add3A_619 : vector<16xi32>
        %select_n3A_621 = arith.select %lt3A_617, %add3A_620, %broadcast_in_dim3A_594 : vector<16xi1>, vector<16xi32>
        %broadcast_in_dim3A_622 = vector.shape_cast %select_n3A_621 : vector<16xi32> to vector<16x1xi32>
        %gather3A_623 = vector.shape_cast %broadcast_in_dim3A_622 : vector<16x1xi32> to vector<16xi32>
        %gather3A_624 = tpu.dynamic_gather %get3A_98[%gather3A_623] in [0] : vector<16xf32>, vector<16xi32> -> vector<16xf32>
        %add3A_625 = arith.addi %gather3A_604, %select_n3A : vector<16xi32>
        %add3A_626 = arith.addi %gather3A_614, %select_n3A : vector<16xi32>
        %gather3A_627 = tpu.vector_load_idx %arg16[%add3A_625] masked %lt3A_49 : memref<4096xf32, #tpu.memory_space<vmem>>[vector<16xi32>], vector<16xf32>, vector<16xi1>
        %gather3A_628 = tpu.vector_load_idx %arg16[%add3A_626] masked %lt3A_49 : memref<4096xf32, #tpu.memory_space<vmem>>[vector<16xi32>], vector<16xf32>, vector<16xi1>
        %sub3A_629 = arith.subf %gather3A_627, %gather3A_628 : vector<16xf32>
        %mul3A_630 = arith.mulf %sub3A_629, %sub3A_629 : vector<16xf32>
        %lt3A_631 = arith.constant 0 : i32
        %lt3A_632 = vector.broadcast %lt3A_631 : i32 to vector<16xi32>
        %lt3A_633 = arith.cmpi slt, %select_n3A_55, %lt3A_632 : vector<16xi32>
        %add3A_634 = arith.constant 16 : i32
        %add3A_635 = vector.broadcast %add3A_634 : i32 to vector<16xi32>
        %add3A_636 = arith.addi %select_n3A_55, %add3A_635 : vector<16xi32>
        %select_n3A_637 = arith.select %lt3A_633, %add3A_636, %select_n3A_55 : vector<16xi1>, vector<16xi32>
        %broadcast_in_dim3A_638 = vector.shape_cast %select_n3A_637 : vector<16xi32> to vector<16x1xi32>
        %gather3A_639 = vector.shape_cast %broadcast_in_dim3A_638 : vector<16x1xi32> to vector<16xi32>
        %gather3A_640 = tpu.dynamic_gather %mul3A_630[%gather3A_639] in [0] : vector<16xf32>, vector<16xi32> -> vector<16xf32>
        %add3A_641 = arith.addf %mul3A_630, %gather3A_640 : vector<16xf32>
        %lt3A_642 = arith.constant 0 : i32
        %lt3A_643 = vector.broadcast %lt3A_642 : i32 to vector<16xi32>
        %lt3A_644 = arith.cmpi slt, %select_n3A_62, %lt3A_643 : vector<16xi32>
        %add3A_645 = arith.constant 16 : i32
        %add3A_646 = vector.broadcast %add3A_645 : i32 to vector<16xi32>
        %add3A_647 = arith.addi %select_n3A_62, %add3A_646 : vector<16xi32>
        %select_n3A_648 = arith.select %lt3A_644, %add3A_647, %select_n3A_62 : vector<16xi1>, vector<16xi32>
        %broadcast_in_dim3A_649 = vector.shape_cast %select_n3A_648 : vector<16xi32> to vector<16x1xi32>
        %gather3A_650 = vector.shape_cast %broadcast_in_dim3A_649 : vector<16x1xi32> to vector<16xi32>
        %gather3A_651 = tpu.dynamic_gather %mul3A_630[%gather3A_650] in [0] : vector<16xf32>, vector<16xi32> -> vector<16xf32>
        %add3A_652 = arith.addf %add3A_641, %gather3A_651 : vector<16xf32>
        %max3A_653 = arith.constant 1.000000e-35 : f32
        %max3A_654 = vector.broadcast %max3A_653 : f32 to vector<16xf32>
        %max3A_655 = arith.maximumf %add3A_652, %max3A_654 : vector<16xf32>
        %bitcast_convert_type3A_656 = tpu.bitcast %max3A_655 : vector<16xf32> -> vector<16xi32>
        %shift_right_logical3A_657 = arith.constant 1 : i32
        %shift_right_logical3A_658 = vector.broadcast %shift_right_logical3A_657 : i32 to vector<16xi32>
        %shift_right_logical3A_659 = arith.shrui %bitcast_convert_type3A_656, %shift_right_logical3A_658 : vector<16xi32>
        %sub3A_660 = arith.constant 1597463174 : i32
        %sub3A_661 = vector.broadcast %sub3A_660 : i32 to vector<16xi32>
        %sub3A_662 = arith.subi %sub3A_661, %shift_right_logical3A_659 : vector<16xi32>
        %bitcast_convert_type3A_663 = tpu.bitcast %sub3A_662 : vector<16xi32> -> vector<16xf32>
        %mul3A_664 = arith.constant 5.000000e-01 : f32
        %mul3A_665 = vector.broadcast %mul3A_664 : f32 to vector<16xf32>
        %mul3A_666 = arith.mulf %mul3A_665, %max3A_655 : vector<16xf32>
        %mul3A_667 = arith.mulf %mul3A_666, %bitcast_convert_type3A_663 : vector<16xf32>
        %mul3A_668 = arith.mulf %mul3A_667, %bitcast_convert_type3A_663 : vector<16xf32>
        %sub3A_669 = arith.constant 1.500000e+00 : f32
        %sub3A_670 = vector.broadcast %sub3A_669 : f32 to vector<16xf32>
        %sub3A_671 = arith.subf %sub3A_670, %mul3A_668 : vector<16xf32>
        %mul3A_672 = arith.mulf %bitcast_convert_type3A_663, %sub3A_671 : vector<16xf32>
        %mul3A_673 = arith.mulf %gather3A_624, %mul3A_672 : vector<16xf32>
        %mul3A_674 = arith.mulf %sub3A_629, %mul3A_673 : vector<16xf32>
        %add3A_675 = arith.addf %gather3A_627, %mul3A_674 : vector<16xf32>
        tpu.vector_store_idx %arg16[%add3A_625], %add3A_675 masked %lt3A_49 : memref<4096xf32, #tpu.memory_space<vmem>>[vector<16xi32>], vector<16xf32>, vector<16xi1>
        %broadcast_in_dim3A_676 = arith.constant 7 : i32
        %broadcast_in_dim3A_677 = vector.broadcast %broadcast_in_dim3A_676 : i32 to vector<16xi32>
        %lt3A_678 = arith.constant 0 : i32
        %lt3A_679 = vector.broadcast %lt3A_678 : i32 to vector<16xi32>
        %lt3A_680 = arith.cmpi slt, %broadcast_in_dim3A_677, %lt3A_679 : vector<16xi32>
        %add3A_681 = arith.constant 16 : i32
        %add3A_682 = vector.broadcast %add3A_681 : i32 to vector<16xi32>
        %add3A_683 = arith.addi %broadcast_in_dim3A_677, %add3A_682 : vector<16xi32>
        %select_n3A_684 = arith.select %lt3A_680, %add3A_683, %broadcast_in_dim3A_677 : vector<16xi1>, vector<16xi32>
        %broadcast_in_dim3A_685 = vector.shape_cast %select_n3A_684 : vector<16xi32> to vector<16x1xi32>
        %gather3A_686 = vector.shape_cast %broadcast_in_dim3A_685 : vector<16x1xi32> to vector<16xi32>
        %gather3A_687 = tpu.dynamic_gather %get3A_94[%gather3A_686] in [0] : vector<16xi32>, vector<16xi32> -> vector<16xi32>
        %lt3A_688 = arith.constant 0 : i32
        %lt3A_689 = vector.broadcast %lt3A_688 : i32 to vector<16xi32>
        %lt3A_690 = arith.cmpi slt, %broadcast_in_dim3A_677, %lt3A_689 : vector<16xi32>
        %add3A_691 = arith.constant 16 : i32
        %add3A_692 = vector.broadcast %add3A_691 : i32 to vector<16xi32>
        %add3A_693 = arith.addi %broadcast_in_dim3A_677, %add3A_692 : vector<16xi32>
        %select_n3A_694 = arith.select %lt3A_690, %add3A_693, %broadcast_in_dim3A_677 : vector<16xi1>, vector<16xi32>
        %broadcast_in_dim3A_695 = vector.shape_cast %select_n3A_694 : vector<16xi32> to vector<16x1xi32>
        %gather3A_696 = vector.shape_cast %broadcast_in_dim3A_695 : vector<16x1xi32> to vector<16xi32>
        %gather3A_697 = tpu.dynamic_gather %get3A_96[%gather3A_696] in [0] : vector<16xi32>, vector<16xi32> -> vector<16xi32>
        %lt3A_698 = arith.constant 0 : i32
        %lt3A_699 = vector.broadcast %lt3A_698 : i32 to vector<16xi32>
        %lt3A_700 = arith.cmpi slt, %broadcast_in_dim3A_677, %lt3A_699 : vector<16xi32>
        %add3A_701 = arith.constant 16 : i32
        %add3A_702 = vector.broadcast %add3A_701 : i32 to vector<16xi32>
        %add3A_703 = arith.addi %broadcast_in_dim3A_677, %add3A_702 : vector<16xi32>
        %select_n3A_704 = arith.select %lt3A_700, %add3A_703, %broadcast_in_dim3A_677 : vector<16xi1>, vector<16xi32>
        %broadcast_in_dim3A_705 = vector.shape_cast %select_n3A_704 : vector<16xi32> to vector<16x1xi32>
        %gather3A_706 = vector.shape_cast %broadcast_in_dim3A_705 : vector<16x1xi32> to vector<16xi32>
        %gather3A_707 = tpu.dynamic_gather %get3A_98[%gather3A_706] in [0] : vector<16xf32>, vector<16xi32> -> vector<16xf32>
        %add3A_708 = arith.addi %gather3A_687, %select_n3A : vector<16xi32>
        %add3A_709 = arith.addi %gather3A_697, %select_n3A : vector<16xi32>
        %gather3A_710 = tpu.vector_load_idx %arg16[%add3A_708] masked %lt3A_49 : memref<4096xf32, #tpu.memory_space<vmem>>[vector<16xi32>], vector<16xf32>, vector<16xi1>
        %gather3A_711 = tpu.vector_load_idx %arg16[%add3A_709] masked %lt3A_49 : memref<4096xf32, #tpu.memory_space<vmem>>[vector<16xi32>], vector<16xf32>, vector<16xi1>
        %sub3A_712 = arith.subf %gather3A_710, %gather3A_711 : vector<16xf32>
        %mul3A_713 = arith.mulf %sub3A_712, %sub3A_712 : vector<16xf32>
        %lt3A_714 = arith.constant 0 : i32
        %lt3A_715 = vector.broadcast %lt3A_714 : i32 to vector<16xi32>
        %lt3A_716 = arith.cmpi slt, %select_n3A_55, %lt3A_715 : vector<16xi32>
        %add3A_717 = arith.constant 16 : i32
        %add3A_718 = vector.broadcast %add3A_717 : i32 to vector<16xi32>
        %add3A_719 = arith.addi %select_n3A_55, %add3A_718 : vector<16xi32>
        %select_n3A_720 = arith.select %lt3A_716, %add3A_719, %select_n3A_55 : vector<16xi1>, vector<16xi32>
        %broadcast_in_dim3A_721 = vector.shape_cast %select_n3A_720 : vector<16xi32> to vector<16x1xi32>
        %gather3A_722 = vector.shape_cast %broadcast_in_dim3A_721 : vector<16x1xi32> to vector<16xi32>
        %gather3A_723 = tpu.dynamic_gather %mul3A_713[%gather3A_722] in [0] : vector<16xf32>, vector<16xi32> -> vector<16xf32>
        %add3A_724 = arith.addf %mul3A_713, %gather3A_723 : vector<16xf32>
        %lt3A_725 = arith.constant 0 : i32
        %lt3A_726 = vector.broadcast %lt3A_725 : i32 to vector<16xi32>
        %lt3A_727 = arith.cmpi slt, %select_n3A_62, %lt3A_726 : vector<16xi32>
        %add3A_728 = arith.constant 16 : i32
        %add3A_729 = vector.broadcast %add3A_728 : i32 to vector<16xi32>
        %add3A_730 = arith.addi %select_n3A_62, %add3A_729 : vector<16xi32>
        %select_n3A_731 = arith.select %lt3A_727, %add3A_730, %select_n3A_62 : vector<16xi1>, vector<16xi32>
        %broadcast_in_dim3A_732 = vector.shape_cast %select_n3A_731 : vector<16xi32> to vector<16x1xi32>
        %gather3A_733 = vector.shape_cast %broadcast_in_dim3A_732 : vector<16x1xi32> to vector<16xi32>
        %gather3A_734 = tpu.dynamic_gather %mul3A_713[%gather3A_733] in [0] : vector<16xf32>, vector<16xi32> -> vector<16xf32>
        %add3A_735 = arith.addf %add3A_724, %gather3A_734 : vector<16xf32>
        %max3A_736 = arith.constant 1.000000e-35 : f32
        %max3A_737 = vector.broadcast %max3A_736 : f32 to vector<16xf32>
        %max3A_738 = arith.maximumf %add3A_735, %max3A_737 : vector<16xf32>
        %bitcast_convert_type3A_739 = tpu.bitcast %max3A_738 : vector<16xf32> -> vector<16xi32>
        %shift_right_logical3A_740 = arith.constant 1 : i32
        %shift_right_logical3A_741 = vector.broadcast %shift_right_logical3A_740 : i32 to vector<16xi32>
        %shift_right_logical3A_742 = arith.shrui %bitcast_convert_type3A_739, %shift_right_logical3A_741 : vector<16xi32>
        %sub3A_743 = arith.constant 1597463174 : i32
        %sub3A_744 = vector.broadcast %sub3A_743 : i32 to vector<16xi32>
        %sub3A_745 = arith.subi %sub3A_744, %shift_right_logical3A_742 : vector<16xi32>
        %bitcast_convert_type3A_746 = tpu.bitcast %sub3A_745 : vector<16xi32> -> vector<16xf32>
        %mul3A_747 = arith.constant 5.000000e-01 : f32
        %mul3A_748 = vector.broadcast %mul3A_747 : f32 to vector<16xf32>
        %mul3A_749 = arith.mulf %mul3A_748, %max3A_738 : vector<16xf32>
        %mul3A_750 = arith.mulf %mul3A_749, %bitcast_convert_type3A_746 : vector<16xf32>
        %mul3A_751 = arith.mulf %mul3A_750, %bitcast_convert_type3A_746 : vector<16xf32>
        %sub3A_752 = arith.constant 1.500000e+00 : f32
        %sub3A_753 = vector.broadcast %sub3A_752 : f32 to vector<16xf32>
        %sub3A_754 = arith.subf %sub3A_753, %mul3A_751 : vector<16xf32>
        %mul3A_755 = arith.mulf %bitcast_convert_type3A_746, %sub3A_754 : vector<16xf32>
        %mul3A_756 = arith.mulf %gather3A_707, %mul3A_755 : vector<16xf32>
        %mul3A_757 = arith.mulf %sub3A_712, %mul3A_756 : vector<16xf32>
        %add3A_758 = arith.addf %gather3A_710, %mul3A_757 : vector<16xf32>
        tpu.vector_store_idx %arg16[%add3A_708], %add3A_758 masked %lt3A_49 : memref<4096xf32, #tpu.memory_space<vmem>>[vector<16xi32>], vector<16xf32>, vector<16xi1>
        %broadcast_in_dim3A_759 = arith.constant 8 : i32
        %broadcast_in_dim3A_760 = vector.broadcast %broadcast_in_dim3A_759 : i32 to vector<16xi32>
        %lt3A_761 = arith.constant 0 : i32
        %lt3A_762 = vector.broadcast %lt3A_761 : i32 to vector<16xi32>
        %lt3A_763 = arith.cmpi slt, %broadcast_in_dim3A_760, %lt3A_762 : vector<16xi32>
        %add3A_764 = arith.constant 16 : i32
        %add3A_765 = vector.broadcast %add3A_764 : i32 to vector<16xi32>
        %add3A_766 = arith.addi %broadcast_in_dim3A_760, %add3A_765 : vector<16xi32>
        %select_n3A_767 = arith.select %lt3A_763, %add3A_766, %broadcast_in_dim3A_760 : vector<16xi1>, vector<16xi32>
        %broadcast_in_dim3A_768 = vector.shape_cast %select_n3A_767 : vector<16xi32> to vector<16x1xi32>
        %gather3A_769 = vector.shape_cast %broadcast_in_dim3A_768 : vector<16x1xi32> to vector<16xi32>
        %gather3A_770 = tpu.dynamic_gather %get3A_94[%gather3A_769] in [0] : vector<16xi32>, vector<16xi32> -> vector<16xi32>
        %lt3A_771 = arith.constant 0 : i32
        %lt3A_772 = vector.broadcast %lt3A_771 : i32 to vector<16xi32>
        %lt3A_773 = arith.cmpi slt, %broadcast_in_dim3A_760, %lt3A_772 : vector<16xi32>
        %add3A_774 = arith.constant 16 : i32
        %add3A_775 = vector.broadcast %add3A_774 : i32 to vector<16xi32>
        %add3A_776 = arith.addi %broadcast_in_dim3A_760, %add3A_775 : vector<16xi32>
        %select_n3A_777 = arith.select %lt3A_773, %add3A_776, %broadcast_in_dim3A_760 : vector<16xi1>, vector<16xi32>
        %broadcast_in_dim3A_778 = vector.shape_cast %select_n3A_777 : vector<16xi32> to vector<16x1xi32>
        %gather3A_779 = vector.shape_cast %broadcast_in_dim3A_778 : vector<16x1xi32> to vector<16xi32>
        %gather3A_780 = tpu.dynamic_gather %get3A_96[%gather3A_779] in [0] : vector<16xi32>, vector<16xi32> -> vector<16xi32>
        %lt3A_781 = arith.constant 0 : i32
        %lt3A_782 = vector.broadcast %lt3A_781 : i32 to vector<16xi32>
        %lt3A_783 = arith.cmpi slt, %broadcast_in_dim3A_760, %lt3A_782 : vector<16xi32>
        %add3A_784 = arith.constant 16 : i32
        %add3A_785 = vector.broadcast %add3A_784 : i32 to vector<16xi32>
        %add3A_786 = arith.addi %broadcast_in_dim3A_760, %add3A_785 : vector<16xi32>
        %select_n3A_787 = arith.select %lt3A_783, %add3A_786, %broadcast_in_dim3A_760 : vector<16xi1>, vector<16xi32>
        %broadcast_in_dim3A_788 = vector.shape_cast %select_n3A_787 : vector<16xi32> to vector<16x1xi32>
        %gather3A_789 = vector.shape_cast %broadcast_in_dim3A_788 : vector<16x1xi32> to vector<16xi32>
        %gather3A_790 = tpu.dynamic_gather %get3A_98[%gather3A_789] in [0] : vector<16xf32>, vector<16xi32> -> vector<16xf32>
        %add3A_791 = arith.addi %gather3A_770, %select_n3A : vector<16xi32>
        %add3A_792 = arith.addi %gather3A_780, %select_n3A : vector<16xi32>
        %gather3A_793 = tpu.vector_load_idx %arg16[%add3A_791] masked %lt3A_49 : memref<4096xf32, #tpu.memory_space<vmem>>[vector<16xi32>], vector<16xf32>, vector<16xi1>
        %gather3A_794 = tpu.vector_load_idx %arg16[%add3A_792] masked %lt3A_49 : memref<4096xf32, #tpu.memory_space<vmem>>[vector<16xi32>], vector<16xf32>, vector<16xi1>
        %sub3A_795 = arith.subf %gather3A_793, %gather3A_794 : vector<16xf32>
        %mul3A_796 = arith.mulf %sub3A_795, %sub3A_795 : vector<16xf32>
        %lt3A_797 = arith.constant 0 : i32
        %lt3A_798 = vector.broadcast %lt3A_797 : i32 to vector<16xi32>
        %lt3A_799 = arith.cmpi slt, %select_n3A_55, %lt3A_798 : vector<16xi32>
        %add3A_800 = arith.constant 16 : i32
        %add3A_801 = vector.broadcast %add3A_800 : i32 to vector<16xi32>
        %add3A_802 = arith.addi %select_n3A_55, %add3A_801 : vector<16xi32>
        %select_n3A_803 = arith.select %lt3A_799, %add3A_802, %select_n3A_55 : vector<16xi1>, vector<16xi32>
        %broadcast_in_dim3A_804 = vector.shape_cast %select_n3A_803 : vector<16xi32> to vector<16x1xi32>
        %gather3A_805 = vector.shape_cast %broadcast_in_dim3A_804 : vector<16x1xi32> to vector<16xi32>
        %gather3A_806 = tpu.dynamic_gather %mul3A_796[%gather3A_805] in [0] : vector<16xf32>, vector<16xi32> -> vector<16xf32>
        %add3A_807 = arith.addf %mul3A_796, %gather3A_806 : vector<16xf32>
        %lt3A_808 = arith.constant 0 : i32
        %lt3A_809 = vector.broadcast %lt3A_808 : i32 to vector<16xi32>
        %lt3A_810 = arith.cmpi slt, %select_n3A_62, %lt3A_809 : vector<16xi32>
        %add3A_811 = arith.constant 16 : i32
        %add3A_812 = vector.broadcast %add3A_811 : i32 to vector<16xi32>
        %add3A_813 = arith.addi %select_n3A_62, %add3A_812 : vector<16xi32>
        %select_n3A_814 = arith.select %lt3A_810, %add3A_813, %select_n3A_62 : vector<16xi1>, vector<16xi32>
        %broadcast_in_dim3A_815 = vector.shape_cast %select_n3A_814 : vector<16xi32> to vector<16x1xi32>
        %gather3A_816 = vector.shape_cast %broadcast_in_dim3A_815 : vector<16x1xi32> to vector<16xi32>
        %gather3A_817 = tpu.dynamic_gather %mul3A_796[%gather3A_816] in [0] : vector<16xf32>, vector<16xi32> -> vector<16xf32>
        %add3A_818 = arith.addf %add3A_807, %gather3A_817 : vector<16xf32>
        %max3A_819 = arith.constant 1.000000e-35 : f32
        %max3A_820 = vector.broadcast %max3A_819 : f32 to vector<16xf32>
        %max3A_821 = arith.maximumf %add3A_818, %max3A_820 : vector<16xf32>
        %bitcast_convert_type3A_822 = tpu.bitcast %max3A_821 : vector<16xf32> -> vector<16xi32>
        %shift_right_logical3A_823 = arith.constant 1 : i32
        %shift_right_logical3A_824 = vector.broadcast %shift_right_logical3A_823 : i32 to vector<16xi32>
        %shift_right_logical3A_825 = arith.shrui %bitcast_convert_type3A_822, %shift_right_logical3A_824 : vector<16xi32>
        %sub3A_826 = arith.constant 1597463174 : i32
        %sub3A_827 = vector.broadcast %sub3A_826 : i32 to vector<16xi32>
        %sub3A_828 = arith.subi %sub3A_827, %shift_right_logical3A_825 : vector<16xi32>
        %bitcast_convert_type3A_829 = tpu.bitcast %sub3A_828 : vector<16xi32> -> vector<16xf32>
        %mul3A_830 = arith.constant 5.000000e-01 : f32
        %mul3A_831 = vector.broadcast %mul3A_830 : f32 to vector<16xf32>
        %mul3A_832 = arith.mulf %mul3A_831, %max3A_821 : vector<16xf32>
        %mul3A_833 = arith.mulf %mul3A_832, %bitcast_convert_type3A_829 : vector<16xf32>
        %mul3A_834 = arith.mulf %mul3A_833, %bitcast_convert_type3A_829 : vector<16xf32>
        %sub3A_835 = arith.constant 1.500000e+00 : f32
        %sub3A_836 = vector.broadcast %sub3A_835 : f32 to vector<16xf32>
        %sub3A_837 = arith.subf %sub3A_836, %mul3A_834 : vector<16xf32>
        %mul3A_838 = arith.mulf %bitcast_convert_type3A_829, %sub3A_837 : vector<16xf32>
        %mul3A_839 = arith.mulf %gather3A_790, %mul3A_838 : vector<16xf32>
        %mul3A_840 = arith.mulf %sub3A_795, %mul3A_839 : vector<16xf32>
        %add3A_841 = arith.addf %gather3A_793, %mul3A_840 : vector<16xf32>
        tpu.vector_store_idx %arg16[%add3A_791], %add3A_841 masked %lt3A_49 : memref<4096xf32, #tpu.memory_space<vmem>>[vector<16xi32>], vector<16xf32>, vector<16xi1>
        %broadcast_in_dim3A_842 = arith.constant 9 : i32
        %broadcast_in_dim3A_843 = vector.broadcast %broadcast_in_dim3A_842 : i32 to vector<16xi32>
        %lt3A_844 = arith.constant 0 : i32
        %lt3A_845 = vector.broadcast %lt3A_844 : i32 to vector<16xi32>
        %lt3A_846 = arith.cmpi slt, %broadcast_in_dim3A_843, %lt3A_845 : vector<16xi32>
        %add3A_847 = arith.constant 16 : i32
        %add3A_848 = vector.broadcast %add3A_847 : i32 to vector<16xi32>
        %add3A_849 = arith.addi %broadcast_in_dim3A_843, %add3A_848 : vector<16xi32>
        %select_n3A_850 = arith.select %lt3A_846, %add3A_849, %broadcast_in_dim3A_843 : vector<16xi1>, vector<16xi32>
        %broadcast_in_dim3A_851 = vector.shape_cast %select_n3A_850 : vector<16xi32> to vector<16x1xi32>
        %gather3A_852 = vector.shape_cast %broadcast_in_dim3A_851 : vector<16x1xi32> to vector<16xi32>
        %gather3A_853 = tpu.dynamic_gather %get3A_94[%gather3A_852] in [0] : vector<16xi32>, vector<16xi32> -> vector<16xi32>
        %lt3A_854 = arith.constant 0 : i32
        %lt3A_855 = vector.broadcast %lt3A_854 : i32 to vector<16xi32>
        %lt3A_856 = arith.cmpi slt, %broadcast_in_dim3A_843, %lt3A_855 : vector<16xi32>
        %add3A_857 = arith.constant 16 : i32
        %add3A_858 = vector.broadcast %add3A_857 : i32 to vector<16xi32>
        %add3A_859 = arith.addi %broadcast_in_dim3A_843, %add3A_858 : vector<16xi32>
        %select_n3A_860 = arith.select %lt3A_856, %add3A_859, %broadcast_in_dim3A_843 : vector<16xi1>, vector<16xi32>
        %broadcast_in_dim3A_861 = vector.shape_cast %select_n3A_860 : vector<16xi32> to vector<16x1xi32>
        %gather3A_862 = vector.shape_cast %broadcast_in_dim3A_861 : vector<16x1xi32> to vector<16xi32>
        %gather3A_863 = tpu.dynamic_gather %get3A_96[%gather3A_862] in [0] : vector<16xi32>, vector<16xi32> -> vector<16xi32>
        %lt3A_864 = arith.constant 0 : i32
        %lt3A_865 = vector.broadcast %lt3A_864 : i32 to vector<16xi32>
        %lt3A_866 = arith.cmpi slt, %broadcast_in_dim3A_843, %lt3A_865 : vector<16xi32>
        %add3A_867 = arith.constant 16 : i32
        %add3A_868 = vector.broadcast %add3A_867 : i32 to vector<16xi32>
        %add3A_869 = arith.addi %broadcast_in_dim3A_843, %add3A_868 : vector<16xi32>
        %select_n3A_870 = arith.select %lt3A_866, %add3A_869, %broadcast_in_dim3A_843 : vector<16xi1>, vector<16xi32>
        %broadcast_in_dim3A_871 = vector.shape_cast %select_n3A_870 : vector<16xi32> to vector<16x1xi32>
        %gather3A_872 = vector.shape_cast %broadcast_in_dim3A_871 : vector<16x1xi32> to vector<16xi32>
        %gather3A_873 = tpu.dynamic_gather %get3A_98[%gather3A_872] in [0] : vector<16xf32>, vector<16xi32> -> vector<16xf32>
        %add3A_874 = arith.addi %gather3A_853, %select_n3A : vector<16xi32>
        %add3A_875 = arith.addi %gather3A_863, %select_n3A : vector<16xi32>
        %gather3A_876 = tpu.vector_load_idx %arg16[%add3A_874] masked %lt3A_49 : memref<4096xf32, #tpu.memory_space<vmem>>[vector<16xi32>], vector<16xf32>, vector<16xi1>
        %gather3A_877 = tpu.vector_load_idx %arg16[%add3A_875] masked %lt3A_49 : memref<4096xf32, #tpu.memory_space<vmem>>[vector<16xi32>], vector<16xf32>, vector<16xi1>
        %sub3A_878 = arith.subf %gather3A_876, %gather3A_877 : vector<16xf32>
        %mul3A_879 = arith.mulf %sub3A_878, %sub3A_878 : vector<16xf32>
        %lt3A_880 = arith.constant 0 : i32
        %lt3A_881 = vector.broadcast %lt3A_880 : i32 to vector<16xi32>
        %lt3A_882 = arith.cmpi slt, %select_n3A_55, %lt3A_881 : vector<16xi32>
        %add3A_883 = arith.constant 16 : i32
        %add3A_884 = vector.broadcast %add3A_883 : i32 to vector<16xi32>
        %add3A_885 = arith.addi %select_n3A_55, %add3A_884 : vector<16xi32>
        %select_n3A_886 = arith.select %lt3A_882, %add3A_885, %select_n3A_55 : vector<16xi1>, vector<16xi32>
        %broadcast_in_dim3A_887 = vector.shape_cast %select_n3A_886 : vector<16xi32> to vector<16x1xi32>
        %gather3A_888 = vector.shape_cast %broadcast_in_dim3A_887 : vector<16x1xi32> to vector<16xi32>
        %gather3A_889 = tpu.dynamic_gather %mul3A_879[%gather3A_888] in [0] : vector<16xf32>, vector<16xi32> -> vector<16xf32>
        %add3A_890 = arith.addf %mul3A_879, %gather3A_889 : vector<16xf32>
        %lt3A_891 = arith.constant 0 : i32
        %lt3A_892 = vector.broadcast %lt3A_891 : i32 to vector<16xi32>
        %lt3A_893 = arith.cmpi slt, %select_n3A_62, %lt3A_892 : vector<16xi32>
        %add3A_894 = arith.constant 16 : i32
        %add3A_895 = vector.broadcast %add3A_894 : i32 to vector<16xi32>
        %add3A_896 = arith.addi %select_n3A_62, %add3A_895 : vector<16xi32>
        %select_n3A_897 = arith.select %lt3A_893, %add3A_896, %select_n3A_62 : vector<16xi1>, vector<16xi32>
        %broadcast_in_dim3A_898 = vector.shape_cast %select_n3A_897 : vector<16xi32> to vector<16x1xi32>
        %gather3A_899 = vector.shape_cast %broadcast_in_dim3A_898 : vector<16x1xi32> to vector<16xi32>
        %gather3A_900 = tpu.dynamic_gather %mul3A_879[%gather3A_899] in [0] : vector<16xf32>, vector<16xi32> -> vector<16xf32>
        %add3A_901 = arith.addf %add3A_890, %gather3A_900 : vector<16xf32>
        %max3A_902 = arith.constant 1.000000e-35 : f32
        %max3A_903 = vector.broadcast %max3A_902 : f32 to vector<16xf32>
        %max3A_904 = arith.maximumf %add3A_901, %max3A_903 : vector<16xf32>
        %bitcast_convert_type3A_905 = tpu.bitcast %max3A_904 : vector<16xf32> -> vector<16xi32>
        %shift_right_logical3A_906 = arith.constant 1 : i32
        %shift_right_logical3A_907 = vector.broadcast %shift_right_logical3A_906 : i32 to vector<16xi32>
        %shift_right_logical3A_908 = arith.shrui %bitcast_convert_type3A_905, %shift_right_logical3A_907 : vector<16xi32>
        %sub3A_909 = arith.constant 1597463174 : i32
        %sub3A_910 = vector.broadcast %sub3A_909 : i32 to vector<16xi32>
        %sub3A_911 = arith.subi %sub3A_910, %shift_right_logical3A_908 : vector<16xi32>
        %bitcast_convert_type3A_912 = tpu.bitcast %sub3A_911 : vector<16xi32> -> vector<16xf32>
        %mul3A_913 = arith.constant 5.000000e-01 : f32
        %mul3A_914 = vector.broadcast %mul3A_913 : f32 to vector<16xf32>
        %mul3A_915 = arith.mulf %mul3A_914, %max3A_904 : vector<16xf32>
        %mul3A_916 = arith.mulf %mul3A_915, %bitcast_convert_type3A_912 : vector<16xf32>
        %mul3A_917 = arith.mulf %mul3A_916, %bitcast_convert_type3A_912 : vector<16xf32>
        %sub3A_918 = arith.constant 1.500000e+00 : f32
        %sub3A_919 = vector.broadcast %sub3A_918 : f32 to vector<16xf32>
        %sub3A_920 = arith.subf %sub3A_919, %mul3A_917 : vector<16xf32>
        %mul3A_921 = arith.mulf %bitcast_convert_type3A_912, %sub3A_920 : vector<16xf32>
        %mul3A_922 = arith.mulf %gather3A_873, %mul3A_921 : vector<16xf32>
        %mul3A_923 = arith.mulf %sub3A_878, %mul3A_922 : vector<16xf32>
        %add3A_924 = arith.addf %gather3A_876, %mul3A_923 : vector<16xf32>
        tpu.vector_store_idx %arg16[%add3A_874], %add3A_924 masked %lt3A_49 : memref<4096xf32, #tpu.memory_space<vmem>>[vector<16xi32>], vector<16xf32>, vector<16xi1>
        %broadcast_in_dim3A_925 = arith.constant 10 : i32
        %broadcast_in_dim3A_926 = vector.broadcast %broadcast_in_dim3A_925 : i32 to vector<16xi32>
        %lt3A_927 = arith.constant 0 : i32
        %lt3A_928 = vector.broadcast %lt3A_927 : i32 to vector<16xi32>
        %lt3A_929 = arith.cmpi slt, %broadcast_in_dim3A_926, %lt3A_928 : vector<16xi32>
        %add3A_930 = arith.constant 16 : i32
        %add3A_931 = vector.broadcast %add3A_930 : i32 to vector<16xi32>
        %add3A_932 = arith.addi %broadcast_in_dim3A_926, %add3A_931 : vector<16xi32>
        %select_n3A_933 = arith.select %lt3A_929, %add3A_932, %broadcast_in_dim3A_926 : vector<16xi1>, vector<16xi32>
        %broadcast_in_dim3A_934 = vector.shape_cast %select_n3A_933 : vector<16xi32> to vector<16x1xi32>
        %gather3A_935 = vector.shape_cast %broadcast_in_dim3A_934 : vector<16x1xi32> to vector<16xi32>
        %gather3A_936 = tpu.dynamic_gather %get3A_94[%gather3A_935] in [0] : vector<16xi32>, vector<16xi32> -> vector<16xi32>
        %lt3A_937 = arith.constant 0 : i32
        %lt3A_938 = vector.broadcast %lt3A_937 : i32 to vector<16xi32>
        %lt3A_939 = arith.cmpi slt, %broadcast_in_dim3A_926, %lt3A_938 : vector<16xi32>
        %add3A_940 = arith.constant 16 : i32
        %add3A_941 = vector.broadcast %add3A_940 : i32 to vector<16xi32>
        %add3A_942 = arith.addi %broadcast_in_dim3A_926, %add3A_941 : vector<16xi32>
        %select_n3A_943 = arith.select %lt3A_939, %add3A_942, %broadcast_in_dim3A_926 : vector<16xi1>, vector<16xi32>
        %broadcast_in_dim3A_944 = vector.shape_cast %select_n3A_943 : vector<16xi32> to vector<16x1xi32>
        %gather3A_945 = vector.shape_cast %broadcast_in_dim3A_944 : vector<16x1xi32> to vector<16xi32>
        %gather3A_946 = tpu.dynamic_gather %get3A_96[%gather3A_945] in [0] : vector<16xi32>, vector<16xi32> -> vector<16xi32>
        %lt3A_947 = arith.constant 0 : i32
        %lt3A_948 = vector.broadcast %lt3A_947 : i32 to vector<16xi32>
        %lt3A_949 = arith.cmpi slt, %broadcast_in_dim3A_926, %lt3A_948 : vector<16xi32>
        %add3A_950 = arith.constant 16 : i32
        %add3A_951 = vector.broadcast %add3A_950 : i32 to vector<16xi32>
        %add3A_952 = arith.addi %broadcast_in_dim3A_926, %add3A_951 : vector<16xi32>
        %select_n3A_953 = arith.select %lt3A_949, %add3A_952, %broadcast_in_dim3A_926 : vector<16xi1>, vector<16xi32>
        %broadcast_in_dim3A_954 = vector.shape_cast %select_n3A_953 : vector<16xi32> to vector<16x1xi32>
        %gather3A_955 = vector.shape_cast %broadcast_in_dim3A_954 : vector<16x1xi32> to vector<16xi32>
        %gather3A_956 = tpu.dynamic_gather %get3A_98[%gather3A_955] in [0] : vector<16xf32>, vector<16xi32> -> vector<16xf32>
        %add3A_957 = arith.addi %gather3A_936, %select_n3A : vector<16xi32>
        %add3A_958 = arith.addi %gather3A_946, %select_n3A : vector<16xi32>
        %gather3A_959 = tpu.vector_load_idx %arg16[%add3A_957] masked %lt3A_49 : memref<4096xf32, #tpu.memory_space<vmem>>[vector<16xi32>], vector<16xf32>, vector<16xi1>
        %gather3A_960 = tpu.vector_load_idx %arg16[%add3A_958] masked %lt3A_49 : memref<4096xf32, #tpu.memory_space<vmem>>[vector<16xi32>], vector<16xf32>, vector<16xi1>
        %sub3A_961 = arith.subf %gather3A_959, %gather3A_960 : vector<16xf32>
        %mul3A_962 = arith.mulf %sub3A_961, %sub3A_961 : vector<16xf32>
        %lt3A_963 = arith.constant 0 : i32
        %lt3A_964 = vector.broadcast %lt3A_963 : i32 to vector<16xi32>
        %lt3A_965 = arith.cmpi slt, %select_n3A_55, %lt3A_964 : vector<16xi32>
        %add3A_966 = arith.constant 16 : i32
        %add3A_967 = vector.broadcast %add3A_966 : i32 to vector<16xi32>
        %add3A_968 = arith.addi %select_n3A_55, %add3A_967 : vector<16xi32>
        %select_n3A_969 = arith.select %lt3A_965, %add3A_968, %select_n3A_55 : vector<16xi1>, vector<16xi32>
        %broadcast_in_dim3A_970 = vector.shape_cast %select_n3A_969 : vector<16xi32> to vector<16x1xi32>
        %gather3A_971 = vector.shape_cast %broadcast_in_dim3A_970 : vector<16x1xi32> to vector<16xi32>
        %gather3A_972 = tpu.dynamic_gather %mul3A_962[%gather3A_971] in [0] : vector<16xf32>, vector<16xi32> -> vector<16xf32>
        %add3A_973 = arith.addf %mul3A_962, %gather3A_972 : vector<16xf32>
        %lt3A_974 = arith.constant 0 : i32
        %lt3A_975 = vector.broadcast %lt3A_974 : i32 to vector<16xi32>
        %lt3A_976 = arith.cmpi slt, %select_n3A_62, %lt3A_975 : vector<16xi32>
        %add3A_977 = arith.constant 16 : i32
        %add3A_978 = vector.broadcast %add3A_977 : i32 to vector<16xi32>
        %add3A_979 = arith.addi %select_n3A_62, %add3A_978 : vector<16xi32>
        %select_n3A_980 = arith.select %lt3A_976, %add3A_979, %select_n3A_62 : vector<16xi1>, vector<16xi32>
        %broadcast_in_dim3A_981 = vector.shape_cast %select_n3A_980 : vector<16xi32> to vector<16x1xi32>
        %gather3A_982 = vector.shape_cast %broadcast_in_dim3A_981 : vector<16x1xi32> to vector<16xi32>
        %gather3A_983 = tpu.dynamic_gather %mul3A_962[%gather3A_982] in [0] : vector<16xf32>, vector<16xi32> -> vector<16xf32>
        %add3A_984 = arith.addf %add3A_973, %gather3A_983 : vector<16xf32>
        %max3A_985 = arith.constant 1.000000e-35 : f32
        %max3A_986 = vector.broadcast %max3A_985 : f32 to vector<16xf32>
        %max3A_987 = arith.maximumf %add3A_984, %max3A_986 : vector<16xf32>
        %bitcast_convert_type3A_988 = tpu.bitcast %max3A_987 : vector<16xf32> -> vector<16xi32>
        %shift_right_logical3A_989 = arith.constant 1 : i32
        %shift_right_logical3A_990 = vector.broadcast %shift_right_logical3A_989 : i32 to vector<16xi32>
        %shift_right_logical3A_991 = arith.shrui %bitcast_convert_type3A_988, %shift_right_logical3A_990 : vector<16xi32>
        %sub3A_992 = arith.constant 1597463174 : i32
        %sub3A_993 = vector.broadcast %sub3A_992 : i32 to vector<16xi32>
        %sub3A_994 = arith.subi %sub3A_993, %shift_right_logical3A_991 : vector<16xi32>
        %bitcast_convert_type3A_995 = tpu.bitcast %sub3A_994 : vector<16xi32> -> vector<16xf32>
        %mul3A_996 = arith.constant 5.000000e-01 : f32
        %mul3A_997 = vector.broadcast %mul3A_996 : f32 to vector<16xf32>
        %mul3A_998 = arith.mulf %mul3A_997, %max3A_987 : vector<16xf32>
        %mul3A_999 = arith.mulf %mul3A_998, %bitcast_convert_type3A_995 : vector<16xf32>
        %mul3A_1000 = arith.mulf %mul3A_999, %bitcast_convert_type3A_995 : vector<16xf32>
        %sub3A_1001 = arith.constant 1.500000e+00 : f32
        %sub3A_1002 = vector.broadcast %sub3A_1001 : f32 to vector<16xf32>
        %sub3A_1003 = arith.subf %sub3A_1002, %mul3A_1000 : vector<16xf32>
        %mul3A_1004 = arith.mulf %bitcast_convert_type3A_995, %sub3A_1003 : vector<16xf32>
        %mul3A_1005 = arith.mulf %gather3A_956, %mul3A_1004 : vector<16xf32>
        %mul3A_1006 = arith.mulf %sub3A_961, %mul3A_1005 : vector<16xf32>
        %add3A_1007 = arith.addf %gather3A_959, %mul3A_1006 : vector<16xf32>
        tpu.vector_store_idx %arg16[%add3A_957], %add3A_1007 masked %lt3A_49 : memref<4096xf32, #tpu.memory_space<vmem>>[vector<16xi32>], vector<16xf32>, vector<16xi1>
        %broadcast_in_dim3A_1008 = arith.constant 11 : i32
        %broadcast_in_dim3A_1009 = vector.broadcast %broadcast_in_dim3A_1008 : i32 to vector<16xi32>
        %lt3A_1010 = arith.constant 0 : i32
        %lt3A_1011 = vector.broadcast %lt3A_1010 : i32 to vector<16xi32>
        %lt3A_1012 = arith.cmpi slt, %broadcast_in_dim3A_1009, %lt3A_1011 : vector<16xi32>
        %add3A_1013 = arith.constant 16 : i32
        %add3A_1014 = vector.broadcast %add3A_1013 : i32 to vector<16xi32>
        %add3A_1015 = arith.addi %broadcast_in_dim3A_1009, %add3A_1014 : vector<16xi32>
        %select_n3A_1016 = arith.select %lt3A_1012, %add3A_1015, %broadcast_in_dim3A_1009 : vector<16xi1>, vector<16xi32>
        %broadcast_in_dim3A_1017 = vector.shape_cast %select_n3A_1016 : vector<16xi32> to vector<16x1xi32>
        %gather3A_1018 = vector.shape_cast %broadcast_in_dim3A_1017 : vector<16x1xi32> to vector<16xi32>
        %gather3A_1019 = tpu.dynamic_gather %get3A_94[%gather3A_1018] in [0] : vector<16xi32>, vector<16xi32> -> vector<16xi32>
        %lt3A_1020 = arith.constant 0 : i32
        %lt3A_1021 = vector.broadcast %lt3A_1020 : i32 to vector<16xi32>
        %lt3A_1022 = arith.cmpi slt, %broadcast_in_dim3A_1009, %lt3A_1021 : vector<16xi32>
        %add3A_1023 = arith.constant 16 : i32
        %add3A_1024 = vector.broadcast %add3A_1023 : i32 to vector<16xi32>
        %add3A_1025 = arith.addi %broadcast_in_dim3A_1009, %add3A_1024 : vector<16xi32>
        %select_n3A_1026 = arith.select %lt3A_1022, %add3A_1025, %broadcast_in_dim3A_1009 : vector<16xi1>, vector<16xi32>
        %broadcast_in_dim3A_1027 = vector.shape_cast %select_n3A_1026 : vector<16xi32> to vector<16x1xi32>
        %gather3A_1028 = vector.shape_cast %broadcast_in_dim3A_1027 : vector<16x1xi32> to vector<16xi32>
        %gather3A_1029 = tpu.dynamic_gather %get3A_96[%gather3A_1028] in [0] : vector<16xi32>, vector<16xi32> -> vector<16xi32>
        %lt3A_1030 = arith.constant 0 : i32
        %lt3A_1031 = vector.broadcast %lt3A_1030 : i32 to vector<16xi32>
        %lt3A_1032 = arith.cmpi slt, %broadcast_in_dim3A_1009, %lt3A_1031 : vector<16xi32>
        %add3A_1033 = arith.constant 16 : i32
        %add3A_1034 = vector.broadcast %add3A_1033 : i32 to vector<16xi32>
        %add3A_1035 = arith.addi %broadcast_in_dim3A_1009, %add3A_1034 : vector<16xi32>
        %select_n3A_1036 = arith.select %lt3A_1032, %add3A_1035, %broadcast_in_dim3A_1009 : vector<16xi1>, vector<16xi32>
        %broadcast_in_dim3A_1037 = vector.shape_cast %select_n3A_1036 : vector<16xi32> to vector<16x1xi32>
        %gather3A_1038 = vector.shape_cast %broadcast_in_dim3A_1037 : vector<16x1xi32> to vector<16xi32>
        %gather3A_1039 = tpu.dynamic_gather %get3A_98[%gather3A_1038] in [0] : vector<16xf32>, vector<16xi32> -> vector<16xf32>
        %add3A_1040 = arith.addi %gather3A_1019, %select_n3A : vector<16xi32>
        %add3A_1041 = arith.addi %gather3A_1029, %select_n3A : vector<16xi32>
        %gather3A_1042 = tpu.vector_load_idx %arg16[%add3A_1040] masked %lt3A_49 : memref<4096xf32, #tpu.memory_space<vmem>>[vector<16xi32>], vector<16xf32>, vector<16xi1>
        %gather3A_1043 = tpu.vector_load_idx %arg16[%add3A_1041] masked %lt3A_49 : memref<4096xf32, #tpu.memory_space<vmem>>[vector<16xi32>], vector<16xf32>, vector<16xi1>
        %sub3A_1044 = arith.subf %gather3A_1042, %gather3A_1043 : vector<16xf32>
        %mul3A_1045 = arith.mulf %sub3A_1044, %sub3A_1044 : vector<16xf32>
        %lt3A_1046 = arith.constant 0 : i32
        %lt3A_1047 = vector.broadcast %lt3A_1046 : i32 to vector<16xi32>
        %lt3A_1048 = arith.cmpi slt, %select_n3A_55, %lt3A_1047 : vector<16xi32>
        %add3A_1049 = arith.constant 16 : i32
        %add3A_1050 = vector.broadcast %add3A_1049 : i32 to vector<16xi32>
        %add3A_1051 = arith.addi %select_n3A_55, %add3A_1050 : vector<16xi32>
        %select_n3A_1052 = arith.select %lt3A_1048, %add3A_1051, %select_n3A_55 : vector<16xi1>, vector<16xi32>
        %broadcast_in_dim3A_1053 = vector.shape_cast %select_n3A_1052 : vector<16xi32> to vector<16x1xi32>
        %gather3A_1054 = vector.shape_cast %broadcast_in_dim3A_1053 : vector<16x1xi32> to vector<16xi32>
        %gather3A_1055 = tpu.dynamic_gather %mul3A_1045[%gather3A_1054] in [0] : vector<16xf32>, vector<16xi32> -> vector<16xf32>
        %add3A_1056 = arith.addf %mul3A_1045, %gather3A_1055 : vector<16xf32>
        %lt3A_1057 = arith.constant 0 : i32
        %lt3A_1058 = vector.broadcast %lt3A_1057 : i32 to vector<16xi32>
        %lt3A_1059 = arith.cmpi slt, %select_n3A_62, %lt3A_1058 : vector<16xi32>
        %add3A_1060 = arith.constant 16 : i32
        %add3A_1061 = vector.broadcast %add3A_1060 : i32 to vector<16xi32>
        %add3A_1062 = arith.addi %select_n3A_62, %add3A_1061 : vector<16xi32>
        %select_n3A_1063 = arith.select %lt3A_1059, %add3A_1062, %select_n3A_62 : vector<16xi1>, vector<16xi32>
        %broadcast_in_dim3A_1064 = vector.shape_cast %select_n3A_1063 : vector<16xi32> to vector<16x1xi32>
        %gather3A_1065 = vector.shape_cast %broadcast_in_dim3A_1064 : vector<16x1xi32> to vector<16xi32>
        %gather3A_1066 = tpu.dynamic_gather %mul3A_1045[%gather3A_1065] in [0] : vector<16xf32>, vector<16xi32> -> vector<16xf32>
        %add3A_1067 = arith.addf %add3A_1056, %gather3A_1066 : vector<16xf32>
        %max3A_1068 = arith.constant 1.000000e-35 : f32
        %max3A_1069 = vector.broadcast %max3A_1068 : f32 to vector<16xf32>
        %max3A_1070 = arith.maximumf %add3A_1067, %max3A_1069 : vector<16xf32>
        %bitcast_convert_type3A_1071 = tpu.bitcast %max3A_1070 : vector<16xf32> -> vector<16xi32>
        %shift_right_logical3A_1072 = arith.constant 1 : i32
        %shift_right_logical3A_1073 = vector.broadcast %shift_right_logical3A_1072 : i32 to vector<16xi32>
        %shift_right_logical3A_1074 = arith.shrui %bitcast_convert_type3A_1071, %shift_right_logical3A_1073 : vector<16xi32>
        %sub3A_1075 = arith.constant 1597463174 : i32
        %sub3A_1076 = vector.broadcast %sub3A_1075 : i32 to vector<16xi32>
        %sub3A_1077 = arith.subi %sub3A_1076, %shift_right_logical3A_1074 : vector<16xi32>
        %bitcast_convert_type3A_1078 = tpu.bitcast %sub3A_1077 : vector<16xi32> -> vector<16xf32>
        %mul3A_1079 = arith.constant 5.000000e-01 : f32
        %mul3A_1080 = vector.broadcast %mul3A_1079 : f32 to vector<16xf32>
        %mul3A_1081 = arith.mulf %mul3A_1080, %max3A_1070 : vector<16xf32>
        %mul3A_1082 = arith.mulf %mul3A_1081, %bitcast_convert_type3A_1078 : vector<16xf32>
        %mul3A_1083 = arith.mulf %mul3A_1082, %bitcast_convert_type3A_1078 : vector<16xf32>
        %sub3A_1084 = arith.constant 1.500000e+00 : f32
        %sub3A_1085 = vector.broadcast %sub3A_1084 : f32 to vector<16xf32>
        %sub3A_1086 = arith.subf %sub3A_1085, %mul3A_1083 : vector<16xf32>
        %mul3A_1087 = arith.mulf %bitcast_convert_type3A_1078, %sub3A_1086 : vector<16xf32>
        %mul3A_1088 = arith.mulf %gather3A_1039, %mul3A_1087 : vector<16xf32>
        %mul3A_1089 = arith.mulf %sub3A_1044, %mul3A_1088 : vector<16xf32>
        %add3A_1090 = arith.addf %gather3A_1042, %mul3A_1089 : vector<16xf32>
        tpu.vector_store_idx %arg16[%add3A_1040], %add3A_1090 masked %lt3A_49 : memref<4096xf32, #tpu.memory_space<vmem>>[vector<16xi32>], vector<16xf32>, vector<16xi1>
        %broadcast_in_dim3A_1091 = arith.constant 12 : i32
        %broadcast_in_dim3A_1092 = vector.broadcast %broadcast_in_dim3A_1091 : i32 to vector<16xi32>
        %lt3A_1093 = arith.constant 0 : i32
        %lt3A_1094 = vector.broadcast %lt3A_1093 : i32 to vector<16xi32>
        %lt3A_1095 = arith.cmpi slt, %broadcast_in_dim3A_1092, %lt3A_1094 : vector<16xi32>
        %add3A_1096 = arith.constant 16 : i32
        %add3A_1097 = vector.broadcast %add3A_1096 : i32 to vector<16xi32>
        %add3A_1098 = arith.addi %broadcast_in_dim3A_1092, %add3A_1097 : vector<16xi32>
        %select_n3A_1099 = arith.select %lt3A_1095, %add3A_1098, %broadcast_in_dim3A_1092 : vector<16xi1>, vector<16xi32>
        %broadcast_in_dim3A_1100 = vector.shape_cast %select_n3A_1099 : vector<16xi32> to vector<16x1xi32>
        %gather3A_1101 = vector.shape_cast %broadcast_in_dim3A_1100 : vector<16x1xi32> to vector<16xi32>
        %gather3A_1102 = tpu.dynamic_gather %get3A_94[%gather3A_1101] in [0] : vector<16xi32>, vector<16xi32> -> vector<16xi32>
        %lt3A_1103 = arith.constant 0 : i32
        %lt3A_1104 = vector.broadcast %lt3A_1103 : i32 to vector<16xi32>
        %lt3A_1105 = arith.cmpi slt, %broadcast_in_dim3A_1092, %lt3A_1104 : vector<16xi32>
        %add3A_1106 = arith.constant 16 : i32
        %add3A_1107 = vector.broadcast %add3A_1106 : i32 to vector<16xi32>
        %add3A_1108 = arith.addi %broadcast_in_dim3A_1092, %add3A_1107 : vector<16xi32>
        %select_n3A_1109 = arith.select %lt3A_1105, %add3A_1108, %broadcast_in_dim3A_1092 : vector<16xi1>, vector<16xi32>
        %broadcast_in_dim3A_1110 = vector.shape_cast %select_n3A_1109 : vector<16xi32> to vector<16x1xi32>
        %gather3A_1111 = vector.shape_cast %broadcast_in_dim3A_1110 : vector<16x1xi32> to vector<16xi32>
        %gather3A_1112 = tpu.dynamic_gather %get3A_96[%gather3A_1111] in [0] : vector<16xi32>, vector<16xi32> -> vector<16xi32>
        %lt3A_1113 = arith.constant 0 : i32
        %lt3A_1114 = vector.broadcast %lt3A_1113 : i32 to vector<16xi32>
        %lt3A_1115 = arith.cmpi slt, %broadcast_in_dim3A_1092, %lt3A_1114 : vector<16xi32>
        %add3A_1116 = arith.constant 16 : i32
        %add3A_1117 = vector.broadcast %add3A_1116 : i32 to vector<16xi32>
        %add3A_1118 = arith.addi %broadcast_in_dim3A_1092, %add3A_1117 : vector<16xi32>
        %select_n3A_1119 = arith.select %lt3A_1115, %add3A_1118, %broadcast_in_dim3A_1092 : vector<16xi1>, vector<16xi32>
        %broadcast_in_dim3A_1120 = vector.shape_cast %select_n3A_1119 : vector<16xi32> to vector<16x1xi32>
        %gather3A_1121 = vector.shape_cast %broadcast_in_dim3A_1120 : vector<16x1xi32> to vector<16xi32>
        %gather3A_1122 = tpu.dynamic_gather %get3A_98[%gather3A_1121] in [0] : vector<16xf32>, vector<16xi32> -> vector<16xf32>
        %add3A_1123 = arith.addi %gather3A_1102, %select_n3A : vector<16xi32>
        %add3A_1124 = arith.addi %gather3A_1112, %select_n3A : vector<16xi32>
        %gather3A_1125 = tpu.vector_load_idx %arg16[%add3A_1123] masked %lt3A_49 : memref<4096xf32, #tpu.memory_space<vmem>>[vector<16xi32>], vector<16xf32>, vector<16xi1>
        %gather3A_1126 = tpu.vector_load_idx %arg16[%add3A_1124] masked %lt3A_49 : memref<4096xf32, #tpu.memory_space<vmem>>[vector<16xi32>], vector<16xf32>, vector<16xi1>
        %sub3A_1127 = arith.subf %gather3A_1125, %gather3A_1126 : vector<16xf32>
        %mul3A_1128 = arith.mulf %sub3A_1127, %sub3A_1127 : vector<16xf32>
        %lt3A_1129 = arith.constant 0 : i32
        %lt3A_1130 = vector.broadcast %lt3A_1129 : i32 to vector<16xi32>
        %lt3A_1131 = arith.cmpi slt, %select_n3A_55, %lt3A_1130 : vector<16xi32>
        %add3A_1132 = arith.constant 16 : i32
        %add3A_1133 = vector.broadcast %add3A_1132 : i32 to vector<16xi32>
        %add3A_1134 = arith.addi %select_n3A_55, %add3A_1133 : vector<16xi32>
        %select_n3A_1135 = arith.select %lt3A_1131, %add3A_1134, %select_n3A_55 : vector<16xi1>, vector<16xi32>
        %broadcast_in_dim3A_1136 = vector.shape_cast %select_n3A_1135 : vector<16xi32> to vector<16x1xi32>
        %gather3A_1137 = vector.shape_cast %broadcast_in_dim3A_1136 : vector<16x1xi32> to vector<16xi32>
        %gather3A_1138 = tpu.dynamic_gather %mul3A_1128[%gather3A_1137] in [0] : vector<16xf32>, vector<16xi32> -> vector<16xf32>
        %add3A_1139 = arith.addf %mul3A_1128, %gather3A_1138 : vector<16xf32>
        %lt3A_1140 = arith.constant 0 : i32
        %lt3A_1141 = vector.broadcast %lt3A_1140 : i32 to vector<16xi32>
        %lt3A_1142 = arith.cmpi slt, %select_n3A_62, %lt3A_1141 : vector<16xi32>
        %add3A_1143 = arith.constant 16 : i32
        %add3A_1144 = vector.broadcast %add3A_1143 : i32 to vector<16xi32>
        %add3A_1145 = arith.addi %select_n3A_62, %add3A_1144 : vector<16xi32>
        %select_n3A_1146 = arith.select %lt3A_1142, %add3A_1145, %select_n3A_62 : vector<16xi1>, vector<16xi32>
        %broadcast_in_dim3A_1147 = vector.shape_cast %select_n3A_1146 : vector<16xi32> to vector<16x1xi32>
        %gather3A_1148 = vector.shape_cast %broadcast_in_dim3A_1147 : vector<16x1xi32> to vector<16xi32>
        %gather3A_1149 = tpu.dynamic_gather %mul3A_1128[%gather3A_1148] in [0] : vector<16xf32>, vector<16xi32> -> vector<16xf32>
        %add3A_1150 = arith.addf %add3A_1139, %gather3A_1149 : vector<16xf32>
        %max3A_1151 = arith.constant 1.000000e-35 : f32
        %max3A_1152 = vector.broadcast %max3A_1151 : f32 to vector<16xf32>
        %max3A_1153 = arith.maximumf %add3A_1150, %max3A_1152 : vector<16xf32>
        %bitcast_convert_type3A_1154 = tpu.bitcast %max3A_1153 : vector<16xf32> -> vector<16xi32>
        %shift_right_logical3A_1155 = arith.constant 1 : i32
        %shift_right_logical3A_1156 = vector.broadcast %shift_right_logical3A_1155 : i32 to vector<16xi32>
        %shift_right_logical3A_1157 = arith.shrui %bitcast_convert_type3A_1154, %shift_right_logical3A_1156 : vector<16xi32>
        %sub3A_1158 = arith.constant 1597463174 : i32
        %sub3A_1159 = vector.broadcast %sub3A_1158 : i32 to vector<16xi32>
        %sub3A_1160 = arith.subi %sub3A_1159, %shift_right_logical3A_1157 : vector<16xi32>
        %bitcast_convert_type3A_1161 = tpu.bitcast %sub3A_1160 : vector<16xi32> -> vector<16xf32>
        %mul3A_1162 = arith.constant 5.000000e-01 : f32
        %mul3A_1163 = vector.broadcast %mul3A_1162 : f32 to vector<16xf32>
        %mul3A_1164 = arith.mulf %mul3A_1163, %max3A_1153 : vector<16xf32>
        %mul3A_1165 = arith.mulf %mul3A_1164, %bitcast_convert_type3A_1161 : vector<16xf32>
        %mul3A_1166 = arith.mulf %mul3A_1165, %bitcast_convert_type3A_1161 : vector<16xf32>
        %sub3A_1167 = arith.constant 1.500000e+00 : f32
        %sub3A_1168 = vector.broadcast %sub3A_1167 : f32 to vector<16xf32>
        %sub3A_1169 = arith.subf %sub3A_1168, %mul3A_1166 : vector<16xf32>
        %mul3A_1170 = arith.mulf %bitcast_convert_type3A_1161, %sub3A_1169 : vector<16xf32>
        %mul3A_1171 = arith.mulf %gather3A_1122, %mul3A_1170 : vector<16xf32>
        %mul3A_1172 = arith.mulf %sub3A_1127, %mul3A_1171 : vector<16xf32>
        %add3A_1173 = arith.addf %gather3A_1125, %mul3A_1172 : vector<16xf32>
        tpu.vector_store_idx %arg16[%add3A_1123], %add3A_1173 masked %lt3A_49 : memref<4096xf32, #tpu.memory_space<vmem>>[vector<16xi32>], vector<16xf32>, vector<16xi1>
        %broadcast_in_dim3A_1174 = arith.constant 13 : i32
        %broadcast_in_dim3A_1175 = vector.broadcast %broadcast_in_dim3A_1174 : i32 to vector<16xi32>
        %lt3A_1176 = arith.constant 0 : i32
        %lt3A_1177 = vector.broadcast %lt3A_1176 : i32 to vector<16xi32>
        %lt3A_1178 = arith.cmpi slt, %broadcast_in_dim3A_1175, %lt3A_1177 : vector<16xi32>
        %add3A_1179 = arith.constant 16 : i32
        %add3A_1180 = vector.broadcast %add3A_1179 : i32 to vector<16xi32>
        %add3A_1181 = arith.addi %broadcast_in_dim3A_1175, %add3A_1180 : vector<16xi32>
        %select_n3A_1182 = arith.select %lt3A_1178, %add3A_1181, %broadcast_in_dim3A_1175 : vector<16xi1>, vector<16xi32>
        %broadcast_in_dim3A_1183 = vector.shape_cast %select_n3A_1182 : vector<16xi32> to vector<16x1xi32>
        %gather3A_1184 = vector.shape_cast %broadcast_in_dim3A_1183 : vector<16x1xi32> to vector<16xi32>
        %gather3A_1185 = tpu.dynamic_gather %get3A_94[%gather3A_1184] in [0] : vector<16xi32>, vector<16xi32> -> vector<16xi32>
        %lt3A_1186 = arith.constant 0 : i32
        %lt3A_1187 = vector.broadcast %lt3A_1186 : i32 to vector<16xi32>
        %lt3A_1188 = arith.cmpi slt, %broadcast_in_dim3A_1175, %lt3A_1187 : vector<16xi32>
        %add3A_1189 = arith.constant 16 : i32
        %add3A_1190 = vector.broadcast %add3A_1189 : i32 to vector<16xi32>
        %add3A_1191 = arith.addi %broadcast_in_dim3A_1175, %add3A_1190 : vector<16xi32>
        %select_n3A_1192 = arith.select %lt3A_1188, %add3A_1191, %broadcast_in_dim3A_1175 : vector<16xi1>, vector<16xi32>
        %broadcast_in_dim3A_1193 = vector.shape_cast %select_n3A_1192 : vector<16xi32> to vector<16x1xi32>
        %gather3A_1194 = vector.shape_cast %broadcast_in_dim3A_1193 : vector<16x1xi32> to vector<16xi32>
        %gather3A_1195 = tpu.dynamic_gather %get3A_96[%gather3A_1194] in [0] : vector<16xi32>, vector<16xi32> -> vector<16xi32>
        %lt3A_1196 = arith.constant 0 : i32
        %lt3A_1197 = vector.broadcast %lt3A_1196 : i32 to vector<16xi32>
        %lt3A_1198 = arith.cmpi slt, %broadcast_in_dim3A_1175, %lt3A_1197 : vector<16xi32>
        %add3A_1199 = arith.constant 16 : i32
        %add3A_1200 = vector.broadcast %add3A_1199 : i32 to vector<16xi32>
        %add3A_1201 = arith.addi %broadcast_in_dim3A_1175, %add3A_1200 : vector<16xi32>
        %select_n3A_1202 = arith.select %lt3A_1198, %add3A_1201, %broadcast_in_dim3A_1175 : vector<16xi1>, vector<16xi32>
        %broadcast_in_dim3A_1203 = vector.shape_cast %select_n3A_1202 : vector<16xi32> to vector<16x1xi32>
        %gather3A_1204 = vector.shape_cast %broadcast_in_dim3A_1203 : vector<16x1xi32> to vector<16xi32>
        %gather3A_1205 = tpu.dynamic_gather %get3A_98[%gather3A_1204] in [0] : vector<16xf32>, vector<16xi32> -> vector<16xf32>
        %add3A_1206 = arith.addi %gather3A_1185, %select_n3A : vector<16xi32>
        %add3A_1207 = arith.addi %gather3A_1195, %select_n3A : vector<16xi32>
        %gather3A_1208 = tpu.vector_load_idx %arg16[%add3A_1206] masked %lt3A_49 : memref<4096xf32, #tpu.memory_space<vmem>>[vector<16xi32>], vector<16xf32>, vector<16xi1>
        %gather3A_1209 = tpu.vector_load_idx %arg16[%add3A_1207] masked %lt3A_49 : memref<4096xf32, #tpu.memory_space<vmem>>[vector<16xi32>], vector<16xf32>, vector<16xi1>
        %sub3A_1210 = arith.subf %gather3A_1208, %gather3A_1209 : vector<16xf32>
        %mul3A_1211 = arith.mulf %sub3A_1210, %sub3A_1210 : vector<16xf32>
        %lt3A_1212 = arith.constant 0 : i32
        %lt3A_1213 = vector.broadcast %lt3A_1212 : i32 to vector<16xi32>
        %lt3A_1214 = arith.cmpi slt, %select_n3A_55, %lt3A_1213 : vector<16xi32>
        %add3A_1215 = arith.constant 16 : i32
        %add3A_1216 = vector.broadcast %add3A_1215 : i32 to vector<16xi32>
        %add3A_1217 = arith.addi %select_n3A_55, %add3A_1216 : vector<16xi32>
        %select_n3A_1218 = arith.select %lt3A_1214, %add3A_1217, %select_n3A_55 : vector<16xi1>, vector<16xi32>
        %broadcast_in_dim3A_1219 = vector.shape_cast %select_n3A_1218 : vector<16xi32> to vector<16x1xi32>
        %gather3A_1220 = vector.shape_cast %broadcast_in_dim3A_1219 : vector<16x1xi32> to vector<16xi32>
        %gather3A_1221 = tpu.dynamic_gather %mul3A_1211[%gather3A_1220] in [0] : vector<16xf32>, vector<16xi32> -> vector<16xf32>
        %add3A_1222 = arith.addf %mul3A_1211, %gather3A_1221 : vector<16xf32>
        %lt3A_1223 = arith.constant 0 : i32
        %lt3A_1224 = vector.broadcast %lt3A_1223 : i32 to vector<16xi32>
        %lt3A_1225 = arith.cmpi slt, %select_n3A_62, %lt3A_1224 : vector<16xi32>
        %add3A_1226 = arith.constant 16 : i32
        %add3A_1227 = vector.broadcast %add3A_1226 : i32 to vector<16xi32>
        %add3A_1228 = arith.addi %select_n3A_62, %add3A_1227 : vector<16xi32>
        %select_n3A_1229 = arith.select %lt3A_1225, %add3A_1228, %select_n3A_62 : vector<16xi1>, vector<16xi32>
        %broadcast_in_dim3A_1230 = vector.shape_cast %select_n3A_1229 : vector<16xi32> to vector<16x1xi32>
        %gather3A_1231 = vector.shape_cast %broadcast_in_dim3A_1230 : vector<16x1xi32> to vector<16xi32>
        %gather3A_1232 = tpu.dynamic_gather %mul3A_1211[%gather3A_1231] in [0] : vector<16xf32>, vector<16xi32> -> vector<16xf32>
        %add3A_1233 = arith.addf %add3A_1222, %gather3A_1232 : vector<16xf32>
        %max3A_1234 = arith.constant 1.000000e-35 : f32
        %max3A_1235 = vector.broadcast %max3A_1234 : f32 to vector<16xf32>
        %max3A_1236 = arith.maximumf %add3A_1233, %max3A_1235 : vector<16xf32>
        %bitcast_convert_type3A_1237 = tpu.bitcast %max3A_1236 : vector<16xf32> -> vector<16xi32>
        %shift_right_logical3A_1238 = arith.constant 1 : i32
        %shift_right_logical3A_1239 = vector.broadcast %shift_right_logical3A_1238 : i32 to vector<16xi32>
        %shift_right_logical3A_1240 = arith.shrui %bitcast_convert_type3A_1237, %shift_right_logical3A_1239 : vector<16xi32>
        %sub3A_1241 = arith.constant 1597463174 : i32
        %sub3A_1242 = vector.broadcast %sub3A_1241 : i32 to vector<16xi32>
        %sub3A_1243 = arith.subi %sub3A_1242, %shift_right_logical3A_1240 : vector<16xi32>
        %bitcast_convert_type3A_1244 = tpu.bitcast %sub3A_1243 : vector<16xi32> -> vector<16xf32>
        %mul3A_1245 = arith.constant 5.000000e-01 : f32
        %mul3A_1246 = vector.broadcast %mul3A_1245 : f32 to vector<16xf32>
        %mul3A_1247 = arith.mulf %mul3A_1246, %max3A_1236 : vector<16xf32>
        %mul3A_1248 = arith.mulf %mul3A_1247, %bitcast_convert_type3A_1244 : vector<16xf32>
        %mul3A_1249 = arith.mulf %mul3A_1248, %bitcast_convert_type3A_1244 : vector<16xf32>
        %sub3A_1250 = arith.constant 1.500000e+00 : f32
        %sub3A_1251 = vector.broadcast %sub3A_1250 : f32 to vector<16xf32>
        %sub3A_1252 = arith.subf %sub3A_1251, %mul3A_1249 : vector<16xf32>
        %mul3A_1253 = arith.mulf %bitcast_convert_type3A_1244, %sub3A_1252 : vector<16xf32>
        %mul3A_1254 = arith.mulf %gather3A_1205, %mul3A_1253 : vector<16xf32>
        %mul3A_1255 = arith.mulf %sub3A_1210, %mul3A_1254 : vector<16xf32>
        %add3A_1256 = arith.addf %gather3A_1208, %mul3A_1255 : vector<16xf32>
        tpu.vector_store_idx %arg16[%add3A_1206], %add3A_1256 masked %lt3A_49 : memref<4096xf32, #tpu.memory_space<vmem>>[vector<16xi32>], vector<16xf32>, vector<16xi1>
        %broadcast_in_dim3A_1257 = arith.constant 14 : i32
        %broadcast_in_dim3A_1258 = vector.broadcast %broadcast_in_dim3A_1257 : i32 to vector<16xi32>
        %lt3A_1259 = arith.constant 0 : i32
        %lt3A_1260 = vector.broadcast %lt3A_1259 : i32 to vector<16xi32>
        %lt3A_1261 = arith.cmpi slt, %broadcast_in_dim3A_1258, %lt3A_1260 : vector<16xi32>
        %add3A_1262 = arith.constant 16 : i32
        %add3A_1263 = vector.broadcast %add3A_1262 : i32 to vector<16xi32>
        %add3A_1264 = arith.addi %broadcast_in_dim3A_1258, %add3A_1263 : vector<16xi32>
        %select_n3A_1265 = arith.select %lt3A_1261, %add3A_1264, %broadcast_in_dim3A_1258 : vector<16xi1>, vector<16xi32>
        %broadcast_in_dim3A_1266 = vector.shape_cast %select_n3A_1265 : vector<16xi32> to vector<16x1xi32>
        %gather3A_1267 = vector.shape_cast %broadcast_in_dim3A_1266 : vector<16x1xi32> to vector<16xi32>
        %gather3A_1268 = tpu.dynamic_gather %get3A_94[%gather3A_1267] in [0] : vector<16xi32>, vector<16xi32> -> vector<16xi32>
        %lt3A_1269 = arith.constant 0 : i32
        %lt3A_1270 = vector.broadcast %lt3A_1269 : i32 to vector<16xi32>
        %lt3A_1271 = arith.cmpi slt, %broadcast_in_dim3A_1258, %lt3A_1270 : vector<16xi32>
        %add3A_1272 = arith.constant 16 : i32
        %add3A_1273 = vector.broadcast %add3A_1272 : i32 to vector<16xi32>
        %add3A_1274 = arith.addi %broadcast_in_dim3A_1258, %add3A_1273 : vector<16xi32>
        %select_n3A_1275 = arith.select %lt3A_1271, %add3A_1274, %broadcast_in_dim3A_1258 : vector<16xi1>, vector<16xi32>
        %broadcast_in_dim3A_1276 = vector.shape_cast %select_n3A_1275 : vector<16xi32> to vector<16x1xi32>
        %gather3A_1277 = vector.shape_cast %broadcast_in_dim3A_1276 : vector<16x1xi32> to vector<16xi32>
        %gather3A_1278 = tpu.dynamic_gather %get3A_96[%gather3A_1277] in [0] : vector<16xi32>, vector<16xi32> -> vector<16xi32>
        %lt3A_1279 = arith.constant 0 : i32
        %lt3A_1280 = vector.broadcast %lt3A_1279 : i32 to vector<16xi32>
        %lt3A_1281 = arith.cmpi slt, %broadcast_in_dim3A_1258, %lt3A_1280 : vector<16xi32>
        %add3A_1282 = arith.constant 16 : i32
        %add3A_1283 = vector.broadcast %add3A_1282 : i32 to vector<16xi32>
        %add3A_1284 = arith.addi %broadcast_in_dim3A_1258, %add3A_1283 : vector<16xi32>
        %select_n3A_1285 = arith.select %lt3A_1281, %add3A_1284, %broadcast_in_dim3A_1258 : vector<16xi1>, vector<16xi32>
        %broadcast_in_dim3A_1286 = vector.shape_cast %select_n3A_1285 : vector<16xi32> to vector<16x1xi32>
        %gather3A_1287 = vector.shape_cast %broadcast_in_dim3A_1286 : vector<16x1xi32> to vector<16xi32>
        %gather3A_1288 = tpu.dynamic_gather %get3A_98[%gather3A_1287] in [0] : vector<16xf32>, vector<16xi32> -> vector<16xf32>
        %add3A_1289 = arith.addi %gather3A_1268, %select_n3A : vector<16xi32>
        %add3A_1290 = arith.addi %gather3A_1278, %select_n3A : vector<16xi32>
        %gather3A_1291 = tpu.vector_load_idx %arg16[%add3A_1289] masked %lt3A_49 : memref<4096xf32, #tpu.memory_space<vmem>>[vector<16xi32>], vector<16xf32>, vector<16xi1>
        %gather3A_1292 = tpu.vector_load_idx %arg16[%add3A_1290] masked %lt3A_49 : memref<4096xf32, #tpu.memory_space<vmem>>[vector<16xi32>], vector<16xf32>, vector<16xi1>
        %sub3A_1293 = arith.subf %gather3A_1291, %gather3A_1292 : vector<16xf32>
        %mul3A_1294 = arith.mulf %sub3A_1293, %sub3A_1293 : vector<16xf32>
        %lt3A_1295 = arith.constant 0 : i32
        %lt3A_1296 = vector.broadcast %lt3A_1295 : i32 to vector<16xi32>
        %lt3A_1297 = arith.cmpi slt, %select_n3A_55, %lt3A_1296 : vector<16xi32>
        %add3A_1298 = arith.constant 16 : i32
        %add3A_1299 = vector.broadcast %add3A_1298 : i32 to vector<16xi32>
        %add3A_1300 = arith.addi %select_n3A_55, %add3A_1299 : vector<16xi32>
        %select_n3A_1301 = arith.select %lt3A_1297, %add3A_1300, %select_n3A_55 : vector<16xi1>, vector<16xi32>
        %broadcast_in_dim3A_1302 = vector.shape_cast %select_n3A_1301 : vector<16xi32> to vector<16x1xi32>
        %gather3A_1303 = vector.shape_cast %broadcast_in_dim3A_1302 : vector<16x1xi32> to vector<16xi32>
        %gather3A_1304 = tpu.dynamic_gather %mul3A_1294[%gather3A_1303] in [0] : vector<16xf32>, vector<16xi32> -> vector<16xf32>
        %add3A_1305 = arith.addf %mul3A_1294, %gather3A_1304 : vector<16xf32>
        %lt3A_1306 = arith.constant 0 : i32
        %lt3A_1307 = vector.broadcast %lt3A_1306 : i32 to vector<16xi32>
        %lt3A_1308 = arith.cmpi slt, %select_n3A_62, %lt3A_1307 : vector<16xi32>
        %add3A_1309 = arith.constant 16 : i32
        %add3A_1310 = vector.broadcast %add3A_1309 : i32 to vector<16xi32>
        %add3A_1311 = arith.addi %select_n3A_62, %add3A_1310 : vector<16xi32>
        %select_n3A_1312 = arith.select %lt3A_1308, %add3A_1311, %select_n3A_62 : vector<16xi1>, vector<16xi32>
        %broadcast_in_dim3A_1313 = vector.shape_cast %select_n3A_1312 : vector<16xi32> to vector<16x1xi32>
        %gather3A_1314 = vector.shape_cast %broadcast_in_dim3A_1313 : vector<16x1xi32> to vector<16xi32>
        %gather3A_1315 = tpu.dynamic_gather %mul3A_1294[%gather3A_1314] in [0] : vector<16xf32>, vector<16xi32> -> vector<16xf32>
        %add3A_1316 = arith.addf %add3A_1305, %gather3A_1315 : vector<16xf32>
        %max3A_1317 = arith.constant 1.000000e-35 : f32
        %max3A_1318 = vector.broadcast %max3A_1317 : f32 to vector<16xf32>
        %max3A_1319 = arith.maximumf %add3A_1316, %max3A_1318 : vector<16xf32>
        %bitcast_convert_type3A_1320 = tpu.bitcast %max3A_1319 : vector<16xf32> -> vector<16xi32>
        %shift_right_logical3A_1321 = arith.constant 1 : i32
        %shift_right_logical3A_1322 = vector.broadcast %shift_right_logical3A_1321 : i32 to vector<16xi32>
        %shift_right_logical3A_1323 = arith.shrui %bitcast_convert_type3A_1320, %shift_right_logical3A_1322 : vector<16xi32>
        %sub3A_1324 = arith.constant 1597463174 : i32
        %sub3A_1325 = vector.broadcast %sub3A_1324 : i32 to vector<16xi32>
        %sub3A_1326 = arith.subi %sub3A_1325, %shift_right_logical3A_1323 : vector<16xi32>
        %bitcast_convert_type3A_1327 = tpu.bitcast %sub3A_1326 : vector<16xi32> -> vector<16xf32>
        %mul3A_1328 = arith.constant 5.000000e-01 : f32
        %mul3A_1329 = vector.broadcast %mul3A_1328 : f32 to vector<16xf32>
        %mul3A_1330 = arith.mulf %mul3A_1329, %max3A_1319 : vector<16xf32>
        %mul3A_1331 = arith.mulf %mul3A_1330, %bitcast_convert_type3A_1327 : vector<16xf32>
        %mul3A_1332 = arith.mulf %mul3A_1331, %bitcast_convert_type3A_1327 : vector<16xf32>
        %sub3A_1333 = arith.constant 1.500000e+00 : f32
        %sub3A_1334 = vector.broadcast %sub3A_1333 : f32 to vector<16xf32>
        %sub3A_1335 = arith.subf %sub3A_1334, %mul3A_1332 : vector<16xf32>
        %mul3A_1336 = arith.mulf %bitcast_convert_type3A_1327, %sub3A_1335 : vector<16xf32>
        %mul3A_1337 = arith.mulf %gather3A_1288, %mul3A_1336 : vector<16xf32>
        %mul3A_1338 = arith.mulf %sub3A_1293, %mul3A_1337 : vector<16xf32>
        %add3A_1339 = arith.addf %gather3A_1291, %mul3A_1338 : vector<16xf32>
        tpu.vector_store_idx %arg16[%add3A_1289], %add3A_1339 masked %lt3A_49 : memref<4096xf32, #tpu.memory_space<vmem>>[vector<16xi32>], vector<16xf32>, vector<16xi1>
        %broadcast_in_dim3A_1340 = arith.constant 15 : i32
        %broadcast_in_dim3A_1341 = vector.broadcast %broadcast_in_dim3A_1340 : i32 to vector<16xi32>
        %lt3A_1342 = arith.constant 0 : i32
        %lt3A_1343 = vector.broadcast %lt3A_1342 : i32 to vector<16xi32>
        %lt3A_1344 = arith.cmpi slt, %broadcast_in_dim3A_1341, %lt3A_1343 : vector<16xi32>
        %add3A_1345 = arith.constant 16 : i32
        %add3A_1346 = vector.broadcast %add3A_1345 : i32 to vector<16xi32>
        %add3A_1347 = arith.addi %broadcast_in_dim3A_1341, %add3A_1346 : vector<16xi32>
        %select_n3A_1348 = arith.select %lt3A_1344, %add3A_1347, %broadcast_in_dim3A_1341 : vector<16xi1>, vector<16xi32>
        %broadcast_in_dim3A_1349 = vector.shape_cast %select_n3A_1348 : vector<16xi32> to vector<16x1xi32>
        %gather3A_1350 = vector.shape_cast %broadcast_in_dim3A_1349 : vector<16x1xi32> to vector<16xi32>
        %gather3A_1351 = tpu.dynamic_gather %get3A_94[%gather3A_1350] in [0] : vector<16xi32>, vector<16xi32> -> vector<16xi32>
        %lt3A_1352 = arith.constant 0 : i32
        %lt3A_1353 = vector.broadcast %lt3A_1352 : i32 to vector<16xi32>
        %lt3A_1354 = arith.cmpi slt, %broadcast_in_dim3A_1341, %lt3A_1353 : vector<16xi32>
        %add3A_1355 = arith.constant 16 : i32
        %add3A_1356 = vector.broadcast %add3A_1355 : i32 to vector<16xi32>
        %add3A_1357 = arith.addi %broadcast_in_dim3A_1341, %add3A_1356 : vector<16xi32>
        %select_n3A_1358 = arith.select %lt3A_1354, %add3A_1357, %broadcast_in_dim3A_1341 : vector<16xi1>, vector<16xi32>
        %broadcast_in_dim3A_1359 = vector.shape_cast %select_n3A_1358 : vector<16xi32> to vector<16x1xi32>
        %gather3A_1360 = vector.shape_cast %broadcast_in_dim3A_1359 : vector<16x1xi32> to vector<16xi32>
        %gather3A_1361 = tpu.dynamic_gather %get3A_96[%gather3A_1360] in [0] : vector<16xi32>, vector<16xi32> -> vector<16xi32>
        %lt3A_1362 = arith.constant 0 : i32
        %lt3A_1363 = vector.broadcast %lt3A_1362 : i32 to vector<16xi32>
        %lt3A_1364 = arith.cmpi slt, %broadcast_in_dim3A_1341, %lt3A_1363 : vector<16xi32>
        %add3A_1365 = arith.constant 16 : i32
        %add3A_1366 = vector.broadcast %add3A_1365 : i32 to vector<16xi32>
        %add3A_1367 = arith.addi %broadcast_in_dim3A_1341, %add3A_1366 : vector<16xi32>
        %select_n3A_1368 = arith.select %lt3A_1364, %add3A_1367, %broadcast_in_dim3A_1341 : vector<16xi1>, vector<16xi32>
        %broadcast_in_dim3A_1369 = vector.shape_cast %select_n3A_1368 : vector<16xi32> to vector<16x1xi32>
        %gather3A_1370 = vector.shape_cast %broadcast_in_dim3A_1369 : vector<16x1xi32> to vector<16xi32>
        %gather3A_1371 = tpu.dynamic_gather %get3A_98[%gather3A_1370] in [0] : vector<16xf32>, vector<16xi32> -> vector<16xf32>
        %add3A_1372 = arith.addi %gather3A_1351, %select_n3A : vector<16xi32>
        %add3A_1373 = arith.addi %gather3A_1361, %select_n3A : vector<16xi32>
        %gather3A_1374 = tpu.vector_load_idx %arg16[%add3A_1372] masked %lt3A_49 : memref<4096xf32, #tpu.memory_space<vmem>>[vector<16xi32>], vector<16xf32>, vector<16xi1>
        %gather3A_1375 = tpu.vector_load_idx %arg16[%add3A_1373] masked %lt3A_49 : memref<4096xf32, #tpu.memory_space<vmem>>[vector<16xi32>], vector<16xf32>, vector<16xi1>
        %sub3A_1376 = arith.subf %gather3A_1374, %gather3A_1375 : vector<16xf32>
        %mul3A_1377 = arith.mulf %sub3A_1376, %sub3A_1376 : vector<16xf32>
        %lt3A_1378 = arith.constant 0 : i32
        %lt3A_1379 = vector.broadcast %lt3A_1378 : i32 to vector<16xi32>
        %lt3A_1380 = arith.cmpi slt, %select_n3A_55, %lt3A_1379 : vector<16xi32>
        %add3A_1381 = arith.constant 16 : i32
        %add3A_1382 = vector.broadcast %add3A_1381 : i32 to vector<16xi32>
        %add3A_1383 = arith.addi %select_n3A_55, %add3A_1382 : vector<16xi32>
        %select_n3A_1384 = arith.select %lt3A_1380, %add3A_1383, %select_n3A_55 : vector<16xi1>, vector<16xi32>
        %broadcast_in_dim3A_1385 = vector.shape_cast %select_n3A_1384 : vector<16xi32> to vector<16x1xi32>
        %gather3A_1386 = vector.shape_cast %broadcast_in_dim3A_1385 : vector<16x1xi32> to vector<16xi32>
        %gather3A_1387 = tpu.dynamic_gather %mul3A_1377[%gather3A_1386] in [0] : vector<16xf32>, vector<16xi32> -> vector<16xf32>
        %add3A_1388 = arith.addf %mul3A_1377, %gather3A_1387 : vector<16xf32>
        %lt3A_1389 = arith.constant 0 : i32
        %lt3A_1390 = vector.broadcast %lt3A_1389 : i32 to vector<16xi32>
        %lt3A_1391 = arith.cmpi slt, %select_n3A_62, %lt3A_1390 : vector<16xi32>
        %add3A_1392 = arith.constant 16 : i32
        %add3A_1393 = vector.broadcast %add3A_1392 : i32 to vector<16xi32>
        %add3A_1394 = arith.addi %select_n3A_62, %add3A_1393 : vector<16xi32>
        %select_n3A_1395 = arith.select %lt3A_1391, %add3A_1394, %select_n3A_62 : vector<16xi1>, vector<16xi32>
        %broadcast_in_dim3A_1396 = vector.shape_cast %select_n3A_1395 : vector<16xi32> to vector<16x1xi32>
        %gather3A_1397 = vector.shape_cast %broadcast_in_dim3A_1396 : vector<16x1xi32> to vector<16xi32>
        %gather3A_1398 = tpu.dynamic_gather %mul3A_1377[%gather3A_1397] in [0] : vector<16xf32>, vector<16xi32> -> vector<16xf32>
        %add3A_1399 = arith.addf %add3A_1388, %gather3A_1398 : vector<16xf32>
        %max3A_1400 = arith.constant 1.000000e-35 : f32
        %max3A_1401 = vector.broadcast %max3A_1400 : f32 to vector<16xf32>
        %max3A_1402 = arith.maximumf %add3A_1399, %max3A_1401 : vector<16xf32>
        %bitcast_convert_type3A_1403 = tpu.bitcast %max3A_1402 : vector<16xf32> -> vector<16xi32>
        %shift_right_logical3A_1404 = arith.constant 1 : i32
        %shift_right_logical3A_1405 = vector.broadcast %shift_right_logical3A_1404 : i32 to vector<16xi32>
        %shift_right_logical3A_1406 = arith.shrui %bitcast_convert_type3A_1403, %shift_right_logical3A_1405 : vector<16xi32>
        %sub3A_1407 = arith.constant 1597463174 : i32
        %sub3A_1408 = vector.broadcast %sub3A_1407 : i32 to vector<16xi32>
        %sub3A_1409 = arith.subi %sub3A_1408, %shift_right_logical3A_1406 : vector<16xi32>
        %bitcast_convert_type3A_1410 = tpu.bitcast %sub3A_1409 : vector<16xi32> -> vector<16xf32>
        %mul3A_1411 = arith.constant 5.000000e-01 : f32
        %mul3A_1412 = vector.broadcast %mul3A_1411 : f32 to vector<16xf32>
        %mul3A_1413 = arith.mulf %mul3A_1412, %max3A_1402 : vector<16xf32>
        %mul3A_1414 = arith.mulf %mul3A_1413, %bitcast_convert_type3A_1410 : vector<16xf32>
        %mul3A_1415 = arith.mulf %mul3A_1414, %bitcast_convert_type3A_1410 : vector<16xf32>
        %sub3A_1416 = arith.constant 1.500000e+00 : f32
        %sub3A_1417 = vector.broadcast %sub3A_1416 : f32 to vector<16xf32>
        %sub3A_1418 = arith.subf %sub3A_1417, %mul3A_1415 : vector<16xf32>
        %mul3A_1419 = arith.mulf %bitcast_convert_type3A_1410, %sub3A_1418 : vector<16xf32>
        %mul3A_1420 = arith.mulf %gather3A_1371, %mul3A_1419 : vector<16xf32>
        %mul3A_1421 = arith.mulf %sub3A_1376, %mul3A_1420 : vector<16xf32>
        %add3A_1422 = arith.addf %gather3A_1374, %mul3A_1421 : vector<16xf32>
        tpu.vector_store_idx %arg16[%add3A_1372], %add3A_1422 masked %lt3A_49 : memref<4096xf32, #tpu.memory_space<vmem>>[vector<16xi32>], vector<16xf32>, vector<16xi1>
      }
      %scan3A_75 = arith.constant 0 : i32
      %scan3A_76 = arith.constant 125 : i32
      %scan3A_77 = arith.addi %scan3A_75, %scan3A_76 : i32
      %scan3A_78 = arith.constant 1 : i32
      %scan3A_79 = scf.for %scan3A_91 = %scan3A_75 to %scan3A_77 step %scan3A_78 iter_args(%scan3A_92 = %broadcast_in_dim3A_9) -> (vector<16xf32>)  : i32 {
        %mul3A_93 = arith.constant 2 : i32
        %mul3A_94 = arith.muli %scan3A_91, %mul3A_93 : i32
        %mul3A_95 = arith.constant 16 : i32
        %mul3A_96 = arith.muli %mul3A_94, %mul3A_95 : i32
        %get3A = arith.index_cast %mul3A_96 : i32 to index
        %get3A_97 = tpu.vector_load %arg20[%get3A] {strides = array<i32>} : memref<4000xi32, #tpu.memory_space<vmem>>, vector<16xi32>,
        %get3A_98 = arith.index_cast %mul3A_96 : i32 to index
        %get3A_99 = tpu.vector_load %arg21[%get3A_98] {strides = array<i32>} : memref<4000xi32, #tpu.memory_space<vmem>>, vector<16xi32>,
        %mul3A_100 = arith.constant 4 : i32
        %mul3A_101 = vector.broadcast %mul3A_100 : i32 to vector<16xi32>
        %mul3A_102 = arith.muli %get3A_97, %mul3A_101 : vector<16xi32>
        %mul3A_103 = arith.constant 4 : i32
        %mul3A_104 = vector.broadcast %mul3A_103 : i32 to vector<16xi32>
        %mul3A_105 = arith.muli %get3A_99, %mul3A_104 : vector<16xi32>
        %gather3A = tpu.vector_load_idx %arg16[%mul3A_102] : memref<4096xf32, #tpu.memory_space<vmem>>[vector<16xi32>], vector<16xf32>,
        %add3A_106 = arith.constant 1 : i32
        %add3A_107 = vector.broadcast %add3A_106 : i32 to vector<16xi32>
        %add3A_108 = arith.addi %mul3A_102, %add3A_107 : vector<16xi32>
        %gather3A_109 = tpu.vector_load_idx %arg16[%add3A_108] : memref<4096xf32, #tpu.memory_space<vmem>>[vector<16xi32>], vector<16xf32>,
        %add3A_110 = arith.constant 2 : i32
        %add3A_111 = vector.broadcast %add3A_110 : i32 to vector<16xi32>
        %add3A_112 = arith.addi %mul3A_102, %add3A_111 : vector<16xi32>
        %gather3A_113 = tpu.vector_load_idx %arg16[%add3A_112] : memref<4096xf32, #tpu.memory_space<vmem>>[vector<16xi32>], vector<16xf32>,
        %gather3A_114 = tpu.vector_load_idx %arg16[%mul3A_105] : memref<4096xf32, #tpu.memory_space<vmem>>[vector<16xi32>], vector<16xf32>,
        %add3A_115 = arith.constant 1 : i32
        %add3A_116 = vector.broadcast %add3A_115 : i32 to vector<16xi32>
        %add3A_117 = arith.addi %mul3A_105, %add3A_116 : vector<16xi32>
        %gather3A_118 = tpu.vector_load_idx %arg16[%add3A_117] : memref<4096xf32, #tpu.memory_space<vmem>>[vector<16xi32>], vector<16xf32>,
        %add3A_119 = arith.constant 2 : i32
        %add3A_120 = vector.broadcast %add3A_119 : i32 to vector<16xi32>
        %add3A_121 = arith.addi %mul3A_105, %add3A_120 : vector<16xi32>
        %gather3A_122 = tpu.vector_load_idx %arg16[%add3A_121] : memref<4096xf32, #tpu.memory_space<vmem>>[vector<16xi32>], vector<16xf32>,
        %sub3A = arith.subf %gather3A, %gather3A_114 : vector<16xf32>
        %sub3A_123 = arith.subf %gather3A_109, %gather3A_118 : vector<16xf32>
        %sub3A_124 = arith.subf %gather3A_113, %gather3A_122 : vector<16xf32>
        %mul3A_125 = arith.mulf %sub3A, %sub3A : vector<16xf32>
        %mul3A_126 = arith.mulf %sub3A_123, %sub3A_123 : vector<16xf32>
        %add3A_127 = arith.addf %mul3A_125, %mul3A_126 : vector<16xf32>
        %mul3A_128 = arith.mulf %sub3A_124, %sub3A_124 : vector<16xf32>
        %add3A_129 = arith.addf %add3A_127, %mul3A_128 : vector<16xf32>
        %max3A = arith.constant 1.000000e-35 : f32
        %max3A_130 = vector.broadcast %max3A : f32 to vector<16xf32>
        %max3A_131 = arith.maximumf %add3A_129, %max3A_130 : vector<16xf32>
        %bitcast_convert_type3A = tpu.bitcast %max3A_131 : vector<16xf32> -> vector<16xi32>
        %shift_right_logical3A_132 = arith.constant 1 : i32
        %shift_right_logical3A_133 = vector.broadcast %shift_right_logical3A_132 : i32 to vector<16xi32>
        %shift_right_logical3A_134 = arith.shrui %bitcast_convert_type3A, %shift_right_logical3A_133 : vector<16xi32>
        %sub3A_135 = arith.constant 1597463174 : i32
        %sub3A_136 = vector.broadcast %sub3A_135 : i32 to vector<16xi32>
        %sub3A_137 = arith.subi %sub3A_136, %shift_right_logical3A_134 : vector<16xi32>
        %bitcast_convert_type3A_138 = tpu.bitcast %sub3A_137 : vector<16xi32> -> vector<16xf32>
        %mul3A_139 = arith.constant 5.000000e-01 : f32
        %mul3A_140 = vector.broadcast %mul3A_139 : f32 to vector<16xf32>
        %mul3A_141 = arith.mulf %mul3A_140, %max3A_131 : vector<16xf32>
        %mul3A_142 = arith.mulf %mul3A_141, %bitcast_convert_type3A_138 : vector<16xf32>
        %mul3A_143 = arith.mulf %mul3A_142, %bitcast_convert_type3A_138 : vector<16xf32>
        %sub3A_144 = arith.constant 1.500000e+00 : f32
        %sub3A_145 = vector.broadcast %sub3A_144 : f32 to vector<16xf32>
        %sub3A_146 = arith.subf %sub3A_145, %mul3A_143 : vector<16xf32>
        %mul3A_147 = arith.mulf %bitcast_convert_type3A_138, %sub3A_146 : vector<16xf32>
        %mul3A_148 = arith.constant 5.000000e-01 : f32
        %mul3A_149 = vector.broadcast %mul3A_148 : f32 to vector<16xf32>
        %mul3A_150 = arith.mulf %mul3A_149, %max3A_131 : vector<16xf32>
        %mul3A_151 = arith.mulf %mul3A_150, %mul3A_147 : vector<16xf32>
        %mul3A_152 = arith.mulf %mul3A_151, %mul3A_147 : vector<16xf32>
        %sub3A_153 = arith.constant 1.500000e+00 : f32
        %sub3A_154 = vector.broadcast %sub3A_153 : f32 to vector<16xf32>
        %sub3A_155 = arith.subf %sub3A_154, %mul3A_152 : vector<16xf32>
        %mul3A_156 = arith.mulf %mul3A_147, %sub3A_155 : vector<16xf32>
        %mul3A_157 = arith.mulf %add3A_129, %mul3A_156 : vector<16xf32>
        %gather3A_158 = tpu.vector_load_idx %arg26[%get3A_97] : memref<1024xi32, #tpu.memory_space<vmem>>[vector<16xi32>], vector<16xi32>,
        %gather3A_159 = tpu.vector_load_idx %arg26[%get3A_99] : memref<1024xi32, #tpu.memory_space<vmem>>[vector<16xi32>], vector<16xi32>,
        %mul3A_160 = arith.constant 10 : i32
        %mul3A_161 = vector.broadcast %mul3A_160 : i32 to vector<16xi32>
        %mul3A_162 = arith.muli %gather3A_158, %mul3A_161 : vector<16xi32>
        %add3A_163 = arith.addi %mul3A_162, %gather3A_159 : vector<16xi32>
        %gather3A_164 = tpu.vector_load_idx %arg34[%add3A_163] : memref<112xf32, #tpu.memory_space<vmem>>[vector<16xi32>], vector<16xf32>,
        %sub3A_165 = arith.subf %mul3A_157, %gather3A_164 : vector<16xf32>
        %mul3A_166 = arith.mulf %sub3A_165, %sub3A_165 : vector<16xf32>
        %add3A_167 = arith.addf %scan3A_92, %mul3A_166 : vector<16xf32>
        %mul3A_168 = arith.mulf %gather3A_164, %mul3A_156 : vector<16xf32>
        %jit3A_169 = arith.constant 9.800000e-01 : f32
        %jit3A_170 = arith.constant 1.020000e+00 : f32
        %max3A_171 = vector.broadcast %jit3A_169 : f32 to vector<16xf32>
        %max3A_172 = arith.maximumf %max3A_171, %mul3A_168 : vector<16xf32>
        %min3A = vector.broadcast %jit3A_170 : f32 to vector<16xf32>
        %min3A_173 = arith.minimumf %min3A, %max3A_172 : vector<16xf32>
        %sub3A_174 = arith.constant 1.000000e+00 : f32
        %sub3A_175 = vector.broadcast %sub3A_174 : f32 to vector<16xf32>
        %sub3A_176 = arith.subf %min3A_173, %sub3A_175 : vector<16xf32>
        %mul3A_177 = arith.constant 5.000000e-03 : f32
        %mul3A_178 = vector.broadcast %mul3A_177 : f32 to vector<16xf32>
        %mul3A_179 = arith.mulf %sub3A_176, %mul3A_178 : vector<16xf32>
        %mul3A_180 = arith.mulf %sub3A, %mul3A_179 : vector<16xf32>
        tpu.vector_store_idx %arg29[%get3A_97], %mul3A_180 masked %lt3A_8 {add = true} : memref<1024xf32, #tpu.memory_space<vmem>>[vector<16xi32>], vector<16xf32>, vector<16xi1>
        %mul3A_181 = arith.mulf %sub3A_123, %mul3A_179 : vector<16xf32>
        tpu.vector_store_idx %arg30[%get3A_97], %mul3A_181 masked %lt3A_8 {add = true} : memref<1024xf32, #tpu.memory_space<vmem>>[vector<16xi32>], vector<16xf32>, vector<16xi1>
        %mul3A_182 = arith.mulf %sub3A_124, %mul3A_179 : vector<16xf32>
        tpu.vector_store_idx %arg31[%get3A_97], %mul3A_182 masked %lt3A_8 {add = true} : memref<1024xf32, #tpu.memory_space<vmem>>[vector<16xi32>], vector<16xf32>, vector<16xi1>
        %mul3A_183 = arith.mulf %sub3A, %mul3A_179 : vector<16xf32>
        %neg3A = arith.constant 0.000000e+00 : f32
        %neg3A_184 = vector.broadcast %neg3A : f32 to vector<16xf32>
        %neg3A_185 = arith.subf %neg3A_184, %mul3A_183 : vector<16xf32>
        tpu.vector_store_idx %arg29[%get3A_99], %neg3A_185 masked %lt3A_8 {add = true} : memref<1024xf32, #tpu.memory_space<vmem>>[vector<16xi32>], vector<16xf32>, vector<16xi1>
        %mul3A_186 = arith.mulf %sub3A_123, %mul3A_179 : vector<16xf32>
        %neg3A_187 = arith.constant 0.000000e+00 : f32
        %neg3A_188 = vector.broadcast %neg3A_187 : f32 to vector<16xf32>
        %neg3A_189 = arith.subf %neg3A_188, %mul3A_186 : vector<16xf32>
        tpu.vector_store_idx %arg30[%get3A_99], %neg3A_189 masked %lt3A_8 {add = true} : memref<1024xf32, #tpu.memory_space<vmem>>[vector<16xi32>], vector<16xf32>, vector<16xi1>
        %mul3A_190 = arith.mulf %sub3A_124, %mul3A_179 : vector<16xf32>
        %neg3A_191 = arith.constant 0.000000e+00 : f32
        %neg3A_192 = vector.broadcast %neg3A_191 : f32 to vector<16xf32>
        %neg3A_193 = arith.subf %neg3A_192, %mul3A_190 : vector<16xf32>
        tpu.vector_store_idx %arg31[%get3A_99], %neg3A_193 masked %lt3A_8 {add = true} : memref<1024xf32, #tpu.memory_space<vmem>>[vector<16xi32>], vector<16xf32>, vector<16xi1>
        %mul3A_194 = arith.constant 2 : i32
        %mul3A_195 = arith.muli %scan3A_91, %mul3A_194 : i32
        %add3A_196 = arith.constant 1 : i32
        %add3A_197 = arith.addi %mul3A_195, %add3A_196 : i32
        %mul3A_198 = arith.constant 16 : i32
        %mul3A_199 = arith.muli %add3A_197, %mul3A_198 : i32
        %get3A_200 = arith.index_cast %mul3A_199 : i32 to index
        %get3A_201 = tpu.vector_load %arg20[%get3A_200] {strides = array<i32>} : memref<4000xi32, #tpu.memory_space<vmem>>, vector<16xi32>,
        %get3A_202 = arith.index_cast %mul3A_199 : i32 to index
        %get3A_203 = tpu.vector_load %arg21[%get3A_202] {strides = array<i32>} : memref<4000xi32, #tpu.memory_space<vmem>>, vector<16xi32>,
        %mul3A_204 = arith.constant 4 : i32
        %mul3A_205 = vector.broadcast %mul3A_204 : i32 to vector<16xi32>
        %mul3A_206 = arith.muli %get3A_201, %mul3A_205 : vector<16xi32>
        %mul3A_207 = arith.constant 4 : i32
        %mul3A_208 = vector.broadcast %mul3A_207 : i32 to vector<16xi32>
        %mul3A_209 = arith.muli %get3A_203, %mul3A_208 : vector<16xi32>
        %gather3A_210 = tpu.vector_load_idx %arg16[%mul3A_206] : memref<4096xf32, #tpu.memory_space<vmem>>[vector<16xi32>], vector<16xf32>,
        %add3A_211 = arith.constant 1 : i32
        %add3A_212 = vector.broadcast %add3A_211 : i32 to vector<16xi32>
        %add3A_213 = arith.addi %mul3A_206, %add3A_212 : vector<16xi32>
        %gather3A_214 = tpu.vector_load_idx %arg16[%add3A_213] : memref<4096xf32, #tpu.memory_space<vmem>>[vector<16xi32>], vector<16xf32>,
        %add3A_215 = arith.constant 2 : i32
        %add3A_216 = vector.broadcast %add3A_215 : i32 to vector<16xi32>
        %add3A_217 = arith.addi %mul3A_206, %add3A_216 : vector<16xi32>
        %gather3A_218 = tpu.vector_load_idx %arg16[%add3A_217] : memref<4096xf32, #tpu.memory_space<vmem>>[vector<16xi32>], vector<16xf32>,
        %gather3A_219 = tpu.vector_load_idx %arg16[%mul3A_209] : memref<4096xf32, #tpu.memory_space<vmem>>[vector<16xi32>], vector<16xf32>,
        %add3A_220 = arith.constant 1 : i32
        %add3A_221 = vector.broadcast %add3A_220 : i32 to vector<16xi32>
        %add3A_222 = arith.addi %mul3A_209, %add3A_221 : vector<16xi32>
        %gather3A_223 = tpu.vector_load_idx %arg16[%add3A_222] : memref<4096xf32, #tpu.memory_space<vmem>>[vector<16xi32>], vector<16xf32>,
        %add3A_224 = arith.constant 2 : i32
        %add3A_225 = vector.broadcast %add3A_224 : i32 to vector<16xi32>
        %add3A_226 = arith.addi %mul3A_209, %add3A_225 : vector<16xi32>
        %gather3A_227 = tpu.vector_load_idx %arg16[%add3A_226] : memref<4096xf32, #tpu.memory_space<vmem>>[vector<16xi32>], vector<16xf32>,
        %sub3A_228 = arith.subf %gather3A_210, %gather3A_219 : vector<16xf32>
        %sub3A_229 = arith.subf %gather3A_214, %gather3A_223 : vector<16xf32>
        %sub3A_230 = arith.subf %gather3A_218, %gather3A_227 : vector<16xf32>
        %mul3A_231 = arith.mulf %sub3A_228, %sub3A_228 : vector<16xf32>
        %mul3A_232 = arith.mulf %sub3A_229, %sub3A_229 : vector<16xf32>
        %add3A_233 = arith.addf %mul3A_231, %mul3A_232 : vector<16xf32>
        %mul3A_234 = arith.mulf %sub3A_230, %sub3A_230 : vector<16xf32>
        %add3A_235 = arith.addf %add3A_233, %mul3A_234 : vector<16xf32>
        %max3A_236 = arith.constant 1.000000e-35 : f32
        %max3A_237 = vector.broadcast %max3A_236 : f32 to vector<16xf32>
        %max3A_238 = arith.maximumf %add3A_235, %max3A_237 : vector<16xf32>
        %bitcast_convert_type3A_239 = tpu.bitcast %max3A_238 : vector<16xf32> -> vector<16xi32>
        %shift_right_logical3A_240 = arith.constant 1 : i32
        %shift_right_logical3A_241 = vector.broadcast %shift_right_logical3A_240 : i32 to vector<16xi32>
        %shift_right_logical3A_242 = arith.shrui %bitcast_convert_type3A_239, %shift_right_logical3A_241 : vector<16xi32>
        %sub3A_243 = arith.constant 1597463174 : i32
        %sub3A_244 = vector.broadcast %sub3A_243 : i32 to vector<16xi32>
        %sub3A_245 = arith.subi %sub3A_244, %shift_right_logical3A_242 : vector<16xi32>
        %bitcast_convert_type3A_246 = tpu.bitcast %sub3A_245 : vector<16xi32> -> vector<16xf32>
        %mul3A_247 = arith.constant 5.000000e-01 : f32
        %mul3A_248 = vector.broadcast %mul3A_247 : f32 to vector<16xf32>
        %mul3A_249 = arith.mulf %mul3A_248, %max3A_238 : vector<16xf32>
        %mul3A_250 = arith.mulf %mul3A_249, %bitcast_convert_type3A_246 : vector<16xf32>
        %mul3A_251 = arith.mulf %mul3A_250, %bitcast_convert_type3A_246 : vector<16xf32>
        %sub3A_252 = arith.constant 1.500000e+00 : f32
        %sub3A_253 = vector.broadcast %sub3A_252 : f32 to vector<16xf32>
        %sub3A_254 = arith.subf %sub3A_253, %mul3A_251 : vector<16xf32>
        %mul3A_255 = arith.mulf %bitcast_convert_type3A_246, %sub3A_254 : vector<16xf32>
        %mul3A_256 = arith.constant 5.000000e-01 : f32
        %mul3A_257 = vector.broadcast %mul3A_256 : f32 to vector<16xf32>
        %mul3A_258 = arith.mulf %mul3A_257, %max3A_238 : vector<16xf32>
        %mul3A_259 = arith.mulf %mul3A_258, %mul3A_255 : vector<16xf32>
        %mul3A_260 = arith.mulf %mul3A_259, %mul3A_255 : vector<16xf32>
        %sub3A_261 = arith.constant 1.500000e+00 : f32
        %sub3A_262 = vector.broadcast %sub3A_261 : f32 to vector<16xf32>
        %sub3A_263 = arith.subf %sub3A_262, %mul3A_260 : vector<16xf32>
        %mul3A_264 = arith.mulf %mul3A_255, %sub3A_263 : vector<16xf32>
        %mul3A_265 = arith.mulf %add3A_235, %mul3A_264 : vector<16xf32>
        %gather3A_266 = tpu.vector_load_idx %arg26[%get3A_201] : memref<1024xi32, #tpu.memory_space<vmem>>[vector<16xi32>], vector<16xi32>,
        %gather3A_267 = tpu.vector_load_idx %arg26[%get3A_203] : memref<1024xi32, #tpu.memory_space<vmem>>[vector<16xi32>], vector<16xi32>,
        %mul3A_268 = arith.constant 10 : i32
        %mul3A_269 = vector.broadcast %mul3A_268 : i32 to vector<16xi32>
        %mul3A_270 = arith.muli %gather3A_266, %mul3A_269 : vector<16xi32>
        %add3A_271 = arith.addi %mul3A_270, %gather3A_267 : vector<16xi32>
        %gather3A_272 = tpu.vector_load_idx %arg34[%add3A_271] : memref<112xf32, #tpu.memory_space<vmem>>[vector<16xi32>], vector<16xf32>,
        %sub3A_273 = arith.subf %mul3A_265, %gather3A_272 : vector<16xf32>
        %mul3A_274 = arith.mulf %sub3A_273, %sub3A_273 : vector<16xf32>
        %add3A_275 = arith.addf %add3A_167, %mul3A_274 : vector<16xf32>
        %mul3A_276 = arith.mulf %gather3A_272, %mul3A_264 : vector<16xf32>
        %jit3A_277 = arith.constant 9.800000e-01 : f32
        %jit3A_278 = arith.constant 1.020000e+00 : f32
        %max3A_279 = vector.broadcast %jit3A_277 : f32 to vector<16xf32>
        %max3A_280 = arith.maximumf %max3A_279, %mul3A_276 : vector<16xf32>
        %min3A_281 = vector.broadcast %jit3A_278 : f32 to vector<16xf32>
        %min3A_282 = arith.minimumf %min3A_281, %max3A_280 : vector<16xf32>
        %sub3A_283 = arith.constant 1.000000e+00 : f32
        %sub3A_284 = vector.broadcast %sub3A_283 : f32 to vector<16xf32>
        %sub3A_285 = arith.subf %min3A_282, %sub3A_284 : vector<16xf32>
        %mul3A_286 = arith.constant 5.000000e-03 : f32
        %mul3A_287 = vector.broadcast %mul3A_286 : f32 to vector<16xf32>
        %mul3A_288 = arith.mulf %sub3A_285, %mul3A_287 : vector<16xf32>
        %mul3A_289 = arith.mulf %sub3A_228, %mul3A_288 : vector<16xf32>
        tpu.vector_store_idx %arg29[%get3A_201], %mul3A_289 masked %lt3A_8 {add = true} : memref<1024xf32, #tpu.memory_space<vmem>>[vector<16xi32>], vector<16xf32>, vector<16xi1>
        %mul3A_290 = arith.mulf %sub3A_229, %mul3A_288 : vector<16xf32>
        tpu.vector_store_idx %arg30[%get3A_201], %mul3A_290 masked %lt3A_8 {add = true} : memref<1024xf32, #tpu.memory_space<vmem>>[vector<16xi32>], vector<16xf32>, vector<16xi1>
        %mul3A_291 = arith.mulf %sub3A_230, %mul3A_288 : vector<16xf32>
        tpu.vector_store_idx %arg31[%get3A_201], %mul3A_291 masked %lt3A_8 {add = true} : memref<1024xf32, #tpu.memory_space<vmem>>[vector<16xi32>], vector<16xf32>, vector<16xi1>
        %mul3A_292 = arith.mulf %sub3A_228, %mul3A_288 : vector<16xf32>
        %neg3A_293 = arith.constant 0.000000e+00 : f32
        %neg3A_294 = vector.broadcast %neg3A_293 : f32 to vector<16xf32>
        %neg3A_295 = arith.subf %neg3A_294, %mul3A_292 : vector<16xf32>
        tpu.vector_store_idx %arg29[%get3A_203], %neg3A_295 masked %lt3A_8 {add = true} : memref<1024xf32, #tpu.memory_space<vmem>>[vector<16xi32>], vector<16xf32>, vector<16xi1>
        %mul3A_296 = arith.mulf %sub3A_229, %mul3A_288 : vector<16xf32>
        %neg3A_297 = arith.constant 0.000000e+00 : f32
        %neg3A_298 = vector.broadcast %neg3A_297 : f32 to vector<16xf32>
        %neg3A_299 = arith.subf %neg3A_298, %mul3A_296 : vector<16xf32>
        tpu.vector_store_idx %arg30[%get3A_203], %neg3A_299 masked %lt3A_8 {add = true} : memref<1024xf32, #tpu.memory_space<vmem>>[vector<16xi32>], vector<16xf32>, vector<16xi1>
        %mul3A_300 = arith.mulf %sub3A_230, %mul3A_288 : vector<16xf32>
        %neg3A_301 = arith.constant 0.000000e+00 : f32
        %neg3A_302 = vector.broadcast %neg3A_301 : f32 to vector<16xf32>
        %neg3A_303 = arith.subf %neg3A_302, %mul3A_300 : vector<16xf32>
        tpu.vector_store_idx %arg31[%get3A_203], %neg3A_303 masked %lt3A_8 {add = true} : memref<1024xf32, #tpu.memory_space<vmem>>[vector<16xi32>], vector<16xf32>, vector<16xi1>
        scf.yield %add3A_275 : vector<16xf32>
      }
      %scan3A_80 = arith.constant 125 : i32
      %swap3A_81 = arith.constant 0 : index
      %swap3A_82 = tpu.vector_load %arg36[%swap3A_81] {strides = array<i32>} : memref<16xf32, #tpu.memory_space<vmem>>, vector<16xf32>,
      tpu.vector_store %arg36[%swap3A_81], %scan3A_79 {strides = array<i32>} : memref<16xf32, #tpu.memory_space<vmem>>, vector<16xf32>,
      "tpu.region"() ({
        %run_scoped3A = tpu.sem_alloc : memref<!tpu.dma_semaphore, #tpu.memory_space<semaphore_mem>>
        tpu.enqueue_dma source(%arg36 : memref<16xf32, #tpu.memory_space<vmem>>) target(%arg15 : memref<16xf32, #tpu.memory_space<hbm>>) target_semaphore(%run_scoped3A : memref<!tpu.dma_semaphore, #tpu.memory_space<semaphore_mem>>)
        tpu.wait_dma2 semaphore(%run_scoped3A : memref<!tpu.dma_semaphore, #tpu.memory_space<semaphore_mem>>) src(%arg36 : memref<16xf32, #tpu.memory_space<vmem>>) dst(%arg15 : memref<16xf32, #tpu.memory_space<hbm>>)
        tpu.yield
      }) : () -> ()
      %mul3A = arith.constant 4 : i32
      %mul3A_83 = vector.broadcast %mul3A : i32 to vector<16xi32>
      %mul3A_84 = arith.muli %iota3A, %mul3A_83 : vector<16xi32>
      %scan3A_85 = arith.constant 0 : i32
      %scan3A_86 = arith.constant 0 : i32
      %scan3A_87 = arith.constant 64 : i32
      %scan3A_88 = arith.addi %scan3A_86, %scan3A_87 : i32
      %scan3A_89 = arith.constant 1 : i32
      scf.for %scan3A_91 = %scan3A_86 to %scan3A_88 step %scan3A_89  : i32 {
        %mul3A_92 = arith.constant 16 : i32
        %mul3A_93 = arith.muli %scan3A_91, %mul3A_92 : i32
        %mul3A_94 = arith.constant 64 : i32
        %mul3A_95 = arith.muli %scan3A_91, %mul3A_94 : i32
        %broadcast_in_dim3A_96 = vector.broadcast %mul3A_95 : i32 to vector<16xi32>
        %add3A_97 = arith.addi %broadcast_in_dim3A_96, %mul3A_84 : vector<16xi32>
        %gather3A = tpu.vector_load_idx %arg16[%add3A_97] : memref<4096xf32, #tpu.memory_space<vmem>>[vector<16xi32>], vector<16xf32>,
        %get3A = arith.index_cast %mul3A_93 : i32 to index
        %get3A_98 = tpu.vector_load %arg29[%get3A] {strides = array<i32>} : memref<1024xf32, #tpu.memory_space<vmem>>, vector<16xf32>,
        %add3A_99 = arith.addf %gather3A, %get3A_98 : vector<16xf32>
        %swap3A_100 = arith.index_cast %mul3A_93 : i32 to index
        %swap3A_101 = tpu.vector_load %arg17[%swap3A_100] {strides = array<i32>} : memref<1024xf32, #tpu.memory_space<vmem>>, vector<16xf32>,
        tpu.vector_store %arg17[%swap3A_100], %add3A_99 {strides = array<i32>} : memref<1024xf32, #tpu.memory_space<vmem>>, vector<16xf32>,
        %add3A_102 = arith.constant 1 : i32
        %add3A_103 = vector.broadcast %add3A_102 : i32 to vector<16xi32>
        %add3A_104 = arith.addi %add3A_97, %add3A_103 : vector<16xi32>
        %gather3A_105 = tpu.vector_load_idx %arg16[%add3A_104] : memref<4096xf32, #tpu.memory_space<vmem>>[vector<16xi32>], vector<16xf32>,
        %get3A_106 = arith.index_cast %mul3A_93 : i32 to index
        %get3A_107 = tpu.vector_load %arg30[%get3A_106] {strides = array<i32>} : memref<1024xf32, #tpu.memory_space<vmem>>, vector<16xf32>,
        %add3A_108 = arith.addf %gather3A_105, %get3A_107 : vector<16xf32>
        %swap3A_109 = arith.index_cast %mul3A_93 : i32 to index
        %swap3A_110 = tpu.vector_load %arg18[%swap3A_109] {strides = array<i32>} : memref<1024xf32, #tpu.memory_space<vmem>>, vector<16xf32>,
        tpu.vector_store %arg18[%swap3A_109], %add3A_108 {strides = array<i32>} : memref<1024xf32, #tpu.memory_space<vmem>>, vector<16xf32>,
        %add3A_111 = arith.constant 2 : i32
        %add3A_112 = vector.broadcast %add3A_111 : i32 to vector<16xi32>
        %add3A_113 = arith.addi %add3A_97, %add3A_112 : vector<16xi32>
        %gather3A_114 = tpu.vector_load_idx %arg16[%add3A_113] : memref<4096xf32, #tpu.memory_space<vmem>>[vector<16xi32>], vector<16xf32>,
        %get3A_115 = arith.index_cast %mul3A_93 : i32 to index
        %get3A_116 = tpu.vector_load %arg31[%get3A_115] {strides = array<i32>} : memref<1024xf32, #tpu.memory_space<vmem>>, vector<16xf32>,
        %add3A_117 = arith.addf %gather3A_114, %get3A_116 : vector<16xf32>
        %swap3A_118 = arith.index_cast %mul3A_93 : i32 to index
        %swap3A_119 = tpu.vector_load %arg19[%swap3A_118] {strides = array<i32>} : memref<1024xf32, #tpu.memory_space<vmem>>, vector<16xf32>,
        tpu.vector_store %arg19[%swap3A_118], %add3A_117 {strides = array<i32>} : memref<1024xf32, #tpu.memory_space<vmem>>, vector<16xf32>,
      }
      %scan3A_90 = arith.constant 64 : i32
      "tpu.region"() ({
        %run_scoped3A = tpu.sem_alloc : memref<!tpu.dma_semaphore, #tpu.memory_space<semaphore_mem>>
        tpu.enqueue_dma source(%arg17 : memref<1024xf32, #tpu.memory_space<vmem>>) target(%arg10 : memref<1024xf32, #tpu.memory_space<hbm>>) target_semaphore(%run_scoped3A : memref<!tpu.dma_semaphore, #tpu.memory_space<semaphore_mem>>)
        tpu.wait_dma2 semaphore(%run_scoped3A : memref<!tpu.dma_semaphore, #tpu.memory_space<semaphore_mem>>) src(%arg17 : memref<1024xf32, #tpu.memory_space<vmem>>) dst(%arg10 : memref<1024xf32, #tpu.memory_space<hbm>>)
        tpu.yield
      }) : () -> ()
      "tpu.region"() ({
        %run_scoped3A = tpu.sem_alloc : memref<!tpu.dma_semaphore, #tpu.memory_space<semaphore_mem>>
        tpu.enqueue_dma source(%arg18 : memref<1024xf32, #tpu.memory_space<vmem>>) target(%arg11 : memref<1024xf32, #tpu.memory_space<hbm>>) target_semaphore(%run_scoped3A : memref<!tpu.dma_semaphore, #tpu.memory_space<semaphore_mem>>)
        tpu.wait_dma2 semaphore(%run_scoped3A : memref<!tpu.dma_semaphore, #tpu.memory_space<semaphore_mem>>) src(%arg18 : memref<1024xf32, #tpu.memory_space<vmem>>) dst(%arg11 : memref<1024xf32, #tpu.memory_space<hbm>>)
        tpu.yield
      }) : () -> ()
      "tpu.region"() ({
        %run_scoped3A = tpu.sem_alloc : memref<!tpu.dma_semaphore, #tpu.memory_space<semaphore_mem>>
        tpu.enqueue_dma source(%arg19 : memref<1024xf32, #tpu.memory_space<vmem>>) target(%arg12 : memref<1024xf32, #tpu.memory_space<hbm>>) target_semaphore(%run_scoped3A : memref<!tpu.dma_semaphore, #tpu.memory_space<semaphore_mem>>)
        tpu.wait_dma2 semaphore(%run_scoped3A : memref<!tpu.dma_semaphore, #tpu.memory_space<semaphore_mem>>) src(%arg19 : memref<1024xf32, #tpu.memory_space<vmem>>) dst(%arg12 : memref<1024xf32, #tpu.memory_space<hbm>>)
        tpu.yield
      }) : () -> ()
      "tpu.region"() ({
        %run_scoped3A = tpu.sem_alloc : memref<!tpu.dma_semaphore, #tpu.memory_space<semaphore_mem>>
        tpu.enqueue_dma source(%arg32 : memref<1024xf32, #tpu.memory_space<vmem>>) target(%arg13 : memref<1024xf32, #tpu.memory_space<hbm>>) target_semaphore(%run_scoped3A : memref<!tpu.dma_semaphore, #tpu.memory_space<semaphore_mem>>)
        tpu.wait_dma2 semaphore(%run_scoped3A : memref<!tpu.dma_semaphore, #tpu.memory_space<semaphore_mem>>) src(%arg32 : memref<1024xf32, #tpu.memory_space<vmem>>) dst(%arg13 : memref<1024xf32, #tpu.memory_space<hbm>>)
        tpu.yield
      }) : () -> ()
    } else {
    }
    return
  }
}

module attributes {stable_mosaic.version = 14 : i64} {
  func.func @_tc_body(%arg0: i32, %arg1: memref<1x1024xf32, #tpu.memory_space<vmem>>, %arg2: memref<1x1024xf32, #tpu.memory_space<vmem>>, %arg3: memref<1x1024xf32, #tpu.memory_space<vmem>>, %arg4: memref<1x1024xf32, #tpu.memory_space<vmem>>, %arg5: memref<128x1xf32, #tpu.memory_space<vmem>>, %arg6: memref<128x1xf32, #tpu.memory_space<vmem>>, %arg7: memref<128x1xf32, #tpu.memory_space<vmem>>, %arg8: memref<128x1xf32, #tpu.memory_space<vmem>>, %arg9: memref<1x16xf32, #tpu.memory_space<vmem>>, %arg10: memref<1x16xf32, #tpu.memory_space<vmem>>, %arg11: memref<128x4xf32, #tpu.memory_space<vmem>>, %arg12: memref<1x1xf32, #tpu.memory_space<vmem>>) attributes {dimension_semantics = [#tpu.dimension_semantics<arbitrary>], iteration_bounds = array<i64: 8>, scalar_prefetch = 0 : i64, scratch_operands = 0 : i64, tpu.core_type = #tpu.core_type<tc>, window_params = [{pipeline_mode = #tpu.pipeline_mode<synchronous>, transform_indices = @transform_0, window_bounds = array<i64: 1, 1024>}, {pipeline_mode = #tpu.pipeline_mode<synchronous>, transform_indices = @transform_1, window_bounds = array<i64: 1, 1024>}, {pipeline_mode = #tpu.pipeline_mode<synchronous>, transform_indices = @transform_2, window_bounds = array<i64: 1, 1024>}, {pipeline_mode = #tpu.pipeline_mode<synchronous>, transform_indices = @transform_3, window_bounds = array<i64: 1, 1024>}, {transform_indices = @transform_4, window_bounds = array<i64: 128, 1>}, {transform_indices = @transform_5, window_bounds = array<i64: 128, 1>}, {transform_indices = @transform_6, window_bounds = array<i64: 128, 1>}, {transform_indices = @transform_7, window_bounds = array<i64: 128, 1>}, {pipeline_mode = #tpu.pipeline_mode<synchronous>, transform_indices = @transform_8, window_bounds = array<i64: 1, 16>}, {pipeline_mode = #tpu.pipeline_mode<synchronous>, transform_indices = @transform_9, window_bounds = array<i64: 1, 16>}, {transform_indices = @transform_10, window_bounds = array<i64: 128, 4>}, {pipeline_mode = #tpu.pipeline_mode<synchronous>, transform_indices = @transform_11, window_bounds = array<i64: 1, 1>}]} {
    %get3A = arith.constant 0 : index
    %get3A_0 = arith.constant 0 : index
    %get3A_1 = vector.load %arg5[%get3A, %get3A_0] : memref<128x1xf32, #tpu.memory_space<vmem>>, vector<128x1xf32>
    %get3A_2 = arith.constant 0 : index
    %get3A_3 = arith.constant 0 : index
    %get3A_4 = vector.load %arg6[%get3A_2, %get3A_3] : memref<128x1xf32, #tpu.memory_space<vmem>>, vector<128x1xf32>
    %get3A_5 = arith.constant 0 : index
    %get3A_6 = arith.constant 0 : index
    %get3A_7 = vector.load %arg7[%get3A_5, %get3A_6] : memref<128x1xf32, #tpu.memory_space<vmem>>, vector<128x1xf32>
    %get3A_8 = arith.constant 0 : index
    %get3A_9 = arith.constant 0 : index
    %get3A_10 = vector.load %arg1[%get3A_8, %get3A_9] : memref<1x1024xf32, #tpu.memory_space<vmem>>, vector<1x1024xf32>
    %get3A_11 = arith.constant 0 : index
    %get3A_12 = arith.constant 0 : index
    %get3A_13 = vector.load %arg2[%get3A_11, %get3A_12] : memref<1x1024xf32, #tpu.memory_space<vmem>>, vector<1x1024xf32>
    %get3A_14 = arith.constant 0 : index
    %get3A_15 = arith.constant 0 : index
    %get3A_16 = vector.load %arg3[%get3A_14, %get3A_15] : memref<1x1024xf32, #tpu.memory_space<vmem>>, vector<1x1024xf32>
    %sub3A = vector.broadcast %get3A_1 : vector<128x1xf32> to vector<128x1024xf32>
    %sub3A_17 = vector.broadcast %get3A_10 : vector<1x1024xf32> to vector<128x1024xf32>
    %sub3A_18 = arith.subf %sub3A, %sub3A_17 : vector<128x1024xf32>
    %sub3A_19 = vector.broadcast %get3A_4 : vector<128x1xf32> to vector<128x1024xf32>
    %sub3A_20 = vector.broadcast %get3A_13 : vector<1x1024xf32> to vector<128x1024xf32>
    %sub3A_21 = arith.subf %sub3A_19, %sub3A_20 : vector<128x1024xf32>
    %sub3A_22 = vector.broadcast %get3A_7 : vector<128x1xf32> to vector<128x1024xf32>
    %sub3A_23 = vector.broadcast %get3A_16 : vector<1x1024xf32> to vector<128x1024xf32>
    %sub3A_24 = arith.subf %sub3A_22, %sub3A_23 : vector<128x1024xf32>
    %mul3A = arith.mulf %sub3A_18, %sub3A_18 : vector<128x1024xf32>
    %mul3A_25 = arith.mulf %sub3A_21, %sub3A_21 : vector<128x1024xf32>
    %add3A = arith.addf %mul3A, %mul3A_25 : vector<128x1024xf32>
    %mul3A_26 = arith.mulf %sub3A_24, %sub3A_24 : vector<128x1024xf32>
    %add3A_27 = arith.addf %add3A, %mul3A_26 : vector<128x1024xf32>
    %mul3A_28 = arith.constant 128 : i32
    %mul3A_29 = arith.muli %arg0, %mul3A_28 : i32
    %iota3A = tpu.iota {dimensions = array<i32: 0>} : vector<128x1024xi32>
    %add3A_30 = vector.broadcast %mul3A_29 : i32 to vector<128x1024xi32>
    %add3A_31 = arith.addi %add3A_30, %iota3A : vector<128x1024xi32>
    %iota3A_32 = tpu.iota {dimensions = array<i32: 1>} : vector<128x1024xi32>
    %eq3A = arith.cmpi eq, %add3A_31, %iota3A_32 : vector<128x1024xi32>
    %not3A = arith.constant dense<true> : vector<128x1024xi1>
    %not3A_33 = arith.xori %eq3A, %not3A : vector<128x1024xi1>
    %lt3A = arith.constant 1000 : i32
    %lt3A_34 = vector.broadcast %lt3A : i32 to vector<128x1024xi32>
    %lt3A_35 = arith.cmpi slt, %add3A_31, %lt3A_34 : vector<128x1024xi32>
    %and3A = arith.andi %not3A_33, %lt3A_35 : vector<128x1024xi1>
    %lt3A_36 = arith.constant 1000 : i32
    %lt3A_37 = vector.broadcast %lt3A_36 : i32 to vector<128x1024xi32>
    %lt3A_38 = arith.cmpi slt, %iota3A_32, %lt3A_37 : vector<128x1024xi32>
    %and3A_39 = arith.andi %and3A, %lt3A_38 : vector<128x1024xi1>
    %jit3A = arith.constant 1.000000e+00 : f32
    %broadcast_in_dim3A = vector.broadcast %jit3A : f32 to vector<128x1024xf32>
    %select_n3A = arith.select %eq3A, %broadcast_in_dim3A, %add3A_27 : vector<128x1024xi1>, vector<128x1024xf32>
    %sqrt3A = math.sqrt %select_n3A : vector<128x1024xf32>
    %get3A_40 = arith.constant 0 : index
    %get3A_41 = arith.constant 0 : index
    %get3A_42 = vector.load %arg8[%get3A_40, %get3A_41] : memref<128x1xf32, #tpu.memory_space<vmem>>, vector<128x1xf32>
    %get3A_43 = arith.constant 0 : index
    %get3A_44 = arith.constant 0 : index
    %get3A_45 = vector.load %arg4[%get3A_43, %get3A_44] : memref<1x1024xf32, #tpu.memory_space<vmem>>, vector<1x1024xf32>
    %add3A_46 = vector.broadcast %get3A_42 : vector<128x1xf32> to vector<128x1024xf32>
    %add3A_47 = vector.broadcast %get3A_45 : vector<1x1024xf32> to vector<128x1024xf32>
    %add3A_48 = arith.addf %add3A_46, %add3A_47 : vector<128x1024xf32>
    %mul3A_49 = arith.constant 8.000000e-01 : f32
    %mul3A_50 = vector.broadcast %mul3A_49 : f32 to vector<128x1024xf32>
    %mul3A_51 = arith.mulf %add3A_48, %mul3A_50 : vector<128x1024xf32>
    %sub3A_52 = arith.subf %mul3A_51, %sqrt3A : vector<128x1024xf32>
    %max3A = arith.constant 0.000000e+00 : f32
    %max3A_53 = vector.broadcast %max3A : f32 to vector<128x1024xf32>
    %max3A_54 = arith.maximumf %sub3A_52, %max3A_53 : vector<128x1024xf32>
    %jit3A_55 = arith.constant 0.000000e+00 : f32
    %broadcast_in_dim3A_56 = vector.broadcast %jit3A_55 : f32 to vector<128x1024xf32>
    %select_n3A_57 = arith.select %and3A_39, %max3A_54, %broadcast_in_dim3A_56 : vector<128x1024xi1>, vector<128x1024xf32>
    %mul3A_58 = arith.mulf %select_n3A_57, %select_n3A_57 : vector<128x1024xf32>
    %reduce_sum3A = vector.shape_cast %mul3A_58 : vector<128x1024xf32> to vector<1x128x1024xf32>
    %reduce_sum3A_59 = arith.constant dense<0.000000e+00> : vector<1xf32>
    %reduce_sum3A_60 = vector.multi_reduction <add>, %reduce_sum3A, %reduce_sum3A_59 [1, 2] : vector<1x128x1024xf32> to vector<1xf32>
    %reduce_sum3A_61 = vector.shape_cast %reduce_sum3A_60 : vector<1xf32> to vector<1x1x1xf32>
    %reduce_sum3A_62 = vector.extract %reduce_sum3A_61[0, 0, 0] : f32 from vector<1x1x1xf32>
    %mul3A_63 = arith.constant 5.000000e-01 : f32
    %mul3A_64 = arith.mulf %mul3A_63, %reduce_sum3A_62 : f32
    %lt3A_65 = arith.cmpf olt, %sqrt3A, %mul3A_51 : vector<128x1024xf32>
    %and3A_66 = arith.andi %and3A_39, %lt3A_65 : vector<128x1024xi1>
    %gt3A = arith.constant 9.99999993E-9 : f32
    %gt3A_67 = vector.broadcast %gt3A : f32 to vector<128x1024xf32>
    %gt3A_68 = arith.cmpf ogt, %sqrt3A, %gt3A_67 : vector<128x1024xf32>
    %and3A_69 = arith.andi %and3A_66, %gt3A_68 : vector<128x1024xi1>
    %mul3A_70 = arith.constant 2.500000e-03 : f32
    %mul3A_71 = vector.broadcast %mul3A_70 : f32 to vector<128x1024xf32>
    %mul3A_72 = arith.mulf %sub3A_52, %mul3A_71 : vector<128x1024xf32>
    %div3A = arith.divf %mul3A_72, %sqrt3A : vector<128x1024xf32>
    %jit3A_73 = arith.constant 0.000000e+00 : f32
    %broadcast_in_dim3A_74 = vector.broadcast %jit3A_73 : f32 to vector<128x1024xf32>
    %select_n3A_75 = arith.select %and3A_69, %div3A, %broadcast_in_dim3A_74 : vector<128x1024xi1>, vector<128x1024xf32>
    %reduce_sum3A_76 = arith.constant dense<0.000000e+00> : vector<128xf32>
    %reduce_sum3A_77 = vector.multi_reduction <add>, %select_n3A_75, %reduce_sum3A_76 [1] : vector<128x1024xf32> to vector<128xf32>
    %broadcast_in_dim3A_78 = vector.shape_cast %reduce_sum3A_77 : vector<128xf32> to vector<128x1xf32>
    %mul3A_79 = vector.broadcast %get3A_10 : vector<1x1024xf32> to vector<128x1024xf32>
    %mul3A_80 = arith.mulf %select_n3A_75, %mul3A_79 : vector<128x1024xf32>
    %reduce_sum3A_81 = arith.constant dense<0.000000e+00> : vector<128xf32>
    %reduce_sum3A_82 = vector.multi_reduction <add>, %mul3A_80, %reduce_sum3A_81 [1] : vector<128x1024xf32> to vector<128xf32>
    %broadcast_in_dim3A_83 = vector.shape_cast %reduce_sum3A_82 : vector<128xf32> to vector<128x1xf32>
    %mul3A_84 = vector.broadcast %get3A_13 : vector<1x1024xf32> to vector<128x1024xf32>
    %mul3A_85 = arith.mulf %select_n3A_75, %mul3A_84 : vector<128x1024xf32>
    %reduce_sum3A_86 = arith.constant dense<0.000000e+00> : vector<128xf32>
    %reduce_sum3A_87 = vector.multi_reduction <add>, %mul3A_85, %reduce_sum3A_86 [1] : vector<128x1024xf32> to vector<128xf32>
    %broadcast_in_dim3A_88 = vector.shape_cast %reduce_sum3A_87 : vector<128xf32> to vector<128x1xf32>
    %mul3A_89 = vector.broadcast %get3A_16 : vector<1x1024xf32> to vector<128x1024xf32>
    %mul3A_90 = arith.mulf %select_n3A_75, %mul3A_89 : vector<128x1024xf32>
    %reduce_sum3A_91 = arith.constant dense<0.000000e+00> : vector<128xf32>
    %reduce_sum3A_92 = vector.multi_reduction <add>, %mul3A_90, %reduce_sum3A_91 [1] : vector<128x1024xf32> to vector<128xf32>
    %broadcast_in_dim3A_93 = vector.shape_cast %reduce_sum3A_92 : vector<128xf32> to vector<128x1xf32>
    %mul3A_94 = arith.mulf %get3A_1, %broadcast_in_dim3A_78 : vector<128x1xf32>
    %sub3A_95 = arith.subf %mul3A_94, %broadcast_in_dim3A_83 : vector<128x1xf32>
    %add3A_96 = arith.addf %get3A_1, %sub3A_95 : vector<128x1xf32>
    %mul3A_97 = arith.mulf %get3A_4, %broadcast_in_dim3A_78 : vector<128x1xf32>
    %sub3A_98 = arith.subf %mul3A_97, %broadcast_in_dim3A_88 : vector<128x1xf32>
    %add3A_99 = arith.addf %get3A_4, %sub3A_98 : vector<128x1xf32>
    %mul3A_100 = arith.mulf %get3A_7, %broadcast_in_dim3A_78 : vector<128x1xf32>
    %sub3A_101 = arith.subf %mul3A_100, %broadcast_in_dim3A_93 : vector<128x1xf32>
    %add3A_102 = arith.addf %get3A_7, %sub3A_101 : vector<128x1xf32>
    %broadcast_in_dim3A_103 = arith.constant 0.000000e+00 : f32
    %broadcast_in_dim3A_104 = vector.broadcast %broadcast_in_dim3A_103 : f32 to vector<128x1xf32>
    %concatenate3A = tpu.concatenate %add3A_96, %add3A_99, %add3A_102, %broadcast_in_dim3A_104 in 1 : vector<128x1xf32>, vector<128x1xf32>, vector<128x1xf32>, vector<128x1xf32> -> vector<128x4xf32>
    %swap3A = arith.constant 0 : index
    %swap3A_105 = arith.constant 0 : index
    %swap3A_106 = vector.load %arg11[%swap3A, %swap3A_105] : memref<128x4xf32, #tpu.memory_space<vmem>>, vector<128x4xf32>
    tpu.vector_store %arg11[%swap3A, %swap3A_105], %concatenate3A {strides = array<i32>} : memref<128x4xf32, #tpu.memory_space<vmem>>, vector<128x4xf32>,
    %eq3A_107 = arith.constant 0 : i32
    %eq3A_108 = arith.cmpi eq, %arg0, %eq3A_107 : i32
    %convert_element_type3A = arith.extui %eq3A_108 : i1 to i32
    %cond3A = arith.constant 0 : i32
    %cond3A_109 = arith.cmpi ne, %convert_element_type3A, %cond3A : i32
    scf.if %cond3A_109 {
      %get3A_122 = arith.constant 0 : index
      %get3A_123 = arith.constant 0 : index
      %get3A_124 = vector.load %arg9[%get3A_122, %get3A_123] : memref<1x16xf32, #tpu.memory_space<vmem>>, vector<1x16xf32>
      %reduce_sum3A_125 = vector.shape_cast %get3A_124 : vector<1x16xf32> to vector<1x1x16xf32>
      %reduce_sum3A_126 = arith.constant dense<0.000000e+00> : vector<1xf32>
      %reduce_sum3A_127 = vector.multi_reduction <add>, %reduce_sum3A_125, %reduce_sum3A_126 [1, 2] : vector<1x1x16xf32> to vector<1xf32>
      %reduce_sum3A_128 = vector.shape_cast %reduce_sum3A_127 : vector<1xf32> to vector<1x1x1xf32>
      %reduce_sum3A_129 = vector.extract %reduce_sum3A_128[0, 0, 0] : f32 from vector<1x1x1xf32>
      %get3A_130 = arith.constant 0 : index
      %get3A_131 = arith.constant 0 : index
      %get3A_132 = vector.load %arg10[%get3A_130, %get3A_131] : memref<1x16xf32, #tpu.memory_space<vmem>>, vector<1x16xf32>
      %reduce_sum3A_133 = vector.shape_cast %get3A_132 : vector<1x16xf32> to vector<1x1x16xf32>
      %reduce_sum3A_134 = arith.constant dense<0.000000e+00> : vector<1xf32>
      %reduce_sum3A_135 = vector.multi_reduction <add>, %reduce_sum3A_133, %reduce_sum3A_134 [1, 2] : vector<1x1x16xf32> to vector<1xf32>
      %reduce_sum3A_136 = vector.shape_cast %reduce_sum3A_135 : vector<1xf32> to vector<1x1x1xf32>
      %reduce_sum3A_137 = vector.extract %reduce_sum3A_136[0, 0, 0] : f32 from vector<1x1x1xf32>
      %mul3A_138 = arith.constant 2.500000e-04 : f32
      %mul3A_139 = arith.mulf %reduce_sum3A_137, %mul3A_138 : f32
      %add3A_140 = arith.addf %reduce_sum3A_129, %mul3A_139 : f32
      %reshape3A_141 = vector.broadcast %add3A_140 : f32 to vector<1x1xf32>
      %swap3A_142 = arith.constant 0 : index
      %swap3A_143 = arith.constant 0 : index
      %swap3A_144 = vector.load %arg12[%swap3A_142, %swap3A_143] : memref<1x1xf32, #tpu.memory_space<vmem>>, vector<1x1xf32>
      tpu.vector_store %arg12[%swap3A_142, %swap3A_143], %reshape3A_141 {strides = array<i32>} : memref<1x1xf32, #tpu.memory_space<vmem>>, vector<1x1xf32>,
    } else {
    }
    %get3A_110 = arith.constant 0 : index
    %get3A_111 = arith.constant 0 : index
    %get3A_112 = vector.load %arg12[%get3A_110, %get3A_111] : memref<1x1xf32, #tpu.memory_space<vmem>>, vector<1x1xf32>
    %reshape3A = vector.broadcast %mul3A_64 : f32 to vector<1x1xf32>
    %add3A_113 = arith.addf %get3A_112, %reshape3A : vector<1x1xf32>
    %swap3A_114 = arith.constant 0 : index
    %swap3A_115 = arith.constant 0 : index
    %swap3A_116 = vector.load %arg12[%swap3A_114, %swap3A_115] : memref<1x1xf32, #tpu.memory_space<vmem>>, vector<1x1xf32>
    tpu.vector_store %arg12[%swap3A_114, %swap3A_115], %add3A_113 {strides = array<i32>} : memref<1x1xf32, #tpu.memory_space<vmem>>, vector<1x1xf32>,
    %eq3A_117 = arith.constant 7 : i32
    %eq3A_118 = arith.cmpi eq, %arg0, %eq3A_117 : i32
    %convert_element_type3A_119 = arith.extui %eq3A_118 : i1 to i32
    %cond3A_120 = arith.constant 0 : i32
    %cond3A_121 = arith.cmpi ne, %convert_element_type3A_119, %cond3A_120 : i32
    scf.if %cond3A_121 {
      %get3A_122 = arith.constant 0 : index
      %get3A_123 = arith.constant 0 : index
      %get3A_124 = vector.load %arg12[%get3A_122, %get3A_123] : memref<1x1xf32, #tpu.memory_space<vmem>>, vector<1x1xf32>
      %mul3A_125 = arith.constant 1.000000e-01 : f32
      %mul3A_126 = vector.broadcast %mul3A_125 : f32 to vector<1x1xf32>
      %mul3A_127 = arith.mulf %get3A_124, %mul3A_126 : vector<1x1xf32>
      %swap3A_128 = arith.constant 0 : index
      %swap3A_129 = arith.constant 0 : index
      %swap3A_130 = vector.load %arg12[%swap3A_128, %swap3A_129] : memref<1x1xf32, #tpu.memory_space<vmem>>, vector<1x1xf32>
      tpu.vector_store %arg12[%swap3A_128, %swap3A_129], %mul3A_127 {strides = array<i32>} : memref<1x1xf32, #tpu.memory_space<vmem>>, vector<1x1xf32>,
    } else {
    }
    return
  }
  func.func @transform_0(%arg0: i32) -> (i32, i32) {
    %c0_i32 = arith.constant 0 : i32
    %c0_i32_0 = arith.constant 0 : i32
    %c0_i32_1 = arith.constant 0 : i32
    return %c0_i32, %c0_i32_0 : i32, i32
  }
  func.func @transform_1(%arg0: i32) -> (i32, i32) {
    %c0_i32 = arith.constant 0 : i32
    %c0_i32_0 = arith.constant 0 : i32
    %c0_i32_1 = arith.constant 0 : i32
    return %c0_i32, %c0_i32_0 : i32, i32
  }
  func.func @transform_2(%arg0: i32) -> (i32, i32) {
    %c0_i32 = arith.constant 0 : i32
    %c0_i32_0 = arith.constant 0 : i32
    %c0_i32_1 = arith.constant 0 : i32
    return %c0_i32, %c0_i32_0 : i32, i32
  }
  func.func @transform_3(%arg0: i32) -> (i32, i32) {
    %c0_i32 = arith.constant 0 : i32
    %c0_i32_0 = arith.constant 0 : i32
    %c0_i32_1 = arith.constant 0 : i32
    return %c0_i32, %c0_i32_0 : i32, i32
  }
  func.func @transform_4(%arg0: i32) -> (i32, i32) {
    %c0_i32 = arith.constant 0 : i32
    %c0_i32_0 = arith.constant 0 : i32
    return %arg0, %c0_i32 : i32, i32
  }
  func.func @transform_5(%arg0: i32) -> (i32, i32) {
    %c0_i32 = arith.constant 0 : i32
    %c0_i32_0 = arith.constant 0 : i32
    return %arg0, %c0_i32 : i32, i32
  }
  func.func @transform_6(%arg0: i32) -> (i32, i32) {
    %c0_i32 = arith.constant 0 : i32
    %c0_i32_0 = arith.constant 0 : i32
    return %arg0, %c0_i32 : i32, i32
  }
  func.func @transform_7(%arg0: i32) -> (i32, i32) {
    %c0_i32 = arith.constant 0 : i32
    %c0_i32_0 = arith.constant 0 : i32
    return %arg0, %c0_i32 : i32, i32
  }
  func.func @transform_8(%arg0: i32) -> (i32, i32) {
    %c0_i32 = arith.constant 0 : i32
    %c0_i32_0 = arith.constant 0 : i32
    %c0_i32_1 = arith.constant 0 : i32
    return %c0_i32, %c0_i32_0 : i32, i32
  }
  func.func @transform_9(%arg0: i32) -> (i32, i32) {
    %c0_i32 = arith.constant 0 : i32
    %c0_i32_0 = arith.constant 0 : i32
    %c0_i32_1 = arith.constant 0 : i32
    return %c0_i32, %c0_i32_0 : i32, i32
  }
  func.func @transform_10(%arg0: i32) -> (i32, i32) {
    %c0_i32 = arith.constant 0 : i32
    %c0_i32_0 = arith.constant 0 : i32
    return %arg0, %c0_i32 : i32, i32
  }
  func.func @transform_11(%arg0: i32) -> (i32, i32) {
    %c0_i32 = arith.constant 0 : i32
    %c0_i32_0 = arith.constant 0 : i32
    %c0_i32_1 = arith.constant 0 : i32
    return %c0_i32, %c0_i32_0 : i32, i32
  }
}

</mosaic_0001>

<sc_bundles>
// kernel: kernel.4.cloned.1.call-start
scs
__scs_entry_jumppad:
0x0: {  	(pc) =	sbr.rel $0x88, $3  }
0x1: {  	(tag) =	ssettag $0x0;
	lr =	simm.s32 $0x1  }
0x2: {  	[smem:$0x3F9E] =	sst lr;
	_ =	strace $0xD0000000  }
0x3: {  	_ = 	snop  }
0x4: {  	_ = 	snop  }
0x5: {  	_ = 	snop  }
0x6: {  	_ = 	snop  }
0x7: {  	_ = 	snop  }
__scs_overlays_trampoline_lowered:
0x8: {  	[smem:$0x3FAD] =	sst s0  }
0x9: {  	[smem:$0x3FAE] =	sst s1  }
0xa: {  	[smem:$0x3FAF] =	sst s2  }
0xb: {  	[smem:$0x3FB0] =	sst s3  }
0xc: {  	[smem:$0x3FB1] =	sst s4  }
0xd: {  	[smem:$0x3FB2] =	sst s5  }
0xe: {  	[smem:$0x3FB3] =	sst s6  }
0xf: {  	[smem:$0x3FB4] =	sst s7  }
0x10: {  	[smem:$0x3FB5] =	sst s8  }
0x11: {  	[smem:$0x3FB6] =	sst s9;
	s0 =	simm.s32 @!p0 $0x0  }
0x12: {  	s1 =	sld [smem:$0x3F9C];
	s0 =	simm.s32 @p0 $0x1  }
0x13: {  	[smem:$0x3FB7] =	sst s0;
	s0 =	simm.s32 @!p1 $0x0  }
0x14: {  	s2 =	sld [smem:$0x3F9B];
	s0 =	simm.s32 @p1 $0x1  }
0x15: {  	[smem:$0x3FB8] =	sst s0;
	s0 =	simm.s32 @!p2 $0x0  }
0x16: {  	s3 =	sld [smem:$0x3FDB];
	s0 =	simm.s32 @p2 $0x1  }
0x17: {  	s4 =	simm.s32 $0x1BF5;
	[smem:$0x3FBA] =	sst s0  }
0x18: {  	s0 =	sld [smem:$0x3F9D];
	_ =	swait.ge [sflag:s4], $0x0  }
0x19: {  	s7 =	sld [smem:$0x3F9E]  }
0x1a: {  	s8 =	sadd.s32 $0xFFFFE003, lr  }
0x1b: {  	s9 =	sadd.s32 $0xFFFFFEF7, lr;
	s5 =	simm.s32 $0xFFFFFFFF;
	p2 =	slt.u32 s8, $0xFFFFF086  }
0x1c: {  	p1 =	slt.u32 s9, $0xF7A;
	s5 =	simm.s32 @!p2 $0x0  }
0x1d: {  	s5 =	simm.s32 @p1 $0x1;
	p0 =	seq.s32 s7, s2  }
0x1e: {  	s7 =	smul.u32 @!p0 $0xF7A, s2;
	p2 =	seq.s32 @!p0 s5, $0x0  }
0x1f: {  	s9 =	smul.u32 $0xF7A, s1;
	s8 =	simm.s32 @!p0 $0x1BF5;
	p2 =	por !p2, p0  }
0x20: {  	[sflag:s8] =	ssyncset.s32 @!p0 $0xFFFFF086;
	s6 =	sadd.s32 @!p0 s3, s7;
	s7 =	simm.s32 @!p0 $0x108  }
0x21: {  	s3 =	sadd.s32 s3, s9;
	s6 =	sadd.s32 @!p0 $0x88, s6;
	s7 =	simm.s32 @p2 $0x1082  }
0x22: {  	[simem:s7], [sflag:s8] =	dma.local @!p0 [hbm:s6], $0xF7A  }
0x23: {  	s9 =	sor.u32 $0xD0000000, s2;
	s6 =	simm.s32 $0x108;
	_ =	swait.ge @!p0 [sflag:s8], $0x0  }
0x24: {  	s3 =	sadd.s32 $0x88, s3;
	s6 =	simm.s32 @!p1 $0x1082;
	[sflag:s4] =	ssyncset.s32 $0xFFFFF086  }
0x25: {  	[simem:s6], [sflag:s4] =	dma.local [hbm:s3], $0xF7A  }
0x26: {  	[smem:$0x3F9E] =	sst s1;
	(tag) =	ssettag s2;
	_ =	strace s9  }
0x27: {  	s1 =	sld [smem:$0x3FAE]  }
0x28: {  	s2 =	sld [smem:$0x3FAF]  }
0x29: {  	s4 =	sld [smem:$0x3FB1]  }
0x2a: {  	p0 =	seq.s32 s5, $0x0;
	s5 =	sld [smem:$0x3FB2]  }
0x2b: {  	s6 =	sld [smem:$0x3FB3]  }
0x2c: {  	s7 =	sld [smem:$0x3FB4]  }
0x2d: {  	s3 =	simm.s32 $0x108;
	s8 =	sld [smem:$0x3FB5]  }
0x2e: {  	s3 =	simm.s32 @!p0 $0x1082;
	s9 =	sld [smem:$0x3FB6]  }
0x2f: {  	lr =	sadd.s32 s0, s3;
	s0 =	sld [smem:$0x3FAD]  }
0x30: {  	s3 =	sld [smem:$0x3FB0]  }
0x31: {  	[smem:$0x3FB9] =	sst s10  }
0x32: {  	s10 =	sld [smem:$0x3FB7];
	_ =	sdelay $0x3  }
0x33: {  	p0 =	seq.s32 s10, $0x1;
	s10 =	sld [smem:$0x3FB9];
	_ =	sdelay $0x3  }
0x34: {  	[smem:$0x3FB9] =	sst s10  }
0x35: {  	s10 =	sld [smem:$0x3FB8];
	_ =	sdelay $0x3  }
0x36: {  	p1 =	seq.s32 s10, $0x1;
	s10 =	sld [smem:$0x3FB9];
	_ =	sdelay $0x3  }
0x37: {  	[smem:$0x3FB9] =	sst s10  }
0x38: {  	s10 =	sld [smem:$0x3FBA]  }
0x39: {  	_ = 	snop;
	(pc) =	sbr.ind lr, $3  }
0x3a: {  	_ = 	snop  }
0x3b: {  	_ = 	snop  }
0x3c: {  	p2 =	seq.s32 s10, $0x1;
	s10 =	sld [smem:$0x3FB9]  }
0x3d: {  	_ =	shalt  }
0x3e: {  	_ =	shalt  }
0x3f: {  	_ =	shalt  }
0x40: {  	_ =	shalt  }
0x41: {  	_ =	shalt  }
0x42: {  	_ =	shalt  }
0x43: {  	_ =	shalt  }
0x44: {  	_ =	shalt  }
0x45: {  	_ =	shalt  }
0x46: {  	_ =	shalt  }
0x47: {  	_ =	shalt  }
0x48: {  	_ =	shalt  }
0x49: {  	_ =	shalt  }
0x4a: {  	_ =	shalt  }
0x4b: {  	_ =	shalt  }
0x4c: {  	_ =	shalt  }
0x4d: {  	_ =	shalt  }
0x4e: {  	_ =	shalt  }
0x4f: {  	_ =	shalt  }
0x50: {  	_ =	shalt  }
0x51: {  	_ =	shalt  }
0x52: {  	_ =	shalt  }
0x53: {  	_ =	shalt  }
0x54: {  	_ =	shalt  }
0x55: {  	_ =	shalt  }
0x56: {  	_ =	shalt  }
0x57: {  	_ =	shalt  }
0x58: {  	_ =	shalt  }
0x59: {  	_ =	shalt  }
0x5a: {  	_ =	shalt  }
0x5b: {  	_ =	shalt  }
0x5c: {  	_ =	shalt  }
0x5d: {  	_ =	shalt  }
0x5e: {  	_ =	shalt  }
0x5f: {  	_ =	shalt  }
0x60: {  	_ =	shalt  }
0x61: {  	_ =	shalt  }
0x62: {  	_ =	shalt  }
0x63: {  	_ =	shalt  }
0x64: {  	_ =	shalt  }
0x65: {  	_ =	shalt  }
0x66: {  	_ =	shalt  }
0x67: {  	_ =	shalt  }
0x68: {  	_ =	shalt  }
0x69: {  	_ =	shalt  }
0x6a: {  	_ =	shalt  }
0x6b: {  	_ =	shalt  }
0x6c: {  	_ =	shalt  }
0x6d: {  	_ =	shalt  }
0x6e: {  	_ =	shalt  }
0x6f: {  	_ =	shalt  }
0x70: {  	_ =	shalt  }
0x71: {  	_ =	shalt  }
0x72: {  	_ =	shalt  }
0x73: {  	_ =	shalt  }
0x74: {  	_ =	shalt  }
0x75: {  	_ =	shalt  }
0x76: {  	_ =	shalt  }
0x77: {  	_ =	shalt  }
0x78: {  	_ =	shalt  }
0x79: {  	_ =	shalt  }
0x7a: {  	_ =	shalt  }
0x7b: {  	_ =	shalt  }
0x7c: {  	_ =	shalt  }
0x7d: {  	_ =	shalt  }
0x7e: {  	_ =	shalt  }
0x7f: {  	_ =	shalt  }
0x80: {  	_ =	shalt  }
0x81: {  	_ =	shalt  }
0x82: {  	_ =	shalt  }
0x83: {  	_ =	shalt  }
0x84: {  	_ =	shalt  }
0x85: {  	_ =	shalt  }
0x86: {  	_ =	shalt  }
0x87: {  	_ =	shalt  }
.Lfunc_end0:
.L_simem_size_0:
called_computation_lowered:
.L_overlay_start_0:
0x88: {  	s2 =	sld [smem:$0x3FD9]  }
0x89: {  	s3 =	sld [smem:$0x3FFE];
	_ =	sdelay $0x1  }
0x8a: {  	s1 =	srdreg.scid  }
0x8b: {  	s0 =	sand.u32 $0x1, s1  }
0x8c: {  	s14 =	sshll.u32 s0, $0xA;
	s2 =	sadd.s32 s3, s2  }
0x8d: {  	s2 =	sadd.s32 s2, s14  }
0x8e: {  	[smem:$0x3FC5] =	sst s2  }
0x8f: {  	_ = 	snop  }
0x90: {  	s2 =	sld [smem:$0x3FD0];
	_ =	sdelay $0x2  }
0x91: {  	s15 =	simm.s32 $0xA;
	s4 =	simm.s32 $0x10  }
0x92: {  	[smem:s4], [sflag:s15] =	dma.local [hbm:s2], $0x1  }
0x93: {  	_ =	swait.eq [sflag:s15], $0x1  }
0x94: {  	[sflag:s15] =	ssyncset.done $0x0  }
0x95: {  	s16 =	sld [smem:$0x10];
	[sflag:s15] =	ssyncadd.s32 $0xFFFFFFFF  }
0x96: {  	s17 =	sld [smem:$0x11];
	(tm) =	ssettm $0x1  }
0x97: {  	s18 =	sld [smem:$0x3FFB];
	_ =	sdelay $0x3  }
0x98: {  	_ =	strace s18  }
0x99: {  	s4 =	sld [smem:$0x3FFC];
	_ =	sdelay $0x3  }
0x9a: {  	_ =	strace s4  }
0x9b: {  	s4 =	sld [smem:$0x3FFD];
	_ =	sdelay $0x3  }
0x9c: {  	_ =	strace s4  }
0x9d: {  	_ =	strace $0x8FFFFFFF  }
0x9e: {  	s19 =	sld [smem:$0x3FDB];
	_ =	sdelay $0x1  }
0x9f: {  	s5 =	simm.s32 $_scs_section_size  }
0xa0: {  	s6 =	simm.s32 $_size__tile_overlayer_lowered;
	s7 =	simm.s32 $_tile_overlayer_lowered  }
0xa1: {  	s22 =	simm.s32 $0x1BFF;
	s21 =	sshll.u32 s7, $0x1;
	s4 =	sadd.s32 s5, s19  }
0xa2: {  	s8 =	simm.s32 $0x0;
	s20 =	sshll.u32 s6, $0x1;
	s6 =	sadd.s32 s21, s4  }
0xa3: {  	[timem:s8], [sflag:s22] =	dma.local [hbm:s6], s20  }
0xa4: {  	_ =	swait.ge [sflag:s22], s20  }
0xa5: {  	s5 =	ssub.s32 $0x0, s20;
	[sflag:s22] =	ssyncset.done $0x0  }
0xa6: {  	[sflag:s22] =	ssyncadd.s32 s5;
	_ =	sdelay $0x1  }
0xa7: {  	s23 =	simm.s32 $0x1B8B  }
0xa8: {  	_ =	swait.ge [sflag:s23], $0x1  }
0xa9: {  	[sflag:s23] =	ssyncset.done $0x0  }
0xaa: {  	s25 =	simm.s32 $0x1B8E;
	s24 =	sld [smem:$0x3FFE];
	[sflag:s23] =	ssyncadd.s32 $0xFFFFFFFF  }
0xab: {  	s26 =	simm.s32 $execute0_lowered;
	[smem:$0x3FD2] =	sst s25  }
0xac: {  	s6 =	sshll.u32 s26, $0x1;
	_ =	strace $0x80000046;
	[dreg:$0x1] =	wrdreg $0xFFFFFFFF  }
0xad: {  	s28 =	simm.s32 $_size_execute0_lowered;
	s4 =	sadd.s32 s4, s6;
	[dreg:$0x0] =	wrdreg $0x0  }
0xae: {  	s6 =	sshll.u32 s28, $0x1;
	[dreg:$0x2] =	wrdreg s4  }
0xaf: {  	[dreg:$0x3] =	wrdreg s6  }
0xb0: {  	[dreg:$0x4] =	wrdreg $0xC0  }
0xb1: {  	_ =	task [dreg:s8], $0x5FFFF  }
0xb2: {  	[dreg:$0x1] =	wrdreg $0xFFFFFFFF  }
0xb3: {  	[dreg:$0x0] =	wrdreg $0x60  }
0xb4: {  	[dreg:$0x2] =	wrdreg s16  }
0xb5: {  	[dreg:$0x3] =	wrdreg s24  }
0xb6: {  	[dreg:$0x4] =	wrdreg s17  }
0xb7: {  	[dreg:$0x5] =	wrdreg $0x9  }
0xb8: {  	_ =	task.clear_ibuf [dreg:s8], $0x6FFFF;
	_ =	strace $0x90000046  }
0xb9: {  	s29 =	simm.s32 $0x9;
	_ =	strace $0x80000048  }
0xba: {  	_ =	swait.ge [sflag:s29], $0x1  }
0xbb: {  	[sflag:s29] =	ssyncadd.s32 $0xFFFFFFFF  }
0xbc: {  	_ =	strace $0x90000048  }
0xbd: {  	_ =	sfence  }
0xbe: {  	s30 =	sld [smem:$0x0];
	_ =	sdelay $0x2  }
0xbf: {  	s31 =	sshll.u32 s1, $0xD;
	s1 =	sshrl.u32 s1, $0x2  }
0xc0: {  	s3 =	sand.u32 $0x4000, s31;
	s1 =	sadd.s32 s1, s30  }
0xc1: {  	s0 =	sor.u32 s3, s0;
	s1 =	sshll.u32 s1, $0x11  }
0xc2: {  	s0 =	sor.u32 s1, s0  }
0xc3: {  	s0 =	sadd.s32 $0x8F2B, s0  }
0xc4: {  	[sflag:s0] =	ssyncadd.remote.s32 $0x1  }
0xc5: {  	_ =	sfence.sel $0xFFFF  }
0xc6: {  	[dreg:$0x0] =	wrdreg $0xFFFFFFFF;
	(pc) =	sbr.abs _section_cstart, $3  }
0xc7: {  	[dreg:$0x1] =	wrdreg $0xFFFFFFFF  }
0xc8: {  	_ =	task.clear_ibuf [dreg:s8], $0x2FFFF;
	_ =	strace $0x9FFFFFFF  }
0xc9: {  	(tm) =	ssettm $0x7FFFFFFF  }
tec
execute0_lowered:
.L_overlay_start_1:
0x0: {  	(tag) =	ssettag $0x1  }
0x1: {  	s1 =	srdreg.scid  }
0x2: {  	s2 =	stileid.u32;
	s1 =	sand.u32 $0x1, s1  }
0x3: {  	s2 =	sor.u32 s2, s1  }
0x4: {  	p0 =	sne.s32 s2, $0x0  }
.Ltmp0:
0x5: {  	_ = 	snop;
	(pc) =	sbr.rel @p0 .LBB2_18-.Ltmp0, $2  }
0x6: {  	_ =	sdelay $0x2  }
0x7: {  	s0 =	rddreg [dreg:$0x1];
	_ =	strace $0x80000047  }
0x8: {  	v2 =	vlaneseq.u32  }
0x9: {  	v0 =	vimm.s32 $0x76543021;
	v1 =	vimm.s32 $0xFEDCBA98;
	v3 =	vimm.s32 $0x76543102  }
0xa: {  	v8 =	vimm.s32 $0x20100;
	vm0 =	vcmask $0x1300;
	v11 =	vimm.s32 $0x2  }
0xb: {  	s2 =	sadd.s32 $0x1800, s0;
	v12 =	vimm.s32 $0x3;
	v13 =	vimm.s32 $0x4;
	v14 =	vimm.s32 $0x5  }
0xc: {  	s5 =	sadd.s32 $0x1600, s0;
	s6 =	sadd.s32 $0x1E00, s0;
	s7 =	sadd.s32 $0x1A00, s0;
	v15 =	vimm.s32 $0x6;
	v16 =	vimm.s32 $0x7;
	v17 =	vimm.s32 $0x8  }
0xd: {  	s8 =	sadd.s32 $0x2000, s0;
	s9 =	sadd.s32 $0x1C00, s0;
	s10 =	sadd.s32 $0x2600, s0;
	v18 =	vimm.s32 $0x9;
	v19 =	vimm.s32 $0xA;
	v20 =	vimm.s32 $0xB  }
0xe: {  	s11 =	sadd.s32 $0x2400, s0;
	s12 =	sadd.s32 $0x2200, s0;
	s13 =	sadd.s32 $0x2800, s0;
	v21 =	vimm.s32 $0xC;
	v22 =	vimm.s32 $0xD;
	v23 =	vimm.s32 $0xE  }
0xf: {  	s1 =	ssub.s32 $0x2, s1;
	s14 =	sadd.s32 $0x2A00, s0;
	s15 =	sadd.s32 $0x2C00, s0;
	v4 =	vunpack.c.l.s4.s8 v0;
	v5 =	vunpack.c.l.s4.s8 v1;
	v3 =	vunpack.c.l.s4.s8 v3  }
0x10: {  	s17 =	simm.s32 $0x0;
	s18 =	simm.s32 $0x1;
	s19 =	simm.s32 $0x1C00;
	v24 =	vimm.s32 $0xF;
	v0 =	vimm.f32 $0.0e+00;
	v2 =	vmul.u32 $0x4, v2  }
0x11: {  	s20 =	simm.s32 $0x2C00;
	s22 =	simm.s32 $0x7C00;
	s23 =	simm.s32 $0x9800;
	v6 =	vunpack.c.0.s8.s32 v4;
	v5 =	vunpack.c.0.s8.s32 v5;
	v7 =	vunpack.c.0.s8.s32 v3  }
0x12: {  	s24 =	simm.s32 $0x9880;
	s25 =	simm.s32 $0x9900;
	s28 =	simm.s32 $0x9980;
	v1 =	vimm.f32 $1.000000000e+00;
	v8 =	vunpack.c.0.s8.s32 v8;
	v3 =	vimm.s32 $0xFFC  }
0x13: {  	s29 =	simm.s32 $0x8400;
	s30 =	simm.s32 $0x8800;
	s31 =	simm.s32 $0x8C00;
	v4 =	vor.u32 $0x1, v2;
	v9 =	vcombine.low v6, v5;
	v10 =	vcombine.low v7, v5  }
0x14: {  	s0 =	simm.s32 $0x0;
	[dreg:$0x4] =	wrdreg s2;
	s26 =	sshrl.u32 s1, $0x1;
	v5 =	vor.u32 $0x2, v2;
	v6 =	vimm.s32 $0x0;
	v7 =	vnsel vm0, $0x0, v8  }
0x15: {  	s2 =	simm.s32 $0x9000;
	s16 =	ssub.s32 s1, s26;
	s26 =	simm.s32 $0x8000;
	v8 =	vand.u32 $0xF, v9;
	v9 =	vand.u32 $0xF, v10;
	v10 =	vimm.s32 $0x1  }
.LBB2_2:
0x16: {  	s1 =	rddreg [dreg:$0x0]  }
0x17: {  	[tilespmem:s17], [sflag:$0x1] =	stream.linear.gather [hbm4b:s1+s17], $0x1000, $0x38;
	[tilespmem:$0x9A00] =	vst v63  }
0x18: {  	_ =	swait.ge [sflag:s18], $0x1000  }
0x19: {  	[sflag:s18] =	ssyncset.done $0x0  }
0x1a: {  	s3 =	rddreg [dreg:$0x4];
	[sflag:s18] =	ssyncadd.s32 $0xFFFFF000  }
0x1b: {  	[tilespmem:s19], [sflag:$0x1] =	stream.linear.gather [hbm4b:s3+s17], $0x1000, $0x38;
	[tilespmem:$0x9A00] =	vst v63  }
0x1c: {  	_ =	swait.ge [sflag:s18], $0x1000  }
0x1d: {  	[sflag:s18] =	ssyncset.done $0x0  }
0x1e: {  	[sflag:s18] =	ssyncadd.s32 $0xFFFFF000  }
0x1f: {  	[tilespmem:s20], [sflag:$0x1] =	stream.linear.gather [hbm4b:s5+s17], $0x1000, $0x38;
	[tilespmem:$0x9A00] =	vst v63  }
0x20: {  	_ =	swait.ge [sflag:s18], $0x1000  }
0x21: {  	[sflag:s18] =	ssyncset.done $0x0  }
0x22: {  	s4 =	simm.s32 $0x3C00;
	[sflag:s18] =	ssyncadd.s32 $0xFFFFF000  }
0x23: {  	[tilespmem:s4], [sflag:$0x1] =	stream.linear.gather [hbm4b:s6+s17], $0x1000, $0x38;
	[tilespmem:$0x9A00] =	vst v63  }
0x24: {  	_ =	swait.ge [sflag:s18], $0x1000  }
0x25: {  	[sflag:s18] =	ssyncset.done $0x0  }
0x26: {  	[sflag:s18] =	ssyncadd.s32 $0xFFFFF000  }
0x27: {  	[tilespmem:s22], [sflag:$0x1] =	stream.linear.gather [hbm4b:s7+s17], $0x400, $0x38;
	[tilespmem:$0x9A00] =	vst v63  }
0x28: {  	_ =	swait.ge [sflag:s18], $0x400  }
0x29: {  	[sflag:s18] =	ssyncset.done $0x0  }
0x2a: {  	[sflag:s18] =	ssyncadd.s32 $0xFFFFFC00  }
0x2b: {  	s21 =	rddreg [dreg:$0x2]  }
0x2c: {  	[tilespmem:s23], [sflag:$0x1] =	stream.linear.gather [hbm4b:s21+s17], $0x80, $0x38;
	[tilespmem:$0x9A00] =	vst v63  }
0x2d: {  	_ =	swait.ge [sflag:s18], $0x80  }
0x2e: {  	[sflag:s18] =	ssyncset.done $0x0  }
0x2f: {  	[sflag:s18] =	ssyncadd.s32 $0xFFFFFF80  }
0x30: {  	[tilespmem:s24], [sflag:$0x1] =	stream.linear.gather [hbm4b:s8+s17], $0x80, $0x38;
	[tilespmem:$0x9A00] =	vst v63  }
0x31: {  	_ =	swait.ge [sflag:s18], $0x80  }
0x32: {  	[sflag:s18] =	ssyncset.done $0x0  }
0x33: {  	[sflag:s18] =	ssyncadd.s32 $0xFFFFFF80  }
0x34: {  	[tilespmem:s25], [sflag:$0x1] =	stream.linear.gather [hbm4b:s9+s17], $0x80, $0x38;
	[tilespmem:$0x9A00] =	vst v63  }
0x35: {  	_ =	swait.ge [sflag:s18], $0x80  }
0x36: {  	[sflag:s18] =	ssyncset.done $0x0  }
0x37: {  	s1 =	simm.s32 $0x0;
	s3 =	simm.s32 $0x40;
	[sflag:s18] =	ssyncadd.s32 $0xFFFFFF80  }
.LBB2_3:
0x38: {  	p0 =	sne.s32 s3, $0xFC0;
	[tilespmem:s1+$0x9000] =	vst v0;
	s4 =	smov.u32 s3;
	s3 =	sadd.s32 $0x40, s3  }
.Ltmp1:
0x39: {  	[tilespmem:s1+$0x8C00] =	vst v0;
	(pc) =	sbr.rel @p0 .LBB2_3-.Ltmp1, $3  }
0x3a: {  	[tilespmem:s1+$0x8000] =	vst v0  }
0x3b: {  	[tilespmem:s1+$0x8800] =	vst v0;
	_ =	sdelay $0x1  }
0x3c: {  	s1 =	sshra.s32 s4, $0x2  }
0x3d: {  	[tilespmem:s1+$0x9000] =	vst v0  }
0x3e: {  	[tilespmem:s1+$0x8C00] =	vst v0  }
0x3f: {  	[tilespmem:s1+$0x8000] =	vst v0  }
0x40: {  	s3 =	simm.s32 $0x0;
	[tilespmem:s1+$0x8800] =	vst v0  }
.LBB2_5:
0x41: {  	s1 =	sshra.s32 s3, $0x2  }
0x42: {  	v25 =	vld [tilespmem:s1+$0x1C00];
	_ =	sdelay $0x2  }
0x43: {  	p0 =	sne.s32 s3, $0x3E40  }
.Ltmp2:
0x44: {  	_ = 	snop;
	(pc) =	sbr.rel @p0 .LBB2_5-.Ltmp2, $2  }
0x45: {  	_ =	sdelay $0x2  }
0x46: {  	s3 =	sadd.s32 $0x40, s3;
	[tilespmem:v25+s26+$0x0] =	vst.idx.add.f32.msk $0xffff, v1  }
0x47: {  	s1 =	simm.s32 $0x0  }
0x48: {  	v26 =	vld [tilespmem:s1+$0x7C00];
	_ =	sdelay $0x6  }
0x49: {  	v27 =	vld [tilespmem:s1+$0x8000]  }
0x4a: {  	v25 =	vld.idx.msk [tilespmem:v26+s23+$0x0], $0xffff;
	_ =	sdelay $0x4  }
0x4b: {  	v28 =	vsub.f32 v27, v25;
	_ =	sdelay $0x1  }
0x4c: {  	v29 =	vmul.f32 v28, v28;
	v28 =	vmul.f32 $1.000000050e-03, v28  }
0x4d: {  	vm0 =	vgt.f32 v27, v25  }
0x4e: {  	s3 =	simm.s32 $0x10;
	s4 =	simm.s32 $0x80;
	v25 =	vimm.f32 $0.0e+00;
	v27 =	vnsel vm0, $0x0, v29;
	v28 =	vnsel vm0, $0x0, v28  }
.LBB2_7:
0x4f: {  	p0 =	sne.s32 s4, $0xFC0;
	v29 =	vld [tilespmem:s3+$0x7C00];
	v25 =	vadd.f32 v27, v25;
	[tilespmem:s1+$0x8400] =	vst v28  }
0x50: {  	v27 =	vld.idx.msk [tilespmem:v26+s25+$0x0], $0xffff;
	_ =	sdelay $0x3  }
0x51: {  	v26 =	vmov v29;
	_ =	sdelay $0x1  }
0x52: {  	[tilespmem:s1+$0x9400] =	vst v27;
	s1 =	smov.u32 s3  }
0x53: {  	v27 =	vld.idx.msk [tilespmem:v29+s23+$0x0], $0xffff  }
0x54: {  	v28 =	vld [tilespmem:s1+$0x8000];
	_ =	sdelay $0x4  }
.Ltmp3:
0x55: {  	v29 =	vsub.f32 v28, v27;
	(pc) =	sbr.rel @p0 .LBB2_7-.Ltmp3, $4  }
0x56: {  	_ = 	snop  }
0x57: {  	v30 =	vmul.f32 v29, v29;
	v29 =	vmul.f32 $1.000000050e-03, v29  }
0x58: {  	vm0 =	vgt.f32 v28, v27  }
0x59: {  	s3 =	sshra.s32 s4, $0x2;
	s4 =	sadd.s32 $0x40, s4;
	v27 =	vnsel vm0, $0x0, v30;
	v28 =	vnsel vm0, $0x0, v29  }
0x5a: {  	_ =	sdelay $0x2  }
0x5b: {  	v29 =	vld [tilespmem:s3+$0x7C00];
	[tilespmem:s1+$0x8400] =	vst v28  }
0x5c: {  	v26 =	vld.idx.msk [tilespmem:v26+s25+$0x0], $0xffff;
	_ =	sdelay $0x4  }
0x5d: {  	[tilespmem:s1+$0x9400] =	vst v26  }
0x5e: {  	v28 =	vld [tilespmem:s3+$0x8000]  }
0x5f: {  	v26 =	vld.idx.msk [tilespmem:v29+s23+$0x0], $0xffff;
	_ =	sdelay $0x4  }
0x60: {  	v30 =	vsub.f32 v28, v26;
	_ =	sdelay $0x1  }
0x61: {  	v31 =	vmul.f32 $1.000000050e-03, v30  }
0x62: {  	vm0 =	vgt.f32 v28, v26  }
0x63: {  	v26 =	vnsel vm0, $0x0, v31  }
0x64: {  	[tilespmem:s3+$0x8400] =	vst v26  }
0x65: {  	v26 =	vld.idx.msk [tilespmem:v29+s25+$0x0], $0xffff  }
0x66: {  	v62 =	vmul.f32 v30, v30  }
0x67: {  	v25 =	vadd.f32 v27, v25  }
0x68: {  	v27 =	vnsel vm0, $0x0, v62  }
0x69: {  	v25 =	vadd.f32 v27, v25  }
0x6a: {  	[tilespmem:s3+$0x9400] =	vst v26  }
0x6b: {  	s1 =	simm.s32 $0x0;
	[tilespmem:$0x9980] =	vst v25  }
0x6c: {  	[hbm4b:s14+s1] =	stream.linear.scatter [tilespmem:s28], [sflag:$0x1], $0x80, $0x38;
	[tilespmem:$0x9A00] =	vst v63  }
0x6d: {  	_ =	swait.ge [sflag:s18], $0x80  }
0x6e: {  	[sflag:s18] =	ssyncset.done $0x0  }
0x6f: {  	s21 =	simm.s32 $0x0;
	[sflag:s18] =	ssyncadd.s32 $0xFFFFFF80  }
0x70: {  	v25 =	vld [tilespmem:s21+$0x3C00];
	_ =	sdelay $0x7  }
0x71: {  	v26 =	vld.idx.msk [tilespmem:v25+s19+$0x0], $0xffff;
	_ =	sdelay $0x7  }
0x72: {  	v27 =	vld.idx.msk [tilespmem:v26+s29+$0x0], $0xffff;
	_ =	sdelay $0x1  }
0x73: {  	v25 =	vld.idx.msk [tilespmem:v25+s20+$0x0], $0xffff;
	_ =	sdelay $0x2  }
0x74: {  	vm15 =	vgt.f32 v27, $0.0e+00  }
0x75: {  	v26 =	vshll.u32 v26, $0x2;
	v63 =	vmpcnt.ones.xlane vm15  }
0x76: {  	v25 =	vshll.u32 v25, $0x2;
	[tilespmem:s1+$0x4C00] =	vst.msk vm15, v26  }
0x77: {  	[tilespmem:s1+$0x5C00] =	vst.msk vm15, v25;
	v25 =	vxor.u32 $0x80000000, v63  }
0x78: {  	s4 =	simm.s32 $0x10;
	s3 =	simm.s32 $0x80;
	[tilespmem:s1+$0x6C00] =	vst.msk vm15, v27;
	(xrf0) =	vmax.scan.msk.u32 $0xffff, v25  }
.LBB2_9:
0x79: {  	p0 =	sne.s32 s3, $0x3E40;
	v25 =	vld [tilespmem:s4+$0x3C00];
	_ =	sdelay $0x4  }
0x7a: {  	v26, _, _ =	vpop (xrf0)  }
0x7b: {  	(v2sf) =	vpush v26, $0xF;
	_ =	sdelay $0x1  }
0x7c: {  	v26 =	vld.idx.msk [tilespmem:v25+s19+$0x0], $0xffff  }
0x7d: {  	v25 =	vld.idx.msk [tilespmem:v25+s20+$0x0], $0xffff;
	_ =	sdelay $0x4  }
0x7e: {  	v27 =	vshll.u32 v26, $0x2;
	_ =	sdelay $0x1  }
0x7f: {  	v26 =	vld.idx.msk [tilespmem:v26+s29+$0x0], $0xffff;
	_ =	sdelay $0x4  }
0x80: {  	s4 =	spop (v2sf)  }
.Ltmp4:
0x81: {  	vm0 =	vgt.f32 v26, $0.0e+00;
	s1 =	sadd.s32 s4, s1;
	(pc) =	sbr.rel @p0 .LBB2_9-.Ltmp4, $4  }
0x82: {  	v28 =	vmpcnt.ones.xlane vm0;
	s1 =	sadd.s32 $0x80000000, s1  }
0x83: {  	v25 =	vshll.u32 v25, $0x2;
	[tilespmem:s1+$0x4C00] =	vst.msk vm0, v27  }
0x84: {  	[tilespmem:s1+$0x5C00] =	vst.msk vm0, v25;
	v25 =	vxor.u32 $0x80000000, v28  }
0x85: {  	s4 =	sshra.s32 s3, $0x2;
	s3 =	sadd.s32 $0x40, s3;
	[tilespmem:s1+$0x6C00] =	vst.msk vm0, v26;
	(xrf0) =	vmax.scan.msk.u32 $0xffff, v25  }
0x86: {  	v25 =	vld [tilespmem:s4+$0x3C00];
	_ =	sdelay $0x7  }
0x87: {  	v26 =	vld.idx.msk [tilespmem:v25+s19+$0x0], $0xffff;
	_ =	sdelay $0x7  }
0x88: {  	v27 =	vld.idx.msk [tilespmem:v26+s29+$0x0], $0xffff;
	_ =	sdelay $0x4  }
0x89: {  	vm0 =	vgt.f32 v27, $0.0e+00  }
0x8a: {  	v28 =	vmpcnt.ones.xlane vm0;
	_ =	sdelay $0x1  }
0x8b: {  	v28 =	vxor.u32 $0x80000000, v28  }
0x8c: {  	(xrf0) =	vmax.scan.msk.u32 $0xffff, v28;
	_ =	sdelay $0x3  }
0x8d: {  	v62, _, _ =	vpop (xrf0)  }
0x8e: {  	(v2sf) =	vpush v62, $0xF  }
0x8f: {  	v63, _, _ =	vpop (xrf0)  }
0x90: {  	(v2sf) =	vpush v63, $0xF;
	_ =	sdelay $0xb  }
0x91: {  	v25 =	vld.idx.msk [tilespmem:v25+s20+$0x0], $0xffff  }
0x92: {  	s3 =	spop (v2sf)  }
0x93: {  	s1 =	sadd.s32 s3, s1  }
0x94: {  	s1 =	sadd.s32 $0x80000000, s1;
	s4 =	spop (v2sf)  }
0x95: {  	v26 =	vshll.u32 v26, $0x2;
	s3 =	sadd.s32 s4, s1  }
0x96: {  	v25 =	vshll.u32 v25, $0x2;
	[tilespmem:s1+$0x4C00] =	vst.msk vm0, v26;
	s3 =	sadd.s32 $0x80000000, s3  }
0x97: {  	[tilespmem:s1+$0x5C00] =	vst.msk vm0, v25;
	s21 =	sadd.s32 $0xF, s3  }
0x98: {  	[tilespmem:s1+$0x6C00] =	vst.msk vm0, v27;
	s1 =	sshrl.u32 s21, $0x4  }
0x99: {  	p0 =	seq.s32 s1, $0x0  }
.Ltmp5:
0x9a: {  	_ = 	snop;
	(pc) =	sbr.rel @p0 .LBB2_13-.Ltmp5, $4  }
0x9b: {  	_ = 	snop  }
0x9c: {  	[tilespmem:s3+$0x4C00] =	vst v3  }
0x9d: {  	[tilespmem:s3+$0x5C00] =	vst v3  }
0x9e: {  	[tilespmem:s3+$0x6C00] =	vst v0  }
0x9f: {  	s3 =	simm.s32 $0x4C00;
	s21 =	simm.s32 $0x5C00;
	s4 =	simm.s32 $0x6C00  }
.LBB2_12:
0xa0: {  	v26 =	vld [tilespmem:s3+$0x0]  }
0xa1: {  	v27 =	vld [tilespmem:s21+$0x0];
	_ =	sdelay $0x3  }
0xa2: {  	v25 =	vperm.xlane v26, v6  }
0xa3: {  	v28 =	vperm.xlane v27, v6  }
0xa4: {  	v29 =	vadd.s32 v7, v25  }
0xa5: {  	v25 =	vadd.s32 v7, v28;
	_ =	sdelay $0x3  }
0xa6: {  	v46 =	vld.idx.msk [tilespmem:v29+s17+$0x0], $0x7  }
0xa7: {  	v25 =	vld.idx.msk [tilespmem:v25+s17+$0x0], $0x7;
	_ =	sdelay $0x4  }
0xa8: {  	v30 =	vsub.f32 v46, v25;
	_ =	sdelay $0x1  }
0xa9: {  	v25 =	vmul.f32 v30, v30;
	_ =	sdelay $0x1  }
0xaa: {  	v31 =	vperm.xlane v25, v8;
	_ =	sdelay $0x1  }
0xab: {  	v31 =	vadd.f32 v25, v31;
	v25 =	vperm.xlane v25, v9;
	_ =	sdelay $0x1  }
0xac: {  	v25 =	vadd.f32 v31, v25;
	_ =	sdelay $0x1  }
0xad: {  	v25 =	vmax.f32 v25, $1.000000020e-35  }
0xae: {  	v47 =	vshrl.u32 v25, $0x1;
	v25 =	vmul.f32 $5.000000000e-01, v25  }
0xaf: {  	v31 =	vsub.s32 $0x5F375A86, v47  }
0xb0: {  	v32 =	vmul.f32 v31, v25  }
0xb1: {  	v25 =	vld [tilespmem:s4+$0x0]  }
0xb2: {  	v32 =	vmul.f32 v31, v32;
	_ =	sdelay $0x1  }
0xb3: {  	v32 =	vsub.f32 $1.500000000e+00, v32;
	_ =	sdelay $0x1  }
0xb4: {  	v33 =	vperm.xlane v25, v6;
	v31 =	vmul.f32 v31, v32;
	_ =	sdelay $0x1  }
0xb5: {  	v48 =	vperm.xlane v26, v10;
	v31 =	vmul.f32 v31, v33  }
0xb6: {  	v49 =	vperm.xlane v27, v10  }
0xb7: {  	v50 =	vadd.s32 v7, v48;
	v30 =	vmul.f32 v31, v30  }
0xb8: {  	v51 =	vadd.s32 v7, v49  }
0xb9: {  	v28 =	vadd.f32 v30, v46;
	_ =	sdelay $0x1  }
0xba: {  	[tilespmem:v29+s17+$0x0] =	vst.idx.msk $0x7, v28  }
0xbb: {  	v28 =	vld.idx.msk [tilespmem:v50+s17+$0x0], $0x7  }
0xbc: {  	v29 =	vld.idx.msk [tilespmem:v51+s17+$0x0], $0x7;
	_ =	sdelay $0x4  }
0xbd: {  	v29 =	vsub.f32 v28, v29;
	_ =	sdelay $0x1  }
0xbe: {  	v52 =	vmul.f32 v29, v29;
	_ =	sdelay $0x1  }
0xbf: {  	v53 =	vperm.xlane v52, v8;
	_ =	sdelay $0x1  }
0xc0: {  	v30 =	vperm.xlane v52, v9;
	v32 =	vadd.f32 v52, v53;
	_ =	sdelay $0x1  }
0xc1: {  	v30 =	vadd.f32 v32, v30;
	_ =	sdelay $0x1  }
0xc2: {  	v30 =	vmax.f32 v30, $1.000000020e-35  }
0xc3: {  	v54 =	vshrl.u32 v30, $0x1;
	v30 =	vmul.f32 $5.000000000e-01, v30  }
0xc4: {  	v32 =	vsub.s32 $0x5F375A86, v54  }
0xc5: {  	v30 =	vmul.f32 v32, v30;
	_ =	sdelay $0x1  }
0xc6: {  	v30 =	vmul.f32 v32, v30;
	_ =	sdelay $0x1  }
0xc7: {  	v30 =	vsub.f32 $1.500000000e+00, v30;
	_ =	sdelay $0x1  }
0xc8: {  	v55 =	vperm.xlane v25, v10;
	v30 =	vmul.f32 v32, v30;
	_ =	sdelay $0x1  }
0xc9: {  	v56 =	vperm.xlane v26, v11;
	v30 =	vmul.f32 v30, v55  }
0xca: {  	v57 =	vperm.xlane v27, v11  }
0xcb: {  	v58 =	vadd.s32 v7, v56;
	v29 =	vmul.f32 v30, v29  }
0xcc: {  	v59 =	vadd.s32 v7, v57  }
0xcd: {  	v28 =	vadd.f32 v29, v28;
	_ =	sdelay $0x1  }
0xce: {  	[tilespmem:v50+s17+$0x0] =	vst.idx.msk $0x7, v28  }
0xcf: {  	v28 =	vld.idx.msk [tilespmem:v58+s17+$0x0], $0x7  }
0xd0: {  	v60 =	vld.idx.msk [tilespmem:v59+s17+$0x0], $0x7;
	_ =	sdelay $0x4  }
0xd1: {  	v29 =	vsub.f32 v28, v60;
	_ =	sdelay $0x1  }
0xd2: {  	v61 =	vmul.f32 v29, v29;
	_ =	sdelay $0x1  }
0xd3: {  	v62 =	vperm.xlane v61, v8;
	_ =	sdelay $0x1  }
0xd4: {  	v31 =	vperm.xlane v61, v9;
	v32 =	vadd.f32 v61, v62;
	_ =	sdelay $0x1  }
0xd5: {  	v31 =	vadd.f32 v32, v31;
	_ =	sdelay $0x1  }
0xd6: {  	v31 =	vmax.f32 v31, $1.000000020e-35  }
0xd7: {  	v63 =	vshrl.u32 v31, $0x1;
	v31 =	vmul.f32 $5.000000000e-01, v31  }
0xd8: {  	v32 =	vsub.s32 $0x5F375A86, v63  }
0xd9: {  	v31 =	vmul.f32 v32, v31;
	_ =	sdelay $0x1  }
0xda: {  	v31 =	vmul.f32 v32, v31;
	_ =	sdelay $0x1  }
0xdb: {  	v31 =	vsub.f32 $1.500000000e+00, v31;
	_ =	sdelay $0x1  }
0xdc: {  	v36 =	vperm.xlane v25, v11;
	v31 =	vmul.f32 v32, v31;
	_ =	sdelay $0x1  }
0xdd: {  	v37 =	vperm.xlane v26, v12;
	v31 =	vmul.f32 v31, v36  }
0xde: {  	v38 =	vperm.xlane v27, v12  }
0xdf: {  	v39 =	vadd.s32 v7, v37;
	v29 =	vmul.f32 v31, v29  }
0xe0: {  	v40 =	vadd.s32 v7, v38  }
0xe1: {  	v28 =	vadd.f32 v29, v28;
	_ =	sdelay $0x1  }
0xe2: {  	[tilespmem:v58+s17+$0x0] =	vst.idx.msk $0x7, v28  }
0xe3: {  	v28 =	vld.idx.msk [tilespmem:v39+s17+$0x0], $0x7  }
0xe4: {  	v41 =	vld.idx.msk [tilespmem:v40+s17+$0x0], $0x7;
	_ =	sdelay $0x4  }
0xe5: {  	v29 =	vsub.f32 v28, v41;
	_ =	sdelay $0x1  }
0xe6: {  	v42 =	vmul.f32 v29, v29;
	_ =	sdelay $0x1  }
0xe7: {  	v43 =	vperm.xlane v42, v8;
	_ =	sdelay $0x1  }
0xe8: {  	v30 =	vperm.xlane v42, v9;
	v32 =	vadd.f32 v42, v43;
	_ =	sdelay $0x1  }
0xe9: {  	v30 =	vadd.f32 v32, v30;
	_ =	sdelay $0x1  }
0xea: {  	v30 =	vmax.f32 v30, $1.000000020e-35  }
0xeb: {  	v44 =	vshrl.u32 v30, $0x1;
	v30 =	vmul.f32 $5.000000000e-01, v30  }
0xec: {  	v32 =	vsub.s32 $0x5F375A86, v44  }
0xed: {  	v30 =	vmul.f32 v32, v30;
	_ =	sdelay $0x1  }
0xee: {  	v30 =	vmul.f32 v32, v30;
	_ =	sdelay $0x1  }
0xef: {  	v30 =	vsub.f32 $1.500000000e+00, v30;
	_ =	sdelay $0x1  }
0xf0: {  	v45 =	vperm.xlane v25, v12;
	v30 =	vmul.f32 v32, v30;
	_ =	sdelay $0x1  }
0xf1: {  	v46 =	vperm.xlane v26, v13;
	v30 =	vmul.f32 v30, v45  }
0xf2: {  	v47 =	vperm.xlane v27, v13  }
0xf3: {  	v48 =	vadd.s32 v7, v46;
	v29 =	vmul.f32 v30, v29  }
0xf4: {  	v49 =	vadd.s32 v7, v47  }
0xf5: {  	v28 =	vadd.f32 v29, v28;
	_ =	sdelay $0x1  }
0xf6: {  	[tilespmem:v39+s17+$0x0] =	vst.idx.msk $0x7, v28  }
0xf7: {  	v28 =	vld.idx.msk [tilespmem:v48+s17+$0x0], $0x7  }
0xf8: {  	v50 =	vld.idx.msk [tilespmem:v49+s17+$0x0], $0x7;
	_ =	sdelay $0x4  }
0xf9: {  	v29 =	vsub.f32 v28, v50;
	_ =	sdelay $0x1  }
0xfa: {  	v51 =	vmul.f32 v29, v29;
	_ =	sdelay $0x1  }
0xfb: {  	v52 =	vperm.xlane v51, v8;
	_ =	sdelay $0x1  }
0xfc: {  	v31 =	vperm.xlane v51, v9;
	v32 =	vadd.f32 v51, v52;
	_ =	sdelay $0x1  }
0xfd: {  	v31 =	vadd.f32 v32, v31;
	_ =	sdelay $0x1  }
0xfe: {  	v31 =	vmax.f32 v31, $1.000000020e-35  }
0xff: {  	v53 =	vshrl.u32 v31, $0x1;
	v31 =	vmul.f32 $5.000000000e-01, v31  }
0x100: {  	v32 =	vsub.s32 $0x5F375A86, v53  }
0x101: {  	v31 =	vmul.f32 v32, v31;
	_ =	sdelay $0x1  }
0x102: {  	v31 =	vmul.f32 v32, v31;
	_ =	sdelay $0x1  }
0x103: {  	v31 =	vsub.f32 $1.500000000e+00, v31;
	_ =	sdelay $0x1  }
0x104: {  	v54 =	vperm.xlane v25, v13;
	v31 =	vmul.f32 v32, v31;
	_ =	sdelay $0x1  }
0x105: {  	v55 =	vperm.xlane v26, v14;
	v31 =	vmul.f32 v31, v54  }
0x106: {  	v56 =	vperm.xlane v27, v14  }
0x107: {  	v57 =	vadd.s32 v7, v55;
	v29 =	vmul.f32 v31, v29  }
0x108: {  	v58 =	vadd.s32 v7, v56  }
0x109: {  	v28 =	vadd.f32 v29, v28;
	_ =	sdelay $0x1  }
0x10a: {  	[tilespmem:v48+s17+$0x0] =	vst.idx.msk $0x7, v28  }
0x10b: {  	v28 =	vld.idx.msk [tilespmem:v57+s17+$0x0], $0x7  }
0x10c: {  	v59 =	vld.idx.msk [tilespmem:v58+s17+$0x0], $0x7;
	_ =	sdelay $0x4  }
0x10d: {  	v29 =	vsub.f32 v28, v59;
	_ =	sdelay $0x1  }
0x10e: {  	v60 =	vmul.f32 v29, v29;
	_ =	sdelay $0x1  }
0x10f: {  	v61 =	vperm.xlane v60, v8;
	_ =	sdelay $0x1  }
0x110: {  	v30 =	vperm.xlane v60, v9;
	v32 =	vadd.f32 v60, v61;
	_ =	sdelay $0x1  }
0x111: {  	v30 =	vadd.f32 v32, v30;
	_ =	sdelay $0x1  }
0x112: {  	v30 =	vmax.f32 v30, $1.000000020e-35  }
0x113: {  	v62 =	vshrl.u32 v30, $0x1;
	v30 =	vmul.f32 $5.000000000e-01, v30  }
0x114: {  	v32 =	vsub.s32 $0x5F375A86, v62  }
0x115: {  	v30 =	vmul.f32 v32, v30;
	_ =	sdelay $0x1  }
0x116: {  	v30 =	vmul.f32 v32, v30;
	_ =	sdelay $0x1  }
0x117: {  	v30 =	vsub.f32 $1.500000000e+00, v30;
	_ =	sdelay $0x1  }
0x118: {  	v63 =	vperm.xlane v25, v14;
	v30 =	vmul.f32 v32, v30;
	_ =	sdelay $0x1  }
0x119: {  	v36 =	vperm.xlane v26, v15;
	v30 =	vmul.f32 v30, v63  }
0x11a: {  	v37 =	vperm.xlane v27, v15  }
0x11b: {  	v38 =	vadd.s32 v7, v36;
	v29 =	vmul.f32 v30, v29  }
0x11c: {  	v39 =	vadd.s32 v7, v37  }
0x11d: {  	v28 =	vadd.f32 v29, v28;
	_ =	sdelay $0x1  }
0x11e: {  	[tilespmem:v57+s17+$0x0] =	vst.idx.msk $0x7, v28  }
0x11f: {  	v28 =	vld.idx.msk [tilespmem:v38+s17+$0x0], $0x7  }
0x120: {  	v40 =	vld.idx.msk [tilespmem:v39+s17+$0x0], $0x7;
	_ =	sdelay $0x4  }
0x121: {  	v29 =	vsub.f32 v28, v40;
	_ =	sdelay $0x1  }
0x122: {  	v41 =	vmul.f32 v29, v29;
	_ =	sdelay $0x1  }
0x123: {  	v42 =	vperm.xlane v41, v8;
	_ =	sdelay $0x1  }
0x124: {  	v31 =	vperm.xlane v41, v9;
	v32 =	vadd.f32 v41, v42;
	_ =	sdelay $0x1  }
0x125: {  	v31 =	vadd.f32 v32, v31;
	_ =	sdelay $0x1  }
0x126: {  	v31 =	vmax.f32 v31, $1.000000020e-35  }
0x127: {  	v43 =	vshrl.u32 v31, $0x1;
	v31 =	vmul.f32 $5.000000000e-01, v31  }
0x128: {  	v32 =	vsub.s32 $0x5F375A86, v43  }
0x129: {  	v31 =	vmul.f32 v32, v31;
	_ =	sdelay $0x1  }
0x12a: {  	v31 =	vmul.f32 v32, v31;
	_ =	sdelay $0x1  }
0x12b: {  	v31 =	vsub.f32 $1.500000000e+00, v31;
	_ =	sdelay $0x1  }
0x12c: {  	v44 =	vperm.xlane v25, v15;
	v31 =	vmul.f32 v32, v31;
	_ =	sdelay $0x1  }
0x12d: {  	v45 =	vperm.xlane v26, v16;
	v31 =	vmul.f32 v31, v44  }
0x12e: {  	v46 =	vperm.xlane v27, v16  }
0x12f: {  	v47 =	vadd.s32 v7, v45;
	v29 =	vmul.f32 v31, v29  }
0x130: {  	v48 =	vadd.s32 v7, v46  }
0x131: {  	v28 =	vadd.f32 v29, v28;
	_ =	sdelay $0x1  }
0x132: {  	[tilespmem:v38+s17+$0x0] =	vst.idx.msk $0x7, v28  }
0x133: {  	v28 =	vld.idx.msk [tilespmem:v47+s17+$0x0], $0x7  }
0x134: {  	v49 =	vld.idx.msk [tilespmem:v48+s17+$0x0], $0x7;
	_ =	sdelay $0x4  }
0x135: {  	v29 =	vsub.f32 v28, v49;
	_ =	sdelay $0x1  }
0x136: {  	v50 =	vmul.f32 v29, v29;
	_ =	sdelay $0x1  }
0x137: {  	v51 =	vperm.xlane v50, v8;
	_ =	sdelay $0x1  }
0x138: {  	v30 =	vperm.xlane v50, v9;
	v32 =	vadd.f32 v50, v51;
	_ =	sdelay $0x1  }
0x139: {  	v30 =	vadd.f32 v32, v30;
	_ =	sdelay $0x1  }
0x13a: {  	v30 =	vmax.f32 v30, $1.000000020e-35  }
0x13b: {  	v52 =	vshrl.u32 v30, $0x1;
	v30 =	vmul.f32 $5.000000000e-01, v30  }
0x13c: {  	v32 =	vsub.s32 $0x5F375A86, v52  }
0x13d: {  	v30 =	vmul.f32 v32, v30;
	_ =	sdelay $0x1  }
0x13e: {  	v30 =	vmul.f32 v32, v30;
	_ =	sdelay $0x1  }
0x13f: {  	v30 =	vsub.f32 $1.500000000e+00, v30;
	_ =	sdelay $0x1  }
0x140: {  	v53 =	vperm.xlane v25, v16;
	v30 =	vmul.f32 v32, v30;
	_ =	sdelay $0x1  }
0x141: {  	v54 =	vperm.xlane v26, v17;
	v30 =	vmul.f32 v30, v53  }
0x142: {  	v55 =	vperm.xlane v27, v17  }
0x143: {  	v56 =	vadd.s32 v7, v54;
	v29 =	vmul.f32 v30, v29  }
0x144: {  	v57 =	vadd.s32 v7, v55  }
0x145: {  	v28 =	vadd.f32 v29, v28;
	_ =	sdelay $0x1  }
0x146: {  	[tilespmem:v47+s17+$0x0] =	vst.idx.msk $0x7, v28  }
0x147: {  	v28 =	vld.idx.msk [tilespmem:v56+s17+$0x0], $0x7  }
0x148: {  	v58 =	vld.idx.msk [tilespmem:v57+s17+$0x0], $0x7;
	_ =	sdelay $0x4  }
0x149: {  	v29 =	vsub.f32 v28, v58;
	_ =	sdelay $0x1  }
0x14a: {  	v59 =	vmul.f32 v29, v29;
	_ =	sdelay $0x1  }
0x14b: {  	v60 =	vperm.xlane v59, v8;
	_ =	sdelay $0x1  }
0x14c: {  	v31 =	vperm.xlane v59, v9;
	v32 =	vadd.f32 v59, v60;
	_ =	sdelay $0x1  }
0x14d: {  	v31 =	vadd.f32 v32, v31;
	_ =	sdelay $0x1  }
0x14e: {  	v31 =	vmax.f32 v31, $1.000000020e-35  }
0x14f: {  	v61 =	vshrl.u32 v31, $0x1;
	v31 =	vmul.f32 $5.000000000e-01, v31  }
0x150: {  	v32 =	vsub.s32 $0x5F375A86, v61  }
0x151: {  	v31 =	vmul.f32 v32, v31;
	_ =	sdelay $0x1  }
0x152: {  	v31 =	vmul.f32 v32, v31;
	_ =	sdelay $0x1  }
0x153: {  	v31 =	vsub.f32 $1.500000000e+00, v31;
	_ =	sdelay $0x1  }
0x154: {  	v62 =	vperm.xlane v25, v17;
	v31 =	vmul.f32 v32, v31;
	_ =	sdelay $0x1  }
0x155: {  	v63 =	vperm.xlane v26, v18;
	v31 =	vmul.f32 v31, v62  }
0x156: {  	v36 =	vperm.xlane v27, v18  }
0x157: {  	v37 =	vadd.s32 v7, v63;
	v29 =	vmul.f32 v31, v29  }
0x158: {  	v38 =	vadd.s32 v7, v36  }
0x159: {  	v28 =	vadd.f32 v29, v28;
	_ =	sdelay $0x1  }
0x15a: {  	[tilespmem:v56+s17+$0x0] =	vst.idx.msk $0x7, v28  }
0x15b: {  	v28 =	vld.idx.msk [tilespmem:v37+s17+$0x0], $0x7  }
0x15c: {  	v39 =	vld.idx.msk [tilespmem:v38+s17+$0x0], $0x7;
	_ =	sdelay $0x4  }
0x15d: {  	v29 =	vsub.f32 v28, v39;
	_ =	sdelay $0x1  }
0x15e: {  	v40 =	vmul.f32 v29, v29;
	_ =	sdelay $0x1  }
0x15f: {  	v41 =	vperm.xlane v40, v8;
	_ =	sdelay $0x1  }
0x160: {  	v30 =	vperm.xlane v40, v9;
	v32 =	vadd.f32 v40, v41;
	_ =	sdelay $0x1  }
0x161: {  	v30 =	vadd.f32 v32, v30;
	_ =	sdelay $0x1  }
0x162: {  	v30 =	vmax.f32 v30, $1.000000020e-35  }
0x163: {  	v42 =	vshrl.u32 v30, $0x1;
	v30 =	vmul.f32 $5.000000000e-01, v30  }
0x164: {  	v32 =	vsub.s32 $0x5F375A86, v42  }
0x165: {  	v30 =	vmul.f32 v32, v30;
	_ =	sdelay $0x1  }
0x166: {  	v30 =	vmul.f32 v32, v30;
	_ =	sdelay $0x1  }
0x167: {  	v30 =	vsub.f32 $1.500000000e+00, v30;
	_ =	sdelay $0x1  }
0x168: {  	v43 =	vperm.xlane v25, v18;
	v30 =	vmul.f32 v32, v30;
	_ =	sdelay $0x1  }
0x169: {  	v44 =	vperm.xlane v26, v19;
	v30 =	vmul.f32 v30, v43  }
0x16a: {  	v45 =	vperm.xlane v27, v19  }
0x16b: {  	v46 =	vadd.s32 v7, v44;
	v29 =	vmul.f32 v30, v29  }
0x16c: {  	v47 =	vadd.s32 v7, v45  }
0x16d: {  	v28 =	vadd.f32 v29, v28;
	_ =	sdelay $0x1  }
0x16e: {  	[tilespmem:v37+s17+$0x0] =	vst.idx.msk $0x7, v28  }
0x16f: {  	v28 =	vld.idx.msk [tilespmem:v46+s17+$0x0], $0x7  }
0x170: {  	v48 =	vld.idx.msk [tilespmem:v47+s17+$0x0], $0x7;
	_ =	sdelay $0x4  }
0x171: {  	v29 =	vsub.f32 v28, v48;
	_ =	sdelay $0x1  }
0x172: {  	v49 =	vmul.f32 v29, v29;
	_ =	sdelay $0x1  }
0x173: {  	v50 =	vperm.xlane v49, v8;
	_ =	sdelay $0x1  }
0x174: {  	v31 =	vperm.xlane v49, v9;
	v32 =	vadd.f32 v49, v50;
	_ =	sdelay $0x1  }
0x175: {  	v31 =	vadd.f32 v32, v31;
	_ =	sdelay $0x1  }
0x176: {  	v31 =	vmax.f32 v31, $1.000000020e-35  }
0x177: {  	v51 =	vshrl.u32 v31, $0x1;
	v31 =	vmul.f32 $5.000000000e-01, v31  }
0x178: {  	v32 =	vsub.s32 $0x5F375A86, v51  }
0x179: {  	v31 =	vmul.f32 v32, v31;
	_ =	sdelay $0x1  }
0x17a: {  	v31 =	vmul.f32 v32, v31;
	_ =	sdelay $0x1  }
0x17b: {  	v31 =	vsub.f32 $1.500000000e+00, v31;
	_ =	sdelay $0x1  }
0x17c: {  	v52 =	vperm.xlane v25, v19;
	v31 =	vmul.f32 v32, v31;
	_ =	sdelay $0x1  }
0x17d: {  	v53 =	vperm.xlane v26, v20;
	v31 =	vmul.f32 v31, v52  }
0x17e: {  	v54 =	vperm.xlane v27, v20  }
0x17f: {  	v55 =	vadd.s32 v7, v53;
	v29 =	vmul.f32 v31, v29  }
0x180: {  	v56 =	vadd.s32 v7, v54  }
0x181: {  	v28 =	vadd.f32 v29, v28;
	_ =	sdelay $0x1  }
0x182: {  	[tilespmem:v46+s17+$0x0] =	vst.idx.msk $0x7, v28  }
0x183: {  	v28 =	vld.idx.msk [tilespmem:v55+s17+$0x0], $0x7  }
0x184: {  	v57 =	vld.idx.msk [tilespmem:v56+s17+$0x0], $0x7;
	_ =	sdelay $0x4  }
0x185: {  	v29 =	vsub.f32 v28, v57;
	_ =	sdelay $0x1  }
0x186: {  	v58 =	vmul.f32 v29, v29;
	_ =	sdelay $0x1  }
0x187: {  	v59 =	vperm.xlane v58, v8;
	_ =	sdelay $0x1  }
0x188: {  	v30 =	vperm.xlane v58, v9;
	v32 =	vadd.f32 v58, v59;
	_ =	sdelay $0x1  }
0x189: {  	v30 =	vadd.f32 v32, v30;
	_ =	sdelay $0x1  }
0x18a: {  	v30 =	vmax.f32 v30, $1.000000020e-35  }
0x18b: {  	v60 =	vshrl.u32 v30, $0x1;
	v30 =	vmul.f32 $5.000000000e-01, v30  }
0x18c: {  	v32 =	vsub.s32 $0x5F375A86, v60  }
0x18d: {  	v30 =	vmul.f32 v32, v30;
	_ =	sdelay $0x1  }
0x18e: {  	v30 =	vmul.f32 v32, v30;
	_ =	sdelay $0x1  }
0x18f: {  	v30 =	vsub.f32 $1.500000000e+00, v30;
	_ =	sdelay $0x1  }
0x190: {  	v61 =	vperm.xlane v25, v20;
	v30 =	vmul.f32 v32, v30;
	_ =	sdelay $0x1  }
0x191: {  	v62 =	vperm.xlane v26, v21;
	v30 =	vmul.f32 v30, v61  }
0x192: {  	v63 =	vperm.xlane v27, v21  }
0x193: {  	v36 =	vadd.s32 v7, v62;
	v29 =	vmul.f32 v30, v29  }
0x194: {  	v37 =	vadd.s32 v7, v63  }
0x195: {  	v28 =	vadd.f32 v29, v28;
	_ =	sdelay $0x1  }
0x196: {  	[tilespmem:v55+s17+$0x0] =	vst.idx.msk $0x7, v28  }
0x197: {  	v28 =	vld.idx.msk [tilespmem:v36+s17+$0x0], $0x7  }
0x198: {  	v38 =	vld.idx.msk [tilespmem:v37+s17+$0x0], $0x7;
	_ =	sdelay $0x4  }
0x199: {  	v29 =	vsub.f32 v28, v38;
	_ =	sdelay $0x1  }
0x19a: {  	v39 =	vmul.f32 v29, v29;
	_ =	sdelay $0x1  }
0x19b: {  	v40 =	vperm.xlane v39, v8;
	_ =	sdelay $0x1  }
0x19c: {  	v31 =	vperm.xlane v39, v9;
	v32 =	vadd.f32 v39, v40;
	_ =	sdelay $0x1  }
0x19d: {  	v31 =	vadd.f32 v32, v31;
	_ =	sdelay $0x1  }
0x19e: {  	v31 =	vmax.f32 v31, $1.000000020e-35  }
0x19f: {  	v41 =	vshrl.u32 v31, $0x1;
	v31 =	vmul.f32 $5.000000000e-01, v31  }
0x1a0: {  	v32 =	vsub.s32 $0x5F375A86, v41  }
0x1a1: {  	v31 =	vmul.f32 v32, v31;
	_ =	sdelay $0x1  }
0x1a2: {  	v31 =	vmul.f32 v32, v31;
	_ =	sdelay $0x1  }
0x1a3: {  	v31 =	vsub.f32 $1.500000000e+00, v31;
	_ =	sdelay $0x1  }
0x1a4: {  	v42 =	vperm.xlane v25, v21;
	v31 =	vmul.f32 v32, v31;
	_ =	sdelay $0x1  }
0x1a5: {  	v43 =	vperm.xlane v26, v22;
	v31 =	vmul.f32 v31, v42  }
0x1a6: {  	v44 =	vperm.xlane v27, v22  }
0x1a7: {  	v45 =	vadd.s32 v7, v43;
	v29 =	vmul.f32 v31, v29  }
0x1a8: {  	v46 =	vadd.s32 v7, v44  }
0x1a9: {  	v28 =	vadd.f32 v29, v28;
	_ =	sdelay $0x1  }
0x1aa: {  	[tilespmem:v36+s17+$0x0] =	vst.idx.msk $0x7, v28  }
0x1ab: {  	v28 =	vld.idx.msk [tilespmem:v45+s17+$0x0], $0x7  }
0x1ac: {  	v47 =	vld.idx.msk [tilespmem:v46+s17+$0x0], $0x7;
	_ =	sdelay $0x4  }
0x1ad: {  	v29 =	vsub.f32 v28, v47;
	_ =	sdelay $0x1  }
0x1ae: {  	v48 =	vmul.f32 v29, v29;
	_ =	sdelay $0x1  }
0x1af: {  	v49 =	vperm.xlane v48, v8;
	_ =	sdelay $0x1  }
0x1b0: {  	v30 =	vperm.xlane v48, v9;
	v32 =	vadd.f32 v48, v49;
	_ =	sdelay $0x1  }
0x1b1: {  	v30 =	vadd.f32 v32, v30;
	_ =	sdelay $0x1  }
0x1b2: {  	v30 =	vmax.f32 v30, $1.000000020e-35  }
0x1b3: {  	v50 =	vshrl.u32 v30, $0x1;
	v30 =	vmul.f32 $5.000000000e-01, v30  }
0x1b4: {  	v32 =	vsub.s32 $0x5F375A86, v50  }
0x1b5: {  	v30 =	vmul.f32 v32, v30;
	_ =	sdelay $0x1  }
0x1b6: {  	v30 =	vmul.f32 v32, v30;
	_ =	sdelay $0x1  }
0x1b7: {  	v30 =	vsub.f32 $1.500000000e+00, v30;
	_ =	sdelay $0x1  }
0x1b8: {  	v51 =	vperm.xlane v25, v22;
	v30 =	vmul.f32 v32, v30;
	_ =	sdelay $0x1  }
0x1b9: {  	v52 =	vperm.xlane v26, v23;
	v30 =	vmul.f32 v30, v51  }
0x1ba: {  	v53 =	vperm.xlane v27, v23  }
0x1bb: {  	v54 =	vadd.s32 v7, v52;
	v29 =	vmul.f32 v30, v29  }
0x1bc: {  	v55 =	vadd.s32 v7, v53  }
0x1bd: {  	v28 =	vadd.f32 v29, v28;
	_ =	sdelay $0x1  }
0x1be: {  	[tilespmem:v45+s17+$0x0] =	vst.idx.msk $0x7, v28  }
0x1bf: {  	v28 =	vld.idx.msk [tilespmem:v54+s17+$0x0], $0x7  }
0x1c0: {  	v56 =	vld.idx.msk [tilespmem:v55+s17+$0x0], $0x7;
	_ =	sdelay $0x4  }
0x1c1: {  	v29 =	vsub.f32 v28, v56;
	_ =	sdelay $0x1  }
0x1c2: {  	v57 =	vmul.f32 v29, v29;
	_ =	sdelay $0x1  }
0x1c3: {  	v58 =	vperm.xlane v57, v8;
	_ =	sdelay $0x1  }
0x1c4: {  	v31 =	vperm.xlane v57, v9;
	v32 =	vadd.f32 v57, v58;
	_ =	sdelay $0x1  }
0x1c5: {  	v31 =	vadd.f32 v32, v31;
	_ =	sdelay $0x1  }
0x1c6: {  	v31 =	vmax.f32 v31, $1.000000020e-35  }
0x1c7: {  	v59 =	vshrl.u32 v31, $0x1;
	v31 =	vmul.f32 $5.000000000e-01, v31  }
0x1c8: {  	v32 =	vsub.s32 $0x5F375A86, v59  }
0x1c9: {  	v31 =	vmul.f32 v32, v31;
	_ =	sdelay $0x1  }
0x1ca: {  	v31 =	vmul.f32 v32, v31;
	_ =	sdelay $0x1  }
0x1cb: {  	v31 =	vsub.f32 $1.500000000e+00, v31;
	_ =	sdelay $0x1  }
0x1cc: {  	v60 =	vperm.xlane v25, v23;
	v31 =	vmul.f32 v32, v31;
	_ =	sdelay $0x1  }
0x1cd: {  	v26 =	vperm.xlane v26, v24;
	v31 =	vmul.f32 v31, v60  }
0x1ce: {  	v27 =	vperm.xlane v27, v24  }
0x1cf: {  	v26 =	vadd.s32 v7, v26;
	v29 =	vmul.f32 v31, v29  }
0x1d0: {  	v27 =	vadd.s32 v7, v27  }
0x1d1: {  	v28 =	vadd.f32 v29, v28;
	_ =	sdelay $0x1  }
0x1d2: {  	[tilespmem:v54+s17+$0x0] =	vst.idx.msk $0x7, v28  }
0x1d3: {  	v28 =	vld.idx.msk [tilespmem:v26+s17+$0x0], $0x7  }
0x1d4: {  	v27 =	vld.idx.msk [tilespmem:v27+s17+$0x0], $0x7;
	_ =	sdelay $0x4  }
0x1d5: {  	v27 =	vsub.f32 v28, v27;
	_ =	sdelay $0x1  }
0x1d6: {  	v61 =	vmul.f32 v27, v27;
	_ =	sdelay $0x1  }
0x1d7: {  	v62 =	vperm.xlane v61, v8;
	_ =	sdelay $0x1  }
0x1d8: {  	v29 =	vperm.xlane v61, v9;
	v30 =	vadd.f32 v61, v62;
	_ =	sdelay $0x1  }
0x1d9: {  	v29 =	vadd.f32 v30, v29;
	_ =	sdelay $0x1  }
0x1da: {  	v29 =	vmax.f32 v29, $1.000000020e-35  }
0x1db: {  	v63 =	vshrl.u32 v29, $0x1;
	v29 =	vmul.f32 $5.000000000e-01, v29  }
0x1dc: {  	v30 =	vsub.s32 $0x5F375A86, v63  }
0x1dd: {  	v29 =	vmul.f32 v30, v29;
	_ =	sdelay $0x1  }
0x1de: {  	v29 =	vmul.f32 v30, v29;
	_ =	sdelay $0x1  }
0x1df: {  	v29 =	vsub.f32 $1.500000000e+00, v29;
	_ =	sdelay $0x1  }
0x1e0: {  	v25 =	vperm.xlane v25, v24;
	v29 =	vmul.f32 v30, v29;
	_ =	sdelay $0x1  }
0x1e1: {  	v25 =	vmul.f32 v29, v25  }
0x1e2: {  	p0 =	sne.s32 s1, $0x1  }
.Ltmp6:
0x1e3: {  	v25 =	vmul.f32 v25, v27;
	(pc) =	sbr.rel @p0 .LBB2_12-.Ltmp6, $4  }
0x1e4: {  	_ = 	snop  }
0x1e5: {  	v25 =	vadd.f32 v25, v28  }
0x1e6: {  	s3 =	sadd.s32 $0x10, s3  }
0x1e7: {  	s21 =	sadd.s32 $0x10, s21;
	s1 =	sadd.s32 $0xFFFFFFFF, s1;
	s4 =	sadd.s32 $0x10, s4;
	[tilespmem:v26+s17+$0x0] =	vst.idx.msk $0x7, v25  }
.LBB2_13:
0x1e8: {  	v25 =	vimm.f32 $0.0e+00;
	s1 =	simm.s32 $0x0  }
.LBB2_14:
0x1e9: {  	s3 =	sshra.s32 s1, $0x2  }
0x1ea: {  	v26 =	vld [tilespmem:s3+$0x1C00]  }
0x1eb: {  	v27 =	vld [tilespmem:s3+$0x2C00];
	_ =	sdelay $0x3  }
0x1ec: {  	v28 =	vshll.u32 v26, $0x2  }
0x1ed: {  	v30 =	vshll.u32 v27, $0x2  }
0x1ee: {  	v29 =	vor.u32 $0x1, v28  }
0x1ef: {  	v31 =	vor.u32 $0x1, v30  }
0x1f0: {  	v32 =	vor.u32 $0x2, v28  }
0x1f1: {  	v33 =	vor.u32 $0x2, v30;
	v28 =	vld.idx.msk [tilespmem:v28+s17+$0x0], $0xffff  }
0x1f2: {  	v30 =	vld.idx.msk [tilespmem:v30+s17+$0x0], $0xffff  }
0x1f3: {  	v29 =	vld.idx.msk [tilespmem:v29+s17+$0x0], $0xffff  }
0x1f4: {  	v31 =	vld.idx.msk [tilespmem:v31+s17+$0x0], $0xffff  }
0x1f5: {  	v32 =	vld.idx.msk [tilespmem:v32+s17+$0x0], $0xffff  }
0x1f6: {  	v33 =	vld.idx.msk [tilespmem:v33+s17+$0x0], $0xffff;
	_ =	sdelay $0x2  }
0x1f7: {  	v28 =	vsub.f32 v28, v30;
	v29 =	vsub.f32 v29, v31;
	_ =	sdelay $0x1  }
0x1f8: {  	v44 =	vsub.f32 v32, v33;
	v45 =	vmul.f32 v28, v28;
	v46 =	vmul.f32 v29, v29;
	_ =	sdelay $0x1  }
0x1f9: {  	v47 =	vmul.f32 v44, v44;
	v31 =	vadd.f32 v46, v45;
	_ =	sdelay $0x1  }
0x1fa: {  	v31 =	vadd.f32 v47, v31;
	_ =	sdelay $0x1  }
0x1fb: {  	v32 =	vmax.f32 v31, $1.000000020e-35  }
0x1fc: {  	v48 =	vshrl.u32 v32, $0x1;
	v32 =	vmul.f32 $5.000000000e-01, v32  }
0x1fd: {  	v34 =	vld.idx.msk [tilespmem:v26+s22+$0x0], $0xffff;
	v33 =	vsub.s32 $0x5F375A86, v48  }
0x1fe: {  	v35 =	vmul.f32 v33, v32  }
0x1ff: {  	v36 =	vld.idx.msk [tilespmem:v27+s22+$0x0], $0xffff  }
0x200: {  	v35 =	vmul.f32 v33, v35;
	_ =	sdelay $0x1  }
0x201: {  	v34 =	vmul.u32 $0xA, v34;
	v35 =	vsub.f32 $1.500000000e+00, v35;
	_ =	sdelay $0x1  }
0x202: {  	v34 =	vadd.s32 v36, v34;
	v33 =	vmul.f32 v33, v35;
	_ =	sdelay $0x1  }
0x203: {  	v32 =	vmul.f32 v33, v32;
	_ =	sdelay $0x1  }
0x204: {  	v32 =	vmul.f32 v32, v33  }
0x205: {  	v34 =	vld.idx.msk [tilespmem:v34+s24+$0x0], $0xffff  }
0x206: {  	v32 =	vsub.f32 $1.500000000e+00, v32;
	_ =	sdelay $0x1  }
0x207: {  	v32 =	vmul.f32 v32, v33;
	_ =	sdelay $0x1  }
0x208: {  	v33 =	vmul.f32 v32, v34;
	_ =	sdelay $0x1  }
0x209: {  	v33 =	vmax.f32 v33, $9.800000190e-01  }
0x20a: {  	v33 =	vmin.f32 v33, $1.019999980e+00  }
0x20b: {  	v33 =	vadd.f32 $-1.000000000e+00, v33;
	_ =	sdelay $0x1  }
0x20c: {  	v33 =	vmul.f32 $4.999999890e-03, v33;
	_ =	sdelay $0x1  }
0x20d: {  	v28 =	vmul.f32 v33, v28  }
0x20e: {  	v29 =	vmul.f32 v33, v29  }
0x20f: {  	v30 =	vmul.f32 v33, v44;
	[tilespmem:v26+s30+$0x0] =	vst.idx.add.f32.msk $0xffff, v28  }
0x210: {  	v28 =	vsub.f32 $0.0e+00, v28;
	[tilespmem:v26+s31+$0x0] =	vst.idx.add.f32.msk $0xffff, v29  }
0x211: {  	[tilespmem:v26+s2+$0x0] =	vst.idx.add.f32.msk $0xffff, v30;
	v26 =	vsub.f32 $0.0e+00, v29  }
0x212: {  	v49 =	vsub.f32 $0.0e+00, v30;
	[tilespmem:v27+s30+$0x0] =	vst.idx.add.f32.msk $0xffff, v28  }
0x213: {  	[tilespmem:v27+s31+$0x0] =	vst.idx.add.f32.msk $0xffff, v26  }
0x214: {  	[tilespmem:v27+s2+$0x0] =	vst.idx.add.f32.msk $0xffff, v49  }
0x215: {  	v26 =	vld [tilespmem:s3+$0x1C10]  }
0x216: {  	v27 =	vld [tilespmem:s3+$0x2C10];
	_ =	sdelay $0x3  }
0x217: {  	v50 =	vshll.u32 v26, $0x2  }
0x218: {  	v52 =	vshll.u32 v27, $0x2  }
0x219: {  	v51 =	vor.u32 $0x1, v50  }
0x21a: {  	v53 =	vor.u32 $0x1, v52  }
0x21b: {  	v54 =	vor.u32 $0x2, v50  }
0x21c: {  	v55 =	vor.u32 $0x2, v52;
	v28 =	vld.idx.msk [tilespmem:v50+s17+$0x0], $0xffff  }
0x21d: {  	v30 =	vld.idx.msk [tilespmem:v52+s17+$0x0], $0xffff  }
0x21e: {  	v29 =	vld.idx.msk [tilespmem:v51+s17+$0x0], $0xffff  }
0x21f: {  	v33 =	vld.idx.msk [tilespmem:v53+s17+$0x0], $0xffff  }
0x220: {  	v35 =	vld.idx.msk [tilespmem:v54+s17+$0x0], $0xffff  }
0x221: {  	v36 =	vld.idx.msk [tilespmem:v55+s17+$0x0], $0xffff;
	_ =	sdelay $0x2  }
0x222: {  	v28 =	vsub.f32 v28, v30;
	v29 =	vsub.f32 v29, v33;
	_ =	sdelay $0x1  }
0x223: {  	v56 =	vsub.f32 v35, v36;
	v57 =	vmul.f32 v28, v28;
	v58 =	vmul.f32 v29, v29;
	_ =	sdelay $0x1  }
0x224: {  	v59 =	vmul.f32 v56, v56;
	v33 =	vadd.f32 v58, v57;
	_ =	sdelay $0x1  }
0x225: {  	v33 =	vadd.f32 v59, v33;
	_ =	sdelay $0x1  }
0x226: {  	v35 =	vmax.f32 v33, $1.000000020e-35  }
0x227: {  	v60 =	vshrl.u32 v35, $0x1;
	v35 =	vmul.f32 $5.000000000e-01, v35  }
0x228: {  	v37 =	vld.idx.msk [tilespmem:v26+s22+$0x0], $0xffff;
	v36 =	vsub.s32 $0x5F375A86, v60  }
0x229: {  	v38 =	vmul.f32 v36, v35  }
0x22a: {  	v39 =	vld.idx.msk [tilespmem:v27+s22+$0x0], $0xffff  }
0x22b: {  	v38 =	vmul.f32 v36, v38;
	_ =	sdelay $0x1  }
0x22c: {  	v37 =	vmul.u32 $0xA, v37;
	v38 =	vsub.f32 $1.500000000e+00, v38;
	_ =	sdelay $0x1  }
0x22d: {  	v37 =	vadd.s32 v39, v37;
	v36 =	vmul.f32 v36, v38;
	_ =	sdelay $0x1  }
0x22e: {  	v35 =	vmul.f32 v36, v35;
	_ =	sdelay $0x1  }
0x22f: {  	v35 =	vmul.f32 v35, v36  }
0x230: {  	v37 =	vld.idx.msk [tilespmem:v37+s24+$0x0], $0xffff  }
0x231: {  	v35 =	vsub.f32 $1.500000000e+00, v35;
	_ =	sdelay $0x1  }
0x232: {  	v35 =	vmul.f32 v35, v36;
	_ =	sdelay $0x1  }
0x233: {  	v36 =	vmul.f32 v35, v37;
	_ =	sdelay $0x1  }
0x234: {  	v36 =	vmax.f32 v36, $9.800000190e-01  }
0x235: {  	v36 =	vmin.f32 v36, $1.019999980e+00  }
0x236: {  	v36 =	vadd.f32 $-1.000000000e+00, v36;
	_ =	sdelay $0x1  }
0x237: {  	v36 =	vmul.f32 $4.999999890e-03, v36  }
0x238: {  	v31 =	vmul.f32 v32, v31  }
0x239: {  	v28 =	vmul.f32 v36, v28  }
0x23a: {  	v31 =	vsub.f32 v31, v34;
	v61 =	vmul.f32 v35, v33;
	v29 =	vmul.f32 v36, v29  }
0x23b: {  	p0 =	sne.s32 s1, $0x3E00;
	v30 =	vmul.f32 v36, v56;
	[tilespmem:v26+s30+$0x0] =	vst.idx.add.f32.msk $0xffff, v28  }
.Ltmp7:
0x23c: {  	v31 =	vmul.f32 v31, v31;
	v32 =	vsub.f32 v61, v37;
	v28 =	vsub.f32 $0.0e+00, v28;
	[tilespmem:v26+s31+$0x0] =	vst.idx.add.f32.msk $0xffff, v29;
	(pc) =	sbr.rel @p0 .LBB2_14-.Ltmp7, $4  }
0x23d: {  	[tilespmem:v26+s2+$0x0] =	vst.idx.add.f32.msk $0xffff, v30;
	v26 =	vsub.f32 $0.0e+00, v29  }
0x23e: {  	v25 =	vadd.f32 v31, v25;
	v62 =	vmul.f32 v32, v32;
	v63 =	vsub.f32 $0.0e+00, v30;
	[tilespmem:v27+s30+$0x0] =	vst.idx.add.f32.msk $0xffff, v28  }
0x23f: {  	[tilespmem:v27+s31+$0x0] =	vst.idx.add.f32.msk $0xffff, v26  }
0x240: {  	s1 =	sadd.s32 $0x80, s1;
	v25 =	vadd.f32 v62, v25;
	[tilespmem:v27+s2+$0x0] =	vst.idx.add.f32.msk $0xffff, v63  }
0x241: {  	s1 =	simm.s32 $0x0  }
0x242: {  	[tilespmem:$0x9980] =	vst v25;
	v25 =	vor.u32 s1, v2  }
0x243: {  	[hbm4b:s15+s1] =	stream.linear.scatter [tilespmem:s28], [sflag:$0x1], $0x80, $0x38;
	[tilespmem:$0x9A00] =	vst v63  }
0x244: {  	_ =	swait.ge [sflag:s18], $0x80  }
0x245: {  	[sflag:s18] =	ssyncset.done $0x0  }
0x246: {  	[sflag:s18] =	ssyncadd.s32 $0xFFFFFF80  }
0x247: {  	s3 =	simm.s32 $0x0;
	v25 =	vld.idx.msk [tilespmem:v25+s17+$0x0], $0xffff  }
0x248: {  	v26 =	vld [tilespmem:s3+$0x8800];
	_ =	sdelay $0x2  }
0x249: {  	v27 =	vor.u32 s1, v4;
	_ =	sdelay $0x1  }
0x24a: {  	v25 =	vadd.f32 v26, v25;
	_ =	sdelay $0x1  }
0x24b: {  	v26 =	vld [tilespmem:s3+$0x8C00];
	[tilespmem:s3+$0x1000] =	vst v25  }
0x24c: {  	v25 =	vld.idx.msk [tilespmem:v27+s17+$0x0], $0xffff;
	_ =	sdelay $0x2  }
0x24d: {  	v27 =	vor.u32 s1, v5;
	_ =	sdelay $0x1  }
0x24e: {  	v25 =	vadd.f32 v26, v25;
	_ =	sdelay $0x1  }
0x24f: {  	[tilespmem:s3+$0x1400] =	vst v25  }
0x250: {  	v25 =	vld.idx.msk [tilespmem:v27+s17+$0x0], $0xffff  }
0x251: {  	v27 =	vld [tilespmem:s3+$0x9000];
	_ =	sdelay $0x1  }
0x252: {  	s1 =	simm.s32 $0x40  }
0x253: {  	s4 =	simm.s32 $0x80;
	v26 =	vor.u32 s1, v2  }
.LBB2_16:
0x254: {  	p0 =	sne.s32 s4, $0xFC0  }
0x255: {  	v25 =	vadd.f32 v27, v25;
	_ =	sdelay $0x1  }
0x256: {  	[tilespmem:s3+$0x1800] =	vst v25  }
0x257: {  	s3 =	sshra.s32 s1, $0x2;
	v25 =	vld.idx.msk [tilespmem:v26+s17+$0x0], $0xffff  }
0x258: {  	v26 =	vld [tilespmem:s3+$0x8800];
	_ =	sdelay $0x2  }
0x259: {  	v27 =	vor.u32 s1, v4;
	_ =	sdelay $0x1  }
0x25a: {  	v25 =	vadd.f32 v26, v25;
	_ =	sdelay $0x1  }
0x25b: {  	[tilespmem:s3+$0x1000] =	vst v25  }
0x25c: {  	v25 =	vld.idx.msk [tilespmem:v27+s17+$0x0], $0xffff  }
0x25d: {  	v26 =	vld [tilespmem:s3+$0x8C00];
	_ =	sdelay $0x2  }
0x25e: {  	v27 =	vor.u32 s1, v5;
	s1 =	smov.u32 s4;
	_ =	sdelay $0x1  }
0x25f: {  	v25 =	vadd.f32 v26, v25;
	_ =	sdelay $0x1  }
0x260: {  	[tilespmem:s3+$0x1400] =	vst v25  }
.Ltmp8:
0x261: {  	v25 =	vld.idx.msk [tilespmem:v27+s17+$0x0], $0xffff;
	(pc) =	sbr.rel @p0 .LBB2_16-.Ltmp8, $2  }
0x262: {  	v27 =	vld [tilespmem:s3+$0x9000];
	_ =	sdelay $0x2  }
0x263: {  	s4 =	sadd.s32 $0x40, s4;
	v26 =	vor.u32 s1, v2  }
0x264: {  	_ = 	snop  }
0x265: {  	v25 =	vadd.f32 v27, v25;
	_ =	sdelay $0x1  }
0x266: {  	[tilespmem:s3+$0x1800] =	vst v25  }
0x267: {  	s4 =	sshra.s32 s1, $0x2;
	v25 =	vld.idx.msk [tilespmem:v26+s17+$0x0], $0xffff  }
0x268: {  	v26 =	vld [tilespmem:s4+$0x8800];
	_ =	sdelay $0x2  }
0x269: {  	v27 =	vor.u32 s1, v4;
	_ =	sdelay $0x1  }
0x26a: {  	v25 =	vadd.f32 v26, v25;
	_ =	sdelay $0x1  }
0x26b: {  	v26 =	vld [tilespmem:s4+$0x8C00];
	[tilespmem:s4+$0x1000] =	vst v25  }
0x26c: {  	v25 =	vld.idx.msk [tilespmem:v27+s17+$0x0], $0xffff;
	_ =	sdelay $0x2  }
0x26d: {  	v27 =	vor.u32 s1, v5;
	_ =	sdelay $0x1  }
0x26e: {  	v25 =	vadd.f32 v26, v25;
	_ =	sdelay $0x1  }
0x26f: {  	v26 =	vld [tilespmem:s4+$0x9000];
	[tilespmem:s4+$0x1400] =	vst v25  }
0x270: {  	v25 =	vld.idx.msk [tilespmem:v27+s17+$0x0], $0xffff;
	_ =	sdelay $0x4  }
0x271: {  	v25 =	vadd.f32 v26, v25;
	_ =	sdelay $0x1  }
0x272: {  	s21 =	simm.s32 $0x1000;
	[tilespmem:s4+$0x1800] =	vst v25  }
0x273: {  	[hbm4b:s10+s17] =	stream.linear.scatter [tilespmem:s21], [sflag:$0x1], $0x400, $0x38;
	[tilespmem:$0x9A00] =	vst v63  }
0x274: {  	_ =	swait.ge [sflag:s18], $0x400  }
0x275: {  	[sflag:s18] =	ssyncset.done $0x0  }
0x276: {  	s3 =	simm.s32 $0x1400;
	[sflag:s18] =	ssyncadd.s32 $0xFFFFFC00  }
0x277: {  	[hbm4b:s11+s17] =	stream.linear.scatter [tilespmem:s3], [sflag:$0x1], $0x400, $0x38;
	[tilespmem:$0x9A00] =	vst v63  }
0x278: {  	_ =	swait.ge [sflag:s18], $0x400  }
0x279: {  	[sflag:s18] =	ssyncset.done $0x0  }
0x27a: {  	s4 =	simm.s32 $0x1800;
	[sflag:s18] =	ssyncadd.s32 $0xFFFFFC00  }
0x27b: {  	[hbm4b:s12+s17] =	stream.linear.scatter [tilespmem:s4], [sflag:$0x1], $0x400, $0x38;
	[tilespmem:$0x9A00] =	vst v63  }
0x27c: {  	s0 =	sadd.s32 $0x1, s0;
	_ =	swait.ge [sflag:s18], $0x400  }
0x27d: {  	p0 =	sne.s32 s0, s16;
	[sflag:s18] =	ssyncset.done $0x0  }
.Ltmp9:
0x27e: {  	s21 =	simm.s32 $0x9400;
	[sflag:s18] =	ssyncadd.s32 $0xFFFFFC00;
	(pc) =	sbr.rel @p0 .LBB2_2-.Ltmp9, $4  }
0x27f: {  	[hbm4b:s13+s17] =	stream.linear.scatter [tilespmem:s21], [sflag:$0x1], $0x400, $0x38;
	[tilespmem:$0x9A00] =	vst v63  }
0x280: {  	_ =	swait.ge [sflag:s18], $0x400  }
0x281: {  	[sflag:s18] =	ssyncset.done $0x0  }
0x282: {  	[sflag:s18] =	ssyncadd.s32 $0xFFFFFC00  }
.LBB2_18:
0x283: {  	_ =	sfence.sel $0x180000  }
0x284: {  	[bflag:$0x0] =	sbarrier.arrive $0xFFFF  }
0x285: {  	_ =	strace $0x90000047  }
0x286: {  	s0 =	stileid.u32;
	[bflag:$0x2] =	sbarrier.arrive $0xFFFF  }
0x287: {  	p0 =	sne.s32 s0, $0x0;
	s0 =	rddreg [dreg:$0x3]  }
0x288: {  	s0 =	sadd.s32 @!p0 $0x100000, s0  }
0x289: {  	[sflag:s0] =	ssyncadd.tile.s32 @!p0 $0x1;
	_ =	shalt  }
.Lfunc_end2:
_tile_overlayer_lowered:
.L_overlay_start_2:
0x28a: {  	(tag) =	ssettag $0x2  }
0x28b: {  	s0 =	rddreg [dreg:$0x0];
	s2 =	stileid.u32  }
0x28c: {  	s1 =	rddreg [dreg:$0x1];
	p0 =	sne.s32 s2, $0x0  }
0x28d: {  	s3 =	rddreg [dreg:$0x2];
	[bflag:$0x3] =	sbarrier.arrive $0xFFFF;
	s2 =	simm.s32 @!p0 $0x1C01  }
0x28e: {  	[timem:s3], [sflag:s2] =	dma.local @!p0 [hbm:s0], s1  }
0x28f: {  	s0 =	simm.s32 @!p0 $0x1  }
0x290: {  	_ =	swait.ge @!p0 [sflag:s0], s1  }
0x291: {  	s1 =	ssub.s32 @!p0 $0x0, s1;
	[sflag:s0] =	ssyncset.done @!p0 $0x0  }
0x292: {  	[sflag:s0] =	ssyncadd.s32 @!p0 s1  }
0x293: {  	[bflag:$0x3] =	sbarrier.arrive $0xFFFF  }
0x294: {  	_ =	shalt  }

</sc_bundles>
